<compile_context>
chip_gen: v7x
topology: tpu7x:2x2x1
jax: 0.10.2.dev20260603
libtpu: 0.0.44.dev20260713+nightly
codegen_flags: <defaults>
</compile_context>

<pallas_src>
import functools

import jax
import jax.numpy as jnp
from jax import lax
from jax.experimental import pallas as pl
from jax.experimental.pallas import tpu as pltpu
from jax.experimental.pallas import tpu_sc as plsc

_N = 8192
_H = 1024
_K = 819
_NS = 16
_PER = _N // _NS
_NV = _PER // 16
_BROWS = 256
_ZROWS = 32
_GROUPS = _BROWS // 16
_RPAD = 48


def _avg_floor(a, b):
    return (a & b) + ((a ^ b) >> 1)


def _orderable(x_f32):
    i = lax.bitcast_convert_type(x_f32, jnp.int32)
    return jnp.where(i < 0, i ^ jnp.int32(0x7FFFFFFF), i)


def _sc_body(keys_hbm, values_hbm, scores_hbm, ts_hbm, out_hbm,
             sbuf, tbuf, us, ut, zbuf, idxk, idxv, stagek, stagev,
             stagek2, stagev2, smem2, sem_z, sem_g, sem_g2, sem_s, sem_s2):
    c = lax.axis_index("c")
    s = lax.axis_index("s")
    row0 = s * _PER
    brow0 = row0 + c * _BROWS
    lane = lax.broadcasted_iota(jnp.int32, (16,), 0)
    zero16 = jnp.zeros((16,), jnp.int32)

    def zinit(i, _):
        r = i >> 6
        w = i & 63
        zbuf[r, pl.ds(w * 16, 16)] = jnp.zeros((16,), jnp.float32)
        return 0

    lax.fori_loop(0, _ZROWS * _H // 16, zinit, 0)

    zcopies = []
    for j in range(_BROWS // _ZROWS):
        for plane in range(2):
            dst = out_hbm.at[pl.ds(plane * _N + brow0 + j * _ZROWS, _ZROWS), :]
            cp = pltpu.make_async_copy(zbuf, dst, sem_z)
            cp.start()
            zcopies.append(cp)

    pltpu.sync_copy(scores_hbm.at[pl.ds(row0, _PER)], sbuf)
    pltpu.sync_copy(ts_hbm.at[pl.ds(row0, _PER)], tbuf)

    def mk(i, _):
        us[pl.ds(i * 16, 16)] = _orderable(sbuf[pl.ds(i * 16, 16)])
        ut[pl.ds(i * 16, 16)] = _orderable(tbuf[pl.ds(i * 16, 16)])
        return 0

    lax.fori_loop(0, _NV, mk, 0)

    def _lane0(v):
        return lax.squeeze(lax.slice(v, (0,), (1,)), (0,))

    @pl.when(s == 0)
    def _():
        def zc(r, _):
            smem2[r] = 0
            return 0

        lax.fori_loop(0, 2 * _RPAD, zc, 0)

    plsc.subcore_barrier()

    def _global_pair(r, cs, ct):
        packed = _lane0(cs) + (_lane0(ct) << 16)
        plsc.fetch_and_add(smem2.at[r], packed, subcore_id=0)
        plsc.subcore_barrier()
        tot = plsc.fetch_and_add(smem2.at[r], 0, subcore_id=0)
        return tot & 0xFFFF, tot >> 16

    def vround(r, carry):
        lo_s, hi_s, lo_t, hi_t = carry
        mid_s = _avg_floor(lo_s, hi_s) + ((lo_s ^ hi_s) & 1)
        mid_t = _avg_floor(lo_t, hi_t) + ((lo_t ^ hi_t) & 1)

        def cnt(i, acc):
            a, b = acc
            a = a + plsc.all_reduce_population_count(us[pl.ds(i * 16, 16)] >= mid_s)
            b = b + plsc.all_reduce_population_count(ut[pl.ds(i * 16, 16)] >= mid_t)
            return (a, b)

        cs, ct = lax.fori_loop(0, _NV, cnt, (zero16, zero16))
        cs_tot, ct_tot = _global_pair(r, cs, ct)

        go_s = lo_s < hi_s
        take_s = cs_tot >= _K
        lo_s = jnp.where(go_s & take_s, mid_s, lo_s)
        hi_s = jnp.where(go_s & (~take_s), mid_s - 1, hi_s)
        go_t = lo_t < hi_t
        take_t = ct_tot >= _K
        lo_t = jnp.where(go_t & take_t, mid_t, lo_t)
        hi_t = jnp.where(go_t & (~take_t), mid_t - 1, hi_t)
        return (lo_s, hi_s, lo_t, hi_t)

    int_min = jnp.int32(-2147483648)
    int_max = jnp.int32(2147483647)
    lo_s, _, lo_t, _ = lax.fori_loop(
        0, 32, vround, (int_min, int_max, int_min, int_max))
    Ts, Tt = lo_s, lo_t

    def cntgt(i, acc):
        a, b = acc
        a = a + plsc.all_reduce_population_count(us[pl.ds(i * 16, 16)] > Ts)
        b = b + plsc.all_reduce_population_count(ut[pl.ds(i * 16, 16)] > Tt)
        return (a, b)

    gs, gt = lax.fori_loop(0, _NV, cntgt, (zero16, zero16))
    gs_tot, gt_tot = _global_pair(32, gs, gt)
    ne_s = _K - gs_tot
    ne_t = _K - gt_tot

    def iround(r, carry):
        lo2s, hi2s, lo2t, hi2t = carry
        mid_s = _avg_floor(lo2s, hi2s)
        mid_t = _avg_floor(lo2t, hi2t)

        def cnt(i, acc):
            a, b = acc
            gidx = row0 + i * 16 + lane
            a = a + plsc.all_reduce_population_count(
                (us[pl.ds(i * 16, 16)] == Ts) & (gidx <= mid_s))
            b = b + plsc.all_reduce_population_count(
                (ut[pl.ds(i * 16, 16)] == Tt) & (gidx <= mid_t))
            return (a, b)

        cs, ct = lax.fori_loop(0, _NV, cnt, (zero16, zero16))
        cs_tot, ct_tot = _global_pair(33 + r, cs, ct)

        go_s = lo2s < hi2s
        take_s = cs_tot >= ne_s
        hi2s = jnp.where(go_s & take_s, mid_s, hi2s)
        lo2s = jnp.where(go_s & (~take_s), mid_s + 1, lo2s)
        go_t = lo2t < hi2t
        take_t = ct_tot >= ne_t
        hi2t = jnp.where(go_t & take_t, mid_t, hi2t)
        lo2t = jnp.where(go_t & (~take_t), mid_t + 1, lo2t)
        return (lo2s, hi2s, lo2t, hi2t)

    Ps, _, Pt, _ = lax.fori_loop(
        0, 14, iround,
        (jnp.int32(0), jnp.int32(_N - 1), jnp.int32(0), jnp.int32(_N - 1)))

    def comp(i, n):
        iv = c * (_BROWS // 16) + i
        uv = us[pl.ds(iv * 16, 16)]
        tv = ut[pl.ds(iv * 16, 16)]
        gidx = row0 + iv * 16 + lane
        keep = ((uv > Ts) | ((uv == Ts) & (gidx <= Ps)) |
                (tv > Tt) | ((tv == Tt) & (gidx <= Pt)))
        ki = keep.astype(jnp.int32)
        incl = plsc.cumsum(ki)
        pos = n + incl - ki
        plsc.store_scatter(idxk, [pos >> 4, pos & 15], gidx, mask=keep)
        plsc.store_scatter(idxv, [pos >> 4, pos & 15], _N + gidx, mask=keep)
        return n + plsc.all_reduce_population_count(keep)

    n = lax.fori_loop(0, _GROUPS, comp, zero16)
    ngroups = (_lane0(n) + 15) >> 4

    fk = _lane0(idxk[0, :])

    def padfix(g, _):
        m = (g * 16 + lane) >= n
        idxk[g, :] = jnp.where(m, fk, idxk[g, :])
        idxv[g, :] = jnp.where(m, _N + fk, idxv[g, :])
        return 0

    lax.fori_loop(0, _GROUPS, padfix, 0)

    stk = (stagek, stagek2)
    stv = (stagev, stagev2)
    sems = (sem_g, sem_g2)

    def _gather(g, b):
        kcp = pltpu.make_async_copy(keys_hbm.at[idxk.at[g]], stk[b], sems[b])
        vcp = pltpu.make_async_copy(values_hbm.at[idxk.at[g]], stv[b], sems[b])
        kcp.start()
        vcp.start()

    def _drain(g, b):
        pltpu.make_async_copy(keys_hbm.at[idxk.at[g]], stk[b], sems[b]).wait()
        pltpu.make_async_copy(values_hbm.at[idxk.at[g]], stv[b], sems[b]).wait()

    @pl.when(0 < ngroups)
    def _():
        _gather(0, 0)

    for cp in zcopies:
        cp.wait()

    ssems = (sem_s, sem_s2)

    def _scatter(g, b):
        kcp = pltpu.make_async_copy(stk[b], out_hbm.at[idxk.at[g]], ssems[b])
        vcp = pltpu.make_async_copy(stv[b], out_hbm.at[idxv.at[g]], ssems[b])
        kcp.start()
        vcp.start()

    def _sdrain(g, b):
        pltpu.make_async_copy(stk[b], out_hbm.at[idxk.at[g]], ssems[b]).wait()
        pltpu.make_async_copy(stv[b], out_hbm.at[idxv.at[g]], ssems[b]).wait()

    for g in range(_GROUPS):
        b = g & 1

        @pl.when(g < ngroups)
        def _(g=g, b=b):
            _drain(g, b)
            if g + 1 < _GROUPS:
                @pl.when(g + 1 < ngroups)
                def _():
                    if g >= 1:
                        _sdrain(g - 1, 1 - b)
                    _gather(g + 1, 1 - b)
            _scatter(g, b)

    for g in range(_GROUPS):
        b = g & 1

        @pl.when((g < ngroups) & (g + 2 >= ngroups))
        def _(g=g, b=b):
            _sdrain(g, b)


@jax.jit
def kernel(keys, values, attention_scores, timestamps):
    mesh = plsc.VectorSubcoreMesh(
        core_axis_name="c", subcore_axis_name="s", num_cores=2)
    run = functools.partial(
        pl.kernel,
        out_type=jax.ShapeDtypeStruct((2 * _N, _H), jnp.float32),
        mesh=mesh,
        compiler_params=pltpu.CompilerParams(needs_layout_passes=False),
        scratch_types=[
            pltpu.VMEM((_PER,), jnp.float32),
            pltpu.VMEM((_PER,), jnp.float32),
            pltpu.VMEM((_PER,), jnp.int32),
            pltpu.VMEM((_PER,), jnp.int32),
            pltpu.VMEM((_ZROWS, _H), jnp.float32),
            pltpu.VMEM((_GROUPS, 16), jnp.int32),
            pltpu.VMEM((_GROUPS, 16), jnp.int32),
            pltpu.VMEM((16, _H), jnp.float32),
            pltpu.VMEM((16, _H), jnp.float32),
            pltpu.VMEM((16, _H), jnp.float32),
            pltpu.VMEM((16, _H), jnp.float32),
            pltpu.SMEM((2 * _RPAD,), jnp.int32),
            pltpu.SemaphoreType.DMA,
            pltpu.SemaphoreType.DMA,
            pltpu.SemaphoreType.DMA,
            pltpu.SemaphoreType.DMA,
            pltpu.SemaphoreType.DMA,
        ],
    )(_sc_body)
    flat = run(keys, values, attention_scores, timestamps)
    return flat.reshape(2, _N, _H)

# --- scband reference (transcript-rebuilt; emitter-appended) ---
"""Pipeline reference for scband-cache-scheduling-manager-22170621182535 (READ-ONLY COPY).

The authoritative reference and input builder live on the scoring server;
editing this copy changes nothing except your own understanding.
"""

import jax, jax.numpy as jnp
import numpy as np

CACHE_SIZE = 4096
HEAVY_RATIO = 0.1
RECENT_RATIO = 0.1
CACHE_LEN = 8192
HIDDEN = 1024


def setup_inputs(seed: int = 0) -> dict:
    key = jax.random.key(seed)
    k1, k2, k3, k4 = jax.random.split(key, 4)
    keys = jax.random.normal(k1, (CACHE_LEN, HIDDEN), dtype=jnp.float32)
    values = jax.random.normal(k2, (CACHE_LEN, HIDDEN), dtype=jnp.float32)
    attention_scores = jax.random.uniform(k3, (CACHE_LEN,), dtype=jnp.float32)
    timestamps = jax.random.uniform(k4, (CACHE_LEN,), dtype=jnp.float32)
    return {"keys": keys, "values": values, "attention_scores": attention_scores, "timestamps": timestamps}


def reference(keys, values, attention_scores, timestamps):
    # H2O-style eviction selection (CacheSchedulingManager dispatching to H2OScheduler):
    # keep top `heavy_ratio` tokens by accumulated attention score (heavy hitters)
    # plus top `recent_ratio` tokens by access timestamp (recent window);
    # all other entries are marked for eviction and zeroed out of the cache.
    cache_len = keys.shape[0]
    if cache_len <= CACHE_SIZE:
        evict_mask = jnp.zeros((cache_len,), dtype=bool)
        keep = ~evict_mask
        masked_keys = jnp.where(keep[:, None], keys, 0.0)
        masked_values = jnp.where(keep[:, None], values, 0.0)
        return jnp.stack([masked_keys, masked_values], axis=0)
    num_heavy = max(1, int(cache_len * HEAVY_RATIO))
    num_recent = max(1, int(cache_len * RECENT_RATIO))
    _, heavy_indices = jax.lax.top_k(attention_scores, min(num_heavy, cache_len))
    _, recent_indices = jax.lax.top_k(timestamps, min(num_recent, cache_len))
    evict_mask = jnp.ones((cache_len,), dtype=bool)
    evict_mask = evict_mask.at[heavy_indices].set(False)
    evict_mask = evict_mask.at[recent_indices].set(False)
    keep = ~evict_mask
    masked_keys = jnp.where(keep[:, None], keys, 0.0)
    masked_values = jnp.where(keep[:, None], values, 0.0)
    return jnp.stack([masked_keys, masked_values], axis=0)

if __name__ == "__main__":
    import jax
    _d = setup_inputs()
    print(jax.jit(kernel)(*tuple(_d.values())))

</pallas_src>

<mosaic_0001>
#map = affine_map<(d0, d1) -> (0, 0)>
#map1 = affine_map<(d0, d1) -> (0)>
module attributes {stable_mosaic.version = 14 : i64} {
  func.func @_sc_body(%arg0: i32, %arg1: i32, %arg2: memref<8192x1024xf32, #tpu.memory_space<hbm>>, %arg3: memref<8192x1024xf32, #tpu.memory_space<hbm>>, %arg4: memref<8192xf32, #tpu.memory_space<hbm>>, %arg5: memref<8192xf32, #tpu.memory_space<hbm>>, %arg6: memref<16384x1024xf32, #tpu.memory_space<hbm>>, %arg7: memref<512xf32, #tpu.memory_space<vmem>>, %arg8: memref<512xf32, #tpu.memory_space<vmem>>, %arg9: memref<512xi32, #tpu.memory_space<vmem>>, %arg10: memref<512xi32, #tpu.memory_space<vmem>>, %arg11: memref<32x1024xf32, #tpu.memory_space<vmem>>, %arg12: memref<16x16xi32, #tpu.memory_space<vmem>>, %arg13: memref<16x16xi32, #tpu.memory_space<vmem>>, %arg14: memref<16x1024xf32, #tpu.memory_space<vmem>>, %arg15: memref<16x1024xf32, #tpu.memory_space<vmem>>, %arg16: memref<16x1024xf32, #tpu.memory_space<vmem>>, %arg17: memref<16x1024xf32, #tpu.memory_space<vmem>>, %arg18: memref<96xi32, #tpu.memory_space<smem>>, %arg19: memref<!tpu.dma_semaphore, #tpu.memory_space<semaphore_mem>>, %arg20: memref<!tpu.dma_semaphore, #tpu.memory_space<semaphore_mem>>, %arg21: memref<!tpu.dma_semaphore, #tpu.memory_space<semaphore_mem>>, %arg22: memref<!tpu.dma_semaphore, #tpu.memory_space<semaphore_mem>>, %arg23: memref<!tpu.dma_semaphore, #tpu.memory_space<semaphore_mem>>) attributes {dimension_semantics = [#tpu.dimension_semantics<core_parallel>, #tpu.dimension_semantics<subcore_parallel>], iteration_bounds = array<i64: 2, 16>, scalar_prefetch = 0 : i64, scratch_operands = 17 : i64, tpu.core_type = #tpu.core_type<sc_vector_subcore>, window_params = [{transform_indices = #map}, {transform_indices = #map}, {transform_indices = #map1}, {transform_indices = #map1}, {transform_indices = #map}]} {
    %mul3A = arith.constant 512 : i32
    %mul3A_0 = arith.muli %arg1, %mul3A : i32
    %mul3A_1 = arith.constant 256 : i32
    %mul3A_2 = arith.muli %arg0, %mul3A_1 : i32
    %add3A = arith.addi %mul3A_0, %mul3A_2 : i32
    %iota3A = tpu.iota {dimensions = array<i32: 0>} : vector<16xi32>
    %broadcast_in_dim3A = arith.constant 0 : i32
    %broadcast_in_dim3A_3 = vector.broadcast %broadcast_in_dim3A : i32 to vector<16xi32>
    %scan3A = arith.constant 0 : i32
    %scan3A_4 = arith.constant 0 : i32
    %scan3A_5 = arith.constant 2048 : i32
    %scan3A_6 = arith.addi %scan3A_4, %scan3A_5 : i32
    %scan3A_7 = arith.constant 1 : i32
    %scan3A_8 = scf.for %scan3A_486 = %scan3A_4 to %scan3A_6 step %scan3A_7 iter_args(%scan3A_487 = %scan3A) -> (i32)  : i32 {
      %shift_right_arithmetic3A_488 = arith.constant 6 : i32
      %shift_right_arithmetic3A_489 = arith.shrsi %scan3A_486, %shift_right_arithmetic3A_488 : i32
      %and3A_490 = arith.constant 63 : i32
      %and3A_491 = arith.andi %scan3A_486, %and3A_490 : i32
      %broadcast_in_dim3A_492 = arith.constant 0.000000e+00 : f32
      %broadcast_in_dim3A_493 = vector.broadcast %broadcast_in_dim3A_492 : f32 to vector<16xf32>
      %mul3A_494 = arith.constant 16 : i32
      %mul3A_495 = arith.muli %and3A_491, %mul3A_494 : i32
      %swap3A = arith.index_cast %shift_right_arithmetic3A_489 : i32 to index
      %swap3A_496 = arith.index_cast %mul3A_495 : i32 to index
      %swap3A_497 = tpu.vector_load %arg11[%swap3A, %swap3A_496] {strides = array<i32>} : memref<32x1024xf32, #tpu.memory_space<vmem>>, vector<16xf32>,
      tpu.vector_store %arg11[%swap3A, %swap3A_496], %broadcast_in_dim3A_493 {strides = array<i32>} : memref<32x1024xf32, #tpu.memory_space<vmem>>, vector<16xf32>,
      %scan3A_498 = arith.constant 0 : i32
      scf.yield %scan3A_498 : i32
    }
    %scan3A_9 = arith.constant 2048 : i32
    %add3A_10 = arith.constant 0 : i32
    %add3A_11 = arith.addi %add3A_10, %add3A : i32
    %add3A_12 = arith.constant 0 : i32
    %add3A_13 = arith.addi %add3A_11, %add3A_12 : i32
    %dma_start3A = arith.constant 0 : i32
    %dma_start3A_14 = tpu.memref_slice %arg6[%add3A_13, %dma_start3A] : memref<16384x1024xf32, #tpu.memory_space<hbm>> -> memref<32x1024xf32, #tpu.memory_space<hbm>>
    %dma_start3A_15 = arith.constant 0 : i32
    %dma_start3A_16 = tpu.memref_slice %arg6[%add3A_13, %dma_start3A_15] : memref<16384x1024xf32, #tpu.memory_space<hbm>> -> memref<32x1024xf32, #tpu.memory_space<hbm>>
    tpu.enqueue_dma source(%arg11 : memref<32x1024xf32, #tpu.memory_space<vmem>>) target(%dma_start3A_16 : memref<32x1024xf32, #tpu.memory_space<hbm>>) target_semaphore(%arg19 : memref<!tpu.dma_semaphore, #tpu.memory_space<semaphore_mem>>)
    %add3A_17 = arith.constant 8192 : i32
    %add3A_18 = arith.addi %add3A_17, %add3A : i32
    %add3A_19 = arith.constant 0 : i32
    %add3A_20 = arith.addi %add3A_18, %add3A_19 : i32
    %dma_start3A_21 = arith.constant 0 : i32
    %dma_start3A_22 = tpu.memref_slice %arg6[%add3A_20, %dma_start3A_21] : memref<16384x1024xf32, #tpu.memory_space<hbm>> -> memref<32x1024xf32, #tpu.memory_space<hbm>>
    %dma_start3A_23 = arith.constant 0 : i32
    %dma_start3A_24 = tpu.memref_slice %arg6[%add3A_20, %dma_start3A_23] : memref<16384x1024xf32, #tpu.memory_space<hbm>> -> memref<32x1024xf32, #tpu.memory_space<hbm>>
    tpu.enqueue_dma source(%arg11 : memref<32x1024xf32, #tpu.memory_space<vmem>>) target(%dma_start3A_24 : memref<32x1024xf32, #tpu.memory_space<hbm>>) target_semaphore(%arg19 : memref<!tpu.dma_semaphore, #tpu.memory_space<semaphore_mem>>)
    %add3A_25 = arith.constant 0 : i32
    %add3A_26 = arith.addi %add3A_25, %add3A : i32
    %add3A_27 = arith.constant 32 : i32
    %add3A_28 = arith.addi %add3A_26, %add3A_27 : i32
    %dma_start3A_29 = arith.constant 0 : i32
    %dma_start3A_30 = tpu.memref_slice %arg6[%add3A_28, %dma_start3A_29] : memref<16384x1024xf32, #tpu.memory_space<hbm>> -> memref<32x1024xf32, #tpu.memory_space<hbm>>
    %dma_start3A_31 = arith.constant 0 : i32
    %dma_start3A_32 = tpu.memref_slice %arg6[%add3A_28, %dma_start3A_31] : memref<16384x1024xf32, #tpu.memory_space<hbm>> -> memref<32x1024xf32, #tpu.memory_space<hbm>>
    tpu.enqueue_dma source(%arg11 : memref<32x1024xf32, #tpu.memory_space<vmem>>) target(%dma_start3A_32 : memref<32x1024xf32, #tpu.memory_space<hbm>>) target_semaphore(%arg19 : memref<!tpu.dma_semaphore, #tpu.memory_space<semaphore_mem>>)
    %add3A_33 = arith.constant 8192 : i32
    %add3A_34 = arith.addi %add3A_33, %add3A : i32
    %add3A_35 = arith.constant 32 : i32
    %add3A_36 = arith.addi %add3A_34, %add3A_35 : i32
    %dma_start3A_37 = arith.constant 0 : i32
    %dma_start3A_38 = tpu.memref_slice %arg6[%add3A_36, %dma_start3A_37] : memref<16384x1024xf32, #tpu.memory_space<hbm>> -> memref<32x1024xf32, #tpu.memory_space<hbm>>
    %dma_start3A_39 = arith.constant 0 : i32
    %dma_start3A_40 = tpu.memref_slice %arg6[%add3A_36, %dma_start3A_39] : memref<16384x1024xf32, #tpu.memory_space<hbm>> -> memref<32x1024xf32, #tpu.memory_space<hbm>>
    tpu.enqueue_dma source(%arg11 : memref<32x1024xf32, #tpu.memory_space<vmem>>) target(%dma_start3A_40 : memref<32x1024xf32, #tpu.memory_space<hbm>>) target_semaphore(%arg19 : memref<!tpu.dma_semaphore, #tpu.memory_space<semaphore_mem>>)
    %add3A_41 = arith.constant 0 : i32
    %add3A_42 = arith.addi %add3A_41, %add3A : i32
    %add3A_43 = arith.constant 64 : i32
    %add3A_44 = arith.addi %add3A_42, %add3A_43 : i32
    %dma_start3A_45 = arith.constant 0 : i32
    %dma_start3A_46 = tpu.memref_slice %arg6[%add3A_44, %dma_start3A_45] : memref<16384x1024xf32, #tpu.memory_space<hbm>> -> memref<32x1024xf32, #tpu.memory_space<hbm>>
    %dma_start3A_47 = arith.constant 0 : i32
    %dma_start3A_48 = tpu.memref_slice %arg6[%add3A_44, %dma_start3A_47] : memref<16384x1024xf32, #tpu.memory_space<hbm>> -> memref<32x1024xf32, #tpu.memory_space<hbm>>
    tpu.enqueue_dma source(%arg11 : memref<32x1024xf32, #tpu.memory_space<vmem>>) target(%dma_start3A_48 : memref<32x1024xf32, #tpu.memory_space<hbm>>) target_semaphore(%arg19 : memref<!tpu.dma_semaphore, #tpu.memory_space<semaphore_mem>>)
    %add3A_49 = arith.constant 8192 : i32
    %add3A_50 = arith.addi %add3A_49, %add3A : i32
    %add3A_51 = arith.constant 64 : i32
    %add3A_52 = arith.addi %add3A_50, %add3A_51 : i32
    %dma_start3A_53 = arith.constant 0 : i32
    %dma_start3A_54 = tpu.memref_slice %arg6[%add3A_52, %dma_start3A_53] : memref<16384x1024xf32, #tpu.memory_space<hbm>> -> memref<32x1024xf32, #tpu.memory_space<hbm>>
    %dma_start3A_55 = arith.constant 0 : i32
    %dma_start3A_56 = tpu.memref_slice %arg6[%add3A_52, %dma_start3A_55] : memref<16384x1024xf32, #tpu.memory_space<hbm>> -> memref<32x1024xf32, #tpu.memory_space<hbm>>
    tpu.enqueue_dma source(%arg11 : memref<32x1024xf32, #tpu.memory_space<vmem>>) target(%dma_start3A_56 : memref<32x1024xf32, #tpu.memory_space<hbm>>) target_semaphore(%arg19 : memref<!tpu.dma_semaphore, #tpu.memory_space<semaphore_mem>>)
    %add3A_57 = arith.constant 0 : i32
    %add3A_58 = arith.addi %add3A_57, %add3A : i32
    %add3A_59 = arith.constant 96 : i32
    %add3A_60 = arith.addi %add3A_58, %add3A_59 : i32
    %dma_start3A_61 = arith.constant 0 : i32
    %dma_start3A_62 = tpu.memref_slice %arg6[%add3A_60, %dma_start3A_61] : memref<16384x1024xf32, #tpu.memory_space<hbm>> -> memref<32x1024xf32, #tpu.memory_space<hbm>>
    %dma_start3A_63 = arith.constant 0 : i32
    %dma_start3A_64 = tpu.memref_slice %arg6[%add3A_60, %dma_start3A_63] : memref<16384x1024xf32, #tpu.memory_space<hbm>> -> memref<32x1024xf32, #tpu.memory_space<hbm>>
    tpu.enqueue_dma source(%arg11 : memref<32x1024xf32, #tpu.memory_space<vmem>>) target(%dma_start3A_64 : memref<32x1024xf32, #tpu.memory_space<hbm>>) target_semaphore(%arg19 : memref<!tpu.dma_semaphore, #tpu.memory_space<semaphore_mem>>)
    %add3A_65 = arith.constant 8192 : i32
    %add3A_66 = arith.addi %add3A_65, %add3A : i32
    %add3A_67 = arith.constant 96 : i32
    %add3A_68 = arith.addi %add3A_66, %add3A_67 : i32
    %dma_start3A_69 = arith.constant 0 : i32
    %dma_start3A_70 = tpu.memref_slice %arg6[%add3A_68, %dma_start3A_69] : memref<16384x1024xf32, #tpu.memory_space<hbm>> -> memref<32x1024xf32, #tpu.memory_space<hbm>>
    %dma_start3A_71 = arith.constant 0 : i32
    %dma_start3A_72 = tpu.memref_slice %arg6[%add3A_68, %dma_start3A_71] : memref<16384x1024xf32, #tpu.memory_space<hbm>> -> memref<32x1024xf32, #tpu.memory_space<hbm>>
    tpu.enqueue_dma source(%arg11 : memref<32x1024xf32, #tpu.memory_space<vmem>>) target(%dma_start3A_72 : memref<32x1024xf32, #tpu.memory_space<hbm>>) target_semaphore(%arg19 : memref<!tpu.dma_semaphore, #tpu.memory_space<semaphore_mem>>)
    %add3A_73 = arith.constant 0 : i32
    %add3A_74 = arith.addi %add3A_73, %add3A : i32
    %add3A_75 = arith.constant 128 : i32
    %add3A_76 = arith.addi %add3A_74, %add3A_75 : i32
    %dma_start3A_77 = arith.constant 0 : i32
    %dma_start3A_78 = tpu.memref_slice %arg6[%add3A_76, %dma_start3A_77] : memref<16384x1024xf32, #tpu.memory_space<hbm>> -> memref<32x1024xf32, #tpu.memory_space<hbm>>
    %dma_start3A_79 = arith.constant 0 : i32
    %dma_start3A_80 = tpu.memref_slice %arg6[%add3A_76, %dma_start3A_79] : memref<16384x1024xf32, #tpu.memory_space<hbm>> -> memref<32x1024xf32, #tpu.memory_space<hbm>>
    tpu.enqueue_dma source(%arg11 : memref<32x1024xf32, #tpu.memory_space<vmem>>) target(%dma_start3A_80 : memref<32x1024xf32, #tpu.memory_space<hbm>>) target_semaphore(%arg19 : memref<!tpu.dma_semaphore, #tpu.memory_space<semaphore_mem>>)
    %add3A_81 = arith.constant 8192 : i32
    %add3A_82 = arith.addi %add3A_81, %add3A : i32
    %add3A_83 = arith.constant 128 : i32
    %add3A_84 = arith.addi %add3A_82, %add3A_83 : i32
    %dma_start3A_85 = arith.constant 0 : i32
    %dma_start3A_86 = tpu.memref_slice %arg6[%add3A_84, %dma_start3A_85] : memref<16384x1024xf32, #tpu.memory_space<hbm>> -> memref<32x1024xf32, #tpu.memory_space<hbm>>
    %dma_start3A_87 = arith.constant 0 : i32
    %dma_start3A_88 = tpu.memref_slice %arg6[%add3A_84, %dma_start3A_87] : memref<16384x1024xf32, #tpu.memory_space<hbm>> -> memref<32x1024xf32, #tpu.memory_space<hbm>>
    tpu.enqueue_dma source(%arg11 : memref<32x1024xf32, #tpu.memory_space<vmem>>) target(%dma_start3A_88 : memref<32x1024xf32, #tpu.memory_space<hbm>>) target_semaphore(%arg19 : memref<!tpu.dma_semaphore, #tpu.memory_space<semaphore_mem>>)
    %add3A_89 = arith.constant 0 : i32
    %add3A_90 = arith.addi %add3A_89, %add3A : i32
    %add3A_91 = arith.constant 160 : i32
    %add3A_92 = arith.addi %add3A_90, %add3A_91 : i32
    %dma_start3A_93 = arith.constant 0 : i32
    %dma_start3A_94 = tpu.memref_slice %arg6[%add3A_92, %dma_start3A_93] : memref<16384x1024xf32, #tpu.memory_space<hbm>> -> memref<32x1024xf32, #tpu.memory_space<hbm>>
    %dma_start3A_95 = arith.constant 0 : i32
    %dma_start3A_96 = tpu.memref_slice %arg6[%add3A_92, %dma_start3A_95] : memref<16384x1024xf32, #tpu.memory_space<hbm>> -> memref<32x1024xf32, #tpu.memory_space<hbm>>
    tpu.enqueue_dma source(%arg11 : memref<32x1024xf32, #tpu.memory_space<vmem>>) target(%dma_start3A_96 : memref<32x1024xf32, #tpu.memory_space<hbm>>) target_semaphore(%arg19 : memref<!tpu.dma_semaphore, #tpu.memory_space<semaphore_mem>>)
    %add3A_97 = arith.constant 8192 : i32
    %add3A_98 = arith.addi %add3A_97, %add3A : i32
    %add3A_99 = arith.constant 160 : i32
    %add3A_100 = arith.addi %add3A_98, %add3A_99 : i32
    %dma_start3A_101 = arith.constant 0 : i32
    %dma_start3A_102 = tpu.memref_slice %arg6[%add3A_100, %dma_start3A_101] : memref<16384x1024xf32, #tpu.memory_space<hbm>> -> memref<32x1024xf32, #tpu.memory_space<hbm>>
    %dma_start3A_103 = arith.constant 0 : i32
    %dma_start3A_104 = tpu.memref_slice %arg6[%add3A_100, %dma_start3A_103] : memref<16384x1024xf32, #tpu.memory_space<hbm>> -> memref<32x1024xf32, #tpu.memory_space<hbm>>
    tpu.enqueue_dma source(%arg11 : memref<32x1024xf32, #tpu.memory_space<vmem>>) target(%dma_start3A_104 : memref<32x1024xf32, #tpu.memory_space<hbm>>) target_semaphore(%arg19 : memref<!tpu.dma_semaphore, #tpu.memory_space<semaphore_mem>>)
    %add3A_105 = arith.constant 0 : i32
    %add3A_106 = arith.addi %add3A_105, %add3A : i32
    %add3A_107 = arith.constant 192 : i32
    %add3A_108 = arith.addi %add3A_106, %add3A_107 : i32
    %dma_start3A_109 = arith.constant 0 : i32
    %dma_start3A_110 = tpu.memref_slice %arg6[%add3A_108, %dma_start3A_109] : memref<16384x1024xf32, #tpu.memory_space<hbm>> -> memref<32x1024xf32, #tpu.memory_space<hbm>>
    %dma_start3A_111 = arith.constant 0 : i32
    %dma_start3A_112 = tpu.memref_slice %arg6[%add3A_108, %dma_start3A_111] : memref<16384x1024xf32, #tpu.memory_space<hbm>> -> memref<32x1024xf32, #tpu.memory_space<hbm>>
    tpu.enqueue_dma source(%arg11 : memref<32x1024xf32, #tpu.memory_space<vmem>>) target(%dma_start3A_112 : memref<32x1024xf32, #tpu.memory_space<hbm>>) target_semaphore(%arg19 : memref<!tpu.dma_semaphore, #tpu.memory_space<semaphore_mem>>)
    %add3A_113 = arith.constant 8192 : i32
    %add3A_114 = arith.addi %add3A_113, %add3A : i32
    %add3A_115 = arith.constant 192 : i32
    %add3A_116 = arith.addi %add3A_114, %add3A_115 : i32
    %dma_start3A_117 = arith.constant 0 : i32
    %dma_start3A_118 = tpu.memref_slice %arg6[%add3A_116, %dma_start3A_117] : memref<16384x1024xf32, #tpu.memory_space<hbm>> -> memref<32x1024xf32, #tpu.memory_space<hbm>>
    %dma_start3A_119 = arith.constant 0 : i32
    %dma_start3A_120 = tpu.memref_slice %arg6[%add3A_116, %dma_start3A_119] : memref<16384x1024xf32, #tpu.memory_space<hbm>> -> memref<32x1024xf32, #tpu.memory_space<hbm>>
    tpu.enqueue_dma source(%arg11 : memref<32x1024xf32, #tpu.memory_space<vmem>>) target(%dma_start3A_120 : memref<32x1024xf32, #tpu.memory_space<hbm>>) target_semaphore(%arg19 : memref<!tpu.dma_semaphore, #tpu.memory_space<semaphore_mem>>)
    %add3A_121 = arith.constant 0 : i32
    %add3A_122 = arith.addi %add3A_121, %add3A : i32
    %add3A_123 = arith.constant 224 : i32
    %add3A_124 = arith.addi %add3A_122, %add3A_123 : i32
    %dma_start3A_125 = arith.constant 0 : i32
    %dma_start3A_126 = tpu.memref_slice %arg6[%add3A_124, %dma_start3A_125] : memref<16384x1024xf32, #tpu.memory_space<hbm>> -> memref<32x1024xf32, #tpu.memory_space<hbm>>
    %dma_start3A_127 = arith.constant 0 : i32
    %dma_start3A_128 = tpu.memref_slice %arg6[%add3A_124, %dma_start3A_127] : memref<16384x1024xf32, #tpu.memory_space<hbm>> -> memref<32x1024xf32, #tpu.memory_space<hbm>>
    tpu.enqueue_dma source(%arg11 : memref<32x1024xf32, #tpu.memory_space<vmem>>) target(%dma_start3A_128 : memref<32x1024xf32, #tpu.memory_space<hbm>>) target_semaphore(%arg19 : memref<!tpu.dma_semaphore, #tpu.memory_space<semaphore_mem>>)
    %add3A_129 = arith.constant 8192 : i32
    %add3A_130 = arith.addi %add3A_129, %add3A : i32
    %add3A_131 = arith.constant 224 : i32
    %add3A_132 = arith.addi %add3A_130, %add3A_131 : i32
    %dma_start3A_133 = arith.constant 0 : i32
    %dma_start3A_134 = tpu.memref_slice %arg6[%add3A_132, %dma_start3A_133] : memref<16384x1024xf32, #tpu.memory_space<hbm>> -> memref<32x1024xf32, #tpu.memory_space<hbm>>
    %dma_start3A_135 = arith.constant 0 : i32
    %dma_start3A_136 = tpu.memref_slice %arg6[%add3A_132, %dma_start3A_135] : memref<16384x1024xf32, #tpu.memory_space<hbm>> -> memref<32x1024xf32, #tpu.memory_space<hbm>>
    tpu.enqueue_dma source(%arg11 : memref<32x1024xf32, #tpu.memory_space<vmem>>) target(%dma_start3A_136 : memref<32x1024xf32, #tpu.memory_space<hbm>>) target_semaphore(%arg19 : memref<!tpu.dma_semaphore, #tpu.memory_space<semaphore_mem>>)
    "tpu.region"() ({
      %run_scoped3A = tpu.sem_alloc : memref<!tpu.dma_semaphore, #tpu.memory_space<semaphore_mem>>
      %dma_start3A_486 = tpu.memref_slice %arg4[%mul3A_0] : memref<8192xf32, #tpu.memory_space<hbm>> -> memref<512xf32, #tpu.memory_space<hbm>>
      %dma_start3A_487 = tpu.memref_slice %arg4[%mul3A_0] : memref<8192xf32, #tpu.memory_space<hbm>> -> memref<512xf32, #tpu.memory_space<hbm>>
      tpu.enqueue_dma source(%dma_start3A_487 : memref<512xf32, #tpu.memory_space<hbm>>) target(%arg7 : memref<512xf32, #tpu.memory_space<vmem>>) target_semaphore(%run_scoped3A : memref<!tpu.dma_semaphore, #tpu.memory_space<semaphore_mem>>)
      %dma_wait3A_488 = tpu.memref_slice %arg4[%mul3A_0] : memref<8192xf32, #tpu.memory_space<hbm>> -> memref<512xf32, #tpu.memory_space<hbm>>
      %dma_wait3A_489 = tpu.memref_slice %arg4[%mul3A_0] : memref<8192xf32, #tpu.memory_space<hbm>> -> memref<512xf32, #tpu.memory_space<hbm>>
      tpu.wait_dma2 semaphore(%run_scoped3A : memref<!tpu.dma_semaphore, #tpu.memory_space<semaphore_mem>>) src(%dma_wait3A_489 : memref<512xf32, #tpu.memory_space<hbm>>) dst(%arg7 : memref<512xf32, #tpu.memory_space<vmem>>)
      tpu.yield
    }) : () -> ()
    "tpu.region"() ({
      %run_scoped3A = tpu.sem_alloc : memref<!tpu.dma_semaphore, #tpu.memory_space<semaphore_mem>>
      %dma_start3A_486 = tpu.memref_slice %arg5[%mul3A_0] : memref<8192xf32, #tpu.memory_space<hbm>> -> memref<512xf32, #tpu.memory_space<hbm>>
      %dma_start3A_487 = tpu.memref_slice %arg5[%mul3A_0] : memref<8192xf32, #tpu.memory_space<hbm>> -> memref<512xf32, #tpu.memory_space<hbm>>
      tpu.enqueue_dma source(%dma_start3A_487 : memref<512xf32, #tpu.memory_space<hbm>>) target(%arg8 : memref<512xf32, #tpu.memory_space<vmem>>) target_semaphore(%run_scoped3A : memref<!tpu.dma_semaphore, #tpu.memory_space<semaphore_mem>>)
      %dma_wait3A_488 = tpu.memref_slice %arg5[%mul3A_0] : memref<8192xf32, #tpu.memory_space<hbm>> -> memref<512xf32, #tpu.memory_space<hbm>>
      %dma_wait3A_489 = tpu.memref_slice %arg5[%mul3A_0] : memref<8192xf32, #tpu.memory_space<hbm>> -> memref<512xf32, #tpu.memory_space<hbm>>
      tpu.wait_dma2 semaphore(%run_scoped3A : memref<!tpu.dma_semaphore, #tpu.memory_space<semaphore_mem>>) src(%dma_wait3A_489 : memref<512xf32, #tpu.memory_space<hbm>>) dst(%arg8 : memref<512xf32, #tpu.memory_space<vmem>>)
      tpu.yield
    }) : () -> ()
    %scan3A_137 = arith.constant 0 : i32
    %scan3A_138 = arith.constant 0 : i32
    %scan3A_139 = arith.constant 32 : i32
    %scan3A_140 = arith.addi %scan3A_138, %scan3A_139 : i32
    %scan3A_141 = arith.constant 1 : i32
    %scan3A_142 = scf.for %scan3A_486 = %scan3A_138 to %scan3A_140 step %scan3A_141 iter_args(%scan3A_487 = %scan3A_137) -> (i32)  : i32 {
      %mul3A_488 = arith.constant 16 : i32
      %mul3A_489 = arith.muli %scan3A_486, %mul3A_488 : i32
      %get3A_490 = arith.index_cast %mul3A_489 : i32 to index
      %get3A_491 = tpu.vector_load %arg7[%get3A_490] {strides = array<i32>} : memref<512xf32, #tpu.memory_space<vmem>>, vector<16xf32>,
      %bitcast_convert_type3A = tpu.bitcast %get3A_491 : vector<16xf32> -> vector<16xi32>
      %lt3A = arith.constant 0 : i32
      %lt3A_492 = vector.broadcast %lt3A : i32 to vector<16xi32>
      %lt3A_493 = arith.cmpi slt, %bitcast_convert_type3A, %lt3A_492 : vector<16xi32>
      %xor3A = arith.constant 2147483647 : i32
      %xor3A_494 = vector.broadcast %xor3A : i32 to vector<16xi32>
      %xor3A_495 = arith.xori %bitcast_convert_type3A, %xor3A_494 : vector<16xi32>
      %select_n3A = arith.select %lt3A_493, %xor3A_495, %bitcast_convert_type3A : vector<16xi1>, vector<16xi32>
      %mul3A_496 = arith.constant 16 : i32
      %mul3A_497 = arith.muli %scan3A_486, %mul3A_496 : i32
      %swap3A = arith.index_cast %mul3A_497 : i32 to index
      %swap3A_498 = tpu.vector_load %arg9[%swap3A] {strides = array<i32>} : memref<512xi32, #tpu.memory_space<vmem>>, vector<16xi32>,
      tpu.vector_store %arg9[%swap3A], %select_n3A {strides = array<i32>} : memref<512xi32, #tpu.memory_space<vmem>>, vector<16xi32>,
      %mul3A_499 = arith.constant 16 : i32
      %mul3A_500 = arith.muli %scan3A_486, %mul3A_499 : i32
      %get3A_501 = arith.index_cast %mul3A_500 : i32 to index
      %get3A_502 = tpu.vector_load %arg8[%get3A_501] {strides = array<i32>} : memref<512xf32, #tpu.memory_space<vmem>>, vector<16xf32>,
      %bitcast_convert_type3A_503 = tpu.bitcast %get3A_502 : vector<16xf32> -> vector<16xi32>
      %lt3A_504 = arith.constant 0 : i32
      %lt3A_505 = vector.broadcast %lt3A_504 : i32 to vector<16xi32>
      %lt3A_506 = arith.cmpi slt, %bitcast_convert_type3A_503, %lt3A_505 : vector<16xi32>
      %xor3A_507 = arith.constant 2147483647 : i32
      %xor3A_508 = vector.broadcast %xor3A_507 : i32 to vector<16xi32>
      %xor3A_509 = arith.xori %bitcast_convert_type3A_503, %xor3A_508 : vector<16xi32>
      %select_n3A_510 = arith.select %lt3A_506, %xor3A_509, %bitcast_convert_type3A_503 : vector<16xi1>, vector<16xi32>
      %mul3A_511 = arith.constant 16 : i32
      %mul3A_512 = arith.muli %scan3A_486, %mul3A_511 : i32
      %swap3A_513 = arith.index_cast %mul3A_512 : i32 to index
      %swap3A_514 = tpu.vector_load %arg10[%swap3A_513] {strides = array<i32>} : memref<512xi32, #tpu.memory_space<vmem>>, vector<16xi32>,
      tpu.vector_store %arg10[%swap3A_513], %select_n3A_510 {strides = array<i32>} : memref<512xi32, #tpu.memory_space<vmem>>, vector<16xi32>,
      %scan3A_515 = arith.constant 0 : i32
      scf.yield %scan3A_515 : i32
    }
    %scan3A_143 = arith.constant 32 : i32
    %eq3A = arith.constant 0 : i32
    %eq3A_144 = arith.cmpi eq, %arg1, %eq3A : i32
    %convert_element_type3A = arith.extui %eq3A_144 : i1 to i32
    %cond3A = arith.constant 0 : i32
    %cond3A_145 = arith.cmpi ne, %convert_element_type3A, %cond3A : i32
    scf.if %cond3A_145 {
      %scan3A_486 = arith.constant 0 : i32
      %scan3A_487 = arith.constant 0 : i32
      %scan3A_488 = arith.constant 96 : i32
      %scan3A_489 = arith.addi %scan3A_487, %scan3A_488 : i32
      %scan3A_490 = arith.constant 1 : i32
      %scan3A_491 = scf.for %scan3A_493 = %scan3A_487 to %scan3A_489 step %scan3A_490 iter_args(%scan3A_494 = %scan3A_486) -> (i32)  : i32 {
        %swap3A = arith.constant 0 : i32
        %swap3A_495 = arith.index_cast %scan3A_493 : i32 to index
        %swap3A_496 = memref.load %arg18[%swap3A_495] : memref<96xi32, #tpu.memory_space<smem>>
        memref.store %swap3A, %arg18[%swap3A_495] : memref<96xi32, #tpu.memory_space<smem>>
        %scan3A_497 = arith.constant 0 : i32
        scf.yield %scan3A_497 : i32
      }
      %scan3A_492 = arith.constant 96 : i32
    } else {
    }
    %barrier3A = arith.constant 0 : index
    tpu.barrier barrier_id(%barrier3A)
    %scan3A_146 = arith.constant -2147483648 : i32
    %scan3A_147 = arith.constant 2147483647 : i32
    %scan3A_148 = arith.constant -2147483648 : i32
    %scan3A_149 = arith.constant 2147483647 : i32
    %scan3A_150 = arith.constant 0 : i32
    %scan3A_151 = arith.constant 32 : i32
    %scan3A_152 = arith.addi %scan3A_150, %scan3A_151 : i32
    %scan3A_153 = arith.constant 1 : i32
    %scan3A_154:4 = scf.for %scan3A_486 = %scan3A_150 to %scan3A_152 step %scan3A_153 iter_args(%scan3A_487 = %scan3A_146, %scan3A_488 = %scan3A_147, %scan3A_489 = %scan3A_148, %scan3A_490 = %scan3A_149) -> (i32, i32, i32, i32)  : i32 {
      %and3A_491 = arith.andi %scan3A_487, %scan3A_488 : i32
      %xor3A = arith.xori %scan3A_487, %scan3A_488 : i32
      %shift_right_arithmetic3A_492 = arith.constant 1 : i32
      %shift_right_arithmetic3A_493 = arith.shrsi %xor3A, %shift_right_arithmetic3A_492 : i32
      %add3A_494 = arith.addi %and3A_491, %shift_right_arithmetic3A_493 : i32
      %xor3A_495 = arith.xori %scan3A_487, %scan3A_488 : i32
      %and3A_496 = arith.constant 1 : i32
      %and3A_497 = arith.andi %xor3A_495, %and3A_496 : i32
      %add3A_498 = arith.addi %add3A_494, %and3A_497 : i32
      %and3A_499 = arith.andi %scan3A_489, %scan3A_490 : i32
      %xor3A_500 = arith.xori %scan3A_489, %scan3A_490 : i32
      %shift_right_arithmetic3A_501 = arith.constant 1 : i32
      %shift_right_arithmetic3A_502 = arith.shrsi %xor3A_500, %shift_right_arithmetic3A_501 : i32
      %add3A_503 = arith.addi %and3A_499, %shift_right_arithmetic3A_502 : i32
      %xor3A_504 = arith.xori %scan3A_489, %scan3A_490 : i32
      %and3A_505 = arith.constant 1 : i32
      %and3A_506 = arith.andi %xor3A_504, %and3A_505 : i32
      %add3A_507 = arith.addi %add3A_503, %and3A_506 : i32
      %scan3A_508 = arith.constant 0 : i32
      %scan3A_509 = arith.constant 32 : i32
      %scan3A_510 = arith.addi %scan3A_508, %scan3A_509 : i32
      %scan3A_511 = arith.constant 1 : i32
      %scan3A_512:2 = scf.for %scan3A_549 = %scan3A_508 to %scan3A_510 step %scan3A_511 iter_args(%scan3A_550 = %broadcast_in_dim3A_3, %scan3A_551 = %broadcast_in_dim3A_3) -> (vector<16xi32>, vector<16xi32>)  : i32 {
        %mul3A_552 = arith.constant 16 : i32
        %mul3A_553 = arith.muli %scan3A_549, %mul3A_552 : i32
        %get3A_554 = arith.index_cast %mul3A_553 : i32 to index
        %get3A_555 = tpu.vector_load %arg9[%get3A_554] {strides = array<i32>} : memref<512xi32, #tpu.memory_space<vmem>>, vector<16xi32>,
        %ge3A_556 = vector.broadcast %add3A_498 : i32 to vector<16xi32>
        %ge3A_557 = arith.cmpi sge, %get3A_555, %ge3A_556 : vector<16xi32>
        %all_reduce_population_count3A = tpu.all_reduce %ge3A_557 {dim = 0 : i64, kind = #tpu.reduction_kind<sum>} : vector<16xi1> -> vector<16xi32>
        %add3A_558 = arith.addi %scan3A_550, %all_reduce_population_count3A : vector<16xi32>
        %mul3A_559 = arith.constant 16 : i32
        %mul3A_560 = arith.muli %scan3A_549, %mul3A_559 : i32
        %get3A_561 = arith.index_cast %mul3A_560 : i32 to index
        %get3A_562 = tpu.vector_load %arg10[%get3A_561] {strides = array<i32>} : memref<512xi32, #tpu.memory_space<vmem>>, vector<16xi32>,
        %ge3A_563 = vector.broadcast %add3A_507 : i32 to vector<16xi32>
        %ge3A_564 = arith.cmpi sge, %get3A_562, %ge3A_563 : vector<16xi32>
        %all_reduce_population_count3A_565 = tpu.all_reduce %ge3A_564 {dim = 0 : i64, kind = #tpu.reduction_kind<sum>} : vector<16xi1> -> vector<16xi32>
        %add3A_566 = arith.addi %scan3A_551, %all_reduce_population_count3A_565 : vector<16xi32>
        scf.yield %add3A_558, %add3A_566 : vector<16xi32>, vector<16xi32>
      }
      %scan3A_513 = arith.constant 32 : i32
      %slice3A_514 = vector.extract_strided_slice %scan3A_512#0 {offsets = [0], sizes = [1], strides = [1]} : vector<16xi32> to vector<1xi32>
      %squeeze3A_515 = vector.extract %slice3A_514[0] : i32 from vector<1xi32>
      %slice3A_516 = vector.extract_strided_slice %scan3A_512#1 {offsets = [0], sizes = [1], strides = [1]} : vector<16xi32> to vector<1xi32>
      %squeeze3A_517 = vector.extract %slice3A_516[0] : i32 from vector<1xi32>
      %shift_left3A_518 = arith.constant 16 : i32
      %shift_left3A_519 = arith.shli %squeeze3A_517, %shift_left3A_518 : i32
      %add3A_520 = arith.addi %squeeze3A_515, %shift_left3A_519 : i32
      %sc_fetch_and_add3A_521 = arith.constant 0 : i32
      %sc_fetch_and_add3A_522 = tpu.fetch_and_add_sync %arg18[%scan3A_486], %add3A_520, %sc_fetch_and_add3A_521 : memref<96xi32, #tpu.memory_space<smem>>, i32 -> i32
      %barrier3A_523 = arith.constant 0 : index
      tpu.barrier barrier_id(%barrier3A_523)
      %sc_fetch_and_add3A_524 = arith.constant 0 : i32
      %sc_fetch_and_add3A_525 = arith.constant 0 : i32
      %sc_fetch_and_add3A_526 = tpu.fetch_and_add_sync %arg18[%scan3A_486], %sc_fetch_and_add3A_524, %sc_fetch_and_add3A_525 : memref<96xi32, #tpu.memory_space<smem>>, i32 -> i32
      %and3A_527 = arith.constant 65535 : i32
      %and3A_528 = arith.andi %sc_fetch_and_add3A_526, %and3A_527 : i32
      %shift_right_arithmetic3A_529 = arith.constant 16 : i32
      %shift_right_arithmetic3A_530 = arith.shrsi %sc_fetch_and_add3A_526, %shift_right_arithmetic3A_529 : i32
      %lt3A = arith.cmpi slt, %scan3A_487, %scan3A_488 : i32
      %ge3A = arith.constant 819 : i32
      %ge3A_531 = arith.cmpi sge, %and3A_528, %ge3A : i32
      %and3A_532 = arith.andi %lt3A, %ge3A_531 : i1
      %select_n3A = arith.select %and3A_532, %add3A_498, %scan3A_487 : i32
      %not3A = arith.constant true
      %not3A_533 = arith.xori %ge3A_531, %not3A : i1
      %and3A_534 = arith.andi %lt3A, %not3A_533 : i1
      %sub3A_535 = arith.constant 1 : i32
      %sub3A_536 = arith.subi %add3A_498, %sub3A_535 : i32
      %select_n3A_537 = arith.select %and3A_534, %sub3A_536, %scan3A_488 : i32
      %lt3A_538 = arith.cmpi slt, %scan3A_489, %scan3A_490 : i32
      %ge3A_539 = arith.constant 819 : i32
      %ge3A_540 = arith.cmpi sge, %shift_right_arithmetic3A_530, %ge3A_539 : i32
      %and3A_541 = arith.andi %lt3A_538, %ge3A_540 : i1
      %select_n3A_542 = arith.select %and3A_541, %add3A_507, %scan3A_489 : i32
      %not3A_543 = arith.constant true
      %not3A_544 = arith.xori %ge3A_540, %not3A_543 : i1
      %and3A_545 = arith.andi %lt3A_538, %not3A_544 : i1
      %sub3A_546 = arith.constant 1 : i32
      %sub3A_547 = arith.subi %add3A_507, %sub3A_546 : i32
      %select_n3A_548 = arith.select %and3A_545, %sub3A_547, %scan3A_490 : i32
      scf.yield %select_n3A, %select_n3A_537, %select_n3A_542, %select_n3A_548 : i32, i32, i32, i32
    }
    %scan3A_155 = arith.constant 32 : i32
    %scan3A_156 = arith.constant 0 : i32
    %scan3A_157 = arith.constant 32 : i32
    %scan3A_158 = arith.addi %scan3A_156, %scan3A_157 : i32
    %scan3A_159 = arith.constant 1 : i32
    %scan3A_160:2 = scf.for %scan3A_486 = %scan3A_156 to %scan3A_158 step %scan3A_159 iter_args(%scan3A_487 = %broadcast_in_dim3A_3, %scan3A_488 = %broadcast_in_dim3A_3) -> (vector<16xi32>, vector<16xi32>)  : i32 {
      %mul3A_489 = arith.constant 16 : i32
      %mul3A_490 = arith.muli %scan3A_486, %mul3A_489 : i32
      %get3A_491 = arith.index_cast %mul3A_490 : i32 to index
      %get3A_492 = tpu.vector_load %arg9[%get3A_491] {strides = array<i32>} : memref<512xi32, #tpu.memory_space<vmem>>, vector<16xi32>,
      %gt3A_493 = vector.broadcast %scan3A_154#0 : i32 to vector<16xi32>
      %gt3A_494 = arith.cmpi sgt, %get3A_492, %gt3A_493 : vector<16xi32>
      %all_reduce_population_count3A = tpu.all_reduce %gt3A_494 {dim = 0 : i64, kind = #tpu.reduction_kind<sum>} : vector<16xi1> -> vector<16xi32>
      %add3A_495 = arith.addi %scan3A_487, %all_reduce_population_count3A : vector<16xi32>
      %mul3A_496 = arith.constant 16 : i32
      %mul3A_497 = arith.muli %scan3A_486, %mul3A_496 : i32
      %get3A_498 = arith.index_cast %mul3A_497 : i32 to index
      %get3A_499 = tpu.vector_load %arg10[%get3A_498] {strides = array<i32>} : memref<512xi32, #tpu.memory_space<vmem>>, vector<16xi32>,
      %gt3A_500 = vector.broadcast %scan3A_154#2 : i32 to vector<16xi32>
      %gt3A_501 = arith.cmpi sgt, %get3A_499, %gt3A_500 : vector<16xi32>
      %all_reduce_population_count3A_502 = tpu.all_reduce %gt3A_501 {dim = 0 : i64, kind = #tpu.reduction_kind<sum>} : vector<16xi1> -> vector<16xi32>
      %add3A_503 = arith.addi %scan3A_488, %all_reduce_population_count3A_502 : vector<16xi32>
      scf.yield %add3A_495, %add3A_503 : vector<16xi32>, vector<16xi32>
    }
    %scan3A_161 = arith.constant 32 : i32
    %slice3A = vector.extract_strided_slice %scan3A_160#0 {offsets = [0], sizes = [1], strides = [1]} : vector<16xi32> to vector<1xi32>
    %squeeze3A = vector.extract %slice3A[0] : i32 from vector<1xi32>
    %slice3A_162 = vector.extract_strided_slice %scan3A_160#1 {offsets = [0], sizes = [1], strides = [1]} : vector<16xi32> to vector<1xi32>
    %squeeze3A_163 = vector.extract %slice3A_162[0] : i32 from vector<1xi32>
    %shift_left3A = arith.constant 16 : i32
    %shift_left3A_164 = arith.shli %squeeze3A_163, %shift_left3A : i32
    %add3A_165 = arith.addi %squeeze3A, %shift_left3A_164 : i32
    %sc_fetch_and_add3A = arith.constant 32 : i32
    %sc_fetch_and_add3A_166 = arith.constant 0 : i32
    %sc_fetch_and_add3A_167 = tpu.fetch_and_add_sync %arg18[%sc_fetch_and_add3A], %add3A_165, %sc_fetch_and_add3A_166 : memref<96xi32, #tpu.memory_space<smem>>, i32 -> i32
    %barrier3A_168 = arith.constant 0 : index
    tpu.barrier barrier_id(%barrier3A_168)
    %sc_fetch_and_add3A_169 = arith.constant 0 : i32
    %sc_fetch_and_add3A_170 = arith.constant 32 : i32
    %sc_fetch_and_add3A_171 = arith.constant 0 : i32
    %sc_fetch_and_add3A_172 = tpu.fetch_and_add_sync %arg18[%sc_fetch_and_add3A_170], %sc_fetch_and_add3A_169, %sc_fetch_and_add3A_171 : memref<96xi32, #tpu.memory_space<smem>>, i32 -> i32
    %and3A = arith.constant 65535 : i32
    %and3A_173 = arith.andi %sc_fetch_and_add3A_172, %and3A : i32
    %shift_right_arithmetic3A = arith.constant 16 : i32
    %shift_right_arithmetic3A_174 = arith.shrsi %sc_fetch_and_add3A_172, %shift_right_arithmetic3A : i32
    %sub3A = arith.constant 819 : i32
    %sub3A_175 = arith.subi %sub3A, %and3A_173 : i32
    %sub3A_176 = arith.constant 819 : i32
    %sub3A_177 = arith.subi %sub3A_176, %shift_right_arithmetic3A_174 : i32
    %scan3A_178 = arith.constant 0 : i32
    %scan3A_179 = arith.constant 8191 : i32
    %scan3A_180 = arith.constant 0 : i32
    %scan3A_181 = arith.constant 8191 : i32
    %scan3A_182 = arith.constant 0 : i32
    %scan3A_183 = arith.constant 14 : i32
    %scan3A_184 = arith.addi %scan3A_182, %scan3A_183 : i32
    %scan3A_185 = arith.constant 1 : i32
    %scan3A_186:4 = scf.for %scan3A_486 = %scan3A_182 to %scan3A_184 step %scan3A_185 iter_args(%scan3A_487 = %scan3A_178, %scan3A_488 = %scan3A_179, %scan3A_489 = %scan3A_180, %scan3A_490 = %scan3A_181) -> (i32, i32, i32, i32)  : i32 {
      %and3A_491 = arith.andi %scan3A_487, %scan3A_488 : i32
      %xor3A = arith.xori %scan3A_487, %scan3A_488 : i32
      %shift_right_arithmetic3A_492 = arith.constant 1 : i32
      %shift_right_arithmetic3A_493 = arith.shrsi %xor3A, %shift_right_arithmetic3A_492 : i32
      %add3A_494 = arith.addi %and3A_491, %shift_right_arithmetic3A_493 : i32
      %and3A_495 = arith.andi %scan3A_489, %scan3A_490 : i32
      %xor3A_496 = arith.xori %scan3A_489, %scan3A_490 : i32
      %shift_right_arithmetic3A_497 = arith.constant 1 : i32
      %shift_right_arithmetic3A_498 = arith.shrsi %xor3A_496, %shift_right_arithmetic3A_497 : i32
      %add3A_499 = arith.addi %and3A_495, %shift_right_arithmetic3A_498 : i32
      %scan3A_500 = arith.constant 0 : i32
      %scan3A_501 = arith.constant 32 : i32
      %scan3A_502 = arith.addi %scan3A_500, %scan3A_501 : i32
      %scan3A_503 = arith.constant 1 : i32
      %scan3A_504:2 = scf.for %scan3A_541 = %scan3A_500 to %scan3A_502 step %scan3A_503 iter_args(%scan3A_542 = %broadcast_in_dim3A_3, %scan3A_543 = %broadcast_in_dim3A_3) -> (vector<16xi32>, vector<16xi32>)  : i32 {
        %mul3A_544 = arith.constant 16 : i32
        %mul3A_545 = arith.muli %scan3A_541, %mul3A_544 : i32
        %add3A_546 = arith.addi %mul3A_0, %mul3A_545 : i32
        %add3A_547 = vector.broadcast %add3A_546 : i32 to vector<16xi32>
        %add3A_548 = arith.addi %add3A_547, %iota3A : vector<16xi32>
        %mul3A_549 = arith.constant 16 : i32
        %mul3A_550 = arith.muli %scan3A_541, %mul3A_549 : i32
        %get3A_551 = arith.index_cast %mul3A_550 : i32 to index
        %get3A_552 = tpu.vector_load %arg9[%get3A_551] {strides = array<i32>} : memref<512xi32, #tpu.memory_space<vmem>>, vector<16xi32>,
        %eq3A_553 = vector.broadcast %scan3A_154#0 : i32 to vector<16xi32>
        %eq3A_554 = arith.cmpi eq, %get3A_552, %eq3A_553 : vector<16xi32>
        %le3A_555 = vector.broadcast %add3A_494 : i32 to vector<16xi32>
        %le3A_556 = arith.cmpi sle, %add3A_548, %le3A_555 : vector<16xi32>
        %and3A_557 = arith.andi %eq3A_554, %le3A_556 : vector<16xi1>
        %all_reduce_population_count3A = tpu.all_reduce %and3A_557 {dim = 0 : i64, kind = #tpu.reduction_kind<sum>} : vector<16xi1> -> vector<16xi32>
        %add3A_558 = arith.addi %scan3A_542, %all_reduce_population_count3A : vector<16xi32>
        %mul3A_559 = arith.constant 16 : i32
        %mul3A_560 = arith.muli %scan3A_541, %mul3A_559 : i32
        %get3A_561 = arith.index_cast %mul3A_560 : i32 to index
        %get3A_562 = tpu.vector_load %arg10[%get3A_561] {strides = array<i32>} : memref<512xi32, #tpu.memory_space<vmem>>, vector<16xi32>,
        %eq3A_563 = vector.broadcast %scan3A_154#2 : i32 to vector<16xi32>
        %eq3A_564 = arith.cmpi eq, %get3A_562, %eq3A_563 : vector<16xi32>
        %le3A_565 = vector.broadcast %add3A_499 : i32 to vector<16xi32>
        %le3A_566 = arith.cmpi sle, %add3A_548, %le3A_565 : vector<16xi32>
        %and3A_567 = arith.andi %eq3A_564, %le3A_566 : vector<16xi1>
        %all_reduce_population_count3A_568 = tpu.all_reduce %and3A_567 {dim = 0 : i64, kind = #tpu.reduction_kind<sum>} : vector<16xi1> -> vector<16xi32>
        %add3A_569 = arith.addi %scan3A_543, %all_reduce_population_count3A_568 : vector<16xi32>
        scf.yield %add3A_558, %add3A_569 : vector<16xi32>, vector<16xi32>
      }
      %scan3A_505 = arith.constant 32 : i32
      %add3A_506 = arith.constant 33 : i32
      %add3A_507 = arith.addi %add3A_506, %scan3A_486 : i32
      %slice3A_508 = vector.extract_strided_slice %scan3A_504#0 {offsets = [0], sizes = [1], strides = [1]} : vector<16xi32> to vector<1xi32>
      %squeeze3A_509 = vector.extract %slice3A_508[0] : i32 from vector<1xi32>
      %slice3A_510 = vector.extract_strided_slice %scan3A_504#1 {offsets = [0], sizes = [1], strides = [1]} : vector<16xi32> to vector<1xi32>
      %squeeze3A_511 = vector.extract %slice3A_510[0] : i32 from vector<1xi32>
      %shift_left3A_512 = arith.constant 16 : i32
      %shift_left3A_513 = arith.shli %squeeze3A_511, %shift_left3A_512 : i32
      %add3A_514 = arith.addi %squeeze3A_509, %shift_left3A_513 : i32
      %sc_fetch_and_add3A_515 = arith.constant 0 : i32
      %sc_fetch_and_add3A_516 = tpu.fetch_and_add_sync %arg18[%add3A_507], %add3A_514, %sc_fetch_and_add3A_515 : memref<96xi32, #tpu.memory_space<smem>>, i32 -> i32
      %barrier3A_517 = arith.constant 0 : index
      tpu.barrier barrier_id(%barrier3A_517)
      %sc_fetch_and_add3A_518 = arith.constant 0 : i32
      %sc_fetch_and_add3A_519 = arith.constant 0 : i32
      %sc_fetch_and_add3A_520 = tpu.fetch_and_add_sync %arg18[%add3A_507], %sc_fetch_and_add3A_518, %sc_fetch_and_add3A_519 : memref<96xi32, #tpu.memory_space<smem>>, i32 -> i32
      %and3A_521 = arith.constant 65535 : i32
      %and3A_522 = arith.andi %sc_fetch_and_add3A_520, %and3A_521 : i32
      %shift_right_arithmetic3A_523 = arith.constant 16 : i32
      %shift_right_arithmetic3A_524 = arith.shrsi %sc_fetch_and_add3A_520, %shift_right_arithmetic3A_523 : i32
      %lt3A = arith.cmpi slt, %scan3A_487, %scan3A_488 : i32
      %ge3A = arith.cmpi sge, %and3A_522, %sub3A_175 : i32
      %and3A_525 = arith.andi %lt3A, %ge3A : i1
      %select_n3A = arith.select %and3A_525, %add3A_494, %scan3A_488 : i32
      %not3A = arith.constant true
      %not3A_526 = arith.xori %ge3A, %not3A : i1
      %and3A_527 = arith.andi %lt3A, %not3A_526 : i1
      %add3A_528 = arith.constant 1 : i32
      %add3A_529 = arith.addi %add3A_494, %add3A_528 : i32
      %select_n3A_530 = arith.select %and3A_527, %add3A_529, %scan3A_487 : i32
      %lt3A_531 = arith.cmpi slt, %scan3A_489, %scan3A_490 : i32
      %ge3A_532 = arith.cmpi sge, %shift_right_arithmetic3A_524, %sub3A_177 : i32
      %and3A_533 = arith.andi %lt3A_531, %ge3A_532 : i1
      %select_n3A_534 = arith.select %and3A_533, %add3A_499, %scan3A_490 : i32
      %not3A_535 = arith.constant true
      %not3A_536 = arith.xori %ge3A_532, %not3A_535 : i1
      %and3A_537 = arith.andi %lt3A_531, %not3A_536 : i1
      %add3A_538 = arith.constant 1 : i32
      %add3A_539 = arith.addi %add3A_499, %add3A_538 : i32
      %select_n3A_540 = arith.select %and3A_537, %add3A_539, %scan3A_489 : i32
      scf.yield %select_n3A_530, %select_n3A, %select_n3A_540, %select_n3A_534 : i32, i32, i32, i32
    }
    %scan3A_187 = arith.constant 14 : i32
    %scan3A_188 = arith.constant 0 : i32
    %scan3A_189 = arith.constant 16 : i32
    %scan3A_190 = arith.addi %scan3A_188, %scan3A_189 : i32
    %scan3A_191 = arith.constant 1 : i32
    %scan3A_192 = scf.for %scan3A_486 = %scan3A_188 to %scan3A_190 step %scan3A_191 iter_args(%scan3A_487 = %broadcast_in_dim3A_3) -> (vector<16xi32>)  : i32 {
      %mul3A_488 = arith.constant 16 : i32
      %mul3A_489 = arith.muli %arg0, %mul3A_488 : i32
      %add3A_490 = arith.addi %mul3A_489, %scan3A_486 : i32
      %mul3A_491 = arith.constant 16 : i32
      %mul3A_492 = arith.muli %add3A_490, %mul3A_491 : i32
      %get3A_493 = arith.index_cast %mul3A_492 : i32 to index
      %get3A_494 = tpu.vector_load %arg9[%get3A_493] {strides = array<i32>} : memref<512xi32, #tpu.memory_space<vmem>>, vector<16xi32>,
      %mul3A_495 = arith.constant 16 : i32
      %mul3A_496 = arith.muli %add3A_490, %mul3A_495 : i32
      %get3A_497 = arith.index_cast %mul3A_496 : i32 to index
      %get3A_498 = tpu.vector_load %arg10[%get3A_497] {strides = array<i32>} : memref<512xi32, #tpu.memory_space<vmem>>, vector<16xi32>,
      %mul3A_499 = arith.constant 16 : i32
      %mul3A_500 = arith.muli %add3A_490, %mul3A_499 : i32
      %add3A_501 = arith.addi %mul3A_0, %mul3A_500 : i32
      %add3A_502 = vector.broadcast %add3A_501 : i32 to vector<16xi32>
      %add3A_503 = arith.addi %add3A_502, %iota3A : vector<16xi32>
      %gt3A_504 = vector.broadcast %scan3A_154#0 : i32 to vector<16xi32>
      %gt3A_505 = arith.cmpi sgt, %get3A_494, %gt3A_504 : vector<16xi32>
      %eq3A_506 = vector.broadcast %scan3A_154#0 : i32 to vector<16xi32>
      %eq3A_507 = arith.cmpi eq, %get3A_494, %eq3A_506 : vector<16xi32>
      %le3A_508 = vector.broadcast %scan3A_186#0 : i32 to vector<16xi32>
      %le3A_509 = arith.cmpi sle, %add3A_503, %le3A_508 : vector<16xi32>
      %and3A_510 = arith.andi %eq3A_507, %le3A_509 : vector<16xi1>
      %or3A = arith.ori %gt3A_505, %and3A_510 : vector<16xi1>
      %gt3A_511 = vector.broadcast %scan3A_154#2 : i32 to vector<16xi32>
      %gt3A_512 = arith.cmpi sgt, %get3A_498, %gt3A_511 : vector<16xi32>
      %or3A_513 = arith.ori %or3A, %gt3A_512 : vector<16xi1>
      %eq3A_514 = vector.broadcast %scan3A_154#2 : i32 to vector<16xi32>
      %eq3A_515 = arith.cmpi eq, %get3A_498, %eq3A_514 : vector<16xi32>
      %le3A_516 = vector.broadcast %scan3A_186#2 : i32 to vector<16xi32>
      %le3A_517 = arith.cmpi sle, %add3A_503, %le3A_516 : vector<16xi32>
      %and3A_518 = arith.andi %eq3A_515, %le3A_517 : vector<16xi1>
      %or3A_519 = arith.ori %or3A_513, %and3A_518 : vector<16xi1>
      %convert_element_type3A_520 = arith.extui %or3A_519 : vector<16xi1> to vector<16xi32>
      %broadcast_in_dim3A_521 = arith.constant true
      %broadcast_in_dim3A_522 = vector.broadcast %broadcast_in_dim3A_521 : i1 to vector<16xi1>
      %masked_cumsum3A = tpu.scan <sum>, %convert_element_type3A_520 masked %broadcast_in_dim3A_522 : vector<16xi32>, vector<16xi1> -> vector<16xi32>
      %add3A_523 = arith.addi %scan3A_487, %masked_cumsum3A : vector<16xi32>
      %sub3A_524 = arith.subi %add3A_523, %convert_element_type3A_520 : vector<16xi32>
      %shift_right_arithmetic3A_525 = arith.constant 4 : i32
      %shift_right_arithmetic3A_526 = vector.broadcast %shift_right_arithmetic3A_525 : i32 to vector<16xi32>
      %shift_right_arithmetic3A_527 = arith.shrsi %sub3A_524, %shift_right_arithmetic3A_526 : vector<16xi32>
      %and3A_528 = arith.constant 15 : i32
      %and3A_529 = vector.broadcast %and3A_528 : i32 to vector<16xi32>
      %and3A_530 = arith.andi %sub3A_524, %and3A_529 : vector<16xi32>
      tpu.vector_store_idx %arg12[%shift_right_arithmetic3A_527, %and3A_530], %add3A_503 masked %or3A_519 : memref<16x16xi32, #tpu.memory_space<vmem>>[vector<16xi32>, vector<16xi32>], vector<16xi32>, vector<16xi1>
      %shift_right_arithmetic3A_531 = arith.constant 4 : i32
      %shift_right_arithmetic3A_532 = vector.broadcast %shift_right_arithmetic3A_531 : i32 to vector<16xi32>
      %shift_right_arithmetic3A_533 = arith.shrsi %sub3A_524, %shift_right_arithmetic3A_532 : vector<16xi32>
      %and3A_534 = arith.constant 15 : i32
      %and3A_535 = vector.broadcast %and3A_534 : i32 to vector<16xi32>
      %and3A_536 = arith.andi %sub3A_524, %and3A_535 : vector<16xi32>
      %add3A_537 = arith.constant 8192 : i32
      %add3A_538 = vector.broadcast %add3A_537 : i32 to vector<16xi32>
      %add3A_539 = arith.addi %add3A_538, %add3A_503 : vector<16xi32>
      tpu.vector_store_idx %arg13[%shift_right_arithmetic3A_533, %and3A_536], %add3A_539 masked %or3A_519 : memref<16x16xi32, #tpu.memory_space<vmem>>[vector<16xi32>, vector<16xi32>], vector<16xi32>, vector<16xi1>
      %all_reduce_population_count3A = tpu.all_reduce %or3A_519 {dim = 0 : i64, kind = #tpu.reduction_kind<sum>} : vector<16xi1> -> vector<16xi32>
      %add3A_540 = arith.addi %scan3A_487, %all_reduce_population_count3A : vector<16xi32>
      scf.yield %add3A_540 : vector<16xi32>
    }
    %scan3A_193 = arith.constant 16 : i32
    %slice3A_194 = vector.extract_strided_slice %scan3A_192 {offsets = [0], sizes = [1], strides = [1]} : vector<16xi32> to vector<1xi32>
    %squeeze3A_195 = vector.extract %slice3A_194[0] : i32 from vector<1xi32>
    %add3A_196 = arith.constant 15 : i32
    %add3A_197 = arith.addi %squeeze3A_195, %add3A_196 : i32
    %shift_right_arithmetic3A_198 = arith.constant 4 : i32
    %shift_right_arithmetic3A_199 = arith.shrsi %add3A_197, %shift_right_arithmetic3A_198 : i32
    %get3A = arith.constant 0 : i32
    %get3A_200 = arith.index_cast %get3A : i32 to index
    %get3A_201 = arith.constant 0 : index
    %get3A_202 = tpu.vector_load %arg12[%get3A_200, %get3A_201] {strides = array<i32>} : memref<16x16xi32, #tpu.memory_space<vmem>>, vector<16xi32>,
    %slice3A_203 = vector.extract_strided_slice %get3A_202 {offsets = [0], sizes = [1], strides = [1]} : vector<16xi32> to vector<1xi32>
    %squeeze3A_204 = vector.extract %slice3A_203[0] : i32 from vector<1xi32>
    %scan3A_205 = arith.constant 0 : i32
    %scan3A_206 = arith.constant 0 : i32
    %scan3A_207 = arith.constant 16 : i32
    %scan3A_208 = arith.addi %scan3A_206, %scan3A_207 : i32
    %scan3A_209 = arith.constant 1 : i32
    %scan3A_210 = scf.for %scan3A_486 = %scan3A_206 to %scan3A_208 step %scan3A_209 iter_args(%scan3A_487 = %scan3A_205) -> (i32)  : i32 {
      %mul3A_488 = arith.constant 16 : i32
      %mul3A_489 = arith.muli %scan3A_486, %mul3A_488 : i32
      %add3A_490 = vector.broadcast %mul3A_489 : i32 to vector<16xi32>
      %add3A_491 = arith.addi %add3A_490, %iota3A : vector<16xi32>
      %ge3A = arith.cmpi sge, %add3A_491, %scan3A_192 : vector<16xi32>
      %get3A_492 = arith.index_cast %scan3A_486 : i32 to index
      %get3A_493 = arith.constant 0 : index
      %get3A_494 = tpu.vector_load %arg12[%get3A_492, %get3A_493] {strides = array<i32>} : memref<16x16xi32, #tpu.memory_space<vmem>>, vector<16xi32>,
      %broadcast_in_dim3A_495 = vector.broadcast %squeeze3A_204 : i32 to vector<16xi32>
      %select_n3A = arith.select %ge3A, %broadcast_in_dim3A_495, %get3A_494 : vector<16xi1>, vector<16xi32>
      %swap3A = arith.index_cast %scan3A_486 : i32 to index
      %swap3A_496 = arith.constant 0 : index
      %swap3A_497 = tpu.vector_load %arg12[%swap3A, %swap3A_496] {strides = array<i32>} : memref<16x16xi32, #tpu.memory_space<vmem>>, vector<16xi32>,
      tpu.vector_store %arg12[%swap3A, %swap3A_496], %select_n3A {strides = array<i32>} : memref<16x16xi32, #tpu.memory_space<vmem>>, vector<16xi32>,
      %add3A_498 = arith.constant 8192 : i32
      %add3A_499 = arith.addi %add3A_498, %squeeze3A_204 : i32
      %get3A_500 = arith.index_cast %scan3A_486 : i32 to index
      %get3A_501 = arith.constant 0 : index
      %get3A_502 = tpu.vector_load %arg13[%get3A_500, %get3A_501] {strides = array<i32>} : memref<16x16xi32, #tpu.memory_space<vmem>>, vector<16xi32>,
      %broadcast_in_dim3A_503 = vector.broadcast %add3A_499 : i32 to vector<16xi32>
      %select_n3A_504 = arith.select %ge3A, %broadcast_in_dim3A_503, %get3A_502 : vector<16xi1>, vector<16xi32>
      %swap3A_505 = arith.index_cast %scan3A_486 : i32 to index
      %swap3A_506 = arith.constant 0 : index
      %swap3A_507 = tpu.vector_load %arg13[%swap3A_505, %swap3A_506] {strides = array<i32>} : memref<16x16xi32, #tpu.memory_space<vmem>>, vector<16xi32>,
      tpu.vector_store %arg13[%swap3A_505, %swap3A_506], %select_n3A_504 {strides = array<i32>} : memref<16x16xi32, #tpu.memory_space<vmem>>, vector<16xi32>,
      %scan3A_508 = arith.constant 0 : i32
      scf.yield %scan3A_508 : i32
    }
    %scan3A_211 = arith.constant 16 : i32
    %gt3A = arith.constant 0 : i32
    %gt3A_212 = arith.cmpi sgt, %shift_right_arithmetic3A_199, %gt3A : i32
    %convert_element_type3A_213 = arith.extui %gt3A_212 : i1 to i32
    %cond3A_214 = arith.constant 0 : i32
    %cond3A_215 = arith.cmpi ne, %convert_element_type3A_213, %cond3A_214 : i32
    scf.if %cond3A_215 {
      %dma_start3A_486 = arith.constant 0 : i32
      %dma_start3A_487 = arith.constant 0 : i32
      %dma_start3A_488 = tpu.memref_slice %arg12[%dma_start3A_486, %dma_start3A_487] : memref<16x16xi32, #tpu.memory_space<vmem>> -> memref<1x16xi32, #tpu.memory_space<vmem>>
      %dma_start3A_489 = tpu.memref_squeeze %dma_start3A_488 : memref<1x16xi32, #tpu.memory_space<vmem>> -> memref<16xi32, #tpu.memory_space<vmem>>
      %dma_start3A_490 = arith.constant 0 : i32
      %dma_start3A_491 = arith.constant 0 : i32
      %dma_start3A_492 = tpu.memref_slice %arg2[%dma_start3A_490, %dma_start3A_491] : memref<8192x1024xf32, #tpu.memory_space<hbm>> -> memref<8192x1024xf32, #tpu.memory_space<hbm>>
      tpu.enqueue_indirect_dma source(%dma_start3A_492 : memref<8192x1024xf32, #tpu.memory_space<hbm>>) target(%arg14 : memref<16x1024xf32, #tpu.memory_space<vmem>>) offsets(%dma_start3A_489 : memref<16xi32, #tpu.memory_space<vmem>>) semaphore(%arg20 : memref<!tpu.dma_semaphore, #tpu.memory_space<semaphore_mem>>)
      %dma_start3A_493 = arith.constant 0 : i32
      %dma_start3A_494 = arith.constant 0 : i32
      %dma_start3A_495 = tpu.memref_slice %arg12[%dma_start3A_493, %dma_start3A_494] : memref<16x16xi32, #tpu.memory_space<vmem>> -> memref<1x16xi32, #tpu.memory_space<vmem>>
      %dma_start3A_496 = tpu.memref_squeeze %dma_start3A_495 : memref<1x16xi32, #tpu.memory_space<vmem>> -> memref<16xi32, #tpu.memory_space<vmem>>
      %dma_start3A_497 = arith.constant 0 : i32
      %dma_start3A_498 = arith.constant 0 : i32
      %dma_start3A_499 = tpu.memref_slice %arg3[%dma_start3A_497, %dma_start3A_498] : memref<8192x1024xf32, #tpu.memory_space<hbm>> -> memref<8192x1024xf32, #tpu.memory_space<hbm>>
      tpu.enqueue_indirect_dma source(%dma_start3A_499 : memref<8192x1024xf32, #tpu.memory_space<hbm>>) target(%arg15 : memref<16x1024xf32, #tpu.memory_space<vmem>>) offsets(%dma_start3A_496 : memref<16xi32, #tpu.memory_space<vmem>>) semaphore(%arg20 : memref<!tpu.dma_semaphore, #tpu.memory_space<semaphore_mem>>)
    } else {
    }
    %dma_wait3A = arith.constant 0 : i32
    %dma_wait3A_216 = tpu.memref_slice %arg6[%add3A_13, %dma_wait3A] : memref<16384x1024xf32, #tpu.memory_space<hbm>> -> memref<32x1024xf32, #tpu.memory_space<hbm>>
    %dma_wait3A_217 = arith.constant 0 : i32
    %dma_wait3A_218 = tpu.memref_slice %arg6[%add3A_13, %dma_wait3A_217] : memref<16384x1024xf32, #tpu.memory_space<hbm>> -> memref<32x1024xf32, #tpu.memory_space<hbm>>
    tpu.wait_dma2 semaphore(%arg19 : memref<!tpu.dma_semaphore, #tpu.memory_space<semaphore_mem>>) src(%arg11 : memref<32x1024xf32, #tpu.memory_space<vmem>>) dst(%dma_wait3A_218 : memref<32x1024xf32, #tpu.memory_space<hbm>>)
    %dma_wait3A_219 = arith.constant 0 : i32
    %dma_wait3A_220 = tpu.memref_slice %arg6[%add3A_20, %dma_wait3A_219] : memref<16384x1024xf32, #tpu.memory_space<hbm>> -> memref<32x1024xf32, #tpu.memory_space<hbm>>
    %dma_wait3A_221 = arith.constant 0 : i32
    %dma_wait3A_222 = tpu.memref_slice %arg6[%add3A_20, %dma_wait3A_221] : memref<16384x1024xf32, #tpu.memory_space<hbm>> -> memref<32x1024xf32, #tpu.memory_space<hbm>>
    tpu.wait_dma2 semaphore(%arg19 : memref<!tpu.dma_semaphore, #tpu.memory_space<semaphore_mem>>) src(%arg11 : memref<32x1024xf32, #tpu.memory_space<vmem>>) dst(%dma_wait3A_222 : memref<32x1024xf32, #tpu.memory_space<hbm>>)
    %dma_wait3A_223 = arith.constant 0 : i32
    %dma_wait3A_224 = tpu.memref_slice %arg6[%add3A_28, %dma_wait3A_223] : memref<16384x1024xf32, #tpu.memory_space<hbm>> -> memref<32x1024xf32, #tpu.memory_space<hbm>>
    %dma_wait3A_225 = arith.constant 0 : i32
    %dma_wait3A_226 = tpu.memref_slice %arg6[%add3A_28, %dma_wait3A_225] : memref<16384x1024xf32, #tpu.memory_space<hbm>> -> memref<32x1024xf32, #tpu.memory_space<hbm>>
    tpu.wait_dma2 semaphore(%arg19 : memref<!tpu.dma_semaphore, #tpu.memory_space<semaphore_mem>>) src(%arg11 : memref<32x1024xf32, #tpu.memory_space<vmem>>) dst(%dma_wait3A_226 : memref<32x1024xf32, #tpu.memory_space<hbm>>)
    %dma_wait3A_227 = arith.constant 0 : i32
    %dma_wait3A_228 = tpu.memref_slice %arg6[%add3A_36, %dma_wait3A_227] : memref<16384x1024xf32, #tpu.memory_space<hbm>> -> memref<32x1024xf32, #tpu.memory_space<hbm>>
    %dma_wait3A_229 = arith.constant 0 : i32
    %dma_wait3A_230 = tpu.memref_slice %arg6[%add3A_36, %dma_wait3A_229] : memref<16384x1024xf32, #tpu.memory_space<hbm>> -> memref<32x1024xf32, #tpu.memory_space<hbm>>
    tpu.wait_dma2 semaphore(%arg19 : memref<!tpu.dma_semaphore, #tpu.memory_space<semaphore_mem>>) src(%arg11 : memref<32x1024xf32, #tpu.memory_space<vmem>>) dst(%dma_wait3A_230 : memref<32x1024xf32, #tpu.memory_space<hbm>>)
    %dma_wait3A_231 = arith.constant 0 : i32
    %dma_wait3A_232 = tpu.memref_slice %arg6[%add3A_44, %dma_wait3A_231] : memref<16384x1024xf32, #tpu.memory_space<hbm>> -> memref<32x1024xf32, #tpu.memory_space<hbm>>
    %dma_wait3A_233 = arith.constant 0 : i32
    %dma_wait3A_234 = tpu.memref_slice %arg6[%add3A_44, %dma_wait3A_233] : memref<16384x1024xf32, #tpu.memory_space<hbm>> -> memref<32x1024xf32, #tpu.memory_space<hbm>>
    tpu.wait_dma2 semaphore(%arg19 : memref<!tpu.dma_semaphore, #tpu.memory_space<semaphore_mem>>) src(%arg11 : memref<32x1024xf32, #tpu.memory_space<vmem>>) dst(%dma_wait3A_234 : memref<32x1024xf32, #tpu.memory_space<hbm>>)
    %dma_wait3A_235 = arith.constant 0 : i32
    %dma_wait3A_236 = tpu.memref_slice %arg6[%add3A_52, %dma_wait3A_235] : memref<16384x1024xf32, #tpu.memory_space<hbm>> -> memref<32x1024xf32, #tpu.memory_space<hbm>>
    %dma_wait3A_237 = arith.constant 0 : i32
    %dma_wait3A_238 = tpu.memref_slice %arg6[%add3A_52, %dma_wait3A_237] : memref<16384x1024xf32, #tpu.memory_space<hbm>> -> memref<32x1024xf32, #tpu.memory_space<hbm>>
    tpu.wait_dma2 semaphore(%arg19 : memref<!tpu.dma_semaphore, #tpu.memory_space<semaphore_mem>>) src(%arg11 : memref<32x1024xf32, #tpu.memory_space<vmem>>) dst(%dma_wait3A_238 : memref<32x1024xf32, #tpu.memory_space<hbm>>)
    %dma_wait3A_239 = arith.constant 0 : i32
    %dma_wait3A_240 = tpu.memref_slice %arg6[%add3A_60, %dma_wait3A_239] : memref<16384x1024xf32, #tpu.memory_space<hbm>> -> memref<32x1024xf32, #tpu.memory_space<hbm>>
    %dma_wait3A_241 = arith.constant 0 : i32
    %dma_wait3A_242 = tpu.memref_slice %arg6[%add3A_60, %dma_wait3A_241] : memref<16384x1024xf32, #tpu.memory_space<hbm>> -> memref<32x1024xf32, #tpu.memory_space<hbm>>
    tpu.wait_dma2 semaphore(%arg19 : memref<!tpu.dma_semaphore, #tpu.memory_space<semaphore_mem>>) src(%arg11 : memref<32x1024xf32, #tpu.memory_space<vmem>>) dst(%dma_wait3A_242 : memref<32x1024xf32, #tpu.memory_space<hbm>>)
    %dma_wait3A_243 = arith.constant 0 : i32
    %dma_wait3A_244 = tpu.memref_slice %arg6[%add3A_68, %dma_wait3A_243] : memref<16384x1024xf32, #tpu.memory_space<hbm>> -> memref<32x1024xf32, #tpu.memory_space<hbm>>
    %dma_wait3A_245 = arith.constant 0 : i32
    %dma_wait3A_246 = tpu.memref_slice %arg6[%add3A_68, %dma_wait3A_245] : memref<16384x1024xf32, #tpu.memory_space<hbm>> -> memref<32x1024xf32, #tpu.memory_space<hbm>>
    tpu.wait_dma2 semaphore(%arg19 : memref<!tpu.dma_semaphore, #tpu.memory_space<semaphore_mem>>) src(%arg11 : memref<32x1024xf32, #tpu.memory_space<vmem>>) dst(%dma_wait3A_246 : memref<32x1024xf32, #tpu.memory_space<hbm>>)
    %dma_wait3A_247 = arith.constant 0 : i32
    %dma_wait3A_248 = tpu.memref_slice %arg6[%add3A_76, %dma_wait3A_247] : memref<16384x1024xf32, #tpu.memory_space<hbm>> -> memref<32x1024xf32, #tpu.memory_space<hbm>>
    %dma_wait3A_249 = arith.constant 0 : i32
    %dma_wait3A_250 = tpu.memref_slice %arg6[%add3A_76, %dma_wait3A_249] : memref<16384x1024xf32, #tpu.memory_space<hbm>> -> memref<32x1024xf32, #tpu.memory_space<hbm>>
    tpu.wait_dma2 semaphore(%arg19 : memref<!tpu.dma_semaphore, #tpu.memory_space<semaphore_mem>>) src(%arg11 : memref<32x1024xf32, #tpu.memory_space<vmem>>) dst(%dma_wait3A_250 : memref<32x1024xf32, #tpu.memory_space<hbm>>)
    %dma_wait3A_251 = arith.constant 0 : i32
    %dma_wait3A_252 = tpu.memref_slice %arg6[%add3A_84, %dma_wait3A_251] : memref<16384x1024xf32, #tpu.memory_space<hbm>> -> memref<32x1024xf32, #tpu.memory_space<hbm>>
    %dma_wait3A_253 = arith.constant 0 : i32
    %dma_wait3A_254 = tpu.memref_slice %arg6[%add3A_84, %dma_wait3A_253] : memref<16384x1024xf32, #tpu.memory_space<hbm>> -> memref<32x1024xf32, #tpu.memory_space<hbm>>
    tpu.wait_dma2 semaphore(%arg19 : memref<!tpu.dma_semaphore, #tpu.memory_space<semaphore_mem>>) src(%arg11 : memref<32x1024xf32, #tpu.memory_space<vmem>>) dst(%dma_wait3A_254 : memref<32x1024xf32, #tpu.memory_space<hbm>>)
    %dma_wait3A_255 = arith.constant 0 : i32
    %dma_wait3A_256 = tpu.memref_slice %arg6[%add3A_92, %dma_wait3A_255] : memref<16384x1024xf32, #tpu.memory_space<hbm>> -> memref<32x1024xf32, #tpu.memory_space<hbm>>
    %dma_wait3A_257 = arith.constant 0 : i32
    %dma_wait3A_258 = tpu.memref_slice %arg6[%add3A_92, %dma_wait3A_257] : memref<16384x1024xf32, #tpu.memory_space<hbm>> -> memref<32x1024xf32, #tpu.memory_space<hbm>>
    tpu.wait_dma2 semaphore(%arg19 : memref<!tpu.dma_semaphore, #tpu.memory_space<semaphore_mem>>) src(%arg11 : memref<32x1024xf32, #tpu.memory_space<vmem>>) dst(%dma_wait3A_258 : memref<32x1024xf32, #tpu.memory_space<hbm>>)
    %dma_wait3A_259 = arith.constant 0 : i32
    %dma_wait3A_260 = tpu.memref_slice %arg6[%add3A_100, %dma_wait3A_259] : memref<16384x1024xf32, #tpu.memory_space<hbm>> -> memref<32x1024xf32, #tpu.memory_space<hbm>>
    %dma_wait3A_261 = arith.constant 0 : i32
    %dma_wait3A_262 = tpu.memref_slice %arg6[%add3A_100, %dma_wait3A_261] : memref<16384x1024xf32, #tpu.memory_space<hbm>> -> memref<32x1024xf32, #tpu.memory_space<hbm>>
    tpu.wait_dma2 semaphore(%arg19 : memref<!tpu.dma_semaphore, #tpu.memory_space<semaphore_mem>>) src(%arg11 : memref<32x1024xf32, #tpu.memory_space<vmem>>) dst(%dma_wait3A_262 : memref<32x1024xf32, #tpu.memory_space<hbm>>)
    %dma_wait3A_263 = arith.constant 0 : i32
    %dma_wait3A_264 = tpu.memref_slice %arg6[%add3A_108, %dma_wait3A_263] : memref<16384x1024xf32, #tpu.memory_space<hbm>> -> memref<32x1024xf32, #tpu.memory_space<hbm>>
    %dma_wait3A_265 = arith.constant 0 : i32
    %dma_wait3A_266 = tpu.memref_slice %arg6[%add3A_108, %dma_wait3A_265] : memref<16384x1024xf32, #tpu.memory_space<hbm>> -> memref<32x1024xf32, #tpu.memory_space<hbm>>
    tpu.wait_dma2 semaphore(%arg19 : memref<!tpu.dma_semaphore, #tpu.memory_space<semaphore_mem>>) src(%arg11 : memref<32x1024xf32, #tpu.memory_space<vmem>>) dst(%dma_wait3A_266 : memref<32x1024xf32, #tpu.memory_space<hbm>>)
    %dma_wait3A_267 = arith.constant 0 : i32
    %dma_wait3A_268 = tpu.memref_slice %arg6[%add3A_116, %dma_wait3A_267] : memref<16384x1024xf32, #tpu.memory_space<hbm>> -> memref<32x1024xf32, #tpu.memory_space<hbm>>
    %dma_wait3A_269 = arith.constant 0 : i32
    %dma_wait3A_270 = tpu.memref_slice %arg6[%add3A_116, %dma_wait3A_269] : memref<16384x1024xf32, #tpu.memory_space<hbm>> -> memref<32x1024xf32, #tpu.memory_space<hbm>>
    tpu.wait_dma2 semaphore(%arg19 : memref<!tpu.dma_semaphore, #tpu.memory_space<semaphore_mem>>) src(%arg11 : memref<32x1024xf32, #tpu.memory_space<vmem>>) dst(%dma_wait3A_270 : memref<32x1024xf32, #tpu.memory_space<hbm>>)
    %dma_wait3A_271 = arith.constant 0 : i32
    %dma_wait3A_272 = tpu.memref_slice %arg6[%add3A_124, %dma_wait3A_271] : memref<16384x1024xf32, #tpu.memory_space<hbm>> -> memref<32x1024xf32, #tpu.memory_space<hbm>>
    %dma_wait3A_273 = arith.constant 0 : i32
    %dma_wait3A_274 = tpu.memref_slice %arg6[%add3A_124, %dma_wait3A_273] : memref<16384x1024xf32, #tpu.memory_space<hbm>> -> memref<32x1024xf32, #tpu.memory_space<hbm>>
    tpu.wait_dma2 semaphore(%arg19 : memref<!tpu.dma_semaphore, #tpu.memory_space<semaphore_mem>>) src(%arg11 : memref<32x1024xf32, #tpu.memory_space<vmem>>) dst(%dma_wait3A_274 : memref<32x1024xf32, #tpu.memory_space<hbm>>)
    %dma_wait3A_275 = arith.constant 0 : i32
    %dma_wait3A_276 = tpu.memref_slice %arg6[%add3A_132, %dma_wait3A_275] : memref<16384x1024xf32, #tpu.memory_space<hbm>> -> memref<32x1024xf32, #tpu.memory_space<hbm>>
    %dma_wait3A_277 = arith.constant 0 : i32
    %dma_wait3A_278 = tpu.memref_slice %arg6[%add3A_132, %dma_wait3A_277] : memref<16384x1024xf32, #tpu.memory_space<hbm>> -> memref<32x1024xf32, #tpu.memory_space<hbm>>
    tpu.wait_dma2 semaphore(%arg19 : memref<!tpu.dma_semaphore, #tpu.memory_space<semaphore_mem>>) src(%arg11 : memref<32x1024xf32, #tpu.memory_space<vmem>>) dst(%dma_wait3A_278 : memref<32x1024xf32, #tpu.memory_space<hbm>>)
    %gt3A_279 = arith.constant 0 : i32
    %gt3A_280 = arith.cmpi sgt, %shift_right_arithmetic3A_199, %gt3A_279 : i32
    %convert_element_type3A_281 = arith.extui %gt3A_280 : i1 to i32
    %cond3A_282 = arith.constant 0 : i32
    %cond3A_283 = arith.cmpi ne, %convert_element_type3A_281, %cond3A_282 : i32
    scf.if %cond3A_283 {
      %dma_wait3A_486 = arith.constant 0 : i32
      %dma_wait3A_487 = arith.constant 0 : i32
      %dma_wait3A_488 = tpu.memref_slice %arg12[%dma_wait3A_486, %dma_wait3A_487] : memref<16x16xi32, #tpu.memory_space<vmem>> -> memref<1x16xi32, #tpu.memory_space<vmem>>
      %dma_wait3A_489 = tpu.memref_squeeze %dma_wait3A_488 : memref<1x16xi32, #tpu.memory_space<vmem>> -> memref<16xi32, #tpu.memory_space<vmem>>
      %dma_wait3A_490 = arith.constant 0 : i32
      %dma_wait3A_491 = arith.constant 0 : i32
      %dma_wait3A_492 = tpu.memref_slice %arg2[%dma_wait3A_490, %dma_wait3A_491] : memref<8192x1024xf32, #tpu.memory_space<hbm>> -> memref<8192x1024xf32, #tpu.memory_space<hbm>>
      tpu.wait_indirect_dma semaphore(%arg20 : memref<!tpu.dma_semaphore, #tpu.memory_space<semaphore_mem>>) src(%dma_wait3A_492 : memref<8192x1024xf32, #tpu.memory_space<hbm>>) dst(%arg14 : memref<16x1024xf32, #tpu.memory_space<vmem>>)
      %dma_wait3A_493 = arith.constant 0 : i32
      %dma_wait3A_494 = arith.constant 0 : i32
      %dma_wait3A_495 = tpu.memref_slice %arg12[%dma_wait3A_493, %dma_wait3A_494] : memref<16x16xi32, #tpu.memory_space<vmem>> -> memref<1x16xi32, #tpu.memory_space<vmem>>
      %dma_wait3A_496 = tpu.memref_squeeze %dma_wait3A_495 : memref<1x16xi32, #tpu.memory_space<vmem>> -> memref<16xi32, #tpu.memory_space<vmem>>
      %dma_wait3A_497 = arith.constant 0 : i32
      %dma_wait3A_498 = arith.constant 0 : i32
      %dma_wait3A_499 = tpu.memref_slice %arg3[%dma_wait3A_497, %dma_wait3A_498] : memref<8192x1024xf32, #tpu.memory_space<hbm>> -> memref<8192x1024xf32, #tpu.memory_space<hbm>>
      tpu.wait_indirect_dma semaphore(%arg20 : memref<!tpu.dma_semaphore, #tpu.memory_space<semaphore_mem>>) src(%dma_wait3A_499 : memref<8192x1024xf32, #tpu.memory_space<hbm>>) dst(%arg15 : memref<16x1024xf32, #tpu.memory_space<vmem>>)
      %gt3A_500 = arith.constant 1 : i32
      %gt3A_501 = arith.cmpi sgt, %shift_right_arithmetic3A_199, %gt3A_500 : i32
      %convert_element_type3A_502 = arith.extui %gt3A_501 : i1 to i32
      %cond3A_503 = arith.constant 0 : i32
      %cond3A_504 = arith.cmpi ne, %convert_element_type3A_502, %cond3A_503 : i32
      scf.if %cond3A_504 {
        %dma_start3A_519 = arith.constant 1 : i32
        %dma_start3A_520 = arith.constant 0 : i32
        %dma_start3A_521 = tpu.memref_slice %arg12[%dma_start3A_519, %dma_start3A_520] : memref<16x16xi32, #tpu.memory_space<vmem>> -> memref<1x16xi32, #tpu.memory_space<vmem>>
        %dma_start3A_522 = tpu.memref_squeeze %dma_start3A_521 : memref<1x16xi32, #tpu.memory_space<vmem>> -> memref<16xi32, #tpu.memory_space<vmem>>
        %dma_start3A_523 = arith.constant 0 : i32
        %dma_start3A_524 = arith.constant 0 : i32
        %dma_start3A_525 = tpu.memref_slice %arg2[%dma_start3A_523, %dma_start3A_524] : memref<8192x1024xf32, #tpu.memory_space<hbm>> -> memref<8192x1024xf32, #tpu.memory_space<hbm>>
        tpu.enqueue_indirect_dma source(%dma_start3A_525 : memref<8192x1024xf32, #tpu.memory_space<hbm>>) target(%arg16 : memref<16x1024xf32, #tpu.memory_space<vmem>>) offsets(%dma_start3A_522 : memref<16xi32, #tpu.memory_space<vmem>>) semaphore(%arg21 : memref<!tpu.dma_semaphore, #tpu.memory_space<semaphore_mem>>)
        %dma_start3A_526 = arith.constant 1 : i32
        %dma_start3A_527 = arith.constant 0 : i32
        %dma_start3A_528 = tpu.memref_slice %arg12[%dma_start3A_526, %dma_start3A_527] : memref<16x16xi32, #tpu.memory_space<vmem>> -> memref<1x16xi32, #tpu.memory_space<vmem>>
        %dma_start3A_529 = tpu.memref_squeeze %dma_start3A_528 : memref<1x16xi32, #tpu.memory_space<vmem>> -> memref<16xi32, #tpu.memory_space<vmem>>
        %dma_start3A_530 = arith.constant 0 : i32
        %dma_start3A_531 = arith.constant 0 : i32
        %dma_start3A_532 = tpu.memref_slice %arg3[%dma_start3A_530, %dma_start3A_531] : memref<8192x1024xf32, #tpu.memory_space<hbm>> -> memref<8192x1024xf32, #tpu.memory_space<hbm>>
        tpu.enqueue_indirect_dma source(%dma_start3A_532 : memref<8192x1024xf32, #tpu.memory_space<hbm>>) target(%arg17 : memref<16x1024xf32, #tpu.memory_space<vmem>>) offsets(%dma_start3A_529 : memref<16xi32, #tpu.memory_space<vmem>>) semaphore(%arg21 : memref<!tpu.dma_semaphore, #tpu.memory_space<semaphore_mem>>)
      } else {
      }
      %dma_start3A_505 = arith.constant 0 : i32
      %dma_start3A_506 = arith.constant 0 : i32
      %dma_start3A_507 = tpu.memref_slice %arg12[%dma_start3A_505, %dma_start3A_506] : memref<16x16xi32, #tpu.memory_space<vmem>> -> memref<1x16xi32, #tpu.memory_space<vmem>>
      %dma_start3A_508 = tpu.memref_squeeze %dma_start3A_507 : memref<1x16xi32, #tpu.memory_space<vmem>> -> memref<16xi32, #tpu.memory_space<vmem>>
      %dma_start3A_509 = arith.constant 0 : i32
      %dma_start3A_510 = arith.constant 0 : i32
      %dma_start3A_511 = tpu.memref_slice %arg6[%dma_start3A_509, %dma_start3A_510] : memref<16384x1024xf32, #tpu.memory_space<hbm>> -> memref<16384x1024xf32, #tpu.memory_space<hbm>>
      tpu.enqueue_indirect_dma source(%arg14 : memref<16x1024xf32, #tpu.memory_space<vmem>>) target(%dma_start3A_511 : memref<16384x1024xf32, #tpu.memory_space<hbm>>) offsets(%dma_start3A_508 : memref<16xi32, #tpu.memory_space<vmem>>) semaphore(%arg22 : memref<!tpu.dma_semaphore, #tpu.memory_space<semaphore_mem>>)
      %dma_start3A_512 = arith.constant 0 : i32
      %dma_start3A_513 = arith.constant 0 : i32
      %dma_start3A_514 = tpu.memref_slice %arg13[%dma_start3A_512, %dma_start3A_513] : memref<16x16xi32, #tpu.memory_space<vmem>> -> memref<1x16xi32, #tpu.memory_space<vmem>>
      %dma_start3A_515 = tpu.memref_squeeze %dma_start3A_514 : memref<1x16xi32, #tpu.memory_space<vmem>> -> memref<16xi32, #tpu.memory_space<vmem>>
      %dma_start3A_516 = arith.constant 0 : i32
      %dma_start3A_517 = arith.constant 0 : i32
      %dma_start3A_518 = tpu.memref_slice %arg6[%dma_start3A_516, %dma_start3A_517] : memref<16384x1024xf32, #tpu.memory_space<hbm>> -> memref<16384x1024xf32, #tpu.memory_space<hbm>>
      tpu.enqueue_indirect_dma source(%arg15 : memref<16x1024xf32, #tpu.memory_space<vmem>>) target(%dma_start3A_518 : memref<16384x1024xf32, #tpu.memory_space<hbm>>) offsets(%dma_start3A_515 : memref<16xi32, #tpu.memory_space<vmem>>) semaphore(%arg22 : memref<!tpu.dma_semaphore, #tpu.memory_space<semaphore_mem>>)
    } else {
    }
    %gt3A_284 = arith.constant 1 : i32
    %gt3A_285 = arith.cmpi sgt, %shift_right_arithmetic3A_199, %gt3A_284 : i32
    %convert_element_type3A_286 = arith.extui %gt3A_285 : i1 to i32
    %cond3A_287 = arith.constant 0 : i32
    %cond3A_288 = arith.cmpi ne, %convert_element_type3A_286, %cond3A_287 : i32
    scf.if %cond3A_288 {
      %dma_wait3A_486 = arith.constant 1 : i32
      %dma_wait3A_487 = arith.constant 0 : i32
      %dma_wait3A_488 = tpu.memref_slice %arg12[%dma_wait3A_486, %dma_wait3A_487] : memref<16x16xi32, #tpu.memory_space<vmem>> -> memref<1x16xi32, #tpu.memory_space<vmem>>
      %dma_wait3A_489 = tpu.memref_squeeze %dma_wait3A_488 : memref<1x16xi32, #tpu.memory_space<vmem>> -> memref<16xi32, #tpu.memory_space<vmem>>
      %dma_wait3A_490 = arith.constant 0 : i32
      %dma_wait3A_491 = arith.constant 0 : i32
      %dma_wait3A_492 = tpu.memref_slice %arg2[%dma_wait3A_490, %dma_wait3A_491] : memref<8192x1024xf32, #tpu.memory_space<hbm>> -> memref<8192x1024xf32, #tpu.memory_space<hbm>>
      tpu.wait_indirect_dma semaphore(%arg21 : memref<!tpu.dma_semaphore, #tpu.memory_space<semaphore_mem>>) src(%dma_wait3A_492 : memref<8192x1024xf32, #tpu.memory_space<hbm>>) dst(%arg16 : memref<16x1024xf32, #tpu.memory_space<vmem>>)
      %dma_wait3A_493 = arith.constant 1 : i32
      %dma_wait3A_494 = arith.constant 0 : i32
      %dma_wait3A_495 = tpu.memref_slice %arg12[%dma_wait3A_493, %dma_wait3A_494] : memref<16x16xi32, #tpu.memory_space<vmem>> -> memref<1x16xi32, #tpu.memory_space<vmem>>
      %dma_wait3A_496 = tpu.memref_squeeze %dma_wait3A_495 : memref<1x16xi32, #tpu.memory_space<vmem>> -> memref<16xi32, #tpu.memory_space<vmem>>
      %dma_wait3A_497 = arith.constant 0 : i32
      %dma_wait3A_498 = arith.constant 0 : i32
      %dma_wait3A_499 = tpu.memref_slice %arg3[%dma_wait3A_497, %dma_wait3A_498] : memref<8192x1024xf32, #tpu.memory_space<hbm>> -> memref<8192x1024xf32, #tpu.memory_space<hbm>>
      tpu.wait_indirect_dma semaphore(%arg21 : memref<!tpu.dma_semaphore, #tpu.memory_space<semaphore_mem>>) src(%dma_wait3A_499 : memref<8192x1024xf32, #tpu.memory_space<hbm>>) dst(%arg17 : memref<16x1024xf32, #tpu.memory_space<vmem>>)
      %gt3A_500 = arith.constant 2 : i32
      %gt3A_501 = arith.cmpi sgt, %shift_right_arithmetic3A_199, %gt3A_500 : i32
      %convert_element_type3A_502 = arith.extui %gt3A_501 : i1 to i32
      %cond3A_503 = arith.constant 0 : i32
      %cond3A_504 = arith.cmpi ne, %convert_element_type3A_502, %cond3A_503 : i32
      scf.if %cond3A_504 {
        %dma_wait3A_519 = arith.constant 0 : i32
        %dma_wait3A_520 = arith.constant 0 : i32
        %dma_wait3A_521 = tpu.memref_slice %arg12[%dma_wait3A_519, %dma_wait3A_520] : memref<16x16xi32, #tpu.memory_space<vmem>> -> memref<1x16xi32, #tpu.memory_space<vmem>>
        %dma_wait3A_522 = tpu.memref_squeeze %dma_wait3A_521 : memref<1x16xi32, #tpu.memory_space<vmem>> -> memref<16xi32, #tpu.memory_space<vmem>>
        %dma_wait3A_523 = arith.constant 0 : i32
        %dma_wait3A_524 = arith.constant 0 : i32
        %dma_wait3A_525 = tpu.memref_slice %arg6[%dma_wait3A_523, %dma_wait3A_524] : memref<16384x1024xf32, #tpu.memory_space<hbm>> -> memref<16384x1024xf32, #tpu.memory_space<hbm>>
        tpu.wait_indirect_dma semaphore(%arg22 : memref<!tpu.dma_semaphore, #tpu.memory_space<semaphore_mem>>) src(%arg14 : memref<16x1024xf32, #tpu.memory_space<vmem>>) dst(%dma_wait3A_525 : memref<16384x1024xf32, #tpu.memory_space<hbm>>)
        %dma_wait3A_526 = arith.constant 0 : i32
        %dma_wait3A_527 = arith.constant 0 : i32
        %dma_wait3A_528 = tpu.memref_slice %arg13[%dma_wait3A_526, %dma_wait3A_527] : memref<16x16xi32, #tpu.memory_space<vmem>> -> memref<1x16xi32, #tpu.memory_space<vmem>>
        %dma_wait3A_529 = tpu.memref_squeeze %dma_wait3A_528 : memref<1x16xi32, #tpu.memory_space<vmem>> -> memref<16xi32, #tpu.memory_space<vmem>>
        %dma_wait3A_530 = arith.constant 0 : i32
        %dma_wait3A_531 = arith.constant 0 : i32
        %dma_wait3A_532 = tpu.memref_slice %arg6[%dma_wait3A_530, %dma_wait3A_531] : memref<16384x1024xf32, #tpu.memory_space<hbm>> -> memref<16384x1024xf32, #tpu.memory_space<hbm>>
        tpu.wait_indirect_dma semaphore(%arg22 : memref<!tpu.dma_semaphore, #tpu.memory_space<semaphore_mem>>) src(%arg15 : memref<16x1024xf32, #tpu.memory_space<vmem>>) dst(%dma_wait3A_532 : memref<16384x1024xf32, #tpu.memory_space<hbm>>)
        %dma_start3A_533 = arith.constant 2 : i32
        %dma_start3A_534 = arith.constant 0 : i32
        %dma_start3A_535 = tpu.memref_slice %arg12[%dma_start3A_533, %dma_start3A_534] : memref<16x16xi32, #tpu.memory_space<vmem>> -> memref<1x16xi32, #tpu.memory_space<vmem>>
        %dma_start3A_536 = tpu.memref_squeeze %dma_start3A_535 : memref<1x16xi32, #tpu.memory_space<vmem>> -> memref<16xi32, #tpu.memory_space<vmem>>
        %dma_start3A_537 = arith.constant 0 : i32
        %dma_start3A_538 = arith.constant 0 : i32
        %dma_start3A_539 = tpu.memref_slice %arg2[%dma_start3A_537, %dma_start3A_538] : memref<8192x1024xf32, #tpu.memory_space<hbm>> -> memref<8192x1024xf32, #tpu.memory_space<hbm>>
        tpu.enqueue_indirect_dma source(%dma_start3A_539 : memref<8192x1024xf32, #tpu.memory_space<hbm>>) target(%arg14 : memref<16x1024xf32, #tpu.memory_space<vmem>>) offsets(%dma_start3A_536 : memref<16xi32, #tpu.memory_space<vmem>>) semaphore(%arg20 : memref<!tpu.dma_semaphore, #tpu.memory_space<semaphore_mem>>)
        %dma_start3A_540 = arith.constant 2 : i32
        %dma_start3A_541 = arith.constant 0 : i32
        %dma_start3A_542 = tpu.memref_slice %arg12[%dma_start3A_540, %dma_start3A_541] : memref<16x16xi32, #tpu.memory_space<vmem>> -> memref<1x16xi32, #tpu.memory_space<vmem>>
        %dma_start3A_543 = tpu.memref_squeeze %dma_start3A_542 : memref<1x16xi32, #tpu.memory_space<vmem>> -> memref<16xi32, #tpu.memory_space<vmem>>
        %dma_start3A_544 = arith.constant 0 : i32
        %dma_start3A_545 = arith.constant 0 : i32
        %dma_start3A_546 = tpu.memref_slice %arg3[%dma_start3A_544, %dma_start3A_545] : memref<8192x1024xf32, #tpu.memory_space<hbm>> -> memref<8192x1024xf32, #tpu.memory_space<hbm>>
        tpu.enqueue_indirect_dma source(%dma_start3A_546 : memref<8192x1024xf32, #tpu.memory_space<hbm>>) target(%arg15 : memref<16x1024xf32, #tpu.memory_space<vmem>>) offsets(%dma_start3A_543 : memref<16xi32, #tpu.memory_space<vmem>>) semaphore(%arg20 : memref<!tpu.dma_semaphore, #tpu.memory_space<semaphore_mem>>)
      } else {
      }
      %dma_start3A_505 = arith.constant 1 : i32
      %dma_start3A_506 = arith.constant 0 : i32
      %dma_start3A_507 = tpu.memref_slice %arg12[%dma_start3A_505, %dma_start3A_506] : memref<16x16xi32, #tpu.memory_space<vmem>> -> memref<1x16xi32, #tpu.memory_space<vmem>>
      %dma_start3A_508 = tpu.memref_squeeze %dma_start3A_507 : memref<1x16xi32, #tpu.memory_space<vmem>> -> memref<16xi32, #tpu.memory_space<vmem>>
      %dma_start3A_509 = arith.constant 0 : i32
      %dma_start3A_510 = arith.constant 0 : i32
      %dma_start3A_511 = tpu.memref_slice %arg6[%dma_start3A_509, %dma_start3A_510] : memref<16384x1024xf32, #tpu.memory_space<hbm>> -> memref<16384x1024xf32, #tpu.memory_space<hbm>>
      tpu.enqueue_indirect_dma source(%arg16 : memref<16x1024xf32, #tpu.memory_space<vmem>>) target(%dma_start3A_511 : memref<16384x1024xf32, #tpu.memory_space<hbm>>) offsets(%dma_start3A_508 : memref<16xi32, #tpu.memory_space<vmem>>) semaphore(%arg23 : memref<!tpu.dma_semaphore, #tpu.memory_space<semaphore_mem>>)
      %dma_start3A_512 = arith.constant 1 : i32
      %dma_start3A_513 = arith.constant 0 : i32
      %dma_start3A_514 = tpu.memref_slice %arg13[%dma_start3A_512, %dma_start3A_513] : memref<16x16xi32, #tpu.memory_space<vmem>> -> memref<1x16xi32, #tpu.memory_space<vmem>>
      %dma_start3A_515 = tpu.memref_squeeze %dma_start3A_514 : memref<1x16xi32, #tpu.memory_space<vmem>> -> memref<16xi32, #tpu.memory_space<vmem>>
      %dma_start3A_516 = arith.constant 0 : i32
      %dma_start3A_517 = arith.constant 0 : i32
      %dma_start3A_518 = tpu.memref_slice %arg6[%dma_start3A_516, %dma_start3A_517] : memref<16384x1024xf32, #tpu.memory_space<hbm>> -> memref<16384x1024xf32, #tpu.memory_space<hbm>>
      tpu.enqueue_indirect_dma source(%arg17 : memref<16x1024xf32, #tpu.memory_space<vmem>>) target(%dma_start3A_518 : memref<16384x1024xf32, #tpu.memory_space<hbm>>) offsets(%dma_start3A_515 : memref<16xi32, #tpu.memory_space<vmem>>) semaphore(%arg23 : memref<!tpu.dma_semaphore, #tpu.memory_space<semaphore_mem>>)
    } else {
    }
    %gt3A_289 = arith.constant 2 : i32
    %gt3A_290 = arith.cmpi sgt, %shift_right_arithmetic3A_199, %gt3A_289 : i32
    %convert_element_type3A_291 = arith.extui %gt3A_290 : i1 to i32
    %cond3A_292 = arith.constant 0 : i32
    %cond3A_293 = arith.cmpi ne, %convert_element_type3A_291, %cond3A_292 : i32
    scf.if %cond3A_293 {
      %dma_wait3A_486 = arith.constant 2 : i32
      %dma_wait3A_487 = arith.constant 0 : i32
      %dma_wait3A_488 = tpu.memref_slice %arg12[%dma_wait3A_486, %dma_wait3A_487] : memref<16x16xi32, #tpu.memory_space<vmem>> -> memref<1x16xi32, #tpu.memory_space<vmem>>
      %dma_wait3A_489 = tpu.memref_squeeze %dma_wait3A_488 : memref<1x16xi32, #tpu.memory_space<vmem>> -> memref<16xi32, #tpu.memory_space<vmem>>
      %dma_wait3A_490 = arith.constant 0 : i32
      %dma_wait3A_491 = arith.constant 0 : i32
      %dma_wait3A_492 = tpu.memref_slice %arg2[%dma_wait3A_490, %dma_wait3A_491] : memref<8192x1024xf32, #tpu.memory_space<hbm>> -> memref<8192x1024xf32, #tpu.memory_space<hbm>>
      tpu.wait_indirect_dma semaphore(%arg20 : memref<!tpu.dma_semaphore, #tpu.memory_space<semaphore_mem>>) src(%dma_wait3A_492 : memref<8192x1024xf32, #tpu.memory_space<hbm>>) dst(%arg14 : memref<16x1024xf32, #tpu.memory_space<vmem>>)
      %dma_wait3A_493 = arith.constant 2 : i32
      %dma_wait3A_494 = arith.constant 0 : i32
      %dma_wait3A_495 = tpu.memref_slice %arg12[%dma_wait3A_493, %dma_wait3A_494] : memref<16x16xi32, #tpu.memory_space<vmem>> -> memref<1x16xi32, #tpu.memory_space<vmem>>
      %dma_wait3A_496 = tpu.memref_squeeze %dma_wait3A_495 : memref<1x16xi32, #tpu.memory_space<vmem>> -> memref<16xi32, #tpu.memory_space<vmem>>
      %dma_wait3A_497 = arith.constant 0 : i32
      %dma_wait3A_498 = arith.constant 0 : i32
      %dma_wait3A_499 = tpu.memref_slice %arg3[%dma_wait3A_497, %dma_wait3A_498] : memref<8192x1024xf32, #tpu.memory_space<hbm>> -> memref<8192x1024xf32, #tpu.memory_space<hbm>>
      tpu.wait_indirect_dma semaphore(%arg20 : memref<!tpu.dma_semaphore, #tpu.memory_space<semaphore_mem>>) src(%dma_wait3A_499 : memref<8192x1024xf32, #tpu.memory_space<hbm>>) dst(%arg15 : memref<16x1024xf32, #tpu.memory_space<vmem>>)
      %gt3A_500 = arith.constant 3 : i32
      %gt3A_501 = arith.cmpi sgt, %shift_right_arithmetic3A_199, %gt3A_500 : i32
      %convert_element_type3A_502 = arith.extui %gt3A_501 : i1 to i32
      %cond3A_503 = arith.constant 0 : i32
      %cond3A_504 = arith.cmpi ne, %convert_element_type3A_502, %cond3A_503 : i32
      scf.if %cond3A_504 {
        %dma_wait3A_519 = arith.constant 1 : i32
        %dma_wait3A_520 = arith.constant 0 : i32
        %dma_wait3A_521 = tpu.memref_slice %arg12[%dma_wait3A_519, %dma_wait3A_520] : memref<16x16xi32, #tpu.memory_space<vmem>> -> memref<1x16xi32, #tpu.memory_space<vmem>>
        %dma_wait3A_522 = tpu.memref_squeeze %dma_wait3A_521 : memref<1x16xi32, #tpu.memory_space<vmem>> -> memref<16xi32, #tpu.memory_space<vmem>>
        %dma_wait3A_523 = arith.constant 0 : i32
        %dma_wait3A_524 = arith.constant 0 : i32
        %dma_wait3A_525 = tpu.memref_slice %arg6[%dma_wait3A_523, %dma_wait3A_524] : memref<16384x1024xf32, #tpu.memory_space<hbm>> -> memref<16384x1024xf32, #tpu.memory_space<hbm>>
        tpu.wait_indirect_dma semaphore(%arg23 : memref<!tpu.dma_semaphore, #tpu.memory_space<semaphore_mem>>) src(%arg16 : memref<16x1024xf32, #tpu.memory_space<vmem>>) dst(%dma_wait3A_525 : memref<16384x1024xf32, #tpu.memory_space<hbm>>)
        %dma_wait3A_526 = arith.constant 1 : i32
        %dma_wait3A_527 = arith.constant 0 : i32
        %dma_wait3A_528 = tpu.memref_slice %arg13[%dma_wait3A_526, %dma_wait3A_527] : memref<16x16xi32, #tpu.memory_space<vmem>> -> memref<1x16xi32, #tpu.memory_space<vmem>>
        %dma_wait3A_529 = tpu.memref_squeeze %dma_wait3A_528 : memref<1x16xi32, #tpu.memory_space<vmem>> -> memref<16xi32, #tpu.memory_space<vmem>>
        %dma_wait3A_530 = arith.constant 0 : i32
        %dma_wait3A_531 = arith.constant 0 : i32
        %dma_wait3A_532 = tpu.memref_slice %arg6[%dma_wait3A_530, %dma_wait3A_531] : memref<16384x1024xf32, #tpu.memory_space<hbm>> -> memref<16384x1024xf32, #tpu.memory_space<hbm>>
        tpu.wait_indirect_dma semaphore(%arg23 : memref<!tpu.dma_semaphore, #tpu.memory_space<semaphore_mem>>) src(%arg17 : memref<16x1024xf32, #tpu.memory_space<vmem>>) dst(%dma_wait3A_532 : memref<16384x1024xf32, #tpu.memory_space<hbm>>)
        %dma_start3A_533 = arith.constant 3 : i32
        %dma_start3A_534 = arith.constant 0 : i32
        %dma_start3A_535 = tpu.memref_slice %arg12[%dma_start3A_533, %dma_start3A_534] : memref<16x16xi32, #tpu.memory_space<vmem>> -> memref<1x16xi32, #tpu.memory_space<vmem>>
        %dma_start3A_536 = tpu.memref_squeeze %dma_start3A_535 : memref<1x16xi32, #tpu.memory_space<vmem>> -> memref<16xi32, #tpu.memory_space<vmem>>
        %dma_start3A_537 = arith.constant 0 : i32
        %dma_start3A_538 = arith.constant 0 : i32
        %dma_start3A_539 = tpu.memref_slice %arg2[%dma_start3A_537, %dma_start3A_538] : memref<8192x1024xf32, #tpu.memory_space<hbm>> -> memref<8192x1024xf32, #tpu.memory_space<hbm>>
        tpu.enqueue_indirect_dma source(%dma_start3A_539 : memref<8192x1024xf32, #tpu.memory_space<hbm>>) target(%arg16 : memref<16x1024xf32, #tpu.memory_space<vmem>>) offsets(%dma_start3A_536 : memref<16xi32, #tpu.memory_space<vmem>>) semaphore(%arg21 : memref<!tpu.dma_semaphore, #tpu.memory_space<semaphore_mem>>)
        %dma_start3A_540 = arith.constant 3 : i32
        %dma_start3A_541 = arith.constant 0 : i32
        %dma_start3A_542 = tpu.memref_slice %arg12[%dma_start3A_540, %dma_start3A_541] : memref<16x16xi32, #tpu.memory_space<vmem>> -> memref<1x16xi32, #tpu.memory_space<vmem>>
        %dma_start3A_543 = tpu.memref_squeeze %dma_start3A_542 : memref<1x16xi32, #tpu.memory_space<vmem>> -> memref<16xi32, #tpu.memory_space<vmem>>
        %dma_start3A_544 = arith.constant 0 : i32
        %dma_start3A_545 = arith.constant 0 : i32
        %dma_start3A_546 = tpu.memref_slice %arg3[%dma_start3A_544, %dma_start3A_545] : memref<8192x1024xf32, #tpu.memory_space<hbm>> -> memref<8192x1024xf32, #tpu.memory_space<hbm>>
        tpu.enqueue_indirect_dma source(%dma_start3A_546 : memref<8192x1024xf32, #tpu.memory_space<hbm>>) target(%arg17 : memref<16x1024xf32, #tpu.memory_space<vmem>>) offsets(%dma_start3A_543 : memref<16xi32, #tpu.memory_space<vmem>>) semaphore(%arg21 : memref<!tpu.dma_semaphore, #tpu.memory_space<semaphore_mem>>)
      } else {
      }
      %dma_start3A_505 = arith.constant 2 : i32
      %dma_start3A_506 = arith.constant 0 : i32
      %dma_start3A_507 = tpu.memref_slice %arg12[%dma_start3A_505, %dma_start3A_506] : memref<16x16xi32, #tpu.memory_space<vmem>> -> memref<1x16xi32, #tpu.memory_space<vmem>>
      %dma_start3A_508 = tpu.memref_squeeze %dma_start3A_507 : memref<1x16xi32, #tpu.memory_space<vmem>> -> memref<16xi32, #tpu.memory_space<vmem>>
      %dma_start3A_509 = arith.constant 0 : i32
      %dma_start3A_510 = arith.constant 0 : i32
      %dma_start3A_511 = tpu.memref_slice %arg6[%dma_start3A_509, %dma_start3A_510] : memref<16384x1024xf32, #tpu.memory_space<hbm>> -> memref<16384x1024xf32, #tpu.memory_space<hbm>>
      tpu.enqueue_indirect_dma source(%arg14 : memref<16x1024xf32, #tpu.memory_space<vmem>>) target(%dma_start3A_511 : memref<16384x1024xf32, #tpu.memory_space<hbm>>) offsets(%dma_start3A_508 : memref<16xi32, #tpu.memory_space<vmem>>) semaphore(%arg22 : memref<!tpu.dma_semaphore, #tpu.memory_space<semaphore_mem>>)
      %dma_start3A_512 = arith.constant 2 : i32
      %dma_start3A_513 = arith.constant 0 : i32
      %dma_start3A_514 = tpu.memref_slice %arg13[%dma_start3A_512, %dma_start3A_513] : memref<16x16xi32, #tpu.memory_space<vmem>> -> memref<1x16xi32, #tpu.memory_space<vmem>>
      %dma_start3A_515 = tpu.memref_squeeze %dma_start3A_514 : memref<1x16xi32, #tpu.memory_space<vmem>> -> memref<16xi32, #tpu.memory_space<vmem>>
      %dma_start3A_516 = arith.constant 0 : i32
      %dma_start3A_517 = arith.constant 0 : i32
      %dma_start3A_518 = tpu.memref_slice %arg6[%dma_start3A_516, %dma_start3A_517] : memref<16384x1024xf32, #tpu.memory_space<hbm>> -> memref<16384x1024xf32, #tpu.memory_space<hbm>>
      tpu.enqueue_indirect_dma source(%arg15 : memref<16x1024xf32, #tpu.memory_space<vmem>>) target(%dma_start3A_518 : memref<16384x1024xf32, #tpu.memory_space<hbm>>) offsets(%dma_start3A_515 : memref<16xi32, #tpu.memory_space<vmem>>) semaphore(%arg22 : memref<!tpu.dma_semaphore, #tpu.memory_space<semaphore_mem>>)
    } else {
    }
    %gt3A_294 = arith.constant 3 : i32
    %gt3A_295 = arith.cmpi sgt, %shift_right_arithmetic3A_199, %gt3A_294 : i32
    %convert_element_type3A_296 = arith.extui %gt3A_295 : i1 to i32
    %cond3A_297 = arith.constant 0 : i32
    %cond3A_298 = arith.cmpi ne, %convert_element_type3A_296, %cond3A_297 : i32
    scf.if %cond3A_298 {
      %dma_wait3A_486 = arith.constant 3 : i32
      %dma_wait3A_487 = arith.constant 0 : i32
      %dma_wait3A_488 = tpu.memref_slice %arg12[%dma_wait3A_486, %dma_wait3A_487] : memref<16x16xi32, #tpu.memory_space<vmem>> -> memref<1x16xi32, #tpu.memory_space<vmem>>
      %dma_wait3A_489 = tpu.memref_squeeze %dma_wait3A_488 : memref<1x16xi32, #tpu.memory_space<vmem>> -> memref<16xi32, #tpu.memory_space<vmem>>
      %dma_wait3A_490 = arith.constant 0 : i32
      %dma_wait3A_491 = arith.constant 0 : i32
      %dma_wait3A_492 = tpu.memref_slice %arg2[%dma_wait3A_490, %dma_wait3A_491] : memref<8192x1024xf32, #tpu.memory_space<hbm>> -> memref<8192x1024xf32, #tpu.memory_space<hbm>>
      tpu.wait_indirect_dma semaphore(%arg21 : memref<!tpu.dma_semaphore, #tpu.memory_space<semaphore_mem>>) src(%dma_wait3A_492 : memref<8192x1024xf32, #tpu.memory_space<hbm>>) dst(%arg16 : memref<16x1024xf32, #tpu.memory_space<vmem>>)
      %dma_wait3A_493 = arith.constant 3 : i32
      %dma_wait3A_494 = arith.constant 0 : i32
      %dma_wait3A_495 = tpu.memref_slice %arg12[%dma_wait3A_493, %dma_wait3A_494] : memref<16x16xi32, #tpu.memory_space<vmem>> -> memref<1x16xi32, #tpu.memory_space<vmem>>
      %dma_wait3A_496 = tpu.memref_squeeze %dma_wait3A_495 : memref<1x16xi32, #tpu.memory_space<vmem>> -> memref<16xi32, #tpu.memory_space<vmem>>
      %dma_wait3A_497 = arith.constant 0 : i32
      %dma_wait3A_498 = arith.constant 0 : i32
      %dma_wait3A_499 = tpu.memref_slice %arg3[%dma_wait3A_497, %dma_wait3A_498] : memref<8192x1024xf32, #tpu.memory_space<hbm>> -> memref<8192x1024xf32, #tpu.memory_space<hbm>>
      tpu.wait_indirect_dma semaphore(%arg21 : memref<!tpu.dma_semaphore, #tpu.memory_space<semaphore_mem>>) src(%dma_wait3A_499 : memref<8192x1024xf32, #tpu.memory_space<hbm>>) dst(%arg17 : memref<16x1024xf32, #tpu.memory_space<vmem>>)
      %gt3A_500 = arith.constant 4 : i32
      %gt3A_501 = arith.cmpi sgt, %shift_right_arithmetic3A_199, %gt3A_500 : i32
      %convert_element_type3A_502 = arith.extui %gt3A_501 : i1 to i32
      %cond3A_503 = arith.constant 0 : i32
      %cond3A_504 = arith.cmpi ne, %convert_element_type3A_502, %cond3A_503 : i32
      scf.if %cond3A_504 {
        %dma_wait3A_519 = arith.constant 2 : i32
        %dma_wait3A_520 = arith.constant 0 : i32
        %dma_wait3A_521 = tpu.memref_slice %arg12[%dma_wait3A_519, %dma_wait3A_520] : memref<16x16xi32, #tpu.memory_space<vmem>> -> memref<1x16xi32, #tpu.memory_space<vmem>>
        %dma_wait3A_522 = tpu.memref_squeeze %dma_wait3A_521 : memref<1x16xi32, #tpu.memory_space<vmem>> -> memref<16xi32, #tpu.memory_space<vmem>>
        %dma_wait3A_523 = arith.constant 0 : i32
        %dma_wait3A_524 = arith.constant 0 : i32
        %dma_wait3A_525 = tpu.memref_slice %arg6[%dma_wait3A_523, %dma_wait3A_524] : memref<16384x1024xf32, #tpu.memory_space<hbm>> -> memref<16384x1024xf32, #tpu.memory_space<hbm>>
        tpu.wait_indirect_dma semaphore(%arg22 : memref<!tpu.dma_semaphore, #tpu.memory_space<semaphore_mem>>) src(%arg14 : memref<16x1024xf32, #tpu.memory_space<vmem>>) dst(%dma_wait3A_525 : memref<16384x1024xf32, #tpu.memory_space<hbm>>)
        %dma_wait3A_526 = arith.constant 2 : i32
        %dma_wait3A_527 = arith.constant 0 : i32
        %dma_wait3A_528 = tpu.memref_slice %arg13[%dma_wait3A_526, %dma_wait3A_527] : memref<16x16xi32, #tpu.memory_space<vmem>> -> memref<1x16xi32, #tpu.memory_space<vmem>>
        %dma_wait3A_529 = tpu.memref_squeeze %dma_wait3A_528 : memref<1x16xi32, #tpu.memory_space<vmem>> -> memref<16xi32, #tpu.memory_space<vmem>>
        %dma_wait3A_530 = arith.constant 0 : i32
        %dma_wait3A_531 = arith.constant 0 : i32
        %dma_wait3A_532 = tpu.memref_slice %arg6[%dma_wait3A_530, %dma_wait3A_531] : memref<16384x1024xf32, #tpu.memory_space<hbm>> -> memref<16384x1024xf32, #tpu.memory_space<hbm>>
        tpu.wait_indirect_dma semaphore(%arg22 : memref<!tpu.dma_semaphore, #tpu.memory_space<semaphore_mem>>) src(%arg15 : memref<16x1024xf32, #tpu.memory_space<vmem>>) dst(%dma_wait3A_532 : memref<16384x1024xf32, #tpu.memory_space<hbm>>)
        %dma_start3A_533 = arith.constant 4 : i32
        %dma_start3A_534 = arith.constant 0 : i32
        %dma_start3A_535 = tpu.memref_slice %arg12[%dma_start3A_533, %dma_start3A_534] : memref<16x16xi32, #tpu.memory_space<vmem>> -> memref<1x16xi32, #tpu.memory_space<vmem>>
        %dma_start3A_536 = tpu.memref_squeeze %dma_start3A_535 : memref<1x16xi32, #tpu.memory_space<vmem>> -> memref<16xi32, #tpu.memory_space<vmem>>
        %dma_start3A_537 = arith.constant 0 : i32
        %dma_start3A_538 = arith.constant 0 : i32
        %dma_start3A_539 = tpu.memref_slice %arg2[%dma_start3A_537, %dma_start3A_538] : memref<8192x1024xf32, #tpu.memory_space<hbm>> -> memref<8192x1024xf32, #tpu.memory_space<hbm>>
        tpu.enqueue_indirect_dma source(%dma_start3A_539 : memref<8192x1024xf32, #tpu.memory_space<hbm>>) target(%arg14 : memref<16x1024xf32, #tpu.memory_space<vmem>>) offsets(%dma_start3A_536 : memref<16xi32, #tpu.memory_space<vmem>>) semaphore(%arg20 : memref<!tpu.dma_semaphore, #tpu.memory_space<semaphore_mem>>)
        %dma_start3A_540 = arith.constant 4 : i32
        %dma_start3A_541 = arith.constant 0 : i32
        %dma_start3A_542 = tpu.memref_slice %arg12[%dma_start3A_540, %dma_start3A_541] : memref<16x16xi32, #tpu.memory_space<vmem>> -> memref<1x16xi32, #tpu.memory_space<vmem>>
        %dma_start3A_543 = tpu.memref_squeeze %dma_start3A_542 : memref<1x16xi32, #tpu.memory_space<vmem>> -> memref<16xi32, #tpu.memory_space<vmem>>
        %dma_start3A_544 = arith.constant 0 : i32
        %dma_start3A_545 = arith.constant 0 : i32
        %dma_start3A_546 = tpu.memref_slice %arg3[%dma_start3A_544, %dma_start3A_545] : memref<8192x1024xf32, #tpu.memory_space<hbm>> -> memref<8192x1024xf32, #tpu.memory_space<hbm>>
        tpu.enqueue_indirect_dma source(%dma_start3A_546 : memref<8192x1024xf32, #tpu.memory_space<hbm>>) target(%arg15 : memref<16x1024xf32, #tpu.memory_space<vmem>>) offsets(%dma_start3A_543 : memref<16xi32, #tpu.memory_space<vmem>>) semaphore(%arg20 : memref<!tpu.dma_semaphore, #tpu.memory_space<semaphore_mem>>)
      } else {
      }
      %dma_start3A_505 = arith.constant 3 : i32
      %dma_start3A_506 = arith.constant 0 : i32
      %dma_start3A_507 = tpu.memref_slice %arg12[%dma_start3A_505, %dma_start3A_506] : memref<16x16xi32, #tpu.memory_space<vmem>> -> memref<1x16xi32, #tpu.memory_space<vmem>>
      %dma_start3A_508 = tpu.memref_squeeze %dma_start3A_507 : memref<1x16xi32, #tpu.memory_space<vmem>> -> memref<16xi32, #tpu.memory_space<vmem>>
      %dma_start3A_509 = arith.constant 0 : i32
      %dma_start3A_510 = arith.constant 0 : i32
      %dma_start3A_511 = tpu.memref_slice %arg6[%dma_start3A_509, %dma_start3A_510] : memref<16384x1024xf32, #tpu.memory_space<hbm>> -> memref<16384x1024xf32, #tpu.memory_space<hbm>>
      tpu.enqueue_indirect_dma source(%arg16 : memref<16x1024xf32, #tpu.memory_space<vmem>>) target(%dma_start3A_511 : memref<16384x1024xf32, #tpu.memory_space<hbm>>) offsets(%dma_start3A_508 : memref<16xi32, #tpu.memory_space<vmem>>) semaphore(%arg23 : memref<!tpu.dma_semaphore, #tpu.memory_space<semaphore_mem>>)
      %dma_start3A_512 = arith.constant 3 : i32
      %dma_start3A_513 = arith.constant 0 : i32
      %dma_start3A_514 = tpu.memref_slice %arg13[%dma_start3A_512, %dma_start3A_513] : memref<16x16xi32, #tpu.memory_space<vmem>> -> memref<1x16xi32, #tpu.memory_space<vmem>>
      %dma_start3A_515 = tpu.memref_squeeze %dma_start3A_514 : memref<1x16xi32, #tpu.memory_space<vmem>> -> memref<16xi32, #tpu.memory_space<vmem>>
      %dma_start3A_516 = arith.constant 0 : i32
      %dma_start3A_517 = arith.constant 0 : i32
      %dma_start3A_518 = tpu.memref_slice %arg6[%dma_start3A_516, %dma_start3A_517] : memref<16384x1024xf32, #tpu.memory_space<hbm>> -> memref<16384x1024xf32, #tpu.memory_space<hbm>>
      tpu.enqueue_indirect_dma source(%arg17 : memref<16x1024xf32, #tpu.memory_space<vmem>>) target(%dma_start3A_518 : memref<16384x1024xf32, #tpu.memory_space<hbm>>) offsets(%dma_start3A_515 : memref<16xi32, #tpu.memory_space<vmem>>) semaphore(%arg23 : memref<!tpu.dma_semaphore, #tpu.memory_space<semaphore_mem>>)
    } else {
    }
    %gt3A_299 = arith.constant 4 : i32
    %gt3A_300 = arith.cmpi sgt, %shift_right_arithmetic3A_199, %gt3A_299 : i32
    %convert_element_type3A_301 = arith.extui %gt3A_300 : i1 to i32
    %cond3A_302 = arith.constant 0 : i32
    %cond3A_303 = arith.cmpi ne, %convert_element_type3A_301, %cond3A_302 : i32
    scf.if %cond3A_303 {
      %dma_wait3A_486 = arith.constant 4 : i32
      %dma_wait3A_487 = arith.constant 0 : i32
      %dma_wait3A_488 = tpu.memref_slice %arg12[%dma_wait3A_486, %dma_wait3A_487] : memref<16x16xi32, #tpu.memory_space<vmem>> -> memref<1x16xi32, #tpu.memory_space<vmem>>
      %dma_wait3A_489 = tpu.memref_squeeze %dma_wait3A_488 : memref<1x16xi32, #tpu.memory_space<vmem>> -> memref<16xi32, #tpu.memory_space<vmem>>
      %dma_wait3A_490 = arith.constant 0 : i32
      %dma_wait3A_491 = arith.constant 0 : i32
      %dma_wait3A_492 = tpu.memref_slice %arg2[%dma_wait3A_490, %dma_wait3A_491] : memref<8192x1024xf32, #tpu.memory_space<hbm>> -> memref<8192x1024xf32, #tpu.memory_space<hbm>>
      tpu.wait_indirect_dma semaphore(%arg20 : memref<!tpu.dma_semaphore, #tpu.memory_space<semaphore_mem>>) src(%dma_wait3A_492 : memref<8192x1024xf32, #tpu.memory_space<hbm>>) dst(%arg14 : memref<16x1024xf32, #tpu.memory_space<vmem>>)
      %dma_wait3A_493 = arith.constant 4 : i32
      %dma_wait3A_494 = arith.constant 0 : i32
      %dma_wait3A_495 = tpu.memref_slice %arg12[%dma_wait3A_493, %dma_wait3A_494] : memref<16x16xi32, #tpu.memory_space<vmem>> -> memref<1x16xi32, #tpu.memory_space<vmem>>
      %dma_wait3A_496 = tpu.memref_squeeze %dma_wait3A_495 : memref<1x16xi32, #tpu.memory_space<vmem>> -> memref<16xi32, #tpu.memory_space<vmem>>
      %dma_wait3A_497 = arith.constant 0 : i32
      %dma_wait3A_498 = arith.constant 0 : i32
      %dma_wait3A_499 = tpu.memref_slice %arg3[%dma_wait3A_497, %dma_wait3A_498] : memref<8192x1024xf32, #tpu.memory_space<hbm>> -> memref<8192x1024xf32, #tpu.memory_space<hbm>>
      tpu.wait_indirect_dma semaphore(%arg20 : memref<!tpu.dma_semaphore, #tpu.memory_space<semaphore_mem>>) src(%dma_wait3A_499 : memref<8192x1024xf32, #tpu.memory_space<hbm>>) dst(%arg15 : memref<16x1024xf32, #tpu.memory_space<vmem>>)
      %gt3A_500 = arith.constant 5 : i32
      %gt3A_501 = arith.cmpi sgt, %shift_right_arithmetic3A_199, %gt3A_500 : i32
      %convert_element_type3A_502 = arith.extui %gt3A_501 : i1 to i32
      %cond3A_503 = arith.constant 0 : i32
      %cond3A_504 = arith.cmpi ne, %convert_element_type3A_502, %cond3A_503 : i32
      scf.if %cond3A_504 {
        %dma_wait3A_519 = arith.constant 3 : i32
        %dma_wait3A_520 = arith.constant 0 : i32
        %dma_wait3A_521 = tpu.memref_slice %arg12[%dma_wait3A_519, %dma_wait3A_520] : memref<16x16xi32, #tpu.memory_space<vmem>> -> memref<1x16xi32, #tpu.memory_space<vmem>>
        %dma_wait3A_522 = tpu.memref_squeeze %dma_wait3A_521 : memref<1x16xi32, #tpu.memory_space<vmem>> -> memref<16xi32, #tpu.memory_space<vmem>>
        %dma_wait3A_523 = arith.constant 0 : i32
        %dma_wait3A_524 = arith.constant 0 : i32
        %dma_wait3A_525 = tpu.memref_slice %arg6[%dma_wait3A_523, %dma_wait3A_524] : memref<16384x1024xf32, #tpu.memory_space<hbm>> -> memref<16384x1024xf32, #tpu.memory_space<hbm>>
        tpu.wait_indirect_dma semaphore(%arg23 : memref<!tpu.dma_semaphore, #tpu.memory_space<semaphore_mem>>) src(%arg16 : memref<16x1024xf32, #tpu.memory_space<vmem>>) dst(%dma_wait3A_525 : memref<16384x1024xf32, #tpu.memory_space<hbm>>)
        %dma_wait3A_526 = arith.constant 3 : i32
        %dma_wait3A_527 = arith.constant 0 : i32
        %dma_wait3A_528 = tpu.memref_slice %arg13[%dma_wait3A_526, %dma_wait3A_527] : memref<16x16xi32, #tpu.memory_space<vmem>> -> memref<1x16xi32, #tpu.memory_space<vmem>>
        %dma_wait3A_529 = tpu.memref_squeeze %dma_wait3A_528 : memref<1x16xi32, #tpu.memory_space<vmem>> -> memref<16xi32, #tpu.memory_space<vmem>>
        %dma_wait3A_530 = arith.constant 0 : i32
        %dma_wait3A_531 = arith.constant 0 : i32
        %dma_wait3A_532 = tpu.memref_slice %arg6[%dma_wait3A_530, %dma_wait3A_531] : memref<16384x1024xf32, #tpu.memory_space<hbm>> -> memref<16384x1024xf32, #tpu.memory_space<hbm>>
        tpu.wait_indirect_dma semaphore(%arg23 : memref<!tpu.dma_semaphore, #tpu.memory_space<semaphore_mem>>) src(%arg17 : memref<16x1024xf32, #tpu.memory_space<vmem>>) dst(%dma_wait3A_532 : memref<16384x1024xf32, #tpu.memory_space<hbm>>)
        %dma_start3A_533 = arith.constant 5 : i32
        %dma_start3A_534 = arith.constant 0 : i32
        %dma_start3A_535 = tpu.memref_slice %arg12[%dma_start3A_533, %dma_start3A_534] : memref<16x16xi32, #tpu.memory_space<vmem>> -> memref<1x16xi32, #tpu.memory_space<vmem>>
        %dma_start3A_536 = tpu.memref_squeeze %dma_start3A_535 : memref<1x16xi32, #tpu.memory_space<vmem>> -> memref<16xi32, #tpu.memory_space<vmem>>
        %dma_start3A_537 = arith.constant 0 : i32
        %dma_start3A_538 = arith.constant 0 : i32
        %dma_start3A_539 = tpu.memref_slice %arg2[%dma_start3A_537, %dma_start3A_538] : memref<8192x1024xf32, #tpu.memory_space<hbm>> -> memref<8192x1024xf32, #tpu.memory_space<hbm>>
        tpu.enqueue_indirect_dma source(%dma_start3A_539 : memref<8192x1024xf32, #tpu.memory_space<hbm>>) target(%arg16 : memref<16x1024xf32, #tpu.memory_space<vmem>>) offsets(%dma_start3A_536 : memref<16xi32, #tpu.memory_space<vmem>>) semaphore(%arg21 : memref<!tpu.dma_semaphore, #tpu.memory_space<semaphore_mem>>)
        %dma_start3A_540 = arith.constant 5 : i32
        %dma_start3A_541 = arith.constant 0 : i32
        %dma_start3A_542 = tpu.memref_slice %arg12[%dma_start3A_540, %dma_start3A_541] : memref<16x16xi32, #tpu.memory_space<vmem>> -> memref<1x16xi32, #tpu.memory_space<vmem>>
        %dma_start3A_543 = tpu.memref_squeeze %dma_start3A_542 : memref<1x16xi32, #tpu.memory_space<vmem>> -> memref<16xi32, #tpu.memory_space<vmem>>
        %dma_start3A_544 = arith.constant 0 : i32
        %dma_start3A_545 = arith.constant 0 : i32
        %dma_start3A_546 = tpu.memref_slice %arg3[%dma_start3A_544, %dma_start3A_545] : memref<8192x1024xf32, #tpu.memory_space<hbm>> -> memref<8192x1024xf32, #tpu.memory_space<hbm>>
        tpu.enqueue_indirect_dma source(%dma_start3A_546 : memref<8192x1024xf32, #tpu.memory_space<hbm>>) target(%arg17 : memref<16x1024xf32, #tpu.memory_space<vmem>>) offsets(%dma_start3A_543 : memref<16xi32, #tpu.memory_space<vmem>>) semaphore(%arg21 : memref<!tpu.dma_semaphore, #tpu.memory_space<semaphore_mem>>)
      } else {
      }
      %dma_start3A_505 = arith.constant 4 : i32
      %dma_start3A_506 = arith.constant 0 : i32
      %dma_start3A_507 = tpu.memref_slice %arg12[%dma_start3A_505, %dma_start3A_506] : memref<16x16xi32, #tpu.memory_space<vmem>> -> memref<1x16xi32, #tpu.memory_space<vmem>>
      %dma_start3A_508 = tpu.memref_squeeze %dma_start3A_507 : memref<1x16xi32, #tpu.memory_space<vmem>> -> memref<16xi32, #tpu.memory_space<vmem>>
      %dma_start3A_509 = arith.constant 0 : i32
      %dma_start3A_510 = arith.constant 0 : i32
      %dma_start3A_511 = tpu.memref_slice %arg6[%dma_start3A_509, %dma_start3A_510] : memref<16384x1024xf32, #tpu.memory_space<hbm>> -> memref<16384x1024xf32, #tpu.memory_space<hbm>>
      tpu.enqueue_indirect_dma source(%arg14 : memref<16x1024xf32, #tpu.memory_space<vmem>>) target(%dma_start3A_511 : memref<16384x1024xf32, #tpu.memory_space<hbm>>) offsets(%dma_start3A_508 : memref<16xi32, #tpu.memory_space<vmem>>) semaphore(%arg22 : memref<!tpu.dma_semaphore, #tpu.memory_space<semaphore_mem>>)
      %dma_start3A_512 = arith.constant 4 : i32
      %dma_start3A_513 = arith.constant 0 : i32
      %dma_start3A_514 = tpu.memref_slice %arg13[%dma_start3A_512, %dma_start3A_513] : memref<16x16xi32, #tpu.memory_space<vmem>> -> memref<1x16xi32, #tpu.memory_space<vmem>>
      %dma_start3A_515 = tpu.memref_squeeze %dma_start3A_514 : memref<1x16xi32, #tpu.memory_space<vmem>> -> memref<16xi32, #tpu.memory_space<vmem>>
      %dma_start3A_516 = arith.constant 0 : i32
      %dma_start3A_517 = arith.constant 0 : i32
      %dma_start3A_518 = tpu.memref_slice %arg6[%dma_start3A_516, %dma_start3A_517] : memref<16384x1024xf32, #tpu.memory_space<hbm>> -> memref<16384x1024xf32, #tpu.memory_space<hbm>>
      tpu.enqueue_indirect_dma source(%arg15 : memref<16x1024xf32, #tpu.memory_space<vmem>>) target(%dma_start3A_518 : memref<16384x1024xf32, #tpu.memory_space<hbm>>) offsets(%dma_start3A_515 : memref<16xi32, #tpu.memory_space<vmem>>) semaphore(%arg22 : memref<!tpu.dma_semaphore, #tpu.memory_space<semaphore_mem>>)
    } else {
    }
    %gt3A_304 = arith.constant 5 : i32
    %gt3A_305 = arith.cmpi sgt, %shift_right_arithmetic3A_199, %gt3A_304 : i32
    %convert_element_type3A_306 = arith.extui %gt3A_305 : i1 to i32
    %cond3A_307 = arith.constant 0 : i32
    %cond3A_308 = arith.cmpi ne, %convert_element_type3A_306, %cond3A_307 : i32
    scf.if %cond3A_308 {
      %dma_wait3A_486 = arith.constant 5 : i32
      %dma_wait3A_487 = arith.constant 0 : i32
      %dma_wait3A_488 = tpu.memref_slice %arg12[%dma_wait3A_486, %dma_wait3A_487] : memref<16x16xi32, #tpu.memory_space<vmem>> -> memref<1x16xi32, #tpu.memory_space<vmem>>
      %dma_wait3A_489 = tpu.memref_squeeze %dma_wait3A_488 : memref<1x16xi32, #tpu.memory_space<vmem>> -> memref<16xi32, #tpu.memory_space<vmem>>
      %dma_wait3A_490 = arith.constant 0 : i32
      %dma_wait3A_491 = arith.constant 0 : i32
      %dma_wait3A_492 = tpu.memref_slice %arg2[%dma_wait3A_490, %dma_wait3A_491] : memref<8192x1024xf32, #tpu.memory_space<hbm>> -> memref<8192x1024xf32, #tpu.memory_space<hbm>>
      tpu.wait_indirect_dma semaphore(%arg21 : memref<!tpu.dma_semaphore, #tpu.memory_space<semaphore_mem>>) src(%dma_wait3A_492 : memref<8192x1024xf32, #tpu.memory_space<hbm>>) dst(%arg16 : memref<16x1024xf32, #tpu.memory_space<vmem>>)
      %dma_wait3A_493 = arith.constant 5 : i32
      %dma_wait3A_494 = arith.constant 0 : i32
      %dma_wait3A_495 = tpu.memref_slice %arg12[%dma_wait3A_493, %dma_wait3A_494] : memref<16x16xi32, #tpu.memory_space<vmem>> -> memref<1x16xi32, #tpu.memory_space<vmem>>
      %dma_wait3A_496 = tpu.memref_squeeze %dma_wait3A_495 : memref<1x16xi32, #tpu.memory_space<vmem>> -> memref<16xi32, #tpu.memory_space<vmem>>
      %dma_wait3A_497 = arith.constant 0 : i32
      %dma_wait3A_498 = arith.constant 0 : i32
      %dma_wait3A_499 = tpu.memref_slice %arg3[%dma_wait3A_497, %dma_wait3A_498] : memref<8192x1024xf32, #tpu.memory_space<hbm>> -> memref<8192x1024xf32, #tpu.memory_space<hbm>>
      tpu.wait_indirect_dma semaphore(%arg21 : memref<!tpu.dma_semaphore, #tpu.memory_space<semaphore_mem>>) src(%dma_wait3A_499 : memref<8192x1024xf32, #tpu.memory_space<hbm>>) dst(%arg17 : memref<16x1024xf32, #tpu.memory_space<vmem>>)
      %gt3A_500 = arith.constant 6 : i32
      %gt3A_501 = arith.cmpi sgt, %shift_right_arithmetic3A_199, %gt3A_500 : i32
      %convert_element_type3A_502 = arith.extui %gt3A_501 : i1 to i32
      %cond3A_503 = arith.constant 0 : i32
      %cond3A_504 = arith.cmpi ne, %convert_element_type3A_502, %cond3A_503 : i32
      scf.if %cond3A_504 {
        %dma_wait3A_519 = arith.constant 4 : i32
        %dma_wait3A_520 = arith.constant 0 : i32
        %dma_wait3A_521 = tpu.memref_slice %arg12[%dma_wait3A_519, %dma_wait3A_520] : memref<16x16xi32, #tpu.memory_space<vmem>> -> memref<1x16xi32, #tpu.memory_space<vmem>>
        %dma_wait3A_522 = tpu.memref_squeeze %dma_wait3A_521 : memref<1x16xi32, #tpu.memory_space<vmem>> -> memref<16xi32, #tpu.memory_space<vmem>>
        %dma_wait3A_523 = arith.constant 0 : i32
        %dma_wait3A_524 = arith.constant 0 : i32
        %dma_wait3A_525 = tpu.memref_slice %arg6[%dma_wait3A_523, %dma_wait3A_524] : memref<16384x1024xf32, #tpu.memory_space<hbm>> -> memref<16384x1024xf32, #tpu.memory_space<hbm>>
        tpu.wait_indirect_dma semaphore(%arg22 : memref<!tpu.dma_semaphore, #tpu.memory_space<semaphore_mem>>) src(%arg14 : memref<16x1024xf32, #tpu.memory_space<vmem>>) dst(%dma_wait3A_525 : memref<16384x1024xf32, #tpu.memory_space<hbm>>)
        %dma_wait3A_526 = arith.constant 4 : i32
        %dma_wait3A_527 = arith.constant 0 : i32
        %dma_wait3A_528 = tpu.memref_slice %arg13[%dma_wait3A_526, %dma_wait3A_527] : memref<16x16xi32, #tpu.memory_space<vmem>> -> memref<1x16xi32, #tpu.memory_space<vmem>>
        %dma_wait3A_529 = tpu.memref_squeeze %dma_wait3A_528 : memref<1x16xi32, #tpu.memory_space<vmem>> -> memref<16xi32, #tpu.memory_space<vmem>>
        %dma_wait3A_530 = arith.constant 0 : i32
        %dma_wait3A_531 = arith.constant 0 : i32
        %dma_wait3A_532 = tpu.memref_slice %arg6[%dma_wait3A_530, %dma_wait3A_531] : memref<16384x1024xf32, #tpu.memory_space<hbm>> -> memref<16384x1024xf32, #tpu.memory_space<hbm>>
        tpu.wait_indirect_dma semaphore(%arg22 : memref<!tpu.dma_semaphore, #tpu.memory_space<semaphore_mem>>) src(%arg15 : memref<16x1024xf32, #tpu.memory_space<vmem>>) dst(%dma_wait3A_532 : memref<16384x1024xf32, #tpu.memory_space<hbm>>)
        %dma_start3A_533 = arith.constant 6 : i32
        %dma_start3A_534 = arith.constant 0 : i32
        %dma_start3A_535 = tpu.memref_slice %arg12[%dma_start3A_533, %dma_start3A_534] : memref<16x16xi32, #tpu.memory_space<vmem>> -> memref<1x16xi32, #tpu.memory_space<vmem>>
        %dma_start3A_536 = tpu.memref_squeeze %dma_start3A_535 : memref<1x16xi32, #tpu.memory_space<vmem>> -> memref<16xi32, #tpu.memory_space<vmem>>
        %dma_start3A_537 = arith.constant 0 : i32
        %dma_start3A_538 = arith.constant 0 : i32
        %dma_start3A_539 = tpu.memref_slice %arg2[%dma_start3A_537, %dma_start3A_538] : memref<8192x1024xf32, #tpu.memory_space<hbm>> -> memref<8192x1024xf32, #tpu.memory_space<hbm>>
        tpu.enqueue_indirect_dma source(%dma_start3A_539 : memref<8192x1024xf32, #tpu.memory_space<hbm>>) target(%arg14 : memref<16x1024xf32, #tpu.memory_space<vmem>>) offsets(%dma_start3A_536 : memref<16xi32, #tpu.memory_space<vmem>>) semaphore(%arg20 : memref<!tpu.dma_semaphore, #tpu.memory_space<semaphore_mem>>)
        %dma_start3A_540 = arith.constant 6 : i32
        %dma_start3A_541 = arith.constant 0 : i32
        %dma_start3A_542 = tpu.memref_slice %arg12[%dma_start3A_540, %dma_start3A_541] : memref<16x16xi32, #tpu.memory_space<vmem>> -> memref<1x16xi32, #tpu.memory_space<vmem>>
        %dma_start3A_543 = tpu.memref_squeeze %dma_start3A_542 : memref<1x16xi32, #tpu.memory_space<vmem>> -> memref<16xi32, #tpu.memory_space<vmem>>
        %dma_start3A_544 = arith.constant 0 : i32
        %dma_start3A_545 = arith.constant 0 : i32
        %dma_start3A_546 = tpu.memref_slice %arg3[%dma_start3A_544, %dma_start3A_545] : memref<8192x1024xf32, #tpu.memory_space<hbm>> -> memref<8192x1024xf32, #tpu.memory_space<hbm>>
        tpu.enqueue_indirect_dma source(%dma_start3A_546 : memref<8192x1024xf32, #tpu.memory_space<hbm>>) target(%arg15 : memref<16x1024xf32, #tpu.memory_space<vmem>>) offsets(%dma_start3A_543 : memref<16xi32, #tpu.memory_space<vmem>>) semaphore(%arg20 : memref<!tpu.dma_semaphore, #tpu.memory_space<semaphore_mem>>)
      } else {
      }
      %dma_start3A_505 = arith.constant 5 : i32
      %dma_start3A_506 = arith.constant 0 : i32
      %dma_start3A_507 = tpu.memref_slice %arg12[%dma_start3A_505, %dma_start3A_506] : memref<16x16xi32, #tpu.memory_space<vmem>> -> memref<1x16xi32, #tpu.memory_space<vmem>>
      %dma_start3A_508 = tpu.memref_squeeze %dma_start3A_507 : memref<1x16xi32, #tpu.memory_space<vmem>> -> memref<16xi32, #tpu.memory_space<vmem>>
      %dma_start3A_509 = arith.constant 0 : i32
      %dma_start3A_510 = arith.constant 0 : i32
      %dma_start3A_511 = tpu.memref_slice %arg6[%dma_start3A_509, %dma_start3A_510] : memref<16384x1024xf32, #tpu.memory_space<hbm>> -> memref<16384x1024xf32, #tpu.memory_space<hbm>>
      tpu.enqueue_indirect_dma source(%arg16 : memref<16x1024xf32, #tpu.memory_space<vmem>>) target(%dma_start3A_511 : memref<16384x1024xf32, #tpu.memory_space<hbm>>) offsets(%dma_start3A_508 : memref<16xi32, #tpu.memory_space<vmem>>) semaphore(%arg23 : memref<!tpu.dma_semaphore, #tpu.memory_space<semaphore_mem>>)
      %dma_start3A_512 = arith.constant 5 : i32
      %dma_start3A_513 = arith.constant 0 : i32
      %dma_start3A_514 = tpu.memref_slice %arg13[%dma_start3A_512, %dma_start3A_513] : memref<16x16xi32, #tpu.memory_space<vmem>> -> memref<1x16xi32, #tpu.memory_space<vmem>>
      %dma_start3A_515 = tpu.memref_squeeze %dma_start3A_514 : memref<1x16xi32, #tpu.memory_space<vmem>> -> memref<16xi32, #tpu.memory_space<vmem>>
      %dma_start3A_516 = arith.constant 0 : i32
      %dma_start3A_517 = arith.constant 0 : i32
      %dma_start3A_518 = tpu.memref_slice %arg6[%dma_start3A_516, %dma_start3A_517] : memref<16384x1024xf32, #tpu.memory_space<hbm>> -> memref<16384x1024xf32, #tpu.memory_space<hbm>>
      tpu.enqueue_indirect_dma source(%arg17 : memref<16x1024xf32, #tpu.memory_space<vmem>>) target(%dma_start3A_518 : memref<16384x1024xf32, #tpu.memory_space<hbm>>) offsets(%dma_start3A_515 : memref<16xi32, #tpu.memory_space<vmem>>) semaphore(%arg23 : memref<!tpu.dma_semaphore, #tpu.memory_space<semaphore_mem>>)
    } else {
    }
    %gt3A_309 = arith.constant 6 : i32
    %gt3A_310 = arith.cmpi sgt, %shift_right_arithmetic3A_199, %gt3A_309 : i32
    %convert_element_type3A_311 = arith.extui %gt3A_310 : i1 to i32
    %cond3A_312 = arith.constant 0 : i32
    %cond3A_313 = arith.cmpi ne, %convert_element_type3A_311, %cond3A_312 : i32
    scf.if %cond3A_313 {
      %dma_wait3A_486 = arith.constant 6 : i32
      %dma_wait3A_487 = arith.constant 0 : i32
      %dma_wait3A_488 = tpu.memref_slice %arg12[%dma_wait3A_486, %dma_wait3A_487] : memref<16x16xi32, #tpu.memory_space<vmem>> -> memref<1x16xi32, #tpu.memory_space<vmem>>
      %dma_wait3A_489 = tpu.memref_squeeze %dma_wait3A_488 : memref<1x16xi32, #tpu.memory_space<vmem>> -> memref<16xi32, #tpu.memory_space<vmem>>
      %dma_wait3A_490 = arith.constant 0 : i32
      %dma_wait3A_491 = arith.constant 0 : i32
      %dma_wait3A_492 = tpu.memref_slice %arg2[%dma_wait3A_490, %dma_wait3A_491] : memref<8192x1024xf32, #tpu.memory_space<hbm>> -> memref<8192x1024xf32, #tpu.memory_space<hbm>>
      tpu.wait_indirect_dma semaphore(%arg20 : memref<!tpu.dma_semaphore, #tpu.memory_space<semaphore_mem>>) src(%dma_wait3A_492 : memref<8192x1024xf32, #tpu.memory_space<hbm>>) dst(%arg14 : memref<16x1024xf32, #tpu.memory_space<vmem>>)
      %dma_wait3A_493 = arith.constant 6 : i32
      %dma_wait3A_494 = arith.constant 0 : i32
      %dma_wait3A_495 = tpu.memref_slice %arg12[%dma_wait3A_493, %dma_wait3A_494] : memref<16x16xi32, #tpu.memory_space<vmem>> -> memref<1x16xi32, #tpu.memory_space<vmem>>
      %dma_wait3A_496 = tpu.memref_squeeze %dma_wait3A_495 : memref<1x16xi32, #tpu.memory_space<vmem>> -> memref<16xi32, #tpu.memory_space<vmem>>
      %dma_wait3A_497 = arith.constant 0 : i32
      %dma_wait3A_498 = arith.constant 0 : i32
      %dma_wait3A_499 = tpu.memref_slice %arg3[%dma_wait3A_497, %dma_wait3A_498] : memref<8192x1024xf32, #tpu.memory_space<hbm>> -> memref<8192x1024xf32, #tpu.memory_space<hbm>>
      tpu.wait_indirect_dma semaphore(%arg20 : memref<!tpu.dma_semaphore, #tpu.memory_space<semaphore_mem>>) src(%dma_wait3A_499 : memref<8192x1024xf32, #tpu.memory_space<hbm>>) dst(%arg15 : memref<16x1024xf32, #tpu.memory_space<vmem>>)
      %gt3A_500 = arith.constant 7 : i32
      %gt3A_501 = arith.cmpi sgt, %shift_right_arithmetic3A_199, %gt3A_500 : i32
      %convert_element_type3A_502 = arith.extui %gt3A_501 : i1 to i32
      %cond3A_503 = arith.constant 0 : i32
      %cond3A_504 = arith.cmpi ne, %convert_element_type3A_502, %cond3A_503 : i32
      scf.if %cond3A_504 {
        %dma_wait3A_519 = arith.constant 5 : i32
        %dma_wait3A_520 = arith.constant 0 : i32
        %dma_wait3A_521 = tpu.memref_slice %arg12[%dma_wait3A_519, %dma_wait3A_520] : memref<16x16xi32, #tpu.memory_space<vmem>> -> memref<1x16xi32, #tpu.memory_space<vmem>>
        %dma_wait3A_522 = tpu.memref_squeeze %dma_wait3A_521 : memref<1x16xi32, #tpu.memory_space<vmem>> -> memref<16xi32, #tpu.memory_space<vmem>>
        %dma_wait3A_523 = arith.constant 0 : i32
        %dma_wait3A_524 = arith.constant 0 : i32
        %dma_wait3A_525 = tpu.memref_slice %arg6[%dma_wait3A_523, %dma_wait3A_524] : memref<16384x1024xf32, #tpu.memory_space<hbm>> -> memref<16384x1024xf32, #tpu.memory_space<hbm>>
        tpu.wait_indirect_dma semaphore(%arg23 : memref<!tpu.dma_semaphore, #tpu.memory_space<semaphore_mem>>) src(%arg16 : memref<16x1024xf32, #tpu.memory_space<vmem>>) dst(%dma_wait3A_525 : memref<16384x1024xf32, #tpu.memory_space<hbm>>)
        %dma_wait3A_526 = arith.constant 5 : i32
        %dma_wait3A_527 = arith.constant 0 : i32
        %dma_wait3A_528 = tpu.memref_slice %arg13[%dma_wait3A_526, %dma_wait3A_527] : memref<16x16xi32, #tpu.memory_space<vmem>> -> memref<1x16xi32, #tpu.memory_space<vmem>>
        %dma_wait3A_529 = tpu.memref_squeeze %dma_wait3A_528 : memref<1x16xi32, #tpu.memory_space<vmem>> -> memref<16xi32, #tpu.memory_space<vmem>>
        %dma_wait3A_530 = arith.constant 0 : i32
        %dma_wait3A_531 = arith.constant 0 : i32
        %dma_wait3A_532 = tpu.memref_slice %arg6[%dma_wait3A_530, %dma_wait3A_531] : memref<16384x1024xf32, #tpu.memory_space<hbm>> -> memref<16384x1024xf32, #tpu.memory_space<hbm>>
        tpu.wait_indirect_dma semaphore(%arg23 : memref<!tpu.dma_semaphore, #tpu.memory_space<semaphore_mem>>) src(%arg17 : memref<16x1024xf32, #tpu.memory_space<vmem>>) dst(%dma_wait3A_532 : memref<16384x1024xf32, #tpu.memory_space<hbm>>)
        %dma_start3A_533 = arith.constant 7 : i32
        %dma_start3A_534 = arith.constant 0 : i32
        %dma_start3A_535 = tpu.memref_slice %arg12[%dma_start3A_533, %dma_start3A_534] : memref<16x16xi32, #tpu.memory_space<vmem>> -> memref<1x16xi32, #tpu.memory_space<vmem>>
        %dma_start3A_536 = tpu.memref_squeeze %dma_start3A_535 : memref<1x16xi32, #tpu.memory_space<vmem>> -> memref<16xi32, #tpu.memory_space<vmem>>
        %dma_start3A_537 = arith.constant 0 : i32
        %dma_start3A_538 = arith.constant 0 : i32
        %dma_start3A_539 = tpu.memref_slice %arg2[%dma_start3A_537, %dma_start3A_538] : memref<8192x1024xf32, #tpu.memory_space<hbm>> -> memref<8192x1024xf32, #tpu.memory_space<hbm>>
        tpu.enqueue_indirect_dma source(%dma_start3A_539 : memref<8192x1024xf32, #tpu.memory_space<hbm>>) target(%arg16 : memref<16x1024xf32, #tpu.memory_space<vmem>>) offsets(%dma_start3A_536 : memref<16xi32, #tpu.memory_space<vmem>>) semaphore(%arg21 : memref<!tpu.dma_semaphore, #tpu.memory_space<semaphore_mem>>)
        %dma_start3A_540 = arith.constant 7 : i32
        %dma_start3A_541 = arith.constant 0 : i32
        %dma_start3A_542 = tpu.memref_slice %arg12[%dma_start3A_540, %dma_start3A_541] : memref<16x16xi32, #tpu.memory_space<vmem>> -> memref<1x16xi32, #tpu.memory_space<vmem>>
        %dma_start3A_543 = tpu.memref_squeeze %dma_start3A_542 : memref<1x16xi32, #tpu.memory_space<vmem>> -> memref<16xi32, #tpu.memory_space<vmem>>
        %dma_start3A_544 = arith.constant 0 : i32
        %dma_start3A_545 = arith.constant 0 : i32
        %dma_start3A_546 = tpu.memref_slice %arg3[%dma_start3A_544, %dma_start3A_545] : memref<8192x1024xf32, #tpu.memory_space<hbm>> -> memref<8192x1024xf32, #tpu.memory_space<hbm>>
        tpu.enqueue_indirect_dma source(%dma_start3A_546 : memref<8192x1024xf32, #tpu.memory_space<hbm>>) target(%arg17 : memref<16x1024xf32, #tpu.memory_space<vmem>>) offsets(%dma_start3A_543 : memref<16xi32, #tpu.memory_space<vmem>>) semaphore(%arg21 : memref<!tpu.dma_semaphore, #tpu.memory_space<semaphore_mem>>)
      } else {
      }
      %dma_start3A_505 = arith.constant 6 : i32
      %dma_start3A_506 = arith.constant 0 : i32
      %dma_start3A_507 = tpu.memref_slice %arg12[%dma_start3A_505, %dma_start3A_506] : memref<16x16xi32, #tpu.memory_space<vmem>> -> memref<1x16xi32, #tpu.memory_space<vmem>>
      %dma_start3A_508 = tpu.memref_squeeze %dma_start3A_507 : memref<1x16xi32, #tpu.memory_space<vmem>> -> memref<16xi32, #tpu.memory_space<vmem>>
      %dma_start3A_509 = arith.constant 0 : i32
      %dma_start3A_510 = arith.constant 0 : i32
      %dma_start3A_511 = tpu.memref_slice %arg6[%dma_start3A_509, %dma_start3A_510] : memref<16384x1024xf32, #tpu.memory_space<hbm>> -> memref<16384x1024xf32, #tpu.memory_space<hbm>>
      tpu.enqueue_indirect_dma source(%arg14 : memref<16x1024xf32, #tpu.memory_space<vmem>>) target(%dma_start3A_511 : memref<16384x1024xf32, #tpu.memory_space<hbm>>) offsets(%dma_start3A_508 : memref<16xi32, #tpu.memory_space<vmem>>) semaphore(%arg22 : memref<!tpu.dma_semaphore, #tpu.memory_space<semaphore_mem>>)
      %dma_start3A_512 = arith.constant 6 : i32
      %dma_start3A_513 = arith.constant 0 : i32
      %dma_start3A_514 = tpu.memref_slice %arg13[%dma_start3A_512, %dma_start3A_513] : memref<16x16xi32, #tpu.memory_space<vmem>> -> memref<1x16xi32, #tpu.memory_space<vmem>>
      %dma_start3A_515 = tpu.memref_squeeze %dma_start3A_514 : memref<1x16xi32, #tpu.memory_space<vmem>> -> memref<16xi32, #tpu.memory_space<vmem>>
      %dma_start3A_516 = arith.constant 0 : i32
      %dma_start3A_517 = arith.constant 0 : i32
      %dma_start3A_518 = tpu.memref_slice %arg6[%dma_start3A_516, %dma_start3A_517] : memref<16384x1024xf32, #tpu.memory_space<hbm>> -> memref<16384x1024xf32, #tpu.memory_space<hbm>>
      tpu.enqueue_indirect_dma source(%arg15 : memref<16x1024xf32, #tpu.memory_space<vmem>>) target(%dma_start3A_518 : memref<16384x1024xf32, #tpu.memory_space<hbm>>) offsets(%dma_start3A_515 : memref<16xi32, #tpu.memory_space<vmem>>) semaphore(%arg22 : memref<!tpu.dma_semaphore, #tpu.memory_space<semaphore_mem>>)
    } else {
    }
    %gt3A_314 = arith.constant 7 : i32
    %gt3A_315 = arith.cmpi sgt, %shift_right_arithmetic3A_199, %gt3A_314 : i32
    %convert_element_type3A_316 = arith.extui %gt3A_315 : i1 to i32
    %cond3A_317 = arith.constant 0 : i32
    %cond3A_318 = arith.cmpi ne, %convert_element_type3A_316, %cond3A_317 : i32
    scf.if %cond3A_318 {
      %dma_wait3A_486 = arith.constant 7 : i32
      %dma_wait3A_487 = arith.constant 0 : i32
      %dma_wait3A_488 = tpu.memref_slice %arg12[%dma_wait3A_486, %dma_wait3A_487] : memref<16x16xi32, #tpu.memory_space<vmem>> -> memref<1x16xi32, #tpu.memory_space<vmem>>
      %dma_wait3A_489 = tpu.memref_squeeze %dma_wait3A_488 : memref<1x16xi32, #tpu.memory_space<vmem>> -> memref<16xi32, #tpu.memory_space<vmem>>
      %dma_wait3A_490 = arith.constant 0 : i32
      %dma_wait3A_491 = arith.constant 0 : i32
      %dma_wait3A_492 = tpu.memref_slice %arg2[%dma_wait3A_490, %dma_wait3A_491] : memref<8192x1024xf32, #tpu.memory_space<hbm>> -> memref<8192x1024xf32, #tpu.memory_space<hbm>>
      tpu.wait_indirect_dma semaphore(%arg21 : memref<!tpu.dma_semaphore, #tpu.memory_space<semaphore_mem>>) src(%dma_wait3A_492 : memref<8192x1024xf32, #tpu.memory_space<hbm>>) dst(%arg16 : memref<16x1024xf32, #tpu.memory_space<vmem>>)
      %dma_wait3A_493 = arith.constant 7 : i32
      %dma_wait3A_494 = arith.constant 0 : i32
      %dma_wait3A_495 = tpu.memref_slice %arg12[%dma_wait3A_493, %dma_wait3A_494] : memref<16x16xi32, #tpu.memory_space<vmem>> -> memref<1x16xi32, #tpu.memory_space<vmem>>
      %dma_wait3A_496 = tpu.memref_squeeze %dma_wait3A_495 : memref<1x16xi32, #tpu.memory_space<vmem>> -> memref<16xi32, #tpu.memory_space<vmem>>
      %dma_wait3A_497 = arith.constant 0 : i32
      %dma_wait3A_498 = arith.constant 0 : i32
      %dma_wait3A_499 = tpu.memref_slice %arg3[%dma_wait3A_497, %dma_wait3A_498] : memref<8192x1024xf32, #tpu.memory_space<hbm>> -> memref<8192x1024xf32, #tpu.memory_space<hbm>>
      tpu.wait_indirect_dma semaphore(%arg21 : memref<!tpu.dma_semaphore, #tpu.memory_space<semaphore_mem>>) src(%dma_wait3A_499 : memref<8192x1024xf32, #tpu.memory_space<hbm>>) dst(%arg17 : memref<16x1024xf32, #tpu.memory_space<vmem>>)
      %gt3A_500 = arith.constant 8 : i32
      %gt3A_501 = arith.cmpi sgt, %shift_right_arithmetic3A_199, %gt3A_500 : i32
      %convert_element_type3A_502 = arith.extui %gt3A_501 : i1 to i32
      %cond3A_503 = arith.constant 0 : i32
      %cond3A_504 = arith.cmpi ne, %convert_element_type3A_502, %cond3A_503 : i32
      scf.if %cond3A_504 {
        %dma_wait3A_519 = arith.constant 6 : i32
        %dma_wait3A_520 = arith.constant 0 : i32
        %dma_wait3A_521 = tpu.memref_slice %arg12[%dma_wait3A_519, %dma_wait3A_520] : memref<16x16xi32, #tpu.memory_space<vmem>> -> memref<1x16xi32, #tpu.memory_space<vmem>>
        %dma_wait3A_522 = tpu.memref_squeeze %dma_wait3A_521 : memref<1x16xi32, #tpu.memory_space<vmem>> -> memref<16xi32, #tpu.memory_space<vmem>>
        %dma_wait3A_523 = arith.constant 0 : i32
        %dma_wait3A_524 = arith.constant 0 : i32
        %dma_wait3A_525 = tpu.memref_slice %arg6[%dma_wait3A_523, %dma_wait3A_524] : memref<16384x1024xf32, #tpu.memory_space<hbm>> -> memref<16384x1024xf32, #tpu.memory_space<hbm>>
        tpu.wait_indirect_dma semaphore(%arg22 : memref<!tpu.dma_semaphore, #tpu.memory_space<semaphore_mem>>) src(%arg14 : memref<16x1024xf32, #tpu.memory_space<vmem>>) dst(%dma_wait3A_525 : memref<16384x1024xf32, #tpu.memory_space<hbm>>)
        %dma_wait3A_526 = arith.constant 6 : i32
        %dma_wait3A_527 = arith.constant 0 : i32
        %dma_wait3A_528 = tpu.memref_slice %arg13[%dma_wait3A_526, %dma_wait3A_527] : memref<16x16xi32, #tpu.memory_space<vmem>> -> memref<1x16xi32, #tpu.memory_space<vmem>>
        %dma_wait3A_529 = tpu.memref_squeeze %dma_wait3A_528 : memref<1x16xi32, #tpu.memory_space<vmem>> -> memref<16xi32, #tpu.memory_space<vmem>>
        %dma_wait3A_530 = arith.constant 0 : i32
        %dma_wait3A_531 = arith.constant 0 : i32
        %dma_wait3A_532 = tpu.memref_slice %arg6[%dma_wait3A_530, %dma_wait3A_531] : memref<16384x1024xf32, #tpu.memory_space<hbm>> -> memref<16384x1024xf32, #tpu.memory_space<hbm>>
        tpu.wait_indirect_dma semaphore(%arg22 : memref<!tpu.dma_semaphore, #tpu.memory_space<semaphore_mem>>) src(%arg15 : memref<16x1024xf32, #tpu.memory_space<vmem>>) dst(%dma_wait3A_532 : memref<16384x1024xf32, #tpu.memory_space<hbm>>)
        %dma_start3A_533 = arith.constant 8 : i32
        %dma_start3A_534 = arith.constant 0 : i32
        %dma_start3A_535 = tpu.memref_slice %arg12[%dma_start3A_533, %dma_start3A_534] : memref<16x16xi32, #tpu.memory_space<vmem>> -> memref<1x16xi32, #tpu.memory_space<vmem>>
        %dma_start3A_536 = tpu.memref_squeeze %dma_start3A_535 : memref<1x16xi32, #tpu.memory_space<vmem>> -> memref<16xi32, #tpu.memory_space<vmem>>
        %dma_start3A_537 = arith.constant 0 : i32
        %dma_start3A_538 = arith.constant 0 : i32
        %dma_start3A_539 = tpu.memref_slice %arg2[%dma_start3A_537, %dma_start3A_538] : memref<8192x1024xf32, #tpu.memory_space<hbm>> -> memref<8192x1024xf32, #tpu.memory_space<hbm>>
        tpu.enqueue_indirect_dma source(%dma_start3A_539 : memref<8192x1024xf32, #tpu.memory_space<hbm>>) target(%arg14 : memref<16x1024xf32, #tpu.memory_space<vmem>>) offsets(%dma_start3A_536 : memref<16xi32, #tpu.memory_space<vmem>>) semaphore(%arg20 : memref<!tpu.dma_semaphore, #tpu.memory_space<semaphore_mem>>)
        %dma_start3A_540 = arith.constant 8 : i32
        %dma_start3A_541 = arith.constant 0 : i32
        %dma_start3A_542 = tpu.memref_slice %arg12[%dma_start3A_540, %dma_start3A_541] : memref<16x16xi32, #tpu.memory_space<vmem>> -> memref<1x16xi32, #tpu.memory_space<vmem>>
        %dma_start3A_543 = tpu.memref_squeeze %dma_start3A_542 : memref<1x16xi32, #tpu.memory_space<vmem>> -> memref<16xi32, #tpu.memory_space<vmem>>
        %dma_start3A_544 = arith.constant 0 : i32
        %dma_start3A_545 = arith.constant 0 : i32
        %dma_start3A_546 = tpu.memref_slice %arg3[%dma_start3A_544, %dma_start3A_545] : memref<8192x1024xf32, #tpu.memory_space<hbm>> -> memref<8192x1024xf32, #tpu.memory_space<hbm>>
        tpu.enqueue_indirect_dma source(%dma_start3A_546 : memref<8192x1024xf32, #tpu.memory_space<hbm>>) target(%arg15 : memref<16x1024xf32, #tpu.memory_space<vmem>>) offsets(%dma_start3A_543 : memref<16xi32, #tpu.memory_space<vmem>>) semaphore(%arg20 : memref<!tpu.dma_semaphore, #tpu.memory_space<semaphore_mem>>)
      } else {
      }
      %dma_start3A_505 = arith.constant 7 : i32
      %dma_start3A_506 = arith.constant 0 : i32
      %dma_start3A_507 = tpu.memref_slice %arg12[%dma_start3A_505, %dma_start3A_506] : memref<16x16xi32, #tpu.memory_space<vmem>> -> memref<1x16xi32, #tpu.memory_space<vmem>>
      %dma_start3A_508 = tpu.memref_squeeze %dma_start3A_507 : memref<1x16xi32, #tpu.memory_space<vmem>> -> memref<16xi32, #tpu.memory_space<vmem>>
      %dma_start3A_509 = arith.constant 0 : i32
      %dma_start3A_510 = arith.constant 0 : i32
      %dma_start3A_511 = tpu.memref_slice %arg6[%dma_start3A_509, %dma_start3A_510] : memref<16384x1024xf32, #tpu.memory_space<hbm>> -> memref<16384x1024xf32, #tpu.memory_space<hbm>>
      tpu.enqueue_indirect_dma source(%arg16 : memref<16x1024xf32, #tpu.memory_space<vmem>>) target(%dma_start3A_511 : memref<16384x1024xf32, #tpu.memory_space<hbm>>) offsets(%dma_start3A_508 : memref<16xi32, #tpu.memory_space<vmem>>) semaphore(%arg23 : memref<!tpu.dma_semaphore, #tpu.memory_space<semaphore_mem>>)
      %dma_start3A_512 = arith.constant 7 : i32
      %dma_start3A_513 = arith.constant 0 : i32
      %dma_start3A_514 = tpu.memref_slice %arg13[%dma_start3A_512, %dma_start3A_513] : memref<16x16xi32, #tpu.memory_space<vmem>> -> memref<1x16xi32, #tpu.memory_space<vmem>>
      %dma_start3A_515 = tpu.memref_squeeze %dma_start3A_514 : memref<1x16xi32, #tpu.memory_space<vmem>> -> memref<16xi32, #tpu.memory_space<vmem>>
      %dma_start3A_516 = arith.constant 0 : i32
      %dma_start3A_517 = arith.constant 0 : i32
      %dma_start3A_518 = tpu.memref_slice %arg6[%dma_start3A_516, %dma_start3A_517] : memref<16384x1024xf32, #tpu.memory_space<hbm>> -> memref<16384x1024xf32, #tpu.memory_space<hbm>>
      tpu.enqueue_indirect_dma source(%arg17 : memref<16x1024xf32, #tpu.memory_space<vmem>>) target(%dma_start3A_518 : memref<16384x1024xf32, #tpu.memory_space<hbm>>) offsets(%dma_start3A_515 : memref<16xi32, #tpu.memory_space<vmem>>) semaphore(%arg23 : memref<!tpu.dma_semaphore, #tpu.memory_space<semaphore_mem>>)
    } else {
    }
    %gt3A_319 = arith.constant 8 : i32
    %gt3A_320 = arith.cmpi sgt, %shift_right_arithmetic3A_199, %gt3A_319 : i32
    %convert_element_type3A_321 = arith.extui %gt3A_320 : i1 to i32
    %cond3A_322 = arith.constant 0 : i32
    %cond3A_323 = arith.cmpi ne, %convert_element_type3A_321, %cond3A_322 : i32
    scf.if %cond3A_323 {
      %dma_wait3A_486 = arith.constant 8 : i32
      %dma_wait3A_487 = arith.constant 0 : i32
      %dma_wait3A_488 = tpu.memref_slice %arg12[%dma_wait3A_486, %dma_wait3A_487] : memref<16x16xi32, #tpu.memory_space<vmem>> -> memref<1x16xi32, #tpu.memory_space<vmem>>
      %dma_wait3A_489 = tpu.memref_squeeze %dma_wait3A_488 : memref<1x16xi32, #tpu.memory_space<vmem>> -> memref<16xi32, #tpu.memory_space<vmem>>
      %dma_wait3A_490 = arith.constant 0 : i32
      %dma_wait3A_491 = arith.constant 0 : i32
      %dma_wait3A_492 = tpu.memref_slice %arg2[%dma_wait3A_490, %dma_wait3A_491] : memref<8192x1024xf32, #tpu.memory_space<hbm>> -> memref<8192x1024xf32, #tpu.memory_space<hbm>>
      tpu.wait_indirect_dma semaphore(%arg20 : memref<!tpu.dma_semaphore, #tpu.memory_space<semaphore_mem>>) src(%dma_wait3A_492 : memref<8192x1024xf32, #tpu.memory_space<hbm>>) dst(%arg14 : memref<16x1024xf32, #tpu.memory_space<vmem>>)
      %dma_wait3A_493 = arith.constant 8 : i32
      %dma_wait3A_494 = arith.constant 0 : i32
      %dma_wait3A_495 = tpu.memref_slice %arg12[%dma_wait3A_493, %dma_wait3A_494] : memref<16x16xi32, #tpu.memory_space<vmem>> -> memref<1x16xi32, #tpu.memory_space<vmem>>
      %dma_wait3A_496 = tpu.memref_squeeze %dma_wait3A_495 : memref<1x16xi32, #tpu.memory_space<vmem>> -> memref<16xi32, #tpu.memory_space<vmem>>
      %dma_wait3A_497 = arith.constant 0 : i32
      %dma_wait3A_498 = arith.constant 0 : i32
      %dma_wait3A_499 = tpu.memref_slice %arg3[%dma_wait3A_497, %dma_wait3A_498] : memref<8192x1024xf32, #tpu.memory_space<hbm>> -> memref<8192x1024xf32, #tpu.memory_space<hbm>>
      tpu.wait_indirect_dma semaphore(%arg20 : memref<!tpu.dma_semaphore, #tpu.memory_space<semaphore_mem>>) src(%dma_wait3A_499 : memref<8192x1024xf32, #tpu.memory_space<hbm>>) dst(%arg15 : memref<16x1024xf32, #tpu.memory_space<vmem>>)
      %gt3A_500 = arith.constant 9 : i32
      %gt3A_501 = arith.cmpi sgt, %shift_right_arithmetic3A_199, %gt3A_500 : i32
      %convert_element_type3A_502 = arith.extui %gt3A_501 : i1 to i32
      %cond3A_503 = arith.constant 0 : i32
      %cond3A_504 = arith.cmpi ne, %convert_element_type3A_502, %cond3A_503 : i32
      scf.if %cond3A_504 {
        %dma_wait3A_519 = arith.constant 7 : i32
        %dma_wait3A_520 = arith.constant 0 : i32
        %dma_wait3A_521 = tpu.memref_slice %arg12[%dma_wait3A_519, %dma_wait3A_520] : memref<16x16xi32, #tpu.memory_space<vmem>> -> memref<1x16xi32, #tpu.memory_space<vmem>>
        %dma_wait3A_522 = tpu.memref_squeeze %dma_wait3A_521 : memref<1x16xi32, #tpu.memory_space<vmem>> -> memref<16xi32, #tpu.memory_space<vmem>>
        %dma_wait3A_523 = arith.constant 0 : i32
        %dma_wait3A_524 = arith.constant 0 : i32
        %dma_wait3A_525 = tpu.memref_slice %arg6[%dma_wait3A_523, %dma_wait3A_524] : memref<16384x1024xf32, #tpu.memory_space<hbm>> -> memref<16384x1024xf32, #tpu.memory_space<hbm>>
        tpu.wait_indirect_dma semaphore(%arg23 : memref<!tpu.dma_semaphore, #tpu.memory_space<semaphore_mem>>) src(%arg16 : memref<16x1024xf32, #tpu.memory_space<vmem>>) dst(%dma_wait3A_525 : memref<16384x1024xf32, #tpu.memory_space<hbm>>)
        %dma_wait3A_526 = arith.constant 7 : i32
        %dma_wait3A_527 = arith.constant 0 : i32
        %dma_wait3A_528 = tpu.memref_slice %arg13[%dma_wait3A_526, %dma_wait3A_527] : memref<16x16xi32, #tpu.memory_space<vmem>> -> memref<1x16xi32, #tpu.memory_space<vmem>>
        %dma_wait3A_529 = tpu.memref_squeeze %dma_wait3A_528 : memref<1x16xi32, #tpu.memory_space<vmem>> -> memref<16xi32, #tpu.memory_space<vmem>>
        %dma_wait3A_530 = arith.constant 0 : i32
        %dma_wait3A_531 = arith.constant 0 : i32
        %dma_wait3A_532 = tpu.memref_slice %arg6[%dma_wait3A_530, %dma_wait3A_531] : memref<16384x1024xf32, #tpu.memory_space<hbm>> -> memref<16384x1024xf32, #tpu.memory_space<hbm>>
        tpu.wait_indirect_dma semaphore(%arg23 : memref<!tpu.dma_semaphore, #tpu.memory_space<semaphore_mem>>) src(%arg17 : memref<16x1024xf32, #tpu.memory_space<vmem>>) dst(%dma_wait3A_532 : memref<16384x1024xf32, #tpu.memory_space<hbm>>)
        %dma_start3A_533 = arith.constant 9 : i32
        %dma_start3A_534 = arith.constant 0 : i32
        %dma_start3A_535 = tpu.memref_slice %arg12[%dma_start3A_533, %dma_start3A_534] : memref<16x16xi32, #tpu.memory_space<vmem>> -> memref<1x16xi32, #tpu.memory_space<vmem>>
        %dma_start3A_536 = tpu.memref_squeeze %dma_start3A_535 : memref<1x16xi32, #tpu.memory_space<vmem>> -> memref<16xi32, #tpu.memory_space<vmem>>
        %dma_start3A_537 = arith.constant 0 : i32
        %dma_start3A_538 = arith.constant 0 : i32
        %dma_start3A_539 = tpu.memref_slice %arg2[%dma_start3A_537, %dma_start3A_538] : memref<8192x1024xf32, #tpu.memory_space<hbm>> -> memref<8192x1024xf32, #tpu.memory_space<hbm>>
        tpu.enqueue_indirect_dma source(%dma_start3A_539 : memref<8192x1024xf32, #tpu.memory_space<hbm>>) target(%arg16 : memref<16x1024xf32, #tpu.memory_space<vmem>>) offsets(%dma_start3A_536 : memref<16xi32, #tpu.memory_space<vmem>>) semaphore(%arg21 : memref<!tpu.dma_semaphore, #tpu.memory_space<semaphore_mem>>)
        %dma_start3A_540 = arith.constant 9 : i32
        %dma_start3A_541 = arith.constant 0 : i32
        %dma_start3A_542 = tpu.memref_slice %arg12[%dma_start3A_540, %dma_start3A_541] : memref<16x16xi32, #tpu.memory_space<vmem>> -> memref<1x16xi32, #tpu.memory_space<vmem>>
        %dma_start3A_543 = tpu.memref_squeeze %dma_start3A_542 : memref<1x16xi32, #tpu.memory_space<vmem>> -> memref<16xi32, #tpu.memory_space<vmem>>
        %dma_start3A_544 = arith.constant 0 : i32
        %dma_start3A_545 = arith.constant 0 : i32
        %dma_start3A_546 = tpu.memref_slice %arg3[%dma_start3A_544, %dma_start3A_545] : memref<8192x1024xf32, #tpu.memory_space<hbm>> -> memref<8192x1024xf32, #tpu.memory_space<hbm>>
        tpu.enqueue_indirect_dma source(%dma_start3A_546 : memref<8192x1024xf32, #tpu.memory_space<hbm>>) target(%arg17 : memref<16x1024xf32, #tpu.memory_space<vmem>>) offsets(%dma_start3A_543 : memref<16xi32, #tpu.memory_space<vmem>>) semaphore(%arg21 : memref<!tpu.dma_semaphore, #tpu.memory_space<semaphore_mem>>)
      } else {
      }
      %dma_start3A_505 = arith.constant 8 : i32
      %dma_start3A_506 = arith.constant 0 : i32
      %dma_start3A_507 = tpu.memref_slice %arg12[%dma_start3A_505, %dma_start3A_506] : memref<16x16xi32, #tpu.memory_space<vmem>> -> memref<1x16xi32, #tpu.memory_space<vmem>>
      %dma_start3A_508 = tpu.memref_squeeze %dma_start3A_507 : memref<1x16xi32, #tpu.memory_space<vmem>> -> memref<16xi32, #tpu.memory_space<vmem>>
      %dma_start3A_509 = arith.constant 0 : i32
      %dma_start3A_510 = arith.constant 0 : i32
      %dma_start3A_511 = tpu.memref_slice %arg6[%dma_start3A_509, %dma_start3A_510] : memref<16384x1024xf32, #tpu.memory_space<hbm>> -> memref<16384x1024xf32, #tpu.memory_space<hbm>>
      tpu.enqueue_indirect_dma source(%arg14 : memref<16x1024xf32, #tpu.memory_space<vmem>>) target(%dma_start3A_511 : memref<16384x1024xf32, #tpu.memory_space<hbm>>) offsets(%dma_start3A_508 : memref<16xi32, #tpu.memory_space<vmem>>) semaphore(%arg22 : memref<!tpu.dma_semaphore, #tpu.memory_space<semaphore_mem>>)
      %dma_start3A_512 = arith.constant 8 : i32
      %dma_start3A_513 = arith.constant 0 : i32
      %dma_start3A_514 = tpu.memref_slice %arg13[%dma_start3A_512, %dma_start3A_513] : memref<16x16xi32, #tpu.memory_space<vmem>> -> memref<1x16xi32, #tpu.memory_space<vmem>>
      %dma_start3A_515 = tpu.memref_squeeze %dma_start3A_514 : memref<1x16xi32, #tpu.memory_space<vmem>> -> memref<16xi32, #tpu.memory_space<vmem>>
      %dma_start3A_516 = arith.constant 0 : i32
      %dma_start3A_517 = arith.constant 0 : i32
      %dma_start3A_518 = tpu.memref_slice %arg6[%dma_start3A_516, %dma_start3A_517] : memref<16384x1024xf32, #tpu.memory_space<hbm>> -> memref<16384x1024xf32, #tpu.memory_space<hbm>>
      tpu.enqueue_indirect_dma source(%arg15 : memref<16x1024xf32, #tpu.memory_space<vmem>>) target(%dma_start3A_518 : memref<16384x1024xf32, #tpu.memory_space<hbm>>) offsets(%dma_start3A_515 : memref<16xi32, #tpu.memory_space<vmem>>) semaphore(%arg22 : memref<!tpu.dma_semaphore, #tpu.memory_space<semaphore_mem>>)
    } else {
    }
    %gt3A_324 = arith.constant 9 : i32
    %gt3A_325 = arith.cmpi sgt, %shift_right_arithmetic3A_199, %gt3A_324 : i32
    %convert_element_type3A_326 = arith.extui %gt3A_325 : i1 to i32
    %cond3A_327 = arith.constant 0 : i32
    %cond3A_328 = arith.cmpi ne, %convert_element_type3A_326, %cond3A_327 : i32
    scf.if %cond3A_328 {
      %dma_wait3A_486 = arith.constant 9 : i32
      %dma_wait3A_487 = arith.constant 0 : i32
      %dma_wait3A_488 = tpu.memref_slice %arg12[%dma_wait3A_486, %dma_wait3A_487] : memref<16x16xi32, #tpu.memory_space<vmem>> -> memref<1x16xi32, #tpu.memory_space<vmem>>
      %dma_wait3A_489 = tpu.memref_squeeze %dma_wait3A_488 : memref<1x16xi32, #tpu.memory_space<vmem>> -> memref<16xi32, #tpu.memory_space<vmem>>
      %dma_wait3A_490 = arith.constant 0 : i32
      %dma_wait3A_491 = arith.constant 0 : i32
      %dma_wait3A_492 = tpu.memref_slice %arg2[%dma_wait3A_490, %dma_wait3A_491] : memref<8192x1024xf32, #tpu.memory_space<hbm>> -> memref<8192x1024xf32, #tpu.memory_space<hbm>>
      tpu.wait_indirect_dma semaphore(%arg21 : memref<!tpu.dma_semaphore, #tpu.memory_space<semaphore_mem>>) src(%dma_wait3A_492 : memref<8192x1024xf32, #tpu.memory_space<hbm>>) dst(%arg16 : memref<16x1024xf32, #tpu.memory_space<vmem>>)
      %dma_wait3A_493 = arith.constant 9 : i32
      %dma_wait3A_494 = arith.constant 0 : i32
      %dma_wait3A_495 = tpu.memref_slice %arg12[%dma_wait3A_493, %dma_wait3A_494] : memref<16x16xi32, #tpu.memory_space<vmem>> -> memref<1x16xi32, #tpu.memory_space<vmem>>
      %dma_wait3A_496 = tpu.memref_squeeze %dma_wait3A_495 : memref<1x16xi32, #tpu.memory_space<vmem>> -> memref<16xi32, #tpu.memory_space<vmem>>
      %dma_wait3A_497 = arith.constant 0 : i32
      %dma_wait3A_498 = arith.constant 0 : i32
      %dma_wait3A_499 = tpu.memref_slice %arg3[%dma_wait3A_497, %dma_wait3A_498] : memref<8192x1024xf32, #tpu.memory_space<hbm>> -> memref<8192x1024xf32, #tpu.memory_space<hbm>>
      tpu.wait_indirect_dma semaphore(%arg21 : memref<!tpu.dma_semaphore, #tpu.memory_space<semaphore_mem>>) src(%dma_wait3A_499 : memref<8192x1024xf32, #tpu.memory_space<hbm>>) dst(%arg17 : memref<16x1024xf32, #tpu.memory_space<vmem>>)
      %gt3A_500 = arith.constant 10 : i32
      %gt3A_501 = arith.cmpi sgt, %shift_right_arithmetic3A_199, %gt3A_500 : i32
      %convert_element_type3A_502 = arith.extui %gt3A_501 : i1 to i32
      %cond3A_503 = arith.constant 0 : i32
      %cond3A_504 = arith.cmpi ne, %convert_element_type3A_502, %cond3A_503 : i32
      scf.if %cond3A_504 {
        %dma_wait3A_519 = arith.constant 8 : i32
        %dma_wait3A_520 = arith.constant 0 : i32
        %dma_wait3A_521 = tpu.memref_slice %arg12[%dma_wait3A_519, %dma_wait3A_520] : memref<16x16xi32, #tpu.memory_space<vmem>> -> memref<1x16xi32, #tpu.memory_space<vmem>>
        %dma_wait3A_522 = tpu.memref_squeeze %dma_wait3A_521 : memref<1x16xi32, #tpu.memory_space<vmem>> -> memref<16xi32, #tpu.memory_space<vmem>>
        %dma_wait3A_523 = arith.constant 0 : i32
        %dma_wait3A_524 = arith.constant 0 : i32
        %dma_wait3A_525 = tpu.memref_slice %arg6[%dma_wait3A_523, %dma_wait3A_524] : memref<16384x1024xf32, #tpu.memory_space<hbm>> -> memref<16384x1024xf32, #tpu.memory_space<hbm>>
        tpu.wait_indirect_dma semaphore(%arg22 : memref<!tpu.dma_semaphore, #tpu.memory_space<semaphore_mem>>) src(%arg14 : memref<16x1024xf32, #tpu.memory_space<vmem>>) dst(%dma_wait3A_525 : memref<16384x1024xf32, #tpu.memory_space<hbm>>)
        %dma_wait3A_526 = arith.constant 8 : i32
        %dma_wait3A_527 = arith.constant 0 : i32
        %dma_wait3A_528 = tpu.memref_slice %arg13[%dma_wait3A_526, %dma_wait3A_527] : memref<16x16xi32, #tpu.memory_space<vmem>> -> memref<1x16xi32, #tpu.memory_space<vmem>>
        %dma_wait3A_529 = tpu.memref_squeeze %dma_wait3A_528 : memref<1x16xi32, #tpu.memory_space<vmem>> -> memref<16xi32, #tpu.memory_space<vmem>>
        %dma_wait3A_530 = arith.constant 0 : i32
        %dma_wait3A_531 = arith.constant 0 : i32
        %dma_wait3A_532 = tpu.memref_slice %arg6[%dma_wait3A_530, %dma_wait3A_531] : memref<16384x1024xf32, #tpu.memory_space<hbm>> -> memref<16384x1024xf32, #tpu.memory_space<hbm>>
        tpu.wait_indirect_dma semaphore(%arg22 : memref<!tpu.dma_semaphore, #tpu.memory_space<semaphore_mem>>) src(%arg15 : memref<16x1024xf32, #tpu.memory_space<vmem>>) dst(%dma_wait3A_532 : memref<16384x1024xf32, #tpu.memory_space<hbm>>)
        %dma_start3A_533 = arith.constant 10 : i32
        %dma_start3A_534 = arith.constant 0 : i32
        %dma_start3A_535 = tpu.memref_slice %arg12[%dma_start3A_533, %dma_start3A_534] : memref<16x16xi32, #tpu.memory_space<vmem>> -> memref<1x16xi32, #tpu.memory_space<vmem>>
        %dma_start3A_536 = tpu.memref_squeeze %dma_start3A_535 : memref<1x16xi32, #tpu.memory_space<vmem>> -> memref<16xi32, #tpu.memory_space<vmem>>
        %dma_start3A_537 = arith.constant 0 : i32
        %dma_start3A_538 = arith.constant 0 : i32
        %dma_start3A_539 = tpu.memref_slice %arg2[%dma_start3A_537, %dma_start3A_538] : memref<8192x1024xf32, #tpu.memory_space<hbm>> -> memref<8192x1024xf32, #tpu.memory_space<hbm>>
        tpu.enqueue_indirect_dma source(%dma_start3A_539 : memref<8192x1024xf32, #tpu.memory_space<hbm>>) target(%arg14 : memref<16x1024xf32, #tpu.memory_space<vmem>>) offsets(%dma_start3A_536 : memref<16xi32, #tpu.memory_space<vmem>>) semaphore(%arg20 : memref<!tpu.dma_semaphore, #tpu.memory_space<semaphore_mem>>)
        %dma_start3A_540 = arith.constant 10 : i32
        %dma_start3A_541 = arith.constant 0 : i32
        %dma_start3A_542 = tpu.memref_slice %arg12[%dma_start3A_540, %dma_start3A_541] : memref<16x16xi32, #tpu.memory_space<vmem>> -> memref<1x16xi32, #tpu.memory_space<vmem>>
        %dma_start3A_543 = tpu.memref_squeeze %dma_start3A_542 : memref<1x16xi32, #tpu.memory_space<vmem>> -> memref<16xi32, #tpu.memory_space<vmem>>
        %dma_start3A_544 = arith.constant 0 : i32
        %dma_start3A_545 = arith.constant 0 : i32
        %dma_start3A_546 = tpu.memref_slice %arg3[%dma_start3A_544, %dma_start3A_545] : memref<8192x1024xf32, #tpu.memory_space<hbm>> -> memref<8192x1024xf32, #tpu.memory_space<hbm>>
        tpu.enqueue_indirect_dma source(%dma_start3A_546 : memref<8192x1024xf32, #tpu.memory_space<hbm>>) target(%arg15 : memref<16x1024xf32, #tpu.memory_space<vmem>>) offsets(%dma_start3A_543 : memref<16xi32, #tpu.memory_space<vmem>>) semaphore(%arg20 : memref<!tpu.dma_semaphore, #tpu.memory_space<semaphore_mem>>)
      } else {
      }
      %dma_start3A_505 = arith.constant 9 : i32
      %dma_start3A_506 = arith.constant 0 : i32
      %dma_start3A_507 = tpu.memref_slice %arg12[%dma_start3A_505, %dma_start3A_506] : memref<16x16xi32, #tpu.memory_space<vmem>> -> memref<1x16xi32, #tpu.memory_space<vmem>>
      %dma_start3A_508 = tpu.memref_squeeze %dma_start3A_507 : memref<1x16xi32, #tpu.memory_space<vmem>> -> memref<16xi32, #tpu.memory_space<vmem>>
      %dma_start3A_509 = arith.constant 0 : i32
      %dma_start3A_510 = arith.constant 0 : i32
      %dma_start3A_511 = tpu.memref_slice %arg6[%dma_start3A_509, %dma_start3A_510] : memref<16384x1024xf32, #tpu.memory_space<hbm>> -> memref<16384x1024xf32, #tpu.memory_space<hbm>>
      tpu.enqueue_indirect_dma source(%arg16 : memref<16x1024xf32, #tpu.memory_space<vmem>>) target(%dma_start3A_511 : memref<16384x1024xf32, #tpu.memory_space<hbm>>) offsets(%dma_start3A_508 : memref<16xi32, #tpu.memory_space<vmem>>) semaphore(%arg23 : memref<!tpu.dma_semaphore, #tpu.memory_space<semaphore_mem>>)
      %dma_start3A_512 = arith.constant 9 : i32
      %dma_start3A_513 = arith.constant 0 : i32
      %dma_start3A_514 = tpu.memref_slice %arg13[%dma_start3A_512, %dma_start3A_513] : memref<16x16xi32, #tpu.memory_space<vmem>> -> memref<1x16xi32, #tpu.memory_space<vmem>>
      %dma_start3A_515 = tpu.memref_squeeze %dma_start3A_514 : memref<1x16xi32, #tpu.memory_space<vmem>> -> memref<16xi32, #tpu.memory_space<vmem>>
      %dma_start3A_516 = arith.constant 0 : i32
      %dma_start3A_517 = arith.constant 0 : i32
      %dma_start3A_518 = tpu.memref_slice %arg6[%dma_start3A_516, %dma_start3A_517] : memref<16384x1024xf32, #tpu.memory_space<hbm>> -> memref<16384x1024xf32, #tpu.memory_space<hbm>>
      tpu.enqueue_indirect_dma source(%arg17 : memref<16x1024xf32, #tpu.memory_space<vmem>>) target(%dma_start3A_518 : memref<16384x1024xf32, #tpu.memory_space<hbm>>) offsets(%dma_start3A_515 : memref<16xi32, #tpu.memory_space<vmem>>) semaphore(%arg23 : memref<!tpu.dma_semaphore, #tpu.memory_space<semaphore_mem>>)
    } else {
    }
    %gt3A_329 = arith.constant 10 : i32
    %gt3A_330 = arith.cmpi sgt, %shift_right_arithmetic3A_199, %gt3A_329 : i32
    %convert_element_type3A_331 = arith.extui %gt3A_330 : i1 to i32
    %cond3A_332 = arith.constant 0 : i32
    %cond3A_333 = arith.cmpi ne, %convert_element_type3A_331, %cond3A_332 : i32
    scf.if %cond3A_333 {
      %dma_wait3A_486 = arith.constant 10 : i32
      %dma_wait3A_487 = arith.constant 0 : i32
      %dma_wait3A_488 = tpu.memref_slice %arg12[%dma_wait3A_486, %dma_wait3A_487] : memref<16x16xi32, #tpu.memory_space<vmem>> -> memref<1x16xi32, #tpu.memory_space<vmem>>
      %dma_wait3A_489 = tpu.memref_squeeze %dma_wait3A_488 : memref<1x16xi32, #tpu.memory_space<vmem>> -> memref<16xi32, #tpu.memory_space<vmem>>
      %dma_wait3A_490 = arith.constant 0 : i32
      %dma_wait3A_491 = arith.constant 0 : i32
      %dma_wait3A_492 = tpu.memref_slice %arg2[%dma_wait3A_490, %dma_wait3A_491] : memref<8192x1024xf32, #tpu.memory_space<hbm>> -> memref<8192x1024xf32, #tpu.memory_space<hbm>>
      tpu.wait_indirect_dma semaphore(%arg20 : memref<!tpu.dma_semaphore, #tpu.memory_space<semaphore_mem>>) src(%dma_wait3A_492 : memref<8192x1024xf32, #tpu.memory_space<hbm>>) dst(%arg14 : memref<16x1024xf32, #tpu.memory_space<vmem>>)
      %dma_wait3A_493 = arith.constant 10 : i32
      %dma_wait3A_494 = arith.constant 0 : i32
      %dma_wait3A_495 = tpu.memref_slice %arg12[%dma_wait3A_493, %dma_wait3A_494] : memref<16x16xi32, #tpu.memory_space<vmem>> -> memref<1x16xi32, #tpu.memory_space<vmem>>
      %dma_wait3A_496 = tpu.memref_squeeze %dma_wait3A_495 : memref<1x16xi32, #tpu.memory_space<vmem>> -> memref<16xi32, #tpu.memory_space<vmem>>
      %dma_wait3A_497 = arith.constant 0 : i32
      %dma_wait3A_498 = arith.constant 0 : i32
      %dma_wait3A_499 = tpu.memref_slice %arg3[%dma_wait3A_497, %dma_wait3A_498] : memref<8192x1024xf32, #tpu.memory_space<hbm>> -> memref<8192x1024xf32, #tpu.memory_space<hbm>>
      tpu.wait_indirect_dma semaphore(%arg20 : memref<!tpu.dma_semaphore, #tpu.memory_space<semaphore_mem>>) src(%dma_wait3A_499 : memref<8192x1024xf32, #tpu.memory_space<hbm>>) dst(%arg15 : memref<16x1024xf32, #tpu.memory_space<vmem>>)
      %gt3A_500 = arith.constant 11 : i32
      %gt3A_501 = arith.cmpi sgt, %shift_right_arithmetic3A_199, %gt3A_500 : i32
      %convert_element_type3A_502 = arith.extui %gt3A_501 : i1 to i32
      %cond3A_503 = arith.constant 0 : i32
      %cond3A_504 = arith.cmpi ne, %convert_element_type3A_502, %cond3A_503 : i32
      scf.if %cond3A_504 {
        %dma_wait3A_519 = arith.constant 9 : i32
        %dma_wait3A_520 = arith.constant 0 : i32
        %dma_wait3A_521 = tpu.memref_slice %arg12[%dma_wait3A_519, %dma_wait3A_520] : memref<16x16xi32, #tpu.memory_space<vmem>> -> memref<1x16xi32, #tpu.memory_space<vmem>>
        %dma_wait3A_522 = tpu.memref_squeeze %dma_wait3A_521 : memref<1x16xi32, #tpu.memory_space<vmem>> -> memref<16xi32, #tpu.memory_space<vmem>>
        %dma_wait3A_523 = arith.constant 0 : i32
        %dma_wait3A_524 = arith.constant 0 : i32
        %dma_wait3A_525 = tpu.memref_slice %arg6[%dma_wait3A_523, %dma_wait3A_524] : memref<16384x1024xf32, #tpu.memory_space<hbm>> -> memref<16384x1024xf32, #tpu.memory_space<hbm>>
        tpu.wait_indirect_dma semaphore(%arg23 : memref<!tpu.dma_semaphore, #tpu.memory_space<semaphore_mem>>) src(%arg16 : memref<16x1024xf32, #tpu.memory_space<vmem>>) dst(%dma_wait3A_525 : memref<16384x1024xf32, #tpu.memory_space<hbm>>)
        %dma_wait3A_526 = arith.constant 9 : i32
        %dma_wait3A_527 = arith.constant 0 : i32
        %dma_wait3A_528 = tpu.memref_slice %arg13[%dma_wait3A_526, %dma_wait3A_527] : memref<16x16xi32, #tpu.memory_space<vmem>> -> memref<1x16xi32, #tpu.memory_space<vmem>>
        %dma_wait3A_529 = tpu.memref_squeeze %dma_wait3A_528 : memref<1x16xi32, #tpu.memory_space<vmem>> -> memref<16xi32, #tpu.memory_space<vmem>>
        %dma_wait3A_530 = arith.constant 0 : i32
        %dma_wait3A_531 = arith.constant 0 : i32
        %dma_wait3A_532 = tpu.memref_slice %arg6[%dma_wait3A_530, %dma_wait3A_531] : memref<16384x1024xf32, #tpu.memory_space<hbm>> -> memref<16384x1024xf32, #tpu.memory_space<hbm>>
        tpu.wait_indirect_dma semaphore(%arg23 : memref<!tpu.dma_semaphore, #tpu.memory_space<semaphore_mem>>) src(%arg17 : memref<16x1024xf32, #tpu.memory_space<vmem>>) dst(%dma_wait3A_532 : memref<16384x1024xf32, #tpu.memory_space<hbm>>)
        %dma_start3A_533 = arith.constant 11 : i32
        %dma_start3A_534 = arith.constant 0 : i32
        %dma_start3A_535 = tpu.memref_slice %arg12[%dma_start3A_533, %dma_start3A_534] : memref<16x16xi32, #tpu.memory_space<vmem>> -> memref<1x16xi32, #tpu.memory_space<vmem>>
        %dma_start3A_536 = tpu.memref_squeeze %dma_start3A_535 : memref<1x16xi32, #tpu.memory_space<vmem>> -> memref<16xi32, #tpu.memory_space<vmem>>
        %dma_start3A_537 = arith.constant 0 : i32
        %dma_start3A_538 = arith.constant 0 : i32
        %dma_start3A_539 = tpu.memref_slice %arg2[%dma_start3A_537, %dma_start3A_538] : memref<8192x1024xf32, #tpu.memory_space<hbm>> -> memref<8192x1024xf32, #tpu.memory_space<hbm>>
        tpu.enqueue_indirect_dma source(%dma_start3A_539 : memref<8192x1024xf32, #tpu.memory_space<hbm>>) target(%arg16 : memref<16x1024xf32, #tpu.memory_space<vmem>>) offsets(%dma_start3A_536 : memref<16xi32, #tpu.memory_space<vmem>>) semaphore(%arg21 : memref<!tpu.dma_semaphore, #tpu.memory_space<semaphore_mem>>)
        %dma_start3A_540 = arith.constant 11 : i32
        %dma_start3A_541 = arith.constant 0 : i32
        %dma_start3A_542 = tpu.memref_slice %arg12[%dma_start3A_540, %dma_start3A_541] : memref<16x16xi32, #tpu.memory_space<vmem>> -> memref<1x16xi32, #tpu.memory_space<vmem>>
        %dma_start3A_543 = tpu.memref_squeeze %dma_start3A_542 : memref<1x16xi32, #tpu.memory_space<vmem>> -> memref<16xi32, #tpu.memory_space<vmem>>
        %dma_start3A_544 = arith.constant 0 : i32
        %dma_start3A_545 = arith.constant 0 : i32
        %dma_start3A_546 = tpu.memref_slice %arg3[%dma_start3A_544, %dma_start3A_545] : memref<8192x1024xf32, #tpu.memory_space<hbm>> -> memref<8192x1024xf32, #tpu.memory_space<hbm>>
        tpu.enqueue_indirect_dma source(%dma_start3A_546 : memref<8192x1024xf32, #tpu.memory_space<hbm>>) target(%arg17 : memref<16x1024xf32, #tpu.memory_space<vmem>>) offsets(%dma_start3A_543 : memref<16xi32, #tpu.memory_space<vmem>>) semaphore(%arg21 : memref<!tpu.dma_semaphore, #tpu.memory_space<semaphore_mem>>)
      } else {
      }
      %dma_start3A_505 = arith.constant 10 : i32
      %dma_start3A_506 = arith.constant 0 : i32
      %dma_start3A_507 = tpu.memref_slice %arg12[%dma_start3A_505, %dma_start3A_506] : memref<16x16xi32, #tpu.memory_space<vmem>> -> memref<1x16xi32, #tpu.memory_space<vmem>>
      %dma_start3A_508 = tpu.memref_squeeze %dma_start3A_507 : memref<1x16xi32, #tpu.memory_space<vmem>> -> memref<16xi32, #tpu.memory_space<vmem>>
      %dma_start3A_509 = arith.constant 0 : i32
      %dma_start3A_510 = arith.constant 0 : i32
      %dma_start3A_511 = tpu.memref_slice %arg6[%dma_start3A_509, %dma_start3A_510] : memref<16384x1024xf32, #tpu.memory_space<hbm>> -> memref<16384x1024xf32, #tpu.memory_space<hbm>>
      tpu.enqueue_indirect_dma source(%arg14 : memref<16x1024xf32, #tpu.memory_space<vmem>>) target(%dma_start3A_511 : memref<16384x1024xf32, #tpu.memory_space<hbm>>) offsets(%dma_start3A_508 : memref<16xi32, #tpu.memory_space<vmem>>) semaphore(%arg22 : memref<!tpu.dma_semaphore, #tpu.memory_space<semaphore_mem>>)
      %dma_start3A_512 = arith.constant 10 : i32
      %dma_start3A_513 = arith.constant 0 : i32
      %dma_start3A_514 = tpu.memref_slice %arg13[%dma_start3A_512, %dma_start3A_513] : memref<16x16xi32, #tpu.memory_space<vmem>> -> memref<1x16xi32, #tpu.memory_space<vmem>>
      %dma_start3A_515 = tpu.memref_squeeze %dma_start3A_514 : memref<1x16xi32, #tpu.memory_space<vmem>> -> memref<16xi32, #tpu.memory_space<vmem>>
      %dma_start3A_516 = arith.constant 0 : i32
      %dma_start3A_517 = arith.constant 0 : i32
      %dma_start3A_518 = tpu.memref_slice %arg6[%dma_start3A_516, %dma_start3A_517] : memref<16384x1024xf32, #tpu.memory_space<hbm>> -> memref<16384x1024xf32, #tpu.memory_space<hbm>>
      tpu.enqueue_indirect_dma source(%arg15 : memref<16x1024xf32, #tpu.memory_space<vmem>>) target(%dma_start3A_518 : memref<16384x1024xf32, #tpu.memory_space<hbm>>) offsets(%dma_start3A_515 : memref<16xi32, #tpu.memory_space<vmem>>) semaphore(%arg22 : memref<!tpu.dma_semaphore, #tpu.memory_space<semaphore_mem>>)
    } else {
    }
    %gt3A_334 = arith.constant 11 : i32
    %gt3A_335 = arith.cmpi sgt, %shift_right_arithmetic3A_199, %gt3A_334 : i32
    %convert_element_type3A_336 = arith.extui %gt3A_335 : i1 to i32
    %cond3A_337 = arith.constant 0 : i32
    %cond3A_338 = arith.cmpi ne, %convert_element_type3A_336, %cond3A_337 : i32
    scf.if %cond3A_338 {
      %dma_wait3A_486 = arith.constant 11 : i32
      %dma_wait3A_487 = arith.constant 0 : i32
      %dma_wait3A_488 = tpu.memref_slice %arg12[%dma_wait3A_486, %dma_wait3A_487] : memref<16x16xi32, #tpu.memory_space<vmem>> -> memref<1x16xi32, #tpu.memory_space<vmem>>
      %dma_wait3A_489 = tpu.memref_squeeze %dma_wait3A_488 : memref<1x16xi32, #tpu.memory_space<vmem>> -> memref<16xi32, #tpu.memory_space<vmem>>
      %dma_wait3A_490 = arith.constant 0 : i32
      %dma_wait3A_491 = arith.constant 0 : i32
      %dma_wait3A_492 = tpu.memref_slice %arg2[%dma_wait3A_490, %dma_wait3A_491] : memref<8192x1024xf32, #tpu.memory_space<hbm>> -> memref<8192x1024xf32, #tpu.memory_space<hbm>>
      tpu.wait_indirect_dma semaphore(%arg21 : memref<!tpu.dma_semaphore, #tpu.memory_space<semaphore_mem>>) src(%dma_wait3A_492 : memref<8192x1024xf32, #tpu.memory_space<hbm>>) dst(%arg16 : memref<16x1024xf32, #tpu.memory_space<vmem>>)
      %dma_wait3A_493 = arith.constant 11 : i32
      %dma_wait3A_494 = arith.constant 0 : i32
      %dma_wait3A_495 = tpu.memref_slice %arg12[%dma_wait3A_493, %dma_wait3A_494] : memref<16x16xi32, #tpu.memory_space<vmem>> -> memref<1x16xi32, #tpu.memory_space<vmem>>
      %dma_wait3A_496 = tpu.memref_squeeze %dma_wait3A_495 : memref<1x16xi32, #tpu.memory_space<vmem>> -> memref<16xi32, #tpu.memory_space<vmem>>
      %dma_wait3A_497 = arith.constant 0 : i32
      %dma_wait3A_498 = arith.constant 0 : i32
      %dma_wait3A_499 = tpu.memref_slice %arg3[%dma_wait3A_497, %dma_wait3A_498] : memref<8192x1024xf32, #tpu.memory_space<hbm>> -> memref<8192x1024xf32, #tpu.memory_space<hbm>>
      tpu.wait_indirect_dma semaphore(%arg21 : memref<!tpu.dma_semaphore, #tpu.memory_space<semaphore_mem>>) src(%dma_wait3A_499 : memref<8192x1024xf32, #tpu.memory_space<hbm>>) dst(%arg17 : memref<16x1024xf32, #tpu.memory_space<vmem>>)
      %gt3A_500 = arith.constant 12 : i32
      %gt3A_501 = arith.cmpi sgt, %shift_right_arithmetic3A_199, %gt3A_500 : i32
      %convert_element_type3A_502 = arith.extui %gt3A_501 : i1 to i32
      %cond3A_503 = arith.constant 0 : i32
      %cond3A_504 = arith.cmpi ne, %convert_element_type3A_502, %cond3A_503 : i32
      scf.if %cond3A_504 {
        %dma_wait3A_519 = arith.constant 10 : i32
        %dma_wait3A_520 = arith.constant 0 : i32
        %dma_wait3A_521 = tpu.memref_slice %arg12[%dma_wait3A_519, %dma_wait3A_520] : memref<16x16xi32, #tpu.memory_space<vmem>> -> memref<1x16xi32, #tpu.memory_space<vmem>>
        %dma_wait3A_522 = tpu.memref_squeeze %dma_wait3A_521 : memref<1x16xi32, #tpu.memory_space<vmem>> -> memref<16xi32, #tpu.memory_space<vmem>>
        %dma_wait3A_523 = arith.constant 0 : i32
        %dma_wait3A_524 = arith.constant 0 : i32
        %dma_wait3A_525 = tpu.memref_slice %arg6[%dma_wait3A_523, %dma_wait3A_524] : memref<16384x1024xf32, #tpu.memory_space<hbm>> -> memref<16384x1024xf32, #tpu.memory_space<hbm>>
        tpu.wait_indirect_dma semaphore(%arg22 : memref<!tpu.dma_semaphore, #tpu.memory_space<semaphore_mem>>) src(%arg14 : memref<16x1024xf32, #tpu.memory_space<vmem>>) dst(%dma_wait3A_525 : memref<16384x1024xf32, #tpu.memory_space<hbm>>)
        %dma_wait3A_526 = arith.constant 10 : i32
        %dma_wait3A_527 = arith.constant 0 : i32
        %dma_wait3A_528 = tpu.memref_slice %arg13[%dma_wait3A_526, %dma_wait3A_527] : memref<16x16xi32, #tpu.memory_space<vmem>> -> memref<1x16xi32, #tpu.memory_space<vmem>>
        %dma_wait3A_529 = tpu.memref_squeeze %dma_wait3A_528 : memref<1x16xi32, #tpu.memory_space<vmem>> -> memref<16xi32, #tpu.memory_space<vmem>>
        %dma_wait3A_530 = arith.constant 0 : i32
        %dma_wait3A_531 = arith.constant 0 : i32
        %dma_wait3A_532 = tpu.memref_slice %arg6[%dma_wait3A_530, %dma_wait3A_531] : memref<16384x1024xf32, #tpu.memory_space<hbm>> -> memref<16384x1024xf32, #tpu.memory_space<hbm>>
        tpu.wait_indirect_dma semaphore(%arg22 : memref<!tpu.dma_semaphore, #tpu.memory_space<semaphore_mem>>) src(%arg15 : memref<16x1024xf32, #tpu.memory_space<vmem>>) dst(%dma_wait3A_532 : memref<16384x1024xf32, #tpu.memory_space<hbm>>)
        %dma_start3A_533 = arith.constant 12 : i32
        %dma_start3A_534 = arith.constant 0 : i32
        %dma_start3A_535 = tpu.memref_slice %arg12[%dma_start3A_533, %dma_start3A_534] : memref<16x16xi32, #tpu.memory_space<vmem>> -> memref<1x16xi32, #tpu.memory_space<vmem>>
        %dma_start3A_536 = tpu.memref_squeeze %dma_start3A_535 : memref<1x16xi32, #tpu.memory_space<vmem>> -> memref<16xi32, #tpu.memory_space<vmem>>
        %dma_start3A_537 = arith.constant 0 : i32
        %dma_start3A_538 = arith.constant 0 : i32
        %dma_start3A_539 = tpu.memref_slice %arg2[%dma_start3A_537, %dma_start3A_538] : memref<8192x1024xf32, #tpu.memory_space<hbm>> -> memref<8192x1024xf32, #tpu.memory_space<hbm>>
        tpu.enqueue_indirect_dma source(%dma_start3A_539 : memref<8192x1024xf32, #tpu.memory_space<hbm>>) target(%arg14 : memref<16x1024xf32, #tpu.memory_space<vmem>>) offsets(%dma_start3A_536 : memref<16xi32, #tpu.memory_space<vmem>>) semaphore(%arg20 : memref<!tpu.dma_semaphore, #tpu.memory_space<semaphore_mem>>)
        %dma_start3A_540 = arith.constant 12 : i32
        %dma_start3A_541 = arith.constant 0 : i32
        %dma_start3A_542 = tpu.memref_slice %arg12[%dma_start3A_540, %dma_start3A_541] : memref<16x16xi32, #tpu.memory_space<vmem>> -> memref<1x16xi32, #tpu.memory_space<vmem>>
        %dma_start3A_543 = tpu.memref_squeeze %dma_start3A_542 : memref<1x16xi32, #tpu.memory_space<vmem>> -> memref<16xi32, #tpu.memory_space<vmem>>
        %dma_start3A_544 = arith.constant 0 : i32
        %dma_start3A_545 = arith.constant 0 : i32
        %dma_start3A_546 = tpu.memref_slice %arg3[%dma_start3A_544, %dma_start3A_545] : memref<8192x1024xf32, #tpu.memory_space<hbm>> -> memref<8192x1024xf32, #tpu.memory_space<hbm>>
        tpu.enqueue_indirect_dma source(%dma_start3A_546 : memref<8192x1024xf32, #tpu.memory_space<hbm>>) target(%arg15 : memref<16x1024xf32, #tpu.memory_space<vmem>>) offsets(%dma_start3A_543 : memref<16xi32, #tpu.memory_space<vmem>>) semaphore(%arg20 : memref<!tpu.dma_semaphore, #tpu.memory_space<semaphore_mem>>)
      } else {
      }
      %dma_start3A_505 = arith.constant 11 : i32
      %dma_start3A_506 = arith.constant 0 : i32
      %dma_start3A_507 = tpu.memref_slice %arg12[%dma_start3A_505, %dma_start3A_506] : memref<16x16xi32, #tpu.memory_space<vmem>> -> memref<1x16xi32, #tpu.memory_space<vmem>>
      %dma_start3A_508 = tpu.memref_squeeze %dma_start3A_507 : memref<1x16xi32, #tpu.memory_space<vmem>> -> memref<16xi32, #tpu.memory_space<vmem>>
      %dma_start3A_509 = arith.constant 0 : i32
      %dma_start3A_510 = arith.constant 0 : i32
      %dma_start3A_511 = tpu.memref_slice %arg6[%dma_start3A_509, %dma_start3A_510] : memref<16384x1024xf32, #tpu.memory_space<hbm>> -> memref<16384x1024xf32, #tpu.memory_space<hbm>>
      tpu.enqueue_indirect_dma source(%arg16 : memref<16x1024xf32, #tpu.memory_space<vmem>>) target(%dma_start3A_511 : memref<16384x1024xf32, #tpu.memory_space<hbm>>) offsets(%dma_start3A_508 : memref<16xi32, #tpu.memory_space<vmem>>) semaphore(%arg23 : memref<!tpu.dma_semaphore, #tpu.memory_space<semaphore_mem>>)
      %dma_start3A_512 = arith.constant 11 : i32
      %dma_start3A_513 = arith.constant 0 : i32
      %dma_start3A_514 = tpu.memref_slice %arg13[%dma_start3A_512, %dma_start3A_513] : memref<16x16xi32, #tpu.memory_space<vmem>> -> memref<1x16xi32, #tpu.memory_space<vmem>>
      %dma_start3A_515 = tpu.memref_squeeze %dma_start3A_514 : memref<1x16xi32, #tpu.memory_space<vmem>> -> memref<16xi32, #tpu.memory_space<vmem>>
      %dma_start3A_516 = arith.constant 0 : i32
      %dma_start3A_517 = arith.constant 0 : i32
      %dma_start3A_518 = tpu.memref_slice %arg6[%dma_start3A_516, %dma_start3A_517] : memref<16384x1024xf32, #tpu.memory_space<hbm>> -> memref<16384x1024xf32, #tpu.memory_space<hbm>>
      tpu.enqueue_indirect_dma source(%arg17 : memref<16x1024xf32, #tpu.memory_space<vmem>>) target(%dma_start3A_518 : memref<16384x1024xf32, #tpu.memory_space<hbm>>) offsets(%dma_start3A_515 : memref<16xi32, #tpu.memory_space<vmem>>) semaphore(%arg23 : memref<!tpu.dma_semaphore, #tpu.memory_space<semaphore_mem>>)
    } else {
    }
    %gt3A_339 = arith.constant 12 : i32
    %gt3A_340 = arith.cmpi sgt, %shift_right_arithmetic3A_199, %gt3A_339 : i32
    %convert_element_type3A_341 = arith.extui %gt3A_340 : i1 to i32
    %cond3A_342 = arith.constant 0 : i32
    %cond3A_343 = arith.cmpi ne, %convert_element_type3A_341, %cond3A_342 : i32
    scf.if %cond3A_343 {
      %dma_wait3A_486 = arith.constant 12 : i32
      %dma_wait3A_487 = arith.constant 0 : i32
      %dma_wait3A_488 = tpu.memref_slice %arg12[%dma_wait3A_486, %dma_wait3A_487] : memref<16x16xi32, #tpu.memory_space<vmem>> -> memref<1x16xi32, #tpu.memory_space<vmem>>
      %dma_wait3A_489 = tpu.memref_squeeze %dma_wait3A_488 : memref<1x16xi32, #tpu.memory_space<vmem>> -> memref<16xi32, #tpu.memory_space<vmem>>
      %dma_wait3A_490 = arith.constant 0 : i32
      %dma_wait3A_491 = arith.constant 0 : i32
      %dma_wait3A_492 = tpu.memref_slice %arg2[%dma_wait3A_490, %dma_wait3A_491] : memref<8192x1024xf32, #tpu.memory_space<hbm>> -> memref<8192x1024xf32, #tpu.memory_space<hbm>>
      tpu.wait_indirect_dma semaphore(%arg20 : memref<!tpu.dma_semaphore, #tpu.memory_space<semaphore_mem>>) src(%dma_wait3A_492 : memref<8192x1024xf32, #tpu.memory_space<hbm>>) dst(%arg14 : memref<16x1024xf32, #tpu.memory_space<vmem>>)
      %dma_wait3A_493 = arith.constant 12 : i32
      %dma_wait3A_494 = arith.constant 0 : i32
      %dma_wait3A_495 = tpu.memref_slice %arg12[%dma_wait3A_493, %dma_wait3A_494] : memref<16x16xi32, #tpu.memory_space<vmem>> -> memref<1x16xi32, #tpu.memory_space<vmem>>
      %dma_wait3A_496 = tpu.memref_squeeze %dma_wait3A_495 : memref<1x16xi32, #tpu.memory_space<vmem>> -> memref<16xi32, #tpu.memory_space<vmem>>
      %dma_wait3A_497 = arith.constant 0 : i32
      %dma_wait3A_498 = arith.constant 0 : i32
      %dma_wait3A_499 = tpu.memref_slice %arg3[%dma_wait3A_497, %dma_wait3A_498] : memref<8192x1024xf32, #tpu.memory_space<hbm>> -> memref<8192x1024xf32, #tpu.memory_space<hbm>>
      tpu.wait_indirect_dma semaphore(%arg20 : memref<!tpu.dma_semaphore, #tpu.memory_space<semaphore_mem>>) src(%dma_wait3A_499 : memref<8192x1024xf32, #tpu.memory_space<hbm>>) dst(%arg15 : memref<16x1024xf32, #tpu.memory_space<vmem>>)
      %gt3A_500 = arith.constant 13 : i32
      %gt3A_501 = arith.cmpi sgt, %shift_right_arithmetic3A_199, %gt3A_500 : i32
      %convert_element_type3A_502 = arith.extui %gt3A_501 : i1 to i32
      %cond3A_503 = arith.constant 0 : i32
      %cond3A_504 = arith.cmpi ne, %convert_element_type3A_502, %cond3A_503 : i32
      scf.if %cond3A_504 {
        %dma_wait3A_519 = arith.constant 11 : i32
        %dma_wait3A_520 = arith.constant 0 : i32
        %dma_wait3A_521 = tpu.memref_slice %arg12[%dma_wait3A_519, %dma_wait3A_520] : memref<16x16xi32, #tpu.memory_space<vmem>> -> memref<1x16xi32, #tpu.memory_space<vmem>>
        %dma_wait3A_522 = tpu.memref_squeeze %dma_wait3A_521 : memref<1x16xi32, #tpu.memory_space<vmem>> -> memref<16xi32, #tpu.memory_space<vmem>>
        %dma_wait3A_523 = arith.constant 0 : i32
        %dma_wait3A_524 = arith.constant 0 : i32
        %dma_wait3A_525 = tpu.memref_slice %arg6[%dma_wait3A_523, %dma_wait3A_524] : memref<16384x1024xf32, #tpu.memory_space<hbm>> -> memref<16384x1024xf32, #tpu.memory_space<hbm>>
        tpu.wait_indirect_dma semaphore(%arg23 : memref<!tpu.dma_semaphore, #tpu.memory_space<semaphore_mem>>) src(%arg16 : memref<16x1024xf32, #tpu.memory_space<vmem>>) dst(%dma_wait3A_525 : memref<16384x1024xf32, #tpu.memory_space<hbm>>)
        %dma_wait3A_526 = arith.constant 11 : i32
        %dma_wait3A_527 = arith.constant 0 : i32
        %dma_wait3A_528 = tpu.memref_slice %arg13[%dma_wait3A_526, %dma_wait3A_527] : memref<16x16xi32, #tpu.memory_space<vmem>> -> memref<1x16xi32, #tpu.memory_space<vmem>>
        %dma_wait3A_529 = tpu.memref_squeeze %dma_wait3A_528 : memref<1x16xi32, #tpu.memory_space<vmem>> -> memref<16xi32, #tpu.memory_space<vmem>>
        %dma_wait3A_530 = arith.constant 0 : i32
        %dma_wait3A_531 = arith.constant 0 : i32
        %dma_wait3A_532 = tpu.memref_slice %arg6[%dma_wait3A_530, %dma_wait3A_531] : memref<16384x1024xf32, #tpu.memory_space<hbm>> -> memref<16384x1024xf32, #tpu.memory_space<hbm>>
        tpu.wait_indirect_dma semaphore(%arg23 : memref<!tpu.dma_semaphore, #tpu.memory_space<semaphore_mem>>) src(%arg17 : memref<16x1024xf32, #tpu.memory_space<vmem>>) dst(%dma_wait3A_532 : memref<16384x1024xf32, #tpu.memory_space<hbm>>)
        %dma_start3A_533 = arith.constant 13 : i32
        %dma_start3A_534 = arith.constant 0 : i32
        %dma_start3A_535 = tpu.memref_slice %arg12[%dma_start3A_533, %dma_start3A_534] : memref<16x16xi32, #tpu.memory_space<vmem>> -> memref<1x16xi32, #tpu.memory_space<vmem>>
        %dma_start3A_536 = tpu.memref_squeeze %dma_start3A_535 : memref<1x16xi32, #tpu.memory_space<vmem>> -> memref<16xi32, #tpu.memory_space<vmem>>
        %dma_start3A_537 = arith.constant 0 : i32
        %dma_start3A_538 = arith.constant 0 : i32
        %dma_start3A_539 = tpu.memref_slice %arg2[%dma_start3A_537, %dma_start3A_538] : memref<8192x1024xf32, #tpu.memory_space<hbm>> -> memref<8192x1024xf32, #tpu.memory_space<hbm>>
        tpu.enqueue_indirect_dma source(%dma_start3A_539 : memref<8192x1024xf32, #tpu.memory_space<hbm>>) target(%arg16 : memref<16x1024xf32, #tpu.memory_space<vmem>>) offsets(%dma_start3A_536 : memref<16xi32, #tpu.memory_space<vmem>>) semaphore(%arg21 : memref<!tpu.dma_semaphore, #tpu.memory_space<semaphore_mem>>)
        %dma_start3A_540 = arith.constant 13 : i32
        %dma_start3A_541 = arith.constant 0 : i32
        %dma_start3A_542 = tpu.memref_slice %arg12[%dma_start3A_540, %dma_start3A_541] : memref<16x16xi32, #tpu.memory_space<vmem>> -> memref<1x16xi32, #tpu.memory_space<vmem>>
        %dma_start3A_543 = tpu.memref_squeeze %dma_start3A_542 : memref<1x16xi32, #tpu.memory_space<vmem>> -> memref<16xi32, #tpu.memory_space<vmem>>
        %dma_start3A_544 = arith.constant 0 : i32
        %dma_start3A_545 = arith.constant 0 : i32
        %dma_start3A_546 = tpu.memref_slice %arg3[%dma_start3A_544, %dma_start3A_545] : memref<8192x1024xf32, #tpu.memory_space<hbm>> -> memref<8192x1024xf32, #tpu.memory_space<hbm>>
        tpu.enqueue_indirect_dma source(%dma_start3A_546 : memref<8192x1024xf32, #tpu.memory_space<hbm>>) target(%arg17 : memref<16x1024xf32, #tpu.memory_space<vmem>>) offsets(%dma_start3A_543 : memref<16xi32, #tpu.memory_space<vmem>>) semaphore(%arg21 : memref<!tpu.dma_semaphore, #tpu.memory_space<semaphore_mem>>)
      } else {
      }
      %dma_start3A_505 = arith.constant 12 : i32
      %dma_start3A_506 = arith.constant 0 : i32
      %dma_start3A_507 = tpu.memref_slice %arg12[%dma_start3A_505, %dma_start3A_506] : memref<16x16xi32, #tpu.memory_space<vmem>> -> memref<1x16xi32, #tpu.memory_space<vmem>>
      %dma_start3A_508 = tpu.memref_squeeze %dma_start3A_507 : memref<1x16xi32, #tpu.memory_space<vmem>> -> memref<16xi32, #tpu.memory_space<vmem>>
      %dma_start3A_509 = arith.constant 0 : i32
      %dma_start3A_510 = arith.constant 0 : i32
      %dma_start3A_511 = tpu.memref_slice %arg6[%dma_start3A_509, %dma_start3A_510] : memref<16384x1024xf32, #tpu.memory_space<hbm>> -> memref<16384x1024xf32, #tpu.memory_space<hbm>>
      tpu.enqueue_indirect_dma source(%arg14 : memref<16x1024xf32, #tpu.memory_space<vmem>>) target(%dma_start3A_511 : memref<16384x1024xf32, #tpu.memory_space<hbm>>) offsets(%dma_start3A_508 : memref<16xi32, #tpu.memory_space<vmem>>) semaphore(%arg22 : memref<!tpu.dma_semaphore, #tpu.memory_space<semaphore_mem>>)
      %dma_start3A_512 = arith.constant 12 : i32
      %dma_start3A_513 = arith.constant 0 : i32
      %dma_start3A_514 = tpu.memref_slice %arg13[%dma_start3A_512, %dma_start3A_513] : memref<16x16xi32, #tpu.memory_space<vmem>> -> memref<1x16xi32, #tpu.memory_space<vmem>>
      %dma_start3A_515 = tpu.memref_squeeze %dma_start3A_514 : memref<1x16xi32, #tpu.memory_space<vmem>> -> memref<16xi32, #tpu.memory_space<vmem>>
      %dma_start3A_516 = arith.constant 0 : i32
      %dma_start3A_517 = arith.constant 0 : i32
      %dma_start3A_518 = tpu.memref_slice %arg6[%dma_start3A_516, %dma_start3A_517] : memref<16384x1024xf32, #tpu.memory_space<hbm>> -> memref<16384x1024xf32, #tpu.memory_space<hbm>>
      tpu.enqueue_indirect_dma source(%arg15 : memref<16x1024xf32, #tpu.memory_space<vmem>>) target(%dma_start3A_518 : memref<16384x1024xf32, #tpu.memory_space<hbm>>) offsets(%dma_start3A_515 : memref<16xi32, #tpu.memory_space<vmem>>) semaphore(%arg22 : memref<!tpu.dma_semaphore, #tpu.memory_space<semaphore_mem>>)
    } else {
    }
    %gt3A_344 = arith.constant 13 : i32
    %gt3A_345 = arith.cmpi sgt, %shift_right_arithmetic3A_199, %gt3A_344 : i32
    %convert_element_type3A_346 = arith.extui %gt3A_345 : i1 to i32
    %cond3A_347 = arith.constant 0 : i32
    %cond3A_348 = arith.cmpi ne, %convert_element_type3A_346, %cond3A_347 : i32
    scf.if %cond3A_348 {
      %dma_wait3A_486 = arith.constant 13 : i32
      %dma_wait3A_487 = arith.constant 0 : i32
      %dma_wait3A_488 = tpu.memref_slice %arg12[%dma_wait3A_486, %dma_wait3A_487] : memref<16x16xi32, #tpu.memory_space<vmem>> -> memref<1x16xi32, #tpu.memory_space<vmem>>
      %dma_wait3A_489 = tpu.memref_squeeze %dma_wait3A_488 : memref<1x16xi32, #tpu.memory_space<vmem>> -> memref<16xi32, #tpu.memory_space<vmem>>
      %dma_wait3A_490 = arith.constant 0 : i32
      %dma_wait3A_491 = arith.constant 0 : i32
      %dma_wait3A_492 = tpu.memref_slice %arg2[%dma_wait3A_490, %dma_wait3A_491] : memref<8192x1024xf32, #tpu.memory_space<hbm>> -> memref<8192x1024xf32, #tpu.memory_space<hbm>>
      tpu.wait_indirect_dma semaphore(%arg21 : memref<!tpu.dma_semaphore, #tpu.memory_space<semaphore_mem>>) src(%dma_wait3A_492 : memref<8192x1024xf32, #tpu.memory_space<hbm>>) dst(%arg16 : memref<16x1024xf32, #tpu.memory_space<vmem>>)
      %dma_wait3A_493 = arith.constant 13 : i32
      %dma_wait3A_494 = arith.constant 0 : i32
      %dma_wait3A_495 = tpu.memref_slice %arg12[%dma_wait3A_493, %dma_wait3A_494] : memref<16x16xi32, #tpu.memory_space<vmem>> -> memref<1x16xi32, #tpu.memory_space<vmem>>
      %dma_wait3A_496 = tpu.memref_squeeze %dma_wait3A_495 : memref<1x16xi32, #tpu.memory_space<vmem>> -> memref<16xi32, #tpu.memory_space<vmem>>
      %dma_wait3A_497 = arith.constant 0 : i32
      %dma_wait3A_498 = arith.constant 0 : i32
      %dma_wait3A_499 = tpu.memref_slice %arg3[%dma_wait3A_497, %dma_wait3A_498] : memref<8192x1024xf32, #tpu.memory_space<hbm>> -> memref<8192x1024xf32, #tpu.memory_space<hbm>>
      tpu.wait_indirect_dma semaphore(%arg21 : memref<!tpu.dma_semaphore, #tpu.memory_space<semaphore_mem>>) src(%dma_wait3A_499 : memref<8192x1024xf32, #tpu.memory_space<hbm>>) dst(%arg17 : memref<16x1024xf32, #tpu.memory_space<vmem>>)
      %gt3A_500 = arith.constant 14 : i32
      %gt3A_501 = arith.cmpi sgt, %shift_right_arithmetic3A_199, %gt3A_500 : i32
      %convert_element_type3A_502 = arith.extui %gt3A_501 : i1 to i32
      %cond3A_503 = arith.constant 0 : i32
      %cond3A_504 = arith.cmpi ne, %convert_element_type3A_502, %cond3A_503 : i32
      scf.if %cond3A_504 {
        %dma_wait3A_519 = arith.constant 12 : i32
        %dma_wait3A_520 = arith.constant 0 : i32
        %dma_wait3A_521 = tpu.memref_slice %arg12[%dma_wait3A_519, %dma_wait3A_520] : memref<16x16xi32, #tpu.memory_space<vmem>> -> memref<1x16xi32, #tpu.memory_space<vmem>>
        %dma_wait3A_522 = tpu.memref_squeeze %dma_wait3A_521 : memref<1x16xi32, #tpu.memory_space<vmem>> -> memref<16xi32, #tpu.memory_space<vmem>>
        %dma_wait3A_523 = arith.constant 0 : i32
        %dma_wait3A_524 = arith.constant 0 : i32
        %dma_wait3A_525 = tpu.memref_slice %arg6[%dma_wait3A_523, %dma_wait3A_524] : memref<16384x1024xf32, #tpu.memory_space<hbm>> -> memref<16384x1024xf32, #tpu.memory_space<hbm>>
        tpu.wait_indirect_dma semaphore(%arg22 : memref<!tpu.dma_semaphore, #tpu.memory_space<semaphore_mem>>) src(%arg14 : memref<16x1024xf32, #tpu.memory_space<vmem>>) dst(%dma_wait3A_525 : memref<16384x1024xf32, #tpu.memory_space<hbm>>)
        %dma_wait3A_526 = arith.constant 12 : i32
        %dma_wait3A_527 = arith.constant 0 : i32
        %dma_wait3A_528 = tpu.memref_slice %arg13[%dma_wait3A_526, %dma_wait3A_527] : memref<16x16xi32, #tpu.memory_space<vmem>> -> memref<1x16xi32, #tpu.memory_space<vmem>>
        %dma_wait3A_529 = tpu.memref_squeeze %dma_wait3A_528 : memref<1x16xi32, #tpu.memory_space<vmem>> -> memref<16xi32, #tpu.memory_space<vmem>>
        %dma_wait3A_530 = arith.constant 0 : i32
        %dma_wait3A_531 = arith.constant 0 : i32
        %dma_wait3A_532 = tpu.memref_slice %arg6[%dma_wait3A_530, %dma_wait3A_531] : memref<16384x1024xf32, #tpu.memory_space<hbm>> -> memref<16384x1024xf32, #tpu.memory_space<hbm>>
        tpu.wait_indirect_dma semaphore(%arg22 : memref<!tpu.dma_semaphore, #tpu.memory_space<semaphore_mem>>) src(%arg15 : memref<16x1024xf32, #tpu.memory_space<vmem>>) dst(%dma_wait3A_532 : memref<16384x1024xf32, #tpu.memory_space<hbm>>)
        %dma_start3A_533 = arith.constant 14 : i32
        %dma_start3A_534 = arith.constant 0 : i32
        %dma_start3A_535 = tpu.memref_slice %arg12[%dma_start3A_533, %dma_start3A_534] : memref<16x16xi32, #tpu.memory_space<vmem>> -> memref<1x16xi32, #tpu.memory_space<vmem>>
        %dma_start3A_536 = tpu.memref_squeeze %dma_start3A_535 : memref<1x16xi32, #tpu.memory_space<vmem>> -> memref<16xi32, #tpu.memory_space<vmem>>
        %dma_start3A_537 = arith.constant 0 : i32
        %dma_start3A_538 = arith.constant 0 : i32
        %dma_start3A_539 = tpu.memref_slice %arg2[%dma_start3A_537, %dma_start3A_538] : memref<8192x1024xf32, #tpu.memory_space<hbm>> -> memref<8192x1024xf32, #tpu.memory_space<hbm>>
        tpu.enqueue_indirect_dma source(%dma_start3A_539 : memref<8192x1024xf32, #tpu.memory_space<hbm>>) target(%arg14 : memref<16x1024xf32, #tpu.memory_space<vmem>>) offsets(%dma_start3A_536 : memref<16xi32, #tpu.memory_space<vmem>>) semaphore(%arg20 : memref<!tpu.dma_semaphore, #tpu.memory_space<semaphore_mem>>)
        %dma_start3A_540 = arith.constant 14 : i32
        %dma_start3A_541 = arith.constant 0 : i32
        %dma_start3A_542 = tpu.memref_slice %arg12[%dma_start3A_540, %dma_start3A_541] : memref<16x16xi32, #tpu.memory_space<vmem>> -> memref<1x16xi32, #tpu.memory_space<vmem>>
        %dma_start3A_543 = tpu.memref_squeeze %dma_start3A_542 : memref<1x16xi32, #tpu.memory_space<vmem>> -> memref<16xi32, #tpu.memory_space<vmem>>
        %dma_start3A_544 = arith.constant 0 : i32
        %dma_start3A_545 = arith.constant 0 : i32
        %dma_start3A_546 = tpu.memref_slice %arg3[%dma_start3A_544, %dma_start3A_545] : memref<8192x1024xf32, #tpu.memory_space<hbm>> -> memref<8192x1024xf32, #tpu.memory_space<hbm>>
        tpu.enqueue_indirect_dma source(%dma_start3A_546 : memref<8192x1024xf32, #tpu.memory_space<hbm>>) target(%arg15 : memref<16x1024xf32, #tpu.memory_space<vmem>>) offsets(%dma_start3A_543 : memref<16xi32, #tpu.memory_space<vmem>>) semaphore(%arg20 : memref<!tpu.dma_semaphore, #tpu.memory_space<semaphore_mem>>)
      } else {
      }
      %dma_start3A_505 = arith.constant 13 : i32
      %dma_start3A_506 = arith.constant 0 : i32
      %dma_start3A_507 = tpu.memref_slice %arg12[%dma_start3A_505, %dma_start3A_506] : memref<16x16xi32, #tpu.memory_space<vmem>> -> memref<1x16xi32, #tpu.memory_space<vmem>>
      %dma_start3A_508 = tpu.memref_squeeze %dma_start3A_507 : memref<1x16xi32, #tpu.memory_space<vmem>> -> memref<16xi32, #tpu.memory_space<vmem>>
      %dma_start3A_509 = arith.constant 0 : i32
      %dma_start3A_510 = arith.constant 0 : i32
      %dma_start3A_511 = tpu.memref_slice %arg6[%dma_start3A_509, %dma_start3A_510] : memref<16384x1024xf32, #tpu.memory_space<hbm>> -> memref<16384x1024xf32, #tpu.memory_space<hbm>>
      tpu.enqueue_indirect_dma source(%arg16 : memref<16x1024xf32, #tpu.memory_space<vmem>>) target(%dma_start3A_511 : memref<16384x1024xf32, #tpu.memory_space<hbm>>) offsets(%dma_start3A_508 : memref<16xi32, #tpu.memory_space<vmem>>) semaphore(%arg23 : memref<!tpu.dma_semaphore, #tpu.memory_space<semaphore_mem>>)
      %dma_start3A_512 = arith.constant 13 : i32
      %dma_start3A_513 = arith.constant 0 : i32
      %dma_start3A_514 = tpu.memref_slice %arg13[%dma_start3A_512, %dma_start3A_513] : memref<16x16xi32, #tpu.memory_space<vmem>> -> memref<1x16xi32, #tpu.memory_space<vmem>>
      %dma_start3A_515 = tpu.memref_squeeze %dma_start3A_514 : memref<1x16xi32, #tpu.memory_space<vmem>> -> memref<16xi32, #tpu.memory_space<vmem>>
      %dma_start3A_516 = arith.constant 0 : i32
      %dma_start3A_517 = arith.constant 0 : i32
      %dma_start3A_518 = tpu.memref_slice %arg6[%dma_start3A_516, %dma_start3A_517] : memref<16384x1024xf32, #tpu.memory_space<hbm>> -> memref<16384x1024xf32, #tpu.memory_space<hbm>>
      tpu.enqueue_indirect_dma source(%arg17 : memref<16x1024xf32, #tpu.memory_space<vmem>>) target(%dma_start3A_518 : memref<16384x1024xf32, #tpu.memory_space<hbm>>) offsets(%dma_start3A_515 : memref<16xi32, #tpu.memory_space<vmem>>) semaphore(%arg23 : memref<!tpu.dma_semaphore, #tpu.memory_space<semaphore_mem>>)
    } else {
    }
    %gt3A_349 = arith.constant 14 : i32
    %gt3A_350 = arith.cmpi sgt, %shift_right_arithmetic3A_199, %gt3A_349 : i32
    %convert_element_type3A_351 = arith.extui %gt3A_350 : i1 to i32
    %cond3A_352 = arith.constant 0 : i32
    %cond3A_353 = arith.cmpi ne, %convert_element_type3A_351, %cond3A_352 : i32
    scf.if %cond3A_353 {
      %dma_wait3A_486 = arith.constant 14 : i32
      %dma_wait3A_487 = arith.constant 0 : i32
      %dma_wait3A_488 = tpu.memref_slice %arg12[%dma_wait3A_486, %dma_wait3A_487] : memref<16x16xi32, #tpu.memory_space<vmem>> -> memref<1x16xi32, #tpu.memory_space<vmem>>
      %dma_wait3A_489 = tpu.memref_squeeze %dma_wait3A_488 : memref<1x16xi32, #tpu.memory_space<vmem>> -> memref<16xi32, #tpu.memory_space<vmem>>
      %dma_wait3A_490 = arith.constant 0 : i32
      %dma_wait3A_491 = arith.constant 0 : i32
      %dma_wait3A_492 = tpu.memref_slice %arg2[%dma_wait3A_490, %dma_wait3A_491] : memref<8192x1024xf32, #tpu.memory_space<hbm>> -> memref<8192x1024xf32, #tpu.memory_space<hbm>>
      tpu.wait_indirect_dma semaphore(%arg20 : memref<!tpu.dma_semaphore, #tpu.memory_space<semaphore_mem>>) src(%dma_wait3A_492 : memref<8192x1024xf32, #tpu.memory_space<hbm>>) dst(%arg14 : memref<16x1024xf32, #tpu.memory_space<vmem>>)
      %dma_wait3A_493 = arith.constant 14 : i32
      %dma_wait3A_494 = arith.constant 0 : i32
      %dma_wait3A_495 = tpu.memref_slice %arg12[%dma_wait3A_493, %dma_wait3A_494] : memref<16x16xi32, #tpu.memory_space<vmem>> -> memref<1x16xi32, #tpu.memory_space<vmem>>
      %dma_wait3A_496 = tpu.memref_squeeze %dma_wait3A_495 : memref<1x16xi32, #tpu.memory_space<vmem>> -> memref<16xi32, #tpu.memory_space<vmem>>
      %dma_wait3A_497 = arith.constant 0 : i32
      %dma_wait3A_498 = arith.constant 0 : i32
      %dma_wait3A_499 = tpu.memref_slice %arg3[%dma_wait3A_497, %dma_wait3A_498] : memref<8192x1024xf32, #tpu.memory_space<hbm>> -> memref<8192x1024xf32, #tpu.memory_space<hbm>>
      tpu.wait_indirect_dma semaphore(%arg20 : memref<!tpu.dma_semaphore, #tpu.memory_space<semaphore_mem>>) src(%dma_wait3A_499 : memref<8192x1024xf32, #tpu.memory_space<hbm>>) dst(%arg15 : memref<16x1024xf32, #tpu.memory_space<vmem>>)
      %gt3A_500 = arith.constant 15 : i32
      %gt3A_501 = arith.cmpi sgt, %shift_right_arithmetic3A_199, %gt3A_500 : i32
      %convert_element_type3A_502 = arith.extui %gt3A_501 : i1 to i32
      %cond3A_503 = arith.constant 0 : i32
      %cond3A_504 = arith.cmpi ne, %convert_element_type3A_502, %cond3A_503 : i32
      scf.if %cond3A_504 {
        %dma_wait3A_519 = arith.constant 13 : i32
        %dma_wait3A_520 = arith.constant 0 : i32
        %dma_wait3A_521 = tpu.memref_slice %arg12[%dma_wait3A_519, %dma_wait3A_520] : memref<16x16xi32, #tpu.memory_space<vmem>> -> memref<1x16xi32, #tpu.memory_space<vmem>>
        %dma_wait3A_522 = tpu.memref_squeeze %dma_wait3A_521 : memref<1x16xi32, #tpu.memory_space<vmem>> -> memref<16xi32, #tpu.memory_space<vmem>>
        %dma_wait3A_523 = arith.constant 0 : i32
        %dma_wait3A_524 = arith.constant 0 : i32
        %dma_wait3A_525 = tpu.memref_slice %arg6[%dma_wait3A_523, %dma_wait3A_524] : memref<16384x1024xf32, #tpu.memory_space<hbm>> -> memref<16384x1024xf32, #tpu.memory_space<hbm>>
        tpu.wait_indirect_dma semaphore(%arg23 : memref<!tpu.dma_semaphore, #tpu.memory_space<semaphore_mem>>) src(%arg16 : memref<16x1024xf32, #tpu.memory_space<vmem>>) dst(%dma_wait3A_525 : memref<16384x1024xf32, #tpu.memory_space<hbm>>)
        %dma_wait3A_526 = arith.constant 13 : i32
        %dma_wait3A_527 = arith.constant 0 : i32
        %dma_wait3A_528 = tpu.memref_slice %arg13[%dma_wait3A_526, %dma_wait3A_527] : memref<16x16xi32, #tpu.memory_space<vmem>> -> memref<1x16xi32, #tpu.memory_space<vmem>>
        %dma_wait3A_529 = tpu.memref_squeeze %dma_wait3A_528 : memref<1x16xi32, #tpu.memory_space<vmem>> -> memref<16xi32, #tpu.memory_space<vmem>>
        %dma_wait3A_530 = arith.constant 0 : i32
        %dma_wait3A_531 = arith.constant 0 : i32
        %dma_wait3A_532 = tpu.memref_slice %arg6[%dma_wait3A_530, %dma_wait3A_531] : memref<16384x1024xf32, #tpu.memory_space<hbm>> -> memref<16384x1024xf32, #tpu.memory_space<hbm>>
        tpu.wait_indirect_dma semaphore(%arg23 : memref<!tpu.dma_semaphore, #tpu.memory_space<semaphore_mem>>) src(%arg17 : memref<16x1024xf32, #tpu.memory_space<vmem>>) dst(%dma_wait3A_532 : memref<16384x1024xf32, #tpu.memory_space<hbm>>)
        %dma_start3A_533 = arith.constant 15 : i32
        %dma_start3A_534 = arith.constant 0 : i32
        %dma_start3A_535 = tpu.memref_slice %arg12[%dma_start3A_533, %dma_start3A_534] : memref<16x16xi32, #tpu.memory_space<vmem>> -> memref<1x16xi32, #tpu.memory_space<vmem>>
        %dma_start3A_536 = tpu.memref_squeeze %dma_start3A_535 : memref<1x16xi32, #tpu.memory_space<vmem>> -> memref<16xi32, #tpu.memory_space<vmem>>
        %dma_start3A_537 = arith.constant 0 : i32
        %dma_start3A_538 = arith.constant 0 : i32
        %dma_start3A_539 = tpu.memref_slice %arg2[%dma_start3A_537, %dma_start3A_538] : memref<8192x1024xf32, #tpu.memory_space<hbm>> -> memref<8192x1024xf32, #tpu.memory_space<hbm>>
        tpu.enqueue_indirect_dma source(%dma_start3A_539 : memref<8192x1024xf32, #tpu.memory_space<hbm>>) target(%arg16 : memref<16x1024xf32, #tpu.memory_space<vmem>>) offsets(%dma_start3A_536 : memref<16xi32, #tpu.memory_space<vmem>>) semaphore(%arg21 : memref<!tpu.dma_semaphore, #tpu.memory_space<semaphore_mem>>)
        %dma_start3A_540 = arith.constant 15 : i32
        %dma_start3A_541 = arith.constant 0 : i32
        %dma_start3A_542 = tpu.memref_slice %arg12[%dma_start3A_540, %dma_start3A_541] : memref<16x16xi32, #tpu.memory_space<vmem>> -> memref<1x16xi32, #tpu.memory_space<vmem>>
        %dma_start3A_543 = tpu.memref_squeeze %dma_start3A_542 : memref<1x16xi32, #tpu.memory_space<vmem>> -> memref<16xi32, #tpu.memory_space<vmem>>
        %dma_start3A_544 = arith.constant 0 : i32
        %dma_start3A_545 = arith.constant 0 : i32
        %dma_start3A_546 = tpu.memref_slice %arg3[%dma_start3A_544, %dma_start3A_545] : memref<8192x1024xf32, #tpu.memory_space<hbm>> -> memref<8192x1024xf32, #tpu.memory_space<hbm>>
        tpu.enqueue_indirect_dma source(%dma_start3A_546 : memref<8192x1024xf32, #tpu.memory_space<hbm>>) target(%arg17 : memref<16x1024xf32, #tpu.memory_space<vmem>>) offsets(%dma_start3A_543 : memref<16xi32, #tpu.memory_space<vmem>>) semaphore(%arg21 : memref<!tpu.dma_semaphore, #tpu.memory_space<semaphore_mem>>)
      } else {
      }
      %dma_start3A_505 = arith.constant 14 : i32
      %dma_start3A_506 = arith.constant 0 : i32
      %dma_start3A_507 = tpu.memref_slice %arg12[%dma_start3A_505, %dma_start3A_506] : memref<16x16xi32, #tpu.memory_space<vmem>> -> memref<1x16xi32, #tpu.memory_space<vmem>>
      %dma_start3A_508 = tpu.memref_squeeze %dma_start3A_507 : memref<1x16xi32, #tpu.memory_space<vmem>> -> memref<16xi32, #tpu.memory_space<vmem>>
      %dma_start3A_509 = arith.constant 0 : i32
      %dma_start3A_510 = arith.constant 0 : i32
      %dma_start3A_511 = tpu.memref_slice %arg6[%dma_start3A_509, %dma_start3A_510] : memref<16384x1024xf32, #tpu.memory_space<hbm>> -> memref<16384x1024xf32, #tpu.memory_space<hbm>>
      tpu.enqueue_indirect_dma source(%arg14 : memref<16x1024xf32, #tpu.memory_space<vmem>>) target(%dma_start3A_511 : memref<16384x1024xf32, #tpu.memory_space<hbm>>) offsets(%dma_start3A_508 : memref<16xi32, #tpu.memory_space<vmem>>) semaphore(%arg22 : memref<!tpu.dma_semaphore, #tpu.memory_space<semaphore_mem>>)
      %dma_start3A_512 = arith.constant 14 : i32
      %dma_start3A_513 = arith.constant 0 : i32
      %dma_start3A_514 = tpu.memref_slice %arg13[%dma_start3A_512, %dma_start3A_513] : memref<16x16xi32, #tpu.memory_space<vmem>> -> memref<1x16xi32, #tpu.memory_space<vmem>>
      %dma_start3A_515 = tpu.memref_squeeze %dma_start3A_514 : memref<1x16xi32, #tpu.memory_space<vmem>> -> memref<16xi32, #tpu.memory_space<vmem>>
      %dma_start3A_516 = arith.constant 0 : i32
      %dma_start3A_517 = arith.constant 0 : i32
      %dma_start3A_518 = tpu.memref_slice %arg6[%dma_start3A_516, %dma_start3A_517] : memref<16384x1024xf32, #tpu.memory_space<hbm>> -> memref<16384x1024xf32, #tpu.memory_space<hbm>>
      tpu.enqueue_indirect_dma source(%arg15 : memref<16x1024xf32, #tpu.memory_space<vmem>>) target(%dma_start3A_518 : memref<16384x1024xf32, #tpu.memory_space<hbm>>) offsets(%dma_start3A_515 : memref<16xi32, #tpu.memory_space<vmem>>) semaphore(%arg22 : memref<!tpu.dma_semaphore, #tpu.memory_space<semaphore_mem>>)
    } else {
    }
    %gt3A_354 = arith.constant 15 : i32
    %gt3A_355 = arith.cmpi sgt, %shift_right_arithmetic3A_199, %gt3A_354 : i32
    %convert_element_type3A_356 = arith.extui %gt3A_355 : i1 to i32
    %cond3A_357 = arith.constant 0 : i32
    %cond3A_358 = arith.cmpi ne, %convert_element_type3A_356, %cond3A_357 : i32
    scf.if %cond3A_358 {
      %dma_wait3A_486 = arith.constant 15 : i32
      %dma_wait3A_487 = arith.constant 0 : i32
      %dma_wait3A_488 = tpu.memref_slice %arg12[%dma_wait3A_486, %dma_wait3A_487] : memref<16x16xi32, #tpu.memory_space<vmem>> -> memref<1x16xi32, #tpu.memory_space<vmem>>
      %dma_wait3A_489 = tpu.memref_squeeze %dma_wait3A_488 : memref<1x16xi32, #tpu.memory_space<vmem>> -> memref<16xi32, #tpu.memory_space<vmem>>
      %dma_wait3A_490 = arith.constant 0 : i32
      %dma_wait3A_491 = arith.constant 0 : i32
      %dma_wait3A_492 = tpu.memref_slice %arg2[%dma_wait3A_490, %dma_wait3A_491] : memref<8192x1024xf32, #tpu.memory_space<hbm>> -> memref<8192x1024xf32, #tpu.memory_space<hbm>>
      tpu.wait_indirect_dma semaphore(%arg21 : memref<!tpu.dma_semaphore, #tpu.memory_space<semaphore_mem>>) src(%dma_wait3A_492 : memref<8192x1024xf32, #tpu.memory_space<hbm>>) dst(%arg16 : memref<16x1024xf32, #tpu.memory_space<vmem>>)
      %dma_wait3A_493 = arith.constant 15 : i32
      %dma_wait3A_494 = arith.constant 0 : i32
      %dma_wait3A_495 = tpu.memref_slice %arg12[%dma_wait3A_493, %dma_wait3A_494] : memref<16x16xi32, #tpu.memory_space<vmem>> -> memref<1x16xi32, #tpu.memory_space<vmem>>
      %dma_wait3A_496 = tpu.memref_squeeze %dma_wait3A_495 : memref<1x16xi32, #tpu.memory_space<vmem>> -> memref<16xi32, #tpu.memory_space<vmem>>
      %dma_wait3A_497 = arith.constant 0 : i32
      %dma_wait3A_498 = arith.constant 0 : i32
      %dma_wait3A_499 = tpu.memref_slice %arg3[%dma_wait3A_497, %dma_wait3A_498] : memref<8192x1024xf32, #tpu.memory_space<hbm>> -> memref<8192x1024xf32, #tpu.memory_space<hbm>>
      tpu.wait_indirect_dma semaphore(%arg21 : memref<!tpu.dma_semaphore, #tpu.memory_space<semaphore_mem>>) src(%dma_wait3A_499 : memref<8192x1024xf32, #tpu.memory_space<hbm>>) dst(%arg17 : memref<16x1024xf32, #tpu.memory_space<vmem>>)
      %dma_start3A_500 = arith.constant 15 : i32
      %dma_start3A_501 = arith.constant 0 : i32
      %dma_start3A_502 = tpu.memref_slice %arg12[%dma_start3A_500, %dma_start3A_501] : memref<16x16xi32, #tpu.memory_space<vmem>> -> memref<1x16xi32, #tpu.memory_space<vmem>>
      %dma_start3A_503 = tpu.memref_squeeze %dma_start3A_502 : memref<1x16xi32, #tpu.memory_space<vmem>> -> memref<16xi32, #tpu.memory_space<vmem>>
      %dma_start3A_504 = arith.constant 0 : i32
      %dma_start3A_505 = arith.constant 0 : i32
      %dma_start3A_506 = tpu.memref_slice %arg6[%dma_start3A_504, %dma_start3A_505] : memref<16384x1024xf32, #tpu.memory_space<hbm>> -> memref<16384x1024xf32, #tpu.memory_space<hbm>>
      tpu.enqueue_indirect_dma source(%arg16 : memref<16x1024xf32, #tpu.memory_space<vmem>>) target(%dma_start3A_506 : memref<16384x1024xf32, #tpu.memory_space<hbm>>) offsets(%dma_start3A_503 : memref<16xi32, #tpu.memory_space<vmem>>) semaphore(%arg23 : memref<!tpu.dma_semaphore, #tpu.memory_space<semaphore_mem>>)
      %dma_start3A_507 = arith.constant 15 : i32
      %dma_start3A_508 = arith.constant 0 : i32
      %dma_start3A_509 = tpu.memref_slice %arg13[%dma_start3A_507, %dma_start3A_508] : memref<16x16xi32, #tpu.memory_space<vmem>> -> memref<1x16xi32, #tpu.memory_space<vmem>>
      %dma_start3A_510 = tpu.memref_squeeze %dma_start3A_509 : memref<1x16xi32, #tpu.memory_space<vmem>> -> memref<16xi32, #tpu.memory_space<vmem>>
      %dma_start3A_511 = arith.constant 0 : i32
      %dma_start3A_512 = arith.constant 0 : i32
      %dma_start3A_513 = tpu.memref_slice %arg6[%dma_start3A_511, %dma_start3A_512] : memref<16384x1024xf32, #tpu.memory_space<hbm>> -> memref<16384x1024xf32, #tpu.memory_space<hbm>>
      tpu.enqueue_indirect_dma source(%arg17 : memref<16x1024xf32, #tpu.memory_space<vmem>>) target(%dma_start3A_513 : memref<16384x1024xf32, #tpu.memory_space<hbm>>) offsets(%dma_start3A_510 : memref<16xi32, #tpu.memory_space<vmem>>) semaphore(%arg23 : memref<!tpu.dma_semaphore, #tpu.memory_space<semaphore_mem>>)
    } else {
    }
    %gt3A_359 = arith.constant 0 : i32
    %gt3A_360 = arith.cmpi sgt, %shift_right_arithmetic3A_199, %gt3A_359 : i32
    %le3A = arith.constant 2 : i32
    %le3A_361 = arith.cmpi sle, %shift_right_arithmetic3A_199, %le3A : i32
    %and3A_362 = arith.andi %gt3A_360, %le3A_361 : i1
    %convert_element_type3A_363 = arith.extui %and3A_362 : i1 to i32
    %cond3A_364 = arith.constant 0 : i32
    %cond3A_365 = arith.cmpi ne, %convert_element_type3A_363, %cond3A_364 : i32
    scf.if %cond3A_365 {
      %dma_wait3A_486 = arith.constant 0 : i32
      %dma_wait3A_487 = arith.constant 0 : i32
      %dma_wait3A_488 = tpu.memref_slice %arg12[%dma_wait3A_486, %dma_wait3A_487] : memref<16x16xi32, #tpu.memory_space<vmem>> -> memref<1x16xi32, #tpu.memory_space<vmem>>
      %dma_wait3A_489 = tpu.memref_squeeze %dma_wait3A_488 : memref<1x16xi32, #tpu.memory_space<vmem>> -> memref<16xi32, #tpu.memory_space<vmem>>
      %dma_wait3A_490 = arith.constant 0 : i32
      %dma_wait3A_491 = arith.constant 0 : i32
      %dma_wait3A_492 = tpu.memref_slice %arg6[%dma_wait3A_490, %dma_wait3A_491] : memref<16384x1024xf32, #tpu.memory_space<hbm>> -> memref<16384x1024xf32, #tpu.memory_space<hbm>>
      tpu.wait_indirect_dma semaphore(%arg22 : memref<!tpu.dma_semaphore, #tpu.memory_space<semaphore_mem>>) src(%arg14 : memref<16x1024xf32, #tpu.memory_space<vmem>>) dst(%dma_wait3A_492 : memref<16384x1024xf32, #tpu.memory_space<hbm>>)
      %dma_wait3A_493 = arith.constant 0 : i32
      %dma_wait3A_494 = arith.constant 0 : i32
      %dma_wait3A_495 = tpu.memref_slice %arg13[%dma_wait3A_493, %dma_wait3A_494] : memref<16x16xi32, #tpu.memory_space<vmem>> -> memref<1x16xi32, #tpu.memory_space<vmem>>
      %dma_wait3A_496 = tpu.memref_squeeze %dma_wait3A_495 : memref<1x16xi32, #tpu.memory_space<vmem>> -> memref<16xi32, #tpu.memory_space<vmem>>
      %dma_wait3A_497 = arith.constant 0 : i32
      %dma_wait3A_498 = arith.constant 0 : i32
      %dma_wait3A_499 = tpu.memref_slice %arg6[%dma_wait3A_497, %dma_wait3A_498] : memref<16384x1024xf32, #tpu.memory_space<hbm>> -> memref<16384x1024xf32, #tpu.memory_space<hbm>>
      tpu.wait_indirect_dma semaphore(%arg22 : memref<!tpu.dma_semaphore, #tpu.memory_space<semaphore_mem>>) src(%arg15 : memref<16x1024xf32, #tpu.memory_space<vmem>>) dst(%dma_wait3A_499 : memref<16384x1024xf32, #tpu.memory_space<hbm>>)
    } else {
    }
    %gt3A_366 = arith.constant 1 : i32
    %gt3A_367 = arith.cmpi sgt, %shift_right_arithmetic3A_199, %gt3A_366 : i32
    %le3A_368 = arith.constant 3 : i32
    %le3A_369 = arith.cmpi sle, %shift_right_arithmetic3A_199, %le3A_368 : i32
    %and3A_370 = arith.andi %gt3A_367, %le3A_369 : i1
    %convert_element_type3A_371 = arith.extui %and3A_370 : i1 to i32
    %cond3A_372 = arith.constant 0 : i32
    %cond3A_373 = arith.cmpi ne, %convert_element_type3A_371, %cond3A_372 : i32
    scf.if %cond3A_373 {
      %dma_wait3A_486 = arith.constant 1 : i32
      %dma_wait3A_487 = arith.constant 0 : i32
      %dma_wait3A_488 = tpu.memref_slice %arg12[%dma_wait3A_486, %dma_wait3A_487] : memref<16x16xi32, #tpu.memory_space<vmem>> -> memref<1x16xi32, #tpu.memory_space<vmem>>
      %dma_wait3A_489 = tpu.memref_squeeze %dma_wait3A_488 : memref<1x16xi32, #tpu.memory_space<vmem>> -> memref<16xi32, #tpu.memory_space<vmem>>
      %dma_wait3A_490 = arith.constant 0 : i32
      %dma_wait3A_491 = arith.constant 0 : i32
      %dma_wait3A_492 = tpu.memref_slice %arg6[%dma_wait3A_490, %dma_wait3A_491] : memref<16384x1024xf32, #tpu.memory_space<hbm>> -> memref<16384x1024xf32, #tpu.memory_space<hbm>>
      tpu.wait_indirect_dma semaphore(%arg23 : memref<!tpu.dma_semaphore, #tpu.memory_space<semaphore_mem>>) src(%arg16 : memref<16x1024xf32, #tpu.memory_space<vmem>>) dst(%dma_wait3A_492 : memref<16384x1024xf32, #tpu.memory_space<hbm>>)
      %dma_wait3A_493 = arith.constant 1 : i32
      %dma_wait3A_494 = arith.constant 0 : i32
      %dma_wait3A_495 = tpu.memref_slice %arg13[%dma_wait3A_493, %dma_wait3A_494] : memref<16x16xi32, #tpu.memory_space<vmem>> -> memref<1x16xi32, #tpu.memory_space<vmem>>
      %dma_wait3A_496 = tpu.memref_squeeze %dma_wait3A_495 : memref<1x16xi32, #tpu.memory_space<vmem>> -> memref<16xi32, #tpu.memory_space<vmem>>
      %dma_wait3A_497 = arith.constant 0 : i32
      %dma_wait3A_498 = arith.constant 0 : i32
      %dma_wait3A_499 = tpu.memref_slice %arg6[%dma_wait3A_497, %dma_wait3A_498] : memref<16384x1024xf32, #tpu.memory_space<hbm>> -> memref<16384x1024xf32, #tpu.memory_space<hbm>>
      tpu.wait_indirect_dma semaphore(%arg23 : memref<!tpu.dma_semaphore, #tpu.memory_space<semaphore_mem>>) src(%arg17 : memref<16x1024xf32, #tpu.memory_space<vmem>>) dst(%dma_wait3A_499 : memref<16384x1024xf32, #tpu.memory_space<hbm>>)
    } else {
    }
    %gt3A_374 = arith.constant 2 : i32
    %gt3A_375 = arith.cmpi sgt, %shift_right_arithmetic3A_199, %gt3A_374 : i32
    %le3A_376 = arith.constant 4 : i32
    %le3A_377 = arith.cmpi sle, %shift_right_arithmetic3A_199, %le3A_376 : i32
    %and3A_378 = arith.andi %gt3A_375, %le3A_377 : i1
    %convert_element_type3A_379 = arith.extui %and3A_378 : i1 to i32
    %cond3A_380 = arith.constant 0 : i32
    %cond3A_381 = arith.cmpi ne, %convert_element_type3A_379, %cond3A_380 : i32
    scf.if %cond3A_381 {
      %dma_wait3A_486 = arith.constant 2 : i32
      %dma_wait3A_487 = arith.constant 0 : i32
      %dma_wait3A_488 = tpu.memref_slice %arg12[%dma_wait3A_486, %dma_wait3A_487] : memref<16x16xi32, #tpu.memory_space<vmem>> -> memref<1x16xi32, #tpu.memory_space<vmem>>
      %dma_wait3A_489 = tpu.memref_squeeze %dma_wait3A_488 : memref<1x16xi32, #tpu.memory_space<vmem>> -> memref<16xi32, #tpu.memory_space<vmem>>
      %dma_wait3A_490 = arith.constant 0 : i32
      %dma_wait3A_491 = arith.constant 0 : i32
      %dma_wait3A_492 = tpu.memref_slice %arg6[%dma_wait3A_490, %dma_wait3A_491] : memref<16384x1024xf32, #tpu.memory_space<hbm>> -> memref<16384x1024xf32, #tpu.memory_space<hbm>>
      tpu.wait_indirect_dma semaphore(%arg22 : memref<!tpu.dma_semaphore, #tpu.memory_space<semaphore_mem>>) src(%arg14 : memref<16x1024xf32, #tpu.memory_space<vmem>>) dst(%dma_wait3A_492 : memref<16384x1024xf32, #tpu.memory_space<hbm>>)
      %dma_wait3A_493 = arith.constant 2 : i32
      %dma_wait3A_494 = arith.constant 0 : i32
      %dma_wait3A_495 = tpu.memref_slice %arg13[%dma_wait3A_493, %dma_wait3A_494] : memref<16x16xi32, #tpu.memory_space<vmem>> -> memref<1x16xi32, #tpu.memory_space<vmem>>
      %dma_wait3A_496 = tpu.memref_squeeze %dma_wait3A_495 : memref<1x16xi32, #tpu.memory_space<vmem>> -> memref<16xi32, #tpu.memory_space<vmem>>
      %dma_wait3A_497 = arith.constant 0 : i32
      %dma_wait3A_498 = arith.constant 0 : i32
      %dma_wait3A_499 = tpu.memref_slice %arg6[%dma_wait3A_497, %dma_wait3A_498] : memref<16384x1024xf32, #tpu.memory_space<hbm>> -> memref<16384x1024xf32, #tpu.memory_space<hbm>>
      tpu.wait_indirect_dma semaphore(%arg22 : memref<!tpu.dma_semaphore, #tpu.memory_space<semaphore_mem>>) src(%arg15 : memref<16x1024xf32, #tpu.memory_space<vmem>>) dst(%dma_wait3A_499 : memref<16384x1024xf32, #tpu.memory_space<hbm>>)
    } else {
    }
    %gt3A_382 = arith.constant 3 : i32
    %gt3A_383 = arith.cmpi sgt, %shift_right_arithmetic3A_199, %gt3A_382 : i32
    %le3A_384 = arith.constant 5 : i32
    %le3A_385 = arith.cmpi sle, %shift_right_arithmetic3A_199, %le3A_384 : i32
    %and3A_386 = arith.andi %gt3A_383, %le3A_385 : i1
    %convert_element_type3A_387 = arith.extui %and3A_386 : i1 to i32
    %cond3A_388 = arith.constant 0 : i32
    %cond3A_389 = arith.cmpi ne, %convert_element_type3A_387, %cond3A_388 : i32
    scf.if %cond3A_389 {
      %dma_wait3A_486 = arith.constant 3 : i32
      %dma_wait3A_487 = arith.constant 0 : i32
      %dma_wait3A_488 = tpu.memref_slice %arg12[%dma_wait3A_486, %dma_wait3A_487] : memref<16x16xi32, #tpu.memory_space<vmem>> -> memref<1x16xi32, #tpu.memory_space<vmem>>
      %dma_wait3A_489 = tpu.memref_squeeze %dma_wait3A_488 : memref<1x16xi32, #tpu.memory_space<vmem>> -> memref<16xi32, #tpu.memory_space<vmem>>
      %dma_wait3A_490 = arith.constant 0 : i32
      %dma_wait3A_491 = arith.constant 0 : i32
      %dma_wait3A_492 = tpu.memref_slice %arg6[%dma_wait3A_490, %dma_wait3A_491] : memref<16384x1024xf32, #tpu.memory_space<hbm>> -> memref<16384x1024xf32, #tpu.memory_space<hbm>>
      tpu.wait_indirect_dma semaphore(%arg23 : memref<!tpu.dma_semaphore, #tpu.memory_space<semaphore_mem>>) src(%arg16 : memref<16x1024xf32, #tpu.memory_space<vmem>>) dst(%dma_wait3A_492 : memref<16384x1024xf32, #tpu.memory_space<hbm>>)
      %dma_wait3A_493 = arith.constant 3 : i32
      %dma_wait3A_494 = arith.constant 0 : i32
      %dma_wait3A_495 = tpu.memref_slice %arg13[%dma_wait3A_493, %dma_wait3A_494] : memref<16x16xi32, #tpu.memory_space<vmem>> -> memref<1x16xi32, #tpu.memory_space<vmem>>
      %dma_wait3A_496 = tpu.memref_squeeze %dma_wait3A_495 : memref<1x16xi32, #tpu.memory_space<vmem>> -> memref<16xi32, #tpu.memory_space<vmem>>
      %dma_wait3A_497 = arith.constant 0 : i32
      %dma_wait3A_498 = arith.constant 0 : i32
      %dma_wait3A_499 = tpu.memref_slice %arg6[%dma_wait3A_497, %dma_wait3A_498] : memref<16384x1024xf32, #tpu.memory_space<hbm>> -> memref<16384x1024xf32, #tpu.memory_space<hbm>>
      tpu.wait_indirect_dma semaphore(%arg23 : memref<!tpu.dma_semaphore, #tpu.memory_space<semaphore_mem>>) src(%arg17 : memref<16x1024xf32, #tpu.memory_space<vmem>>) dst(%dma_wait3A_499 : memref<16384x1024xf32, #tpu.memory_space<hbm>>)
    } else {
    }
    %gt3A_390 = arith.constant 4 : i32
    %gt3A_391 = arith.cmpi sgt, %shift_right_arithmetic3A_199, %gt3A_390 : i32
    %le3A_392 = arith.constant 6 : i32
    %le3A_393 = arith.cmpi sle, %shift_right_arithmetic3A_199, %le3A_392 : i32
    %and3A_394 = arith.andi %gt3A_391, %le3A_393 : i1
    %convert_element_type3A_395 = arith.extui %and3A_394 : i1 to i32
    %cond3A_396 = arith.constant 0 : i32
    %cond3A_397 = arith.cmpi ne, %convert_element_type3A_395, %cond3A_396 : i32
    scf.if %cond3A_397 {
      %dma_wait3A_486 = arith.constant 4 : i32
      %dma_wait3A_487 = arith.constant 0 : i32
      %dma_wait3A_488 = tpu.memref_slice %arg12[%dma_wait3A_486, %dma_wait3A_487] : memref<16x16xi32, #tpu.memory_space<vmem>> -> memref<1x16xi32, #tpu.memory_space<vmem>>
      %dma_wait3A_489 = tpu.memref_squeeze %dma_wait3A_488 : memref<1x16xi32, #tpu.memory_space<vmem>> -> memref<16xi32, #tpu.memory_space<vmem>>
      %dma_wait3A_490 = arith.constant 0 : i32
      %dma_wait3A_491 = arith.constant 0 : i32
      %dma_wait3A_492 = tpu.memref_slice %arg6[%dma_wait3A_490, %dma_wait3A_491] : memref<16384x1024xf32, #tpu.memory_space<hbm>> -> memref<16384x1024xf32, #tpu.memory_space<hbm>>
      tpu.wait_indirect_dma semaphore(%arg22 : memref<!tpu.dma_semaphore, #tpu.memory_space<semaphore_mem>>) src(%arg14 : memref<16x1024xf32, #tpu.memory_space<vmem>>) dst(%dma_wait3A_492 : memref<16384x1024xf32, #tpu.memory_space<hbm>>)
      %dma_wait3A_493 = arith.constant 4 : i32
      %dma_wait3A_494 = arith.constant 0 : i32
      %dma_wait3A_495 = tpu.memref_slice %arg13[%dma_wait3A_493, %dma_wait3A_494] : memref<16x16xi32, #tpu.memory_space<vmem>> -> memref<1x16xi32, #tpu.memory_space<vmem>>
      %dma_wait3A_496 = tpu.memref_squeeze %dma_wait3A_495 : memref<1x16xi32, #tpu.memory_space<vmem>> -> memref<16xi32, #tpu.memory_space<vmem>>
      %dma_wait3A_497 = arith.constant 0 : i32
      %dma_wait3A_498 = arith.constant 0 : i32
      %dma_wait3A_499 = tpu.memref_slice %arg6[%dma_wait3A_497, %dma_wait3A_498] : memref<16384x1024xf32, #tpu.memory_space<hbm>> -> memref<16384x1024xf32, #tpu.memory_space<hbm>>
      tpu.wait_indirect_dma semaphore(%arg22 : memref<!tpu.dma_semaphore, #tpu.memory_space<semaphore_mem>>) src(%arg15 : memref<16x1024xf32, #tpu.memory_space<vmem>>) dst(%dma_wait3A_499 : memref<16384x1024xf32, #tpu.memory_space<hbm>>)
    } else {
    }
    %gt3A_398 = arith.constant 5 : i32
    %gt3A_399 = arith.cmpi sgt, %shift_right_arithmetic3A_199, %gt3A_398 : i32
    %le3A_400 = arith.constant 7 : i32
    %le3A_401 = arith.cmpi sle, %shift_right_arithmetic3A_199, %le3A_400 : i32
    %and3A_402 = arith.andi %gt3A_399, %le3A_401 : i1
    %convert_element_type3A_403 = arith.extui %and3A_402 : i1 to i32
    %cond3A_404 = arith.constant 0 : i32
    %cond3A_405 = arith.cmpi ne, %convert_element_type3A_403, %cond3A_404 : i32
    scf.if %cond3A_405 {
      %dma_wait3A_486 = arith.constant 5 : i32
      %dma_wait3A_487 = arith.constant 0 : i32
      %dma_wait3A_488 = tpu.memref_slice %arg12[%dma_wait3A_486, %dma_wait3A_487] : memref<16x16xi32, #tpu.memory_space<vmem>> -> memref<1x16xi32, #tpu.memory_space<vmem>>
      %dma_wait3A_489 = tpu.memref_squeeze %dma_wait3A_488 : memref<1x16xi32, #tpu.memory_space<vmem>> -> memref<16xi32, #tpu.memory_space<vmem>>
      %dma_wait3A_490 = arith.constant 0 : i32
      %dma_wait3A_491 = arith.constant 0 : i32
      %dma_wait3A_492 = tpu.memref_slice %arg6[%dma_wait3A_490, %dma_wait3A_491] : memref<16384x1024xf32, #tpu.memory_space<hbm>> -> memref<16384x1024xf32, #tpu.memory_space<hbm>>
      tpu.wait_indirect_dma semaphore(%arg23 : memref<!tpu.dma_semaphore, #tpu.memory_space<semaphore_mem>>) src(%arg16 : memref<16x1024xf32, #tpu.memory_space<vmem>>) dst(%dma_wait3A_492 : memref<16384x1024xf32, #tpu.memory_space<hbm>>)
      %dma_wait3A_493 = arith.constant 5 : i32
      %dma_wait3A_494 = arith.constant 0 : i32
      %dma_wait3A_495 = tpu.memref_slice %arg13[%dma_wait3A_493, %dma_wait3A_494] : memref<16x16xi32, #tpu.memory_space<vmem>> -> memref<1x16xi32, #tpu.memory_space<vmem>>
      %dma_wait3A_496 = tpu.memref_squeeze %dma_wait3A_495 : memref<1x16xi32, #tpu.memory_space<vmem>> -> memref<16xi32, #tpu.memory_space<vmem>>
      %dma_wait3A_497 = arith.constant 0 : i32
      %dma_wait3A_498 = arith.constant 0 : i32
      %dma_wait3A_499 = tpu.memref_slice %arg6[%dma_wait3A_497, %dma_wait3A_498] : memref<16384x1024xf32, #tpu.memory_space<hbm>> -> memref<16384x1024xf32, #tpu.memory_space<hbm>>
      tpu.wait_indirect_dma semaphore(%arg23 : memref<!tpu.dma_semaphore, #tpu.memory_space<semaphore_mem>>) src(%arg17 : memref<16x1024xf32, #tpu.memory_space<vmem>>) dst(%dma_wait3A_499 : memref<16384x1024xf32, #tpu.memory_space<hbm>>)
    } else {
    }
    %gt3A_406 = arith.constant 6 : i32
    %gt3A_407 = arith.cmpi sgt, %shift_right_arithmetic3A_199, %gt3A_406 : i32
    %le3A_408 = arith.constant 8 : i32
    %le3A_409 = arith.cmpi sle, %shift_right_arithmetic3A_199, %le3A_408 : i32
    %and3A_410 = arith.andi %gt3A_407, %le3A_409 : i1
    %convert_element_type3A_411 = arith.extui %and3A_410 : i1 to i32
    %cond3A_412 = arith.constant 0 : i32
    %cond3A_413 = arith.cmpi ne, %convert_element_type3A_411, %cond3A_412 : i32
    scf.if %cond3A_413 {
      %dma_wait3A_486 = arith.constant 6 : i32
      %dma_wait3A_487 = arith.constant 0 : i32
      %dma_wait3A_488 = tpu.memref_slice %arg12[%dma_wait3A_486, %dma_wait3A_487] : memref<16x16xi32, #tpu.memory_space<vmem>> -> memref<1x16xi32, #tpu.memory_space<vmem>>
      %dma_wait3A_489 = tpu.memref_squeeze %dma_wait3A_488 : memref<1x16xi32, #tpu.memory_space<vmem>> -> memref<16xi32, #tpu.memory_space<vmem>>
      %dma_wait3A_490 = arith.constant 0 : i32
      %dma_wait3A_491 = arith.constant 0 : i32
      %dma_wait3A_492 = tpu.memref_slice %arg6[%dma_wait3A_490, %dma_wait3A_491] : memref<16384x1024xf32, #tpu.memory_space<hbm>> -> memref<16384x1024xf32, #tpu.memory_space<hbm>>
      tpu.wait_indirect_dma semaphore(%arg22 : memref<!tpu.dma_semaphore, #tpu.memory_space<semaphore_mem>>) src(%arg14 : memref<16x1024xf32, #tpu.memory_space<vmem>>) dst(%dma_wait3A_492 : memref<16384x1024xf32, #tpu.memory_space<hbm>>)
      %dma_wait3A_493 = arith.constant 6 : i32
      %dma_wait3A_494 = arith.constant 0 : i32
      %dma_wait3A_495 = tpu.memref_slice %arg13[%dma_wait3A_493, %dma_wait3A_494] : memref<16x16xi32, #tpu.memory_space<vmem>> -> memref<1x16xi32, #tpu.memory_space<vmem>>
      %dma_wait3A_496 = tpu.memref_squeeze %dma_wait3A_495 : memref<1x16xi32, #tpu.memory_space<vmem>> -> memref<16xi32, #tpu.memory_space<vmem>>
      %dma_wait3A_497 = arith.constant 0 : i32
      %dma_wait3A_498 = arith.constant 0 : i32
      %dma_wait3A_499 = tpu.memref_slice %arg6[%dma_wait3A_497, %dma_wait3A_498] : memref<16384x1024xf32, #tpu.memory_space<hbm>> -> memref<16384x1024xf32, #tpu.memory_space<hbm>>
      tpu.wait_indirect_dma semaphore(%arg22 : memref<!tpu.dma_semaphore, #tpu.memory_space<semaphore_mem>>) src(%arg15 : memref<16x1024xf32, #tpu.memory_space<vmem>>) dst(%dma_wait3A_499 : memref<16384x1024xf32, #tpu.memory_space<hbm>>)
    } else {
    }
    %gt3A_414 = arith.constant 7 : i32
    %gt3A_415 = arith.cmpi sgt, %shift_right_arithmetic3A_199, %gt3A_414 : i32
    %le3A_416 = arith.constant 9 : i32
    %le3A_417 = arith.cmpi sle, %shift_right_arithmetic3A_199, %le3A_416 : i32
    %and3A_418 = arith.andi %gt3A_415, %le3A_417 : i1
    %convert_element_type3A_419 = arith.extui %and3A_418 : i1 to i32
    %cond3A_420 = arith.constant 0 : i32
    %cond3A_421 = arith.cmpi ne, %convert_element_type3A_419, %cond3A_420 : i32
    scf.if %cond3A_421 {
      %dma_wait3A_486 = arith.constant 7 : i32
      %dma_wait3A_487 = arith.constant 0 : i32
      %dma_wait3A_488 = tpu.memref_slice %arg12[%dma_wait3A_486, %dma_wait3A_487] : memref<16x16xi32, #tpu.memory_space<vmem>> -> memref<1x16xi32, #tpu.memory_space<vmem>>
      %dma_wait3A_489 = tpu.memref_squeeze %dma_wait3A_488 : memref<1x16xi32, #tpu.memory_space<vmem>> -> memref<16xi32, #tpu.memory_space<vmem>>
      %dma_wait3A_490 = arith.constant 0 : i32
      %dma_wait3A_491 = arith.constant 0 : i32
      %dma_wait3A_492 = tpu.memref_slice %arg6[%dma_wait3A_490, %dma_wait3A_491] : memref<16384x1024xf32, #tpu.memory_space<hbm>> -> memref<16384x1024xf32, #tpu.memory_space<hbm>>
      tpu.wait_indirect_dma semaphore(%arg23 : memref<!tpu.dma_semaphore, #tpu.memory_space<semaphore_mem>>) src(%arg16 : memref<16x1024xf32, #tpu.memory_space<vmem>>) dst(%dma_wait3A_492 : memref<16384x1024xf32, #tpu.memory_space<hbm>>)
      %dma_wait3A_493 = arith.constant 7 : i32
      %dma_wait3A_494 = arith.constant 0 : i32
      %dma_wait3A_495 = tpu.memref_slice %arg13[%dma_wait3A_493, %dma_wait3A_494] : memref<16x16xi32, #tpu.memory_space<vmem>> -> memref<1x16xi32, #tpu.memory_space<vmem>>
      %dma_wait3A_496 = tpu.memref_squeeze %dma_wait3A_495 : memref<1x16xi32, #tpu.memory_space<vmem>> -> memref<16xi32, #tpu.memory_space<vmem>>
      %dma_wait3A_497 = arith.constant 0 : i32
      %dma_wait3A_498 = arith.constant 0 : i32
      %dma_wait3A_499 = tpu.memref_slice %arg6[%dma_wait3A_497, %dma_wait3A_498] : memref<16384x1024xf32, #tpu.memory_space<hbm>> -> memref<16384x1024xf32, #tpu.memory_space<hbm>>
      tpu.wait_indirect_dma semaphore(%arg23 : memref<!tpu.dma_semaphore, #tpu.memory_space<semaphore_mem>>) src(%arg17 : memref<16x1024xf32, #tpu.memory_space<vmem>>) dst(%dma_wait3A_499 : memref<16384x1024xf32, #tpu.memory_space<hbm>>)
    } else {
    }
    %gt3A_422 = arith.constant 8 : i32
    %gt3A_423 = arith.cmpi sgt, %shift_right_arithmetic3A_199, %gt3A_422 : i32
    %le3A_424 = arith.constant 10 : i32
    %le3A_425 = arith.cmpi sle, %shift_right_arithmetic3A_199, %le3A_424 : i32
    %and3A_426 = arith.andi %gt3A_423, %le3A_425 : i1
    %convert_element_type3A_427 = arith.extui %and3A_426 : i1 to i32
    %cond3A_428 = arith.constant 0 : i32
    %cond3A_429 = arith.cmpi ne, %convert_element_type3A_427, %cond3A_428 : i32
    scf.if %cond3A_429 {
      %dma_wait3A_486 = arith.constant 8 : i32
      %dma_wait3A_487 = arith.constant 0 : i32
      %dma_wait3A_488 = tpu.memref_slice %arg12[%dma_wait3A_486, %dma_wait3A_487] : memref<16x16xi32, #tpu.memory_space<vmem>> -> memref<1x16xi32, #tpu.memory_space<vmem>>
      %dma_wait3A_489 = tpu.memref_squeeze %dma_wait3A_488 : memref<1x16xi32, #tpu.memory_space<vmem>> -> memref<16xi32, #tpu.memory_space<vmem>>
      %dma_wait3A_490 = arith.constant 0 : i32
      %dma_wait3A_491 = arith.constant 0 : i32
      %dma_wait3A_492 = tpu.memref_slice %arg6[%dma_wait3A_490, %dma_wait3A_491] : memref<16384x1024xf32, #tpu.memory_space<hbm>> -> memref<16384x1024xf32, #tpu.memory_space<hbm>>
      tpu.wait_indirect_dma semaphore(%arg22 : memref<!tpu.dma_semaphore, #tpu.memory_space<semaphore_mem>>) src(%arg14 : memref<16x1024xf32, #tpu.memory_space<vmem>>) dst(%dma_wait3A_492 : memref<16384x1024xf32, #tpu.memory_space<hbm>>)
      %dma_wait3A_493 = arith.constant 8 : i32
      %dma_wait3A_494 = arith.constant 0 : i32
      %dma_wait3A_495 = tpu.memref_slice %arg13[%dma_wait3A_493, %dma_wait3A_494] : memref<16x16xi32, #tpu.memory_space<vmem>> -> memref<1x16xi32, #tpu.memory_space<vmem>>
      %dma_wait3A_496 = tpu.memref_squeeze %dma_wait3A_495 : memref<1x16xi32, #tpu.memory_space<vmem>> -> memref<16xi32, #tpu.memory_space<vmem>>
      %dma_wait3A_497 = arith.constant 0 : i32
      %dma_wait3A_498 = arith.constant 0 : i32
      %dma_wait3A_499 = tpu.memref_slice %arg6[%dma_wait3A_497, %dma_wait3A_498] : memref<16384x1024xf32, #tpu.memory_space<hbm>> -> memref<16384x1024xf32, #tpu.memory_space<hbm>>
      tpu.wait_indirect_dma semaphore(%arg22 : memref<!tpu.dma_semaphore, #tpu.memory_space<semaphore_mem>>) src(%arg15 : memref<16x1024xf32, #tpu.memory_space<vmem>>) dst(%dma_wait3A_499 : memref<16384x1024xf32, #tpu.memory_space<hbm>>)
    } else {
    }
    %gt3A_430 = arith.constant 9 : i32
    %gt3A_431 = arith.cmpi sgt, %shift_right_arithmetic3A_199, %gt3A_430 : i32
    %le3A_432 = arith.constant 11 : i32
    %le3A_433 = arith.cmpi sle, %shift_right_arithmetic3A_199, %le3A_432 : i32
    %and3A_434 = arith.andi %gt3A_431, %le3A_433 : i1
    %convert_element_type3A_435 = arith.extui %and3A_434 : i1 to i32
    %cond3A_436 = arith.constant 0 : i32
    %cond3A_437 = arith.cmpi ne, %convert_element_type3A_435, %cond3A_436 : i32
    scf.if %cond3A_437 {
      %dma_wait3A_486 = arith.constant 9 : i32
      %dma_wait3A_487 = arith.constant 0 : i32
      %dma_wait3A_488 = tpu.memref_slice %arg12[%dma_wait3A_486, %dma_wait3A_487] : memref<16x16xi32, #tpu.memory_space<vmem>> -> memref<1x16xi32, #tpu.memory_space<vmem>>
      %dma_wait3A_489 = tpu.memref_squeeze %dma_wait3A_488 : memref<1x16xi32, #tpu.memory_space<vmem>> -> memref<16xi32, #tpu.memory_space<vmem>>
      %dma_wait3A_490 = arith.constant 0 : i32
      %dma_wait3A_491 = arith.constant 0 : i32
      %dma_wait3A_492 = tpu.memref_slice %arg6[%dma_wait3A_490, %dma_wait3A_491] : memref<16384x1024xf32, #tpu.memory_space<hbm>> -> memref<16384x1024xf32, #tpu.memory_space<hbm>>
      tpu.wait_indirect_dma semaphore(%arg23 : memref<!tpu.dma_semaphore, #tpu.memory_space<semaphore_mem>>) src(%arg16 : memref<16x1024xf32, #tpu.memory_space<vmem>>) dst(%dma_wait3A_492 : memref<16384x1024xf32, #tpu.memory_space<hbm>>)
      %dma_wait3A_493 = arith.constant 9 : i32
      %dma_wait3A_494 = arith.constant 0 : i32
      %dma_wait3A_495 = tpu.memref_slice %arg13[%dma_wait3A_493, %dma_wait3A_494] : memref<16x16xi32, #tpu.memory_space<vmem>> -> memref<1x16xi32, #tpu.memory_space<vmem>>
      %dma_wait3A_496 = tpu.memref_squeeze %dma_wait3A_495 : memref<1x16xi32, #tpu.memory_space<vmem>> -> memref<16xi32, #tpu.memory_space<vmem>>
      %dma_wait3A_497 = arith.constant 0 : i32
      %dma_wait3A_498 = arith.constant 0 : i32
      %dma_wait3A_499 = tpu.memref_slice %arg6[%dma_wait3A_497, %dma_wait3A_498] : memref<16384x1024xf32, #tpu.memory_space<hbm>> -> memref<16384x1024xf32, #tpu.memory_space<hbm>>
      tpu.wait_indirect_dma semaphore(%arg23 : memref<!tpu.dma_semaphore, #tpu.memory_space<semaphore_mem>>) src(%arg17 : memref<16x1024xf32, #tpu.memory_space<vmem>>) dst(%dma_wait3A_499 : memref<16384x1024xf32, #tpu.memory_space<hbm>>)
    } else {
    }
    %gt3A_438 = arith.constant 10 : i32
    %gt3A_439 = arith.cmpi sgt, %shift_right_arithmetic3A_199, %gt3A_438 : i32
    %le3A_440 = arith.constant 12 : i32
    %le3A_441 = arith.cmpi sle, %shift_right_arithmetic3A_199, %le3A_440 : i32
    %and3A_442 = arith.andi %gt3A_439, %le3A_441 : i1
    %convert_element_type3A_443 = arith.extui %and3A_442 : i1 to i32
    %cond3A_444 = arith.constant 0 : i32
    %cond3A_445 = arith.cmpi ne, %convert_element_type3A_443, %cond3A_444 : i32
    scf.if %cond3A_445 {
      %dma_wait3A_486 = arith.constant 10 : i32
      %dma_wait3A_487 = arith.constant 0 : i32
      %dma_wait3A_488 = tpu.memref_slice %arg12[%dma_wait3A_486, %dma_wait3A_487] : memref<16x16xi32, #tpu.memory_space<vmem>> -> memref<1x16xi32, #tpu.memory_space<vmem>>
      %dma_wait3A_489 = tpu.memref_squeeze %dma_wait3A_488 : memref<1x16xi32, #tpu.memory_space<vmem>> -> memref<16xi32, #tpu.memory_space<vmem>>
      %dma_wait3A_490 = arith.constant 0 : i32
      %dma_wait3A_491 = arith.constant 0 : i32
      %dma_wait3A_492 = tpu.memref_slice %arg6[%dma_wait3A_490, %dma_wait3A_491] : memref<16384x1024xf32, #tpu.memory_space<hbm>> -> memref<16384x1024xf32, #tpu.memory_space<hbm>>
      tpu.wait_indirect_dma semaphore(%arg22 : memref<!tpu.dma_semaphore, #tpu.memory_space<semaphore_mem>>) src(%arg14 : memref<16x1024xf32, #tpu.memory_space<vmem>>) dst(%dma_wait3A_492 : memref<16384x1024xf32, #tpu.memory_space<hbm>>)
      %dma_wait3A_493 = arith.constant 10 : i32
      %dma_wait3A_494 = arith.constant 0 : i32
      %dma_wait3A_495 = tpu.memref_slice %arg13[%dma_wait3A_493, %dma_wait3A_494] : memref<16x16xi32, #tpu.memory_space<vmem>> -> memref<1x16xi32, #tpu.memory_space<vmem>>
      %dma_wait3A_496 = tpu.memref_squeeze %dma_wait3A_495 : memref<1x16xi32, #tpu.memory_space<vmem>> -> memref<16xi32, #tpu.memory_space<vmem>>
      %dma_wait3A_497 = arith.constant 0 : i32
      %dma_wait3A_498 = arith.constant 0 : i32
      %dma_wait3A_499 = tpu.memref_slice %arg6[%dma_wait3A_497, %dma_wait3A_498] : memref<16384x1024xf32, #tpu.memory_space<hbm>> -> memref<16384x1024xf32, #tpu.memory_space<hbm>>
      tpu.wait_indirect_dma semaphore(%arg22 : memref<!tpu.dma_semaphore, #tpu.memory_space<semaphore_mem>>) src(%arg15 : memref<16x1024xf32, #tpu.memory_space<vmem>>) dst(%dma_wait3A_499 : memref<16384x1024xf32, #tpu.memory_space<hbm>>)
    } else {
    }
    %gt3A_446 = arith.constant 11 : i32
    %gt3A_447 = arith.cmpi sgt, %shift_right_arithmetic3A_199, %gt3A_446 : i32
    %le3A_448 = arith.constant 13 : i32
    %le3A_449 = arith.cmpi sle, %shift_right_arithmetic3A_199, %le3A_448 : i32
    %and3A_450 = arith.andi %gt3A_447, %le3A_449 : i1
    %convert_element_type3A_451 = arith.extui %and3A_450 : i1 to i32
    %cond3A_452 = arith.constant 0 : i32
    %cond3A_453 = arith.cmpi ne, %convert_element_type3A_451, %cond3A_452 : i32
    scf.if %cond3A_453 {
      %dma_wait3A_486 = arith.constant 11 : i32
      %dma_wait3A_487 = arith.constant 0 : i32
      %dma_wait3A_488 = tpu.memref_slice %arg12[%dma_wait3A_486, %dma_wait3A_487] : memref<16x16xi32, #tpu.memory_space<vmem>> -> memref<1x16xi32, #tpu.memory_space<vmem>>
      %dma_wait3A_489 = tpu.memref_squeeze %dma_wait3A_488 : memref<1x16xi32, #tpu.memory_space<vmem>> -> memref<16xi32, #tpu.memory_space<vmem>>
      %dma_wait3A_490 = arith.constant 0 : i32
      %dma_wait3A_491 = arith.constant 0 : i32
      %dma_wait3A_492 = tpu.memref_slice %arg6[%dma_wait3A_490, %dma_wait3A_491] : memref<16384x1024xf32, #tpu.memory_space<hbm>> -> memref<16384x1024xf32, #tpu.memory_space<hbm>>
      tpu.wait_indirect_dma semaphore(%arg23 : memref<!tpu.dma_semaphore, #tpu.memory_space<semaphore_mem>>) src(%arg16 : memref<16x1024xf32, #tpu.memory_space<vmem>>) dst(%dma_wait3A_492 : memref<16384x1024xf32, #tpu.memory_space<hbm>>)
      %dma_wait3A_493 = arith.constant 11 : i32
      %dma_wait3A_494 = arith.constant 0 : i32
      %dma_wait3A_495 = tpu.memref_slice %arg13[%dma_wait3A_493, %dma_wait3A_494] : memref<16x16xi32, #tpu.memory_space<vmem>> -> memref<1x16xi32, #tpu.memory_space<vmem>>
      %dma_wait3A_496 = tpu.memref_squeeze %dma_wait3A_495 : memref<1x16xi32, #tpu.memory_space<vmem>> -> memref<16xi32, #tpu.memory_space<vmem>>
      %dma_wait3A_497 = arith.constant 0 : i32
      %dma_wait3A_498 = arith.constant 0 : i32
      %dma_wait3A_499 = tpu.memref_slice %arg6[%dma_wait3A_497, %dma_wait3A_498] : memref<16384x1024xf32, #tpu.memory_space<hbm>> -> memref<16384x1024xf32, #tpu.memory_space<hbm>>
      tpu.wait_indirect_dma semaphore(%arg23 : memref<!tpu.dma_semaphore, #tpu.memory_space<semaphore_mem>>) src(%arg17 : memref<16x1024xf32, #tpu.memory_space<vmem>>) dst(%dma_wait3A_499 : memref<16384x1024xf32, #tpu.memory_space<hbm>>)
    } else {
    }
    %gt3A_454 = arith.constant 12 : i32
    %gt3A_455 = arith.cmpi sgt, %shift_right_arithmetic3A_199, %gt3A_454 : i32
    %le3A_456 = arith.constant 14 : i32
    %le3A_457 = arith.cmpi sle, %shift_right_arithmetic3A_199, %le3A_456 : i32
    %and3A_458 = arith.andi %gt3A_455, %le3A_457 : i1
    %convert_element_type3A_459 = arith.extui %and3A_458 : i1 to i32
    %cond3A_460 = arith.constant 0 : i32
    %cond3A_461 = arith.cmpi ne, %convert_element_type3A_459, %cond3A_460 : i32
    scf.if %cond3A_461 {
      %dma_wait3A_486 = arith.constant 12 : i32
      %dma_wait3A_487 = arith.constant 0 : i32
      %dma_wait3A_488 = tpu.memref_slice %arg12[%dma_wait3A_486, %dma_wait3A_487] : memref<16x16xi32, #tpu.memory_space<vmem>> -> memref<1x16xi32, #tpu.memory_space<vmem>>
      %dma_wait3A_489 = tpu.memref_squeeze %dma_wait3A_488 : memref<1x16xi32, #tpu.memory_space<vmem>> -> memref<16xi32, #tpu.memory_space<vmem>>
      %dma_wait3A_490 = arith.constant 0 : i32
      %dma_wait3A_491 = arith.constant 0 : i32
      %dma_wait3A_492 = tpu.memref_slice %arg6[%dma_wait3A_490, %dma_wait3A_491] : memref<16384x1024xf32, #tpu.memory_space<hbm>> -> memref<16384x1024xf32, #tpu.memory_space<hbm>>
      tpu.wait_indirect_dma semaphore(%arg22 : memref<!tpu.dma_semaphore, #tpu.memory_space<semaphore_mem>>) src(%arg14 : memref<16x1024xf32, #tpu.memory_space<vmem>>) dst(%dma_wait3A_492 : memref<16384x1024xf32, #tpu.memory_space<hbm>>)
      %dma_wait3A_493 = arith.constant 12 : i32
      %dma_wait3A_494 = arith.constant 0 : i32
      %dma_wait3A_495 = tpu.memref_slice %arg13[%dma_wait3A_493, %dma_wait3A_494] : memref<16x16xi32, #tpu.memory_space<vmem>> -> memref<1x16xi32, #tpu.memory_space<vmem>>
      %dma_wait3A_496 = tpu.memref_squeeze %dma_wait3A_495 : memref<1x16xi32, #tpu.memory_space<vmem>> -> memref<16xi32, #tpu.memory_space<vmem>>
      %dma_wait3A_497 = arith.constant 0 : i32
      %dma_wait3A_498 = arith.constant 0 : i32
      %dma_wait3A_499 = tpu.memref_slice %arg6[%dma_wait3A_497, %dma_wait3A_498] : memref<16384x1024xf32, #tpu.memory_space<hbm>> -> memref<16384x1024xf32, #tpu.memory_space<hbm>>
      tpu.wait_indirect_dma semaphore(%arg22 : memref<!tpu.dma_semaphore, #tpu.memory_space<semaphore_mem>>) src(%arg15 : memref<16x1024xf32, #tpu.memory_space<vmem>>) dst(%dma_wait3A_499 : memref<16384x1024xf32, #tpu.memory_space<hbm>>)
    } else {
    }
    %gt3A_462 = arith.constant 13 : i32
    %gt3A_463 = arith.cmpi sgt, %shift_right_arithmetic3A_199, %gt3A_462 : i32
    %le3A_464 = arith.constant 15 : i32
    %le3A_465 = arith.cmpi sle, %shift_right_arithmetic3A_199, %le3A_464 : i32
    %and3A_466 = arith.andi %gt3A_463, %le3A_465 : i1
    %convert_element_type3A_467 = arith.extui %and3A_466 : i1 to i32
    %cond3A_468 = arith.constant 0 : i32
    %cond3A_469 = arith.cmpi ne, %convert_element_type3A_467, %cond3A_468 : i32
    scf.if %cond3A_469 {
      %dma_wait3A_486 = arith.constant 13 : i32
      %dma_wait3A_487 = arith.constant 0 : i32
      %dma_wait3A_488 = tpu.memref_slice %arg12[%dma_wait3A_486, %dma_wait3A_487] : memref<16x16xi32, #tpu.memory_space<vmem>> -> memref<1x16xi32, #tpu.memory_space<vmem>>
      %dma_wait3A_489 = tpu.memref_squeeze %dma_wait3A_488 : memref<1x16xi32, #tpu.memory_space<vmem>> -> memref<16xi32, #tpu.memory_space<vmem>>
      %dma_wait3A_490 = arith.constant 0 : i32
      %dma_wait3A_491 = arith.constant 0 : i32
      %dma_wait3A_492 = tpu.memref_slice %arg6[%dma_wait3A_490, %dma_wait3A_491] : memref<16384x1024xf32, #tpu.memory_space<hbm>> -> memref<16384x1024xf32, #tpu.memory_space<hbm>>
      tpu.wait_indirect_dma semaphore(%arg23 : memref<!tpu.dma_semaphore, #tpu.memory_space<semaphore_mem>>) src(%arg16 : memref<16x1024xf32, #tpu.memory_space<vmem>>) dst(%dma_wait3A_492 : memref<16384x1024xf32, #tpu.memory_space<hbm>>)
      %dma_wait3A_493 = arith.constant 13 : i32
      %dma_wait3A_494 = arith.constant 0 : i32
      %dma_wait3A_495 = tpu.memref_slice %arg13[%dma_wait3A_493, %dma_wait3A_494] : memref<16x16xi32, #tpu.memory_space<vmem>> -> memref<1x16xi32, #tpu.memory_space<vmem>>
      %dma_wait3A_496 = tpu.memref_squeeze %dma_wait3A_495 : memref<1x16xi32, #tpu.memory_space<vmem>> -> memref<16xi32, #tpu.memory_space<vmem>>
      %dma_wait3A_497 = arith.constant 0 : i32
      %dma_wait3A_498 = arith.constant 0 : i32
      %dma_wait3A_499 = tpu.memref_slice %arg6[%dma_wait3A_497, %dma_wait3A_498] : memref<16384x1024xf32, #tpu.memory_space<hbm>> -> memref<16384x1024xf32, #tpu.memory_space<hbm>>
      tpu.wait_indirect_dma semaphore(%arg23 : memref<!tpu.dma_semaphore, #tpu.memory_space<semaphore_mem>>) src(%arg17 : memref<16x1024xf32, #tpu.memory_space<vmem>>) dst(%dma_wait3A_499 : memref<16384x1024xf32, #tpu.memory_space<hbm>>)
    } else {
    }
    %gt3A_470 = arith.constant 14 : i32
    %gt3A_471 = arith.cmpi sgt, %shift_right_arithmetic3A_199, %gt3A_470 : i32
    %le3A_472 = arith.constant 16 : i32
    %le3A_473 = arith.cmpi sle, %shift_right_arithmetic3A_199, %le3A_472 : i32
    %and3A_474 = arith.andi %gt3A_471, %le3A_473 : i1
    %convert_element_type3A_475 = arith.extui %and3A_474 : i1 to i32
    %cond3A_476 = arith.constant 0 : i32
    %cond3A_477 = arith.cmpi ne, %convert_element_type3A_475, %cond3A_476 : i32
    scf.if %cond3A_477 {
      %dma_wait3A_486 = arith.constant 14 : i32
      %dma_wait3A_487 = arith.constant 0 : i32
      %dma_wait3A_488 = tpu.memref_slice %arg12[%dma_wait3A_486, %dma_wait3A_487] : memref<16x16xi32, #tpu.memory_space<vmem>> -> memref<1x16xi32, #tpu.memory_space<vmem>>
      %dma_wait3A_489 = tpu.memref_squeeze %dma_wait3A_488 : memref<1x16xi32, #tpu.memory_space<vmem>> -> memref<16xi32, #tpu.memory_space<vmem>>
      %dma_wait3A_490 = arith.constant 0 : i32
      %dma_wait3A_491 = arith.constant 0 : i32
      %dma_wait3A_492 = tpu.memref_slice %arg6[%dma_wait3A_490, %dma_wait3A_491] : memref<16384x1024xf32, #tpu.memory_space<hbm>> -> memref<16384x1024xf32, #tpu.memory_space<hbm>>
      tpu.wait_indirect_dma semaphore(%arg22 : memref<!tpu.dma_semaphore, #tpu.memory_space<semaphore_mem>>) src(%arg14 : memref<16x1024xf32, #tpu.memory_space<vmem>>) dst(%dma_wait3A_492 : memref<16384x1024xf32, #tpu.memory_space<hbm>>)
      %dma_wait3A_493 = arith.constant 14 : i32
      %dma_wait3A_494 = arith.constant 0 : i32
      %dma_wait3A_495 = tpu.memref_slice %arg13[%dma_wait3A_493, %dma_wait3A_494] : memref<16x16xi32, #tpu.memory_space<vmem>> -> memref<1x16xi32, #tpu.memory_space<vmem>>
      %dma_wait3A_496 = tpu.memref_squeeze %dma_wait3A_495 : memref<1x16xi32, #tpu.memory_space<vmem>> -> memref<16xi32, #tpu.memory_space<vmem>>
      %dma_wait3A_497 = arith.constant 0 : i32
      %dma_wait3A_498 = arith.constant 0 : i32
      %dma_wait3A_499 = tpu.memref_slice %arg6[%dma_wait3A_497, %dma_wait3A_498] : memref<16384x1024xf32, #tpu.memory_space<hbm>> -> memref<16384x1024xf32, #tpu.memory_space<hbm>>
      tpu.wait_indirect_dma semaphore(%arg22 : memref<!tpu.dma_semaphore, #tpu.memory_space<semaphore_mem>>) src(%arg15 : memref<16x1024xf32, #tpu.memory_space<vmem>>) dst(%dma_wait3A_499 : memref<16384x1024xf32, #tpu.memory_space<hbm>>)
    } else {
    }
    %gt3A_478 = arith.constant 15 : i32
    %gt3A_479 = arith.cmpi sgt, %shift_right_arithmetic3A_199, %gt3A_478 : i32
    %le3A_480 = arith.constant 17 : i32
    %le3A_481 = arith.cmpi sle, %shift_right_arithmetic3A_199, %le3A_480 : i32
    %and3A_482 = arith.andi %gt3A_479, %le3A_481 : i1
    %convert_element_type3A_483 = arith.extui %and3A_482 : i1 to i32
    %cond3A_484 = arith.constant 0 : i32
    %cond3A_485 = arith.cmpi ne, %convert_element_type3A_483, %cond3A_484 : i32
    scf.if %cond3A_485 {
      %dma_wait3A_486 = arith.constant 15 : i32
      %dma_wait3A_487 = arith.constant 0 : i32
      %dma_wait3A_488 = tpu.memref_slice %arg12[%dma_wait3A_486, %dma_wait3A_487] : memref<16x16xi32, #tpu.memory_space<vmem>> -> memref<1x16xi32, #tpu.memory_space<vmem>>
      %dma_wait3A_489 = tpu.memref_squeeze %dma_wait3A_488 : memref<1x16xi32, #tpu.memory_space<vmem>> -> memref<16xi32, #tpu.memory_space<vmem>>
      %dma_wait3A_490 = arith.constant 0 : i32
      %dma_wait3A_491 = arith.constant 0 : i32
      %dma_wait3A_492 = tpu.memref_slice %arg6[%dma_wait3A_490, %dma_wait3A_491] : memref<16384x1024xf32, #tpu.memory_space<hbm>> -> memref<16384x1024xf32, #tpu.memory_space<hbm>>
      tpu.wait_indirect_dma semaphore(%arg23 : memref<!tpu.dma_semaphore, #tpu.memory_space<semaphore_mem>>) src(%arg16 : memref<16x1024xf32, #tpu.memory_space<vmem>>) dst(%dma_wait3A_492 : memref<16384x1024xf32, #tpu.memory_space<hbm>>)
      %dma_wait3A_493 = arith.constant 15 : i32
      %dma_wait3A_494 = arith.constant 0 : i32
      %dma_wait3A_495 = tpu.memref_slice %arg13[%dma_wait3A_493, %dma_wait3A_494] : memref<16x16xi32, #tpu.memory_space<vmem>> -> memref<1x16xi32, #tpu.memory_space<vmem>>
      %dma_wait3A_496 = tpu.memref_squeeze %dma_wait3A_495 : memref<1x16xi32, #tpu.memory_space<vmem>> -> memref<16xi32, #tpu.memory_space<vmem>>
      %dma_wait3A_497 = arith.constant 0 : i32
      %dma_wait3A_498 = arith.constant 0 : i32
      %dma_wait3A_499 = tpu.memref_slice %arg6[%dma_wait3A_497, %dma_wait3A_498] : memref<16384x1024xf32, #tpu.memory_space<hbm>> -> memref<16384x1024xf32, #tpu.memory_space<hbm>>
      tpu.wait_indirect_dma semaphore(%arg23 : memref<!tpu.dma_semaphore, #tpu.memory_space<semaphore_mem>>) src(%arg17 : memref<16x1024xf32, #tpu.memory_space<vmem>>) dst(%dma_wait3A_499 : memref<16384x1024xf32, #tpu.memory_space<hbm>>)
    } else {
    }
    return
  }
}

</mosaic_0001>

<sc_bundles>
// kernel: kernel.3.cloned.1.call-start
scs
__scs_entry_jumppad:
0x0: {  	(pc) =	sbr.rel $0x88, $3  }
0x1: {  	(tag) =	ssettag $0x0;
	lr =	simm.s32 $0x1  }
0x2: {  	[smem:$0x3F9D] =	sst lr;
	_ =	strace $0xD0000000  }
0x3: {  	_ = 	snop  }
0x4: {  	_ = 	snop  }
0x5: {  	_ = 	snop  }
0x6: {  	_ = 	snop  }
0x7: {  	_ = 	snop  }
__scs_overlays_trampoline_lowered:
0x8: {  	[smem:$0x3FAC] =	sst s0  }
0x9: {  	[smem:$0x3FAD] =	sst s1  }
0xa: {  	[smem:$0x3FAE] =	sst s2  }
0xb: {  	[smem:$0x3FAF] =	sst s3  }
0xc: {  	[smem:$0x3FB0] =	sst s4  }
0xd: {  	[smem:$0x3FB1] =	sst s5  }
0xe: {  	[smem:$0x3FB2] =	sst s6  }
0xf: {  	[smem:$0x3FB3] =	sst s7  }
0x10: {  	[smem:$0x3FB4] =	sst s8  }
0x11: {  	[smem:$0x3FB5] =	sst s9;
	s0 =	simm.s32 @!p0 $0x0  }
0x12: {  	s1 =	sld [smem:$0x3F9B];
	s0 =	simm.s32 @p0 $0x1  }
0x13: {  	[smem:$0x3FB6] =	sst s0;
	s0 =	simm.s32 @!p1 $0x0  }
0x14: {  	s2 =	sld [smem:$0x3F9A];
	s0 =	simm.s32 @p1 $0x1  }
0x15: {  	[smem:$0x3FB7] =	sst s0;
	s0 =	simm.s32 @!p2 $0x0  }
0x16: {  	s3 =	sld [smem:$0x3FDB];
	s0 =	simm.s32 @p2 $0x1  }
0x17: {  	s4 =	simm.s32 $0x1BF5;
	[smem:$0x3FB9] =	sst s0  }
0x18: {  	s0 =	sld [smem:$0x3F9C];
	_ =	swait.ge [sflag:s4], $0x0  }
0x19: {  	s7 =	sld [smem:$0x3F9D]  }
0x1a: {  	s8 =	sadd.s32 $0xFFFFE003, lr  }
0x1b: {  	s9 =	sadd.s32 $0xFFFFFEF7, lr;
	s5 =	simm.s32 $0xFFFFFFFF;
	p2 =	slt.u32 s8, $0xFFFFF086  }
0x1c: {  	p1 =	slt.u32 s9, $0xF7A;
	s5 =	simm.s32 @!p2 $0x0  }
0x1d: {  	s5 =	simm.s32 @p1 $0x1;
	p0 =	seq.s32 s7, s2  }
0x1e: {  	s7 =	smul.u32 @!p0 $0xF7A, s2;
	p2 =	seq.s32 @!p0 s5, $0x0  }
0x1f: {  	s9 =	smul.u32 $0xF7A, s1;
	s8 =	simm.s32 @!p0 $0x1BF5;
	p2 =	por !p2, p0  }
0x20: {  	[sflag:s8] =	ssyncset.s32 @!p0 $0xFFFFF086;
	s6 =	sadd.s32 @!p0 s3, s7;
	s7 =	simm.s32 @!p0 $0x108  }
0x21: {  	s3 =	sadd.s32 s3, s9;
	s6 =	sadd.s32 @!p0 $0x88, s6;
	s7 =	simm.s32 @p2 $0x1082  }
0x22: {  	[simem:s7], [sflag:s8] =	dma.local @!p0 [hbm:s6], $0xF7A  }
0x23: {  	s9 =	sor.u32 $0xD0000000, s2;
	s6 =	simm.s32 $0x108;
	_ =	swait.ge @!p0 [sflag:s8], $0x0  }
0x24: {  	s3 =	sadd.s32 $0x88, s3;
	s6 =	simm.s32 @!p1 $0x1082;
	[sflag:s4] =	ssyncset.s32 $0xFFFFF086  }
0x25: {  	[simem:s6], [sflag:s4] =	dma.local [hbm:s3], $0xF7A  }
0x26: {  	[smem:$0x3F9D] =	sst s1;
	(tag) =	ssettag s2;
	_ =	strace s9  }
0x27: {  	s1 =	sld [smem:$0x3FAD]  }
0x28: {  	s2 =	sld [smem:$0x3FAE]  }
0x29: {  	s4 =	sld [smem:$0x3FB0]  }
0x2a: {  	p0 =	seq.s32 s5, $0x0;
	s5 =	sld [smem:$0x3FB1]  }
0x2b: {  	s6 =	sld [smem:$0x3FB2]  }
0x2c: {  	s7 =	sld [smem:$0x3FB3]  }
0x2d: {  	s3 =	simm.s32 $0x108;
	s8 =	sld [smem:$0x3FB4]  }
0x2e: {  	s3 =	simm.s32 @!p0 $0x1082;
	s9 =	sld [smem:$0x3FB5]  }
0x2f: {  	lr =	sadd.s32 s0, s3;
	s0 =	sld [smem:$0x3FAC]  }
0x30: {  	s3 =	sld [smem:$0x3FAF]  }
0x31: {  	[smem:$0x3FB8] =	sst s10  }
0x32: {  	s10 =	sld [smem:$0x3FB6];
	_ =	sdelay $0x3  }
0x33: {  	p0 =	seq.s32 s10, $0x1;
	s10 =	sld [smem:$0x3FB8];
	_ =	sdelay $0x3  }
0x34: {  	[smem:$0x3FB8] =	sst s10  }
0x35: {  	s10 =	sld [smem:$0x3FB7];
	_ =	sdelay $0x3  }
0x36: {  	p1 =	seq.s32 s10, $0x1;
	s10 =	sld [smem:$0x3FB8];
	_ =	sdelay $0x3  }
0x37: {  	[smem:$0x3FB8] =	sst s10  }
0x38: {  	s10 =	sld [smem:$0x3FB9]  }
0x39: {  	_ = 	snop;
	(pc) =	sbr.ind lr, $3  }
0x3a: {  	_ = 	snop  }
0x3b: {  	_ = 	snop  }
0x3c: {  	p2 =	seq.s32 s10, $0x1;
	s10 =	sld [smem:$0x3FB8]  }
0x3d: {  	_ =	shalt  }
0x3e: {  	_ =	shalt  }
0x3f: {  	_ =	shalt  }
0x40: {  	_ =	shalt  }
0x41: {  	_ =	shalt  }
0x42: {  	_ =	shalt  }
0x43: {  	_ =	shalt  }
0x44: {  	_ =	shalt  }
0x45: {  	_ =	shalt  }
0x46: {  	_ =	shalt  }
0x47: {  	_ =	shalt  }
0x48: {  	_ =	shalt  }
0x49: {  	_ =	shalt  }
0x4a: {  	_ =	shalt  }
0x4b: {  	_ =	shalt  }
0x4c: {  	_ =	shalt  }
0x4d: {  	_ =	shalt  }
0x4e: {  	_ =	shalt  }
0x4f: {  	_ =	shalt  }
0x50: {  	_ =	shalt  }
0x51: {  	_ =	shalt  }
0x52: {  	_ =	shalt  }
0x53: {  	_ =	shalt  }
0x54: {  	_ =	shalt  }
0x55: {  	_ =	shalt  }
0x56: {  	_ =	shalt  }
0x57: {  	_ =	shalt  }
0x58: {  	_ =	shalt  }
0x59: {  	_ =	shalt  }
0x5a: {  	_ =	shalt  }
0x5b: {  	_ =	shalt  }
0x5c: {  	_ =	shalt  }
0x5d: {  	_ =	shalt  }
0x5e: {  	_ =	shalt  }
0x5f: {  	_ =	shalt  }
0x60: {  	_ =	shalt  }
0x61: {  	_ =	shalt  }
0x62: {  	_ =	shalt  }
0x63: {  	_ =	shalt  }
0x64: {  	_ =	shalt  }
0x65: {  	_ =	shalt  }
0x66: {  	_ =	shalt  }
0x67: {  	_ =	shalt  }
0x68: {  	_ =	shalt  }
0x69: {  	_ =	shalt  }
0x6a: {  	_ =	shalt  }
0x6b: {  	_ =	shalt  }
0x6c: {  	_ =	shalt  }
0x6d: {  	_ =	shalt  }
0x6e: {  	_ =	shalt  }
0x6f: {  	_ =	shalt  }
0x70: {  	_ =	shalt  }
0x71: {  	_ =	shalt  }
0x72: {  	_ =	shalt  }
0x73: {  	_ =	shalt  }
0x74: {  	_ =	shalt  }
0x75: {  	_ =	shalt  }
0x76: {  	_ =	shalt  }
0x77: {  	_ =	shalt  }
0x78: {  	_ =	shalt  }
0x79: {  	_ =	shalt  }
0x7a: {  	_ =	shalt  }
0x7b: {  	_ =	shalt  }
0x7c: {  	_ =	shalt  }
0x7d: {  	_ =	shalt  }
0x7e: {  	_ =	shalt  }
0x7f: {  	_ =	shalt  }
0x80: {  	_ =	shalt  }
0x81: {  	_ =	shalt  }
0x82: {  	_ =	shalt  }
0x83: {  	_ =	shalt  }
0x84: {  	_ =	shalt  }
0x85: {  	_ =	shalt  }
0x86: {  	_ =	shalt  }
0x87: {  	_ =	shalt  }
.Lfunc_end0:
.L_simem_size_0:
called_computation_lowered:
.L_overlay_start_0:
0x88: {  	s2 =	sld [smem:$0x3FD9]  }
0x89: {  	s3 =	sld [smem:$0x3FFE];
	_ =	sdelay $0x1  }
0x8a: {  	s1 =	srdreg.scid  }
0x8b: {  	s0 =	sand.u32 $0x1, s1  }
0x8c: {  	s18 =	sshll.u32 s0, $0xA;
	s2 =	sadd.s32 s3, s2  }
0x8d: {  	s2 =	sadd.s32 s2, s18  }
0x8e: {  	[smem:$0x3FC4] =	sst s2  }
0x8f: {  	_ = 	snop  }
0x90: {  	s2 =	sld [smem:$0x3FC9]  }
0x91: {  	s19 =	sld [smem:$0x3FC8]  }
0x92: {  	s4 =	sld [smem:$0x3FC7]  }
0x93: {  	s5 =	sld [smem:$0x3FC6]  }
0x94: {  	s6 =	sld [smem:$0x3FD0];
	(tm) =	ssettm $0x1  }
0x95: {  	s7 =	sld [smem:$0x3FFB];
	_ =	sdelay $0x3  }
0x96: {  	_ =	strace s7  }
0x97: {  	s7 =	sld [smem:$0x3FFC];
	_ =	sdelay $0x3  }
0x98: {  	_ =	strace s7  }
0x99: {  	s7 =	sld [smem:$0x3FFD];
	_ =	sdelay $0x3  }
0x9a: {  	_ =	strace s7  }
0x9b: {  	_ =	strace $0x8FFFFFFF  }
0x9c: {  	s20 =	sld [smem:$0x3FDB];
	_ =	sdelay $0x1  }
0x9d: {  	s8 =	simm.s32 $_scs_section_size  }
0x9e: {  	s9 =	simm.s32 $_size__tile_overlayer_lowered;
	s10 =	simm.s32 $_tile_overlayer_lowered  }
0x9f: {  	s23 =	simm.s32 $0x1BFF;
	s22 =	sshll.u32 s10, $0x1;
	s7 =	sadd.s32 s8, s20  }
0xa0: {  	s11 =	simm.s32 $0x0;
	s21 =	sshll.u32 s9, $0x1;
	s9 =	sadd.s32 s22, s7  }
0xa1: {  	[timem:s11], [sflag:s23] =	dma.local [hbm:s9], s21  }
0xa2: {  	_ =	swait.ge [sflag:s23], s21  }
0xa3: {  	s8 =	ssub.s32 $0x0, s21;
	[sflag:s23] =	ssyncset.done $0x0  }
0xa4: {  	[sflag:s23] =	ssyncadd.s32 s8;
	_ =	sdelay $0x1  }
0xa5: {  	s24 =	simm.s32 $0x1B8B  }
0xa6: {  	_ =	swait.ge [sflag:s24], $0x1  }
0xa7: {  	[sflag:s24] =	ssyncset.done $0x0  }
0xa8: {  	s25 =	simm.s32 $0x1B8E;
	[sflag:s24] =	ssyncadd.s32 $0xFFFFFFFF  }
0xa9: {  	s26 =	simm.s32 $execute0_lowered;
	[smem:$0x3FD2] =	sst s25  }
0xaa: {  	s8 =	sshll.u32 s26, $0x1;
	_ =	strace $0x80000046;
	[dreg:$0x1] =	wrdreg $0xFFFFFFFF  }
0xab: {  	s28 =	simm.s32 $_size_execute0_lowered;
	s7 =	sadd.s32 s7, s8;
	[dreg:$0x0] =	wrdreg $0x0  }
0xac: {  	s8 =	sshll.u32 s28, $0x1;
	[dreg:$0x2] =	wrdreg s7  }
0xad: {  	[dreg:$0x3] =	wrdreg s8  }
0xae: {  	[dreg:$0x4] =	wrdreg $0xC0  }
0xaf: {  	_ =	task [dreg:s11], $0x5FFFF  }
0xb0: {  	[dreg:$0x1] =	wrdreg $0xFFFFFFFF  }
0xb1: {  	[dreg:$0x0] =	wrdreg $0x60  }
0xb2: {  	[dreg:$0x2] =	wrdreg s2  }
0xb3: {  	[dreg:$0x3] =	wrdreg s19  }
0xb4: {  	[dreg:$0x4] =	wrdreg s4  }
0xb5: {  	[dreg:$0x5] =	wrdreg s5  }
0xb6: {  	[dreg:$0x6] =	wrdreg s6  }
0xb7: {  	[dreg:$0x7] =	wrdreg $0x9  }
0xb8: {  	_ =	task.clear_ibuf [dreg:s11], $0x8FFFF;
	_ =	strace $0x90000046  }
0xb9: {  	s29 =	simm.s32 $0x9;
	_ =	strace $0x80000048  }
0xba: {  	_ =	swait.ge [sflag:s29], $0x1  }
0xbb: {  	[sflag:s29] =	ssyncadd.s32 $0xFFFFFFFF  }
0xbc: {  	_ =	strace $0x90000048  }
0xbd: {  	_ =	sfence  }
0xbe: {  	s30 =	sld [smem:$0x0];
	_ =	sdelay $0x2  }
0xbf: {  	s31 =	sshll.u32 s1, $0xD;
	s1 =	sshrl.u32 s1, $0x2  }
0xc0: {  	s3 =	sand.u32 $0x4000, s31;
	s1 =	sadd.s32 s1, s30  }
0xc1: {  	s0 =	sor.u32 s3, s0;
	s1 =	sshll.u32 s1, $0x11  }
0xc2: {  	s0 =	sor.u32 s1, s0  }
0xc3: {  	s0 =	sadd.s32 $0x8F2B, s0  }
0xc4: {  	[sflag:s0] =	ssyncadd.remote.s32 $0x1  }
0xc5: {  	_ =	sfence.sel $0xFFFF  }
0xc6: {  	[dreg:$0x0] =	wrdreg $0xFFFFFFFF;
	(pc) =	sbr.abs _section_cstart, $3  }
0xc7: {  	[dreg:$0x1] =	wrdreg $0xFFFFFFFF  }
0xc8: {  	_ =	task.clear_ibuf [dreg:s11], $0x2FFFF;
	_ =	strace $0x9FFFFFFF  }
0xc9: {  	(tm) =	ssettm $0x7FFFFFFF  }
tec
execute0_lowered:
.L_overlay_start_1:
0x0: {  	(tag) =	ssettag $0x1  }
0x1: {  	s3 =	rddreg [dreg:$0x0]  }
0x2: {  	s6 =	rddreg [dreg:$0x1]  }
0x3: {  	s0 =	rddreg [dreg:$0x2]  }
0x4: {  	s1 =	srdreg.scid;
	s2 =	rddreg [dreg:$0x3]  }
0x5: {  	s4 =	stileid.u32;
	s26 =	rddreg [dreg:$0x4]  }
0x6: {  	s5 =	simm.s32 $0x0;
	s1 =	sand.u32 $0x1, s1;
	s19 =	sshll.u32 s4, $0x9  }
0x7: {  	[smem:$0x7FF] =	sst s5;
	s14 =	sshll.u32 s4, $0x6;
	s7 =	sshll.u32 s1, $0x8  }
0x8: {  	s1 =	ssub.s32 $0x2, s1;
	s0 =	sadd.s32 s0, s14;
	s8 =	sor.u32 s7, s19  }
0x9: {  	s17 =	sadd.s32 s2, s14;
	s9 =	sshrl.u32 s1, $0x1;
	[dreg:$0x6] =	wrdreg s8  }
0xa: {  	s1 =	ssub.s32 s1, s9;
	_ =	strace $0x80000047;
	[dreg:$0x14] =	wrdreg s0  }
0xb: {  	s8 =	sshll.u32 s8, $0x7;
	[dreg:$0x15] =	wrdreg s17;
	s20 =	smax.u32 s1, $0x1  }
0xc: {  	s10 =	sadd.s32 s26, s8;
	[dreg:$0x17] =	wrdreg s20  }
0xd: {  	s8 =	sadd.s32 $0x100000, s10;
	[dreg:$0x7] =	wrdreg s10  }
0xe: {  	s21 =	sadd.s32 $0x1000, s10;
	[dreg:$0x8] =	wrdreg s8  }
0xf: {  	s22 =	sadd.s32 $0x101000, s10;
	[dreg:$0x9] =	wrdreg s21  }
0x10: {  	s23 =	sadd.s32 $0x2000, s10;
	[dreg:$0xa] =	wrdreg s22  }
0x11: {  	s24 =	sadd.s32 $0x102000, s10;
	[dreg:$0xb] =	wrdreg s23  }
0x12: {  	s28 =	simm.s32 $0x0;
	s25 =	sadd.s32 $0x3000, s10;
	[dreg:$0xc] =	wrdreg s24  }
0x13: {  	p0 =	sne.s32 s4, $0x0;
	s9 =	sadd.s32 $0x103000, s10;
	[dreg:$0xd] =	wrdreg s25  }
0x14: {  	s4 =	sadd.s32 $0x100, s3;
	s11 =	sadd.s32 $0x4000, s10;
	[dreg:$0xe] =	wrdreg s9  }
0x15: {  	s29 =	sadd.s32 $0x200, s3;
	s12 =	sadd.s32 $0x104000, s10;
	[dreg:$0xf] =	wrdreg s11  }
0x16: {  	s30 =	sadd.s32 $0x300, s3;
	s13 =	sadd.s32 $0x5000, s10;
	[dreg:$0x10] =	wrdreg s12  }
0x17: {  	s31 =	sadd.s32 $0x100, s6;
	s15 =	sadd.s32 $0x105000, s10;
	[dreg:$0x11] =	wrdreg s13  }
0x18: {  	s2 =	sadd.s32 $0x200, s6;
	s16 =	sadd.s32 $0x6000, s10;
	[dreg:$0x12] =	wrdreg s15  }
0x19: {  	s17 =	simm.s32 $0x9000;
	s18 =	sadd.s32 $0x106000, s10;
	[dreg:$0x13] =	wrdreg s16  }
0x1a: {  	[dreg:$0x16] =	wrdreg s18;
	s21 =	sor.u32 $0x600, s7;
	s23 =	sor.u32 $0x400, s7  }
.Ltmp0:
0x1b: {  	s24 =	sadd.s32 $0x7000, s10;
	s25 =	sadd.s32 $0x107000, s10;
	(pc) =	sbr.rel .LBB2_1-.Ltmp0, $4  }
0x1c: {  	v2 =	vimm.f32 $0.0e+00;
	s8 =	sadd.s32 $0x300, s6;
	s9 =	sadd.s32 $0x100, s26;
	s10 =	sadd.s32 $0x200, s26;
	v1 =	vmov s21  }
0x1d: {  	v3 =	vlaneseq.u32;
	v4 =	vimm.s32 $0x0;
	vm0 =	vmmov $0xffff;
	s22 =	sadd.s32 $0x300, s26;
	s11 =	simm.s32 $0x800;
	[dreg:$0x18] =	wrdreg s24  }
0x1e: {  	v5 =	vor.u32 $0x2000, v3;
	v6 =	vand.u32 $0x7, v3;
	v7 =	vshrl.u32 v3, $0x3;
	s12 =	simm.s32 $0x8;
	s13 =	simm.s32 $0x9;
	[dreg:$0x19] =	wrdreg s25  }
0x1f: {  	v8 =	vor.u32 $0x8, v3;
	v7 =	vmul.u32 $0x8, v7;
	s16 =	simm.s32 $0x8800;
	s18 =	simm.s32 $0x1;
	v0 =	vmov s23;
	[dreg:$0x1a] =	wrdreg s22  }
.LBB2_39:
0x20: {  	s0 =	simm.s32 $0x4  }
0x21: {  	_ =	swait.ge [sflag:s0], $0x4000  }
0x22: {  	[sflag:s0] =	ssyncset.done $0x0  }
0x23: {  	[sflag:s0] =	ssyncadd.s32 $0xFFFFC000  }
0x24: {  	_ =	swait.ge [sflag:s0], $0x4000  }
0x25: {  	[sflag:s0] =	ssyncset.done $0x0  }
0x26: {  	s28 =	rddreg [dreg:$0x1b];
	[sflag:s0] =	ssyncadd.s32 $0xFFFFC000  }
.LBB2_40:
0x27: {  	s24 =	sand.u32 $0xFFFFFFE0, s24  }
0x28: {  	p1 =	sne.s32 s24, $0x20  }
0x29: {  	s0 =	simm.s32 @!p1 $0x5  }
0x2a: {  	_ =	swait.ge @!p1 [sflag:s0], $0x4000  }
0x2b: {  	[sflag:s0] =	ssyncset.done @!p1 $0x0  }
0x2c: {  	[sflag:s0] =	ssyncadd.s32 @!p1 $0xFFFFC000  }
0x2d: {  	s1 =	sadd.s32 $0xFFFFFFFD, s23;
	_ =	swait.ge @!p1 [sflag:s0], $0x4000  }
0x2e: {  	p2 =	sgt.u32 s1, $0x1;
	[sflag:s0] =	ssyncset.done @!p1 $0x0  }
0x2f: {  	[sflag:s0] =	ssyncadd.s32 @!p1 $0xFFFFC000;
	s0 =	simm.s32 @!p2 $0x4  }
0x30: {  	_ =	swait.ge @!p2 [sflag:s0], $0x4000  }
0x31: {  	[sflag:s0] =	ssyncset.done @!p2 $0x0  }
0x32: {  	[sflag:s0] =	ssyncadd.s32 @!p2 $0xFFFFC000  }
0x33: {  	_ =	swait.ge @!p2 [sflag:s0], $0x4000  }
0x34: {  	p1 =	sne.s32 s24, $0x40;
	[sflag:s0] =	ssyncset.done @!p2 $0x0  }
0x35: {  	[sflag:s0] =	ssyncadd.s32 @!p2 $0xFFFFC000;
	s0 =	simm.s32 @!p1 $0x5  }
0x36: {  	_ =	swait.ge @!p1 [sflag:s0], $0x4000  }
0x37: {  	[sflag:s0] =	ssyncset.done @!p1 $0x0  }
0x38: {  	[sflag:s0] =	ssyncadd.s32 @!p1 $0xFFFFC000  }
0x39: {  	s14 =	sadd.s32 $0xFFFFFFFB, s23;
	_ =	swait.ge @!p1 [sflag:s0], $0x4000  }
0x3a: {  	p2 =	sgt.u32 s14, $0x1;
	[sflag:s0] =	ssyncset.done @!p1 $0x0  }
0x3b: {  	[sflag:s0] =	ssyncadd.s32 @!p1 $0xFFFFC000;
	s0 =	simm.s32 @!p2 $0x4  }
0x3c: {  	_ =	swait.ge @!p2 [sflag:s0], $0x4000  }
0x3d: {  	[sflag:s0] =	ssyncset.done @!p2 $0x0  }
0x3e: {  	[sflag:s0] =	ssyncadd.s32 @!p2 $0xFFFFC000  }
0x3f: {  	_ =	swait.ge @!p2 [sflag:s0], $0x4000  }
0x40: {  	p1 =	sne.s32 s24, $0x60;
	[sflag:s0] =	ssyncset.done @!p2 $0x0  }
0x41: {  	[sflag:s0] =	ssyncadd.s32 @!p2 $0xFFFFC000;
	s0 =	simm.s32 @!p1 $0x5  }
0x42: {  	_ =	swait.ge @!p1 [sflag:s0], $0x4000  }
0x43: {  	[sflag:s0] =	ssyncset.done @!p1 $0x0  }
0x44: {  	[sflag:s0] =	ssyncadd.s32 @!p1 $0xFFFFC000  }
0x45: {  	s15 =	sadd.s32 $0xFFFFFFF9, s23;
	_ =	swait.ge @!p1 [sflag:s0], $0x4000  }
0x46: {  	p2 =	sgt.u32 s15, $0x1;
	[sflag:s0] =	ssyncset.done @!p1 $0x0  }
0x47: {  	[sflag:s0] =	ssyncadd.s32 @!p1 $0xFFFFC000;
	s0 =	simm.s32 @!p2 $0x4  }
0x48: {  	_ =	swait.ge @!p2 [sflag:s0], $0x4000  }
0x49: {  	[sflag:s0] =	ssyncset.done @!p2 $0x0  }
0x4a: {  	[sflag:s0] =	ssyncadd.s32 @!p2 $0xFFFFC000  }
0x4b: {  	_ =	swait.ge @!p2 [sflag:s0], $0x4000  }
0x4c: {  	p1 =	sne.s32 s24, $0x80;
	[sflag:s0] =	ssyncset.done @!p2 $0x0  }
0x4d: {  	[sflag:s0] =	ssyncadd.s32 @!p2 $0xFFFFC000;
	s0 =	simm.s32 @!p1 $0x5  }
0x4e: {  	_ =	swait.ge @!p1 [sflag:s0], $0x4000  }
0x4f: {  	[sflag:s0] =	ssyncset.done @!p1 $0x0  }
0x50: {  	[sflag:s0] =	ssyncadd.s32 @!p1 $0xFFFFC000  }
0x51: {  	s20 =	sadd.s32 $0xFFFFFFF7, s23;
	_ =	swait.ge @!p1 [sflag:s0], $0x4000  }
0x52: {  	p2 =	sgt.u32 s20, $0x1;
	[sflag:s0] =	ssyncset.done @!p1 $0x0  }
0x53: {  	[sflag:s0] =	ssyncadd.s32 @!p1 $0xFFFFC000;
	s0 =	simm.s32 @!p2 $0x4  }
0x54: {  	_ =	swait.ge @!p2 [sflag:s0], $0x4000  }
0x55: {  	[sflag:s0] =	ssyncset.done @!p2 $0x0  }
0x56: {  	[sflag:s0] =	ssyncadd.s32 @!p2 $0xFFFFC000  }
0x57: {  	_ =	swait.ge @!p2 [sflag:s0], $0x4000  }
0x58: {  	p1 =	sne.s32 s24, $0xA0;
	[sflag:s0] =	ssyncset.done @!p2 $0x0  }
0x59: {  	[sflag:s0] =	ssyncadd.s32 @!p2 $0xFFFFC000;
	s0 =	simm.s32 @!p1 $0x5  }
0x5a: {  	_ =	swait.ge @!p1 [sflag:s0], $0x4000  }
0x5b: {  	[sflag:s0] =	ssyncset.done @!p1 $0x0  }
0x5c: {  	[sflag:s0] =	ssyncadd.s32 @!p1 $0xFFFFC000  }
0x5d: {  	s21 =	sadd.s32 $0xFFFFFFF5, s23;
	_ =	swait.ge @!p1 [sflag:s0], $0x4000  }
0x5e: {  	p2 =	sgt.u32 s21, $0x1;
	[sflag:s0] =	ssyncset.done @!p1 $0x0  }
0x5f: {  	[sflag:s0] =	ssyncadd.s32 @!p1 $0xFFFFC000;
	s0 =	simm.s32 @!p2 $0x4  }
0x60: {  	_ =	swait.ge @!p2 [sflag:s0], $0x4000  }
0x61: {  	[sflag:s0] =	ssyncset.done @!p2 $0x0  }
0x62: {  	[sflag:s0] =	ssyncadd.s32 @!p2 $0xFFFFC000  }
0x63: {  	_ =	swait.ge @!p2 [sflag:s0], $0x4000  }
0x64: {  	p1 =	sne.s32 s24, $0xC0;
	[sflag:s0] =	ssyncset.done @!p2 $0x0  }
0x65: {  	[sflag:s0] =	ssyncadd.s32 @!p2 $0xFFFFC000;
	s0 =	simm.s32 @!p1 $0x5  }
0x66: {  	_ =	swait.ge @!p1 [sflag:s0], $0x4000  }
0x67: {  	[sflag:s0] =	ssyncset.done @!p1 $0x0  }
0x68: {  	[sflag:s0] =	ssyncadd.s32 @!p1 $0xFFFFC000  }
0x69: {  	s22 =	sadd.s32 $0xFFFFFFF3, s23;
	_ =	swait.ge @!p1 [sflag:s0], $0x4000  }
0x6a: {  	p2 =	sgt.u32 s22, $0x1;
	[sflag:s0] =	ssyncset.done @!p1 $0x0  }
0x6b: {  	[sflag:s0] =	ssyncadd.s32 @!p1 $0xFFFFC000;
	s0 =	simm.s32 @!p2 $0x4  }
0x6c: {  	_ =	swait.ge @!p2 [sflag:s0], $0x4000  }
0x6d: {  	[sflag:s0] =	ssyncset.done @!p2 $0x0  }
0x6e: {  	[sflag:s0] =	ssyncadd.s32 @!p2 $0xFFFFC000  }
0x6f: {  	_ =	swait.ge @!p2 [sflag:s0], $0x4000  }
0x70: {  	p1 =	sne.s32 s24, $0xE0;
	[sflag:s0] =	ssyncset.done @!p2 $0x0  }
0x71: {  	[sflag:s0] =	ssyncadd.s32 @!p2 $0xFFFFC000;
	s0 =	simm.s32 @!p1 $0x5  }
0x72: {  	_ =	swait.ge @!p1 [sflag:s0], $0x4000  }
0x73: {  	[sflag:s0] =	ssyncset.done @!p1 $0x0  }
0x74: {  	[sflag:s0] =	ssyncadd.s32 @!p1 $0xFFFFC000  }
0x75: {  	s23 =	sadd.s32 $0xFFFFFFF1, s23;
	_ =	swait.ge @!p1 [sflag:s0], $0x4000  }
0x76: {  	p2 =	sgt.u32 s23, $0x1;
	[sflag:s0] =	ssyncset.done @!p1 $0x0  }
0x77: {  	[sflag:s0] =	ssyncadd.s32 @!p1 $0xFFFFC000;
	s0 =	simm.s32 @!p2 $0x4  }
0x78: {  	_ =	swait.ge @!p2 [sflag:s0], $0x4000  }
0x79: {  	[sflag:s0] =	ssyncset.done @!p2 $0x0  }
0x7a: {  	[sflag:s0] =	ssyncadd.s32 @!p2 $0xFFFFC000  }
0x7b: {  	_ =	swait.ge @!p2 [sflag:s0], $0x4000  }
0x7c: {  	p1 =	sne.s32 s24, $0x100;
	[sflag:s0] =	ssyncset.done @!p2 $0x0  }
0x7d: {  	[sflag:s0] =	ssyncadd.s32 @!p2 $0xFFFFC000;
	s0 =	simm.s32 @!p1 $0x5  }
0x7e: {  	_ =	swait.ge @!p1 [sflag:s0], $0x4000  }
0x7f: {  	[sflag:s0] =	ssyncset.done @!p1 $0x0  }
0x80: {  	[sflag:s0] =	ssyncadd.s32 @!p1 $0xFFFFC000  }
0x81: {  	_ =	swait.ge @!p1 [sflag:s0], $0x4000  }
0x82: {  	s28 =	sadd.s32 $0x1, s28;
	s25 =	rddreg [dreg:$0x17]  }
0x83: {  	p2 =	sne.s32 s28, s25  }
.Ltmp1:
0x84: {  	_ = 	snop;
	(pc) =	sbr.rel @!p2 .LBB2_41-.Ltmp1, $3  }
0x85: {  	_ =	sdelay $0x1  }
0x86: {  	[sflag:s0] =	ssyncset.done @!p1 $0x0  }
0x87: {  	[sflag:s0] =	ssyncadd.s32 @!p1 $0xFFFFC000  }
.LBB2_1:
0x88: {  	s22 =	smov.u32 s10;
	s10 =	smov.u32 s9  }
0x89: {  	s9 =	smov.u32 s8;
	s8 =	smov.u32 s2;
	s2 =	smov.u32 s31  }
0x8a: {  	s31 =	smov.u32 s30;
	s30 =	smov.u32 s29;
	s0 =	simm.s32 $0x0  }
0x8b: {  	s1 =	sand.u32 $0x1C00, s5;
	s24 =	simm.s32 $0x0;
	s0 =	sand.u32 $0x6000, s0  }
0x8c: {  	s29 =	smov.u32 s4;
	s4 =	sand.u32 $0x380, s24;
	s0 =	sor.u32 s1, s0  }
0x8d: {  	s25 =	sand.u32 $0x70, s5;
	s0 =	sor.u32 s4, s0  }
0x8e: {  	s1 =	sor.u32 s25, s0  }
0x8f: {  	s4 =	simm.s32 $0x0;
	s0 =	simm.s32 $0x1;
	[tilespmem:s1+$0x800] =	vst v2;
	s1 =	simm.s32 $0x80  }
.LBB2_2:
0x90: {  	s7 =	sshll.u32 s0, $0x4;
	p1 =	sne.s32 s0, $0x7FF  }
0x91: {  	s14 =	smov.u32 s0;
	s0 =	sadd.s32 $0x1, s0;
	s15 =	sand.u32 $0x1C00, s1  }
.Ltmp2:
0x92: {  	s7 =	sand.u32 $0x6000, s7;
	s14 =	sshll.u32 s14, $0x1;
	(pc) =	sbr.rel @p1 .LBB2_2-.Ltmp2, $4  }
0x93: {  	s4 =	sadd.s32 $0x10, s4;
	s14 =	sand.u32 $0x380, s14;
	s7 =	sor.u32 s15, s7  }
0x94: {  	s15 =	sand.u32 $0x70, s4;
	s7 =	sor.u32 s14, s7  }
0x95: {  	s7 =	sor.u32 s15, s7  }
0x96: {  	s1 =	sadd.s32 $0x80, s1;
	[tilespmem:s7+$0x800] =	vst v2  }
0x97: {  	s0 =	simm.s32 $0x0;
	s1 =	rddreg [dreg:$0x7]  }
0x98: {  	[hbm4b:s1+s0] =	stream.linear.scatter [tilespmem:s11], [sflag:$0x1], $0x8000, $0x38;
	[tilespmem:$0x19800] =	vst v63  }
0x99: {  	s7 =	rddreg [dreg:$0x8]  }
0x9a: {  	[hbm4b:s7+s0] =	stream.linear.scatter [tilespmem:s11], [sflag:$0x1], $0x8000, $0x38;
	[tilespmem:$0x19800] =	vst v63  }
0x9b: {  	s14 =	rddreg [dreg:$0x9]  }
0x9c: {  	[hbm4b:s14+s0] =	stream.linear.scatter [tilespmem:s11], [sflag:$0x1], $0x8000, $0x38;
	[tilespmem:$0x19800] =	vst v63  }
0x9d: {  	s15 =	rddreg [dreg:$0xa]  }
0x9e: {  	[hbm4b:s15+s0] =	stream.linear.scatter [tilespmem:s11], [sflag:$0x1], $0x8000, $0x38;
	[tilespmem:$0x19800] =	vst v63  }
0x9f: {  	s20 =	rddreg [dreg:$0xb]  }
0xa0: {  	[hbm4b:s20+s0] =	stream.linear.scatter [tilespmem:s11], [sflag:$0x1], $0x8000, $0x38;
	[tilespmem:$0x19800] =	vst v63  }
0xa1: {  	s21 =	rddreg [dreg:$0xc]  }
0xa2: {  	[hbm4b:s21+s0] =	stream.linear.scatter [tilespmem:s11], [sflag:$0x1], $0x8000, $0x38;
	[tilespmem:$0x19800] =	vst v63  }
0xa3: {  	s23 =	rddreg [dreg:$0xd]  }
0xa4: {  	[hbm4b:s23+s0] =	stream.linear.scatter [tilespmem:s11], [sflag:$0x1], $0x8000, $0x38;
	[tilespmem:$0x19800] =	vst v63  }
0xa5: {  	s24 =	rddreg [dreg:$0xe]  }
0xa6: {  	[hbm4b:s24+s0] =	stream.linear.scatter [tilespmem:s11], [sflag:$0x1], $0x8000, $0x38;
	[tilespmem:$0x19800] =	vst v63  }
0xa7: {  	s25 =	rddreg [dreg:$0xf]  }
0xa8: {  	[hbm4b:s25+s0] =	stream.linear.scatter [tilespmem:s11], [sflag:$0x1], $0x8000, $0x38;
	[tilespmem:$0x19800] =	vst v63  }
0xa9: {  	s4 =	rddreg [dreg:$0x10]  }
0xaa: {  	[hbm4b:s4+s0] =	stream.linear.scatter [tilespmem:s11], [sflag:$0x1], $0x8000, $0x38;
	[tilespmem:$0x19800] =	vst v63  }
0xab: {  	s7 =	rddreg [dreg:$0x11]  }
0xac: {  	[hbm4b:s7+s0] =	stream.linear.scatter [tilespmem:s11], [sflag:$0x1], $0x8000, $0x38;
	[tilespmem:$0x19800] =	vst v63  }
0xad: {  	s14 =	rddreg [dreg:$0x12]  }
0xae: {  	[hbm4b:s14+s0] =	stream.linear.scatter [tilespmem:s11], [sflag:$0x1], $0x8000, $0x38;
	[tilespmem:$0x19800] =	vst v63  }
0xaf: {  	s15 =	rddreg [dreg:$0x13]  }
0xb0: {  	[hbm4b:s15+s0] =	stream.linear.scatter [tilespmem:s11], [sflag:$0x1], $0x8000, $0x38;
	[tilespmem:$0x19800] =	vst v63  }
0xb1: {  	s20 =	rddreg [dreg:$0x16]  }
0xb2: {  	[hbm4b:s20+s0] =	stream.linear.scatter [tilespmem:s11], [sflag:$0x1], $0x8000, $0x38;
	[tilespmem:$0x19800] =	vst v63  }
0xb3: {  	s21 =	rddreg [dreg:$0x18]  }
0xb4: {  	[hbm4b:s21+s0] =	stream.linear.scatter [tilespmem:s11], [sflag:$0x1], $0x8000, $0x38;
	[tilespmem:$0x19800] =	vst v63  }
0xb5: {  	s23 =	rddreg [dreg:$0x19]  }
0xb6: {  	[hbm4b:s23+s0] =	stream.linear.scatter [tilespmem:s11], [sflag:$0x1], $0x8000, $0x38;
	[tilespmem:$0x19800] =	vst v63  }
0xb7: {  	s24 =	rddreg [dreg:$0x14]  }
0xb8: {  	[tilespmem:s0], [sflag:$0x8] =	stream.linear.gather [hbm4b:s24+s0], $0x200, $0x38;
	[tilespmem:$0x19800] =	vst v63  }
0xb9: {  	_ =	swait.ge [sflag:s12], $0x200  }
0xba: {  	[sflag:s12] =	ssyncset.done $0x0  }
0xbb: {  	s4 =	simm.s32 $0x200;
	s25 =	rddreg [dreg:$0x15];
	[sflag:s12] =	ssyncadd.s32 $0xFFFFFE00  }
0xbc: {  	[tilespmem:s4], [sflag:$0x8] =	stream.linear.gather [hbm4b:s25+s0], $0x200, $0x38;
	[tilespmem:$0x19800] =	vst v63  }
0xbd: {  	_ =	swait.ge [sflag:s12], $0x200  }
0xbe: {  	[sflag:s12] =	ssyncset.done $0x0  }
0xbf: {  	s0 =	simm.s32 $0x0;
	[sflag:s12] =	ssyncadd.s32 $0xFFFFFE00  }
0xc0: {  	v9 =	vld [tilespmem:s0+$0x200]  }
0xc1: {  	v10 =	vld [tilespmem:s0+$0x0]  }
0xc2: {  	s1 =	simm.s32 $0x40  }
.LBB2_4:
0xc3: {  	p1 =	sne.s32 s1, $0x7C0  }
.Ltmp3:
0xc4: {  	_ = 	snop;
	(pc) =	sbr.rel @p1 .LBB2_4-.Ltmp3, $4  }
0xc5: {  	s4 =	sshra.s32 s1, $0x2;
	vm1 =	vlt.s32 v9, $0x0;
	v11 =	vxor.u32 $0x7FFFFFFF, v9  }
0xc6: {  	vm2 =	vlt.s32 v10, $0x0;
	v12 =	vxor.u32 $0x7FFFFFFF, v10;
	v11 =	vsel vm1, v11, v9;
	v9 =	vld [tilespmem:s4+$0x200]  }
0xc7: {  	v12 =	vsel vm2, v12, v10;
	v10 =	vld [tilespmem:s4+$0x0];
	[tilespmem:s0+$0x600] =	vst v11  }
0xc8: {  	s1 =	sadd.s32 $0x40, s1;
	[tilespmem:s0+$0x400] =	vst v12;
	s0 =	smov.u32 s4  }
0xc9: {  	_ = 	snop  }
.Ltmp4:
0xca: {  	_ = 	snop;
	(pc) =	sbr.rel @p0 .LBB2_9-.Ltmp4, $4  }
0xcb: {  	vm1 =	vlt.s32 v9, $0x0;
	v11 =	vxor.u32 $0x7FFFFFFF, v9  }
0xcc: {  	vm2 =	vlt.s32 v10, $0x0;
	v12 =	vxor.u32 $0x7FFFFFFF, v10;
	v9 =	vsel vm1, v11, v9  }
0xcd: {  	v10 =	vsel vm2, v12, v10;
	[tilespmem:s0+$0x600] =	vst v9  }
0xce: {  	[tilespmem:s0+$0x400] =	vst v10  }
0xcf: {  	s0 =	simm.s32 $0x4;
	s1 =	simm.s32 $0x0  }
.LBB2_7:
0xd0: {  	p1 =	sne.s32 s0, $0x17C  }
0xd1: {  	[smem:s1] =	sst s5;
	s1 =	smov.u32 s0;
	s0 =	sadd.s32 $0x4, s0  }
.Ltmp5:
0xd2: {  	(pc) =	sbr.rel @p1 .LBB2_7-.Ltmp5, $2  }
0xd3: {  	_ =	sdelay $0x2  }
0xd4: {  	s1 =	sshra.s32 s1, $0x2  }
0xd5: {  	[smem:s1] =	sst s5  }
.LBB2_9:
0xd6: {  	[dreg:$0x1b] =	wrdreg s28  }
0xd7: {  	s14 =	simm.s32 $0x0;
	s7 =	simm.s32 $0x80000000;
	s20 =	simm.s32 $0x7FFFFFFF  }
0xd8: {  	s23 =	simm.s32 $0x7FFFFFFF;
	s21 =	simm.s32 $0x80000000;
	[bflag:$0x0] =	sbarrier.arrive $0xFFFF  }
.LBB2_10:
0xd9: {  	s0 =	sxor.u32 s21, s23;
	s1 =	sand.u32 s21, s23;
	s28 =	sxor.u32 s7, s20  }
0xda: {  	s4 =	sshra.s32 s0, $0x1;
	s0 =	sand.u32 $0x1, s0;
	s24 =	sshra.s32 s28, $0x1  }
0xdb: {  	s25 =	sand.u32 $0x1, s28;
	s28 =	simm.s32 $0x0;
	s1 =	sadd.s32 s4, s1  }
0xdc: {  	v12 =	vld [tilespmem:s28+$0x600];
	s15 =	sadd.s32 s0, s1;
	s1 =	sand.u32 s7, s20  }
0xdd: {  	v14 =	vld [tilespmem:s28+$0x400];
	s0 =	sadd.s32 s24, s1  }
0xde: {  	v9 =	vimm.s32 $0x0;
	s0 =	sadd.s32 s25, s0  }
0xdf: {  	v13 =	vimm.s32 $0x0;
	v10 =	vmov s15;
	s1 =	simm.s32 $0x40;
	v11 =	vmov s0  }
.LBB2_11:
0xe0: {  	p1 =	sne.s32 s1, $0x7C0  }
.Ltmp6:
0xe1: {  	s4 =	sshra.s32 s1, $0x2;
	s1 =	sadd.s32 $0x40, s1;
	vm1 =	vge.s32 v12, v11;
	(pc) =	sbr.rel @p1 .LBB2_11-.Ltmp6, $4  }
0xe2: {  	v12 =	vld [tilespmem:s4+$0x600];
	vm2 =	vge.s32 v14, v10;
	v15 =	vmpcnt.ones.xlane vm1  }
0xe3: {  	v14 =	vld [tilespmem:s4+$0x400];
	v16 =	vmpcnt.ones.xlane vm2  }
0xe4: {  	v9 =	vadd.s32 v9, v15  }
0xe5: {  	v13 =	vadd.s32 v13, v16  }
0xe6: {  	_ =	sdelay $0x1  }
0xe7: {  	vm1 =	vge.s32 v14, v10  }
0xe8: {  	vm2 =	vge.s32 v12, v11;
	v10 =	vmpcnt.ones.xlane vm1  }
0xe9: {  	v11 =	vmpcnt.ones.xlane vm2  }
0xea: {  	v10 =	vadd.s32 v13, v10  }
0xeb: {  	v9 =	vadd.s32 v9, v11;
	(v2sf) =	vpush v10, $0x0  }
0xec: {  	(v2sf) =	vpush v9, $0x0;
	_ =	sdelay $0xd  }
0xed: {  	s1 =	spop (v2sf)  }
0xee: {  	s4 =	spop (v2sf)  }
0xef: {  	s4 =	sshll.u32 s4, $0x10  }
0xf0: {  	[sflag:s12] =	ssyncset.done $0x0;
	s1 =	sadd.s32 s1, s4  }
0xf1: {  	[smem:s14], [sflag:$0x8] =	smem.add.s32 s1  }
0xf2: {  	_ =	swait.done [sflag:s12]  }
0xf3: {  	[sflag:s12] =	ssyncset.s32 $0x0  }
0xf4: {  	[sflag:s12] =	ssyncset.done $0x0  }
0xf5: {  	[bflag:$0x0] =	sbarrier.arrive $0xFFFF  }
0xf6: {  	[sflag:s13] =	ssyncset.done $0x0  }
0xf7: {  	[smem:s14], [sflag:$0x9] =	smem.add.s32 $0x0  }
0xf8: {  	_ =	swait.done [sflag:s13]  }
0xf9: {  	s25 =	ssyncread [sflag:$0x9];
	_ =	sdelay $0x1  }
0xfa: {  	p1 =	slt.s32 s21, s23  }
0xfb: {  	s24 =	smov.u32 s21;
	s4 =	sadd.s32 $0xFFFFFFFF, s15;
	s28 =	sand.u32 $0xFFFF, s25  }
0xfc: {  	s14 =	sadd.s32 $0x1, s14;
	s1 =	sshra.s32 s25, $0x10;
	p2 =	sgt.u32 s28, $0x332  }
0xfd: {  	s24 =	smov.u32 @p2 s15;
	p2 =	slt.u32 s28, $0x333;
	s15 =	smov.u32 s23  }
0xfe: {  	s15 =	smov.u32 @p2 s4;
	p2 =	sgt.s32 s1, $0x332;
	s4 =	smov.u32 s7  }
0xff: {  	s21 =	smov.u32 @p1 s24;
	s23 =	smov.u32 @p1 s15;
	s4 =	smov.u32 @p2 s0  }
0x100: {  	p1 =	slt.s32 s1, $0x333;
	s0 =	sadd.s32 $0xFFFFFFFF, s0;
	s1 =	smov.u32 s20  }
0x101: {  	s1 =	smov.u32 @p1 s0;
	p1 =	seq.s32 s14, $0x20  }
.Ltmp7:
0x102: {  	_ = 	snop;
	(pc) =	sbr.rel @!p1 .LBB2_10-.Ltmp7, $3  }
0x103: {  	_ =	sdelay $0x1  }
0x104: {  	[sflag:s13] =	ssyncset.s32 $0x0;
	p2 =	slt.s32 s7, s20  }
0x105: {  	[sflag:s13] =	ssyncset.done $0x0;
	s7 =	smov.u32 @p2 s4;
	s20 =	smov.u32 @p2 s1  }
0x106: {  	s1 =	simm.s32 $0x0  }
0x107: {  	v13 =	vld [tilespmem:s1+$0x600]  }
0x108: {  	v14 =	vld [tilespmem:s1+$0x400]  }
0x109: {  	v10 =	vmov s21;
	s28 =	smov.u32 s26  }
0x10a: {  	v9 =	vmov s7;
	v11 =	vimm.s32 $0x0;
	s26 =	smov.u32 s6;
	s6 =	smov.u32 s3;
	s0 =	simm.s32 $0x40;
	v12 =	vimm.s32 $0x0  }
.LBB2_14:
0x10b: {  	p1 =	sne.s32 s0, $0x7C0  }
.Ltmp8:
0x10c: {  	s1 =	sshra.s32 s0, $0x2;
	s0 =	sadd.s32 $0x40, s0;
	vm1 =	vgt.s32 v13, v9;
	(pc) =	sbr.rel @p1 .LBB2_14-.Ltmp8, $4  }
0x10d: {  	v13 =	vld [tilespmem:s1+$0x600];
	vm2 =	vgt.s32 v14, v10;
	v15 =	vmpcnt.ones.xlane vm1  }
0x10e: {  	v14 =	vld [tilespmem:s1+$0x400];
	v16 =	vmpcnt.ones.xlane vm2  }
0x10f: {  	v11 =	vadd.s32 v11, v15  }
0x110: {  	v12 =	vadd.s32 v12, v16  }
0x111: {  	_ =	sdelay $0x1  }
0x112: {  	vm1 =	vgt.s32 v14, v10  }
0x113: {  	vm2 =	vgt.s32 v13, v9;
	v62 =	vmpcnt.ones.xlane vm1  }
0x114: {  	v63 =	vmpcnt.ones.xlane vm2  }
0x115: {  	v12 =	vadd.s32 v12, v62  }
0x116: {  	v11 =	vadd.s32 v11, v63;
	(v2sf) =	vpush v12, $0x0  }
0x117: {  	(v2sf) =	vpush v11, $0x0;
	_ =	sdelay $0xd  }
0x118: {  	s0 =	spop (v2sf)  }
0x119: {  	s1 =	spop (v2sf)  }
0x11a: {  	s23 =	simm.s32 $0x6;
	s1 =	sshll.u32 s1, $0x10  }
0x11b: {  	s3 =	simm.s32 $0x20;
	[sflag:s23] =	ssyncset.done $0x0;
	s0 =	sadd.s32 s0, s1  }
0x11c: {  	[smem:s3], [sflag:$0x6] =	smem.add.s32 s0  }
0x11d: {  	_ =	swait.done [sflag:s23]  }
0x11e: {  	[sflag:s23] =	ssyncset.s32 $0x0  }
0x11f: {  	[sflag:s23] =	ssyncset.done $0x0  }
0x120: {  	s4 =	simm.s32 $0x7;
	[bflag:$0x0] =	sbarrier.arrive $0xFFFF  }
0x121: {  	[sflag:s4] =	ssyncset.done $0x0  }
0x122: {  	[smem:s3], [sflag:$0x7] =	smem.add.s32 $0x0  }
0x123: {  	_ =	swait.done [sflag:s4]  }
0x124: {  	s24 =	ssyncread [sflag:$0x7]  }
0x125: {  	s21 =	simm.s32 $0x1FFF;
	s7 =	simm.s32 $0x1FFF  }
0x126: {  	s20 =	simm.s32 $0x0;
	s14 =	simm.s32 $0x0;
	s23 =	simm.s32 $0x0  }
0x127: {  	[sflag:s4] =	ssyncset.s32 $0x0;
	s25 =	sand.u32 $0xFFFF, s24;
	s0 =	sshra.s32 s24, $0x10  }
0x128: {  	[sflag:s4] =	ssyncset.done $0x0;
	s24 =	ssub.s32 $0x333, s25;
	s25 =	ssub.s32 $0x333, s0  }
.LBB2_16:
0x129: {  	s3 =	simm.s32 $0x0  }
0x12a: {  	v15 =	vld [tilespmem:s3+$0x600]  }
0x12b: {  	s0 =	sand.u32 s20, s7;
	s1 =	sxor.u32 s20, s7;
	s4 =	sxor.u32 s23, s21;
	v16 =	vld [tilespmem:s3+$0x400]  }
0x12c: {  	s15 =	sand.u32 s23, s21;
	s1 =	sshra.s32 s1, $0x1;
	s4 =	sshra.s32 s4, $0x1  }
0x12d: {  	v11 =	vimm.s32 $0x0;
	v17 =	vor.u32 s19, v3;
	s0 =	sadd.s32 s1, s0;
	s15 =	sadd.s32 s4, s15  }
0x12e: {  	v14 =	vimm.s32 $0x0;
	s1 =	simm.s32 $0x40;
	s4 =	smov.u32 s19;
	v13 =	vmov s0;
	v12 =	vmov s15  }
.LBB2_17:
0x12f: {  	s3 =	sshra.s32 s1, $0x2;
	p1 =	sne.s32 s1, $0x7C0;
	s1 =	sadd.s32 $0x40, s1;
	vm1 =	vle.s32 v17, v13;
	vm2 =	veq.s32 v15, v9;
	vm3 =	vle.s32 v17, v12  }
.Ltmp9:
0x130: {  	v15 =	vld [tilespmem:s3+$0x600];
	vm4 =	veq.s32 v16, v10;
	vm2 =	vmand vm3, vm2;
	(pc) =	sbr.rel @p1 .LBB2_17-.Ltmp9, $4  }
0x131: {  	v16 =	vld [tilespmem:s3+$0x400];
	vm1 =	vmand vm1, vm4;
	v17 =	vmpcnt.ones.xlane vm2  }
0x132: {  	v18 =	vmpcnt.ones.xlane vm1  }
0x133: {  	s4 =	sadd.s32 $0x10, s4;
	v11 =	vadd.s32 v11, v17  }
0x134: {  	v17 =	vor.u32 s4, v3;
	v14 =	vadd.s32 v14, v18  }
0x135: {  	_ = 	snop  }
0x136: {  	vm1 =	vle.s32 v17, v13;
	vm2 =	veq.s32 v16, v10  }
0x137: {  	vm3 =	veq.s32 v15, v9;
	vm4 =	vle.s32 v17, v12;
	vm1 =	vmand vm1, vm2  }
0x138: {  	vm2 =	vmand vm4, vm3;
	v62 =	vmpcnt.ones.xlane vm1  }
0x139: {  	v63 =	vmpcnt.ones.xlane vm2  }
0x13a: {  	v12 =	vadd.s32 v14, v62  }
0x13b: {  	v11 =	vadd.s32 v11, v63;
	(v2sf) =	vpush v12, $0x0  }
0x13c: {  	(v2sf) =	vpush v11, $0x0;
	_ =	sdelay $0xd  }
0x13d: {  	s1 =	spop (v2sf)  }
0x13e: {  	s3 =	spop (v2sf)  }
0x13f: {  	s3 =	sshll.u32 s3, $0x10  }
0x140: {  	[sflag:s12] =	ssyncset.done $0x0;
	s4 =	sadd.s32 $0x21, s14;
	s1 =	sadd.s32 s1, s3  }
0x141: {  	[smem:s4], [sflag:$0x8] =	smem.add.s32 s1  }
0x142: {  	_ =	swait.done [sflag:s12]  }
0x143: {  	[sflag:s12] =	ssyncset.s32 $0x0  }
0x144: {  	[sflag:s12] =	ssyncset.done $0x0  }
0x145: {  	[bflag:$0x0] =	sbarrier.arrive $0xFFFF  }
0x146: {  	[sflag:s13] =	ssyncset.done $0x0  }
0x147: {  	[smem:s4], [sflag:$0x9] =	smem.add.s32 $0x0  }
0x148: {  	_ =	swait.done [sflag:s13]  }
0x149: {  	s4 =	ssyncread [sflag:$0x9];
	_ =	sdelay $0x2  }
0x14a: {  	s3 =	sand.u32 $0xFFFF, s4  }
0x14b: {  	s1 =	sshra.s32 s4, $0x10;
	s4 =	smov.u32 s7;
	p2 =	sge.s32 s3, s24  }
0x14c: {  	s4 =	smov.u32 @p2 s0  }
0x14d: {  	p2 =	slt.s32 s3, s24;
	s0 =	sadd.s32 $0x1, s0;
	s3 =	smov.u32 s20  }
0x14e: {  	p1 =	slt.s32 s20, s7;
	s14 =	sadd.s32 $0x1, s14;
	s3 =	smov.u32 @p2 s0  }
0x14f: {  	s7 =	smov.u32 @p1 s4;
	p2 =	sge.s32 s1, s25;
	s20 =	smov.u32 @p1 s3  }
0x150: {  	p1 =	slt.s32 s1, s25;
	s1 =	sadd.s32 $0x1, s15;
	s3 =	smov.u32 s23  }
0x151: {  	s3 =	smov.u32 @p1 s1;
	p1 =	seq.s32 s14, $0xE  }
.Ltmp10:
0x152: {  	_ = 	snop;
	(pc) =	sbr.rel @!p1 .LBB2_16-.Ltmp10, $4  }
0x153: {  	_ = 	snop  }
0x154: {  	s0 =	smov.u32 s21  }
0x155: {  	[sflag:s13] =	ssyncset.s32 $0x0;
	s0 =	smov.u32 @p2 s15;
	p2 =	slt.s32 s23, s21  }
0x156: {  	[sflag:s13] =	ssyncset.done $0x0;
	s21 =	smov.u32 @p2 s0;
	s23 =	smov.u32 @p2 s3  }
0x157: {  	_ =	sdelay $0x2  }
0x158: {  	s0 =	simm.s32 $0x0  }
0x159: {  	v14 =	vld.idx.msk [tilespmem:v0+s0+$0x0 ss:$0x1], $0xffff  }
0x15a: {  	v15 =	vld.idx.msk [tilespmem:v1+s0+$0x0 ss:$0x1], $0xffff;
	_ =	sdelay $0x1  }
0x15b: {  	s0 =	rddreg [dreg:$0x6]  }
0x15c: {  	v12 =	vmov s20;
	v16 =	vor.u32 s0, v3  }
0x15d: {  	v11 =	vmov s23;
	vm2 =	vle.s32 v16, v12;
	vm1 =	veq.s32 v14, v10  }
0x15e: {  	vm3 =	vgt.s32 v14, v10;
	vm4 =	veq.s32 v15, v9;
	vm1 =	vmand vm2, vm1  }
0x15f: {  	vm2 =	vle.s32 v16, v11;
	vm1 =	vmor vm3, vm1;
	vm3 =	vgt.s32 v15, v9  }
0x160: {  	vm2 =	vmand vm2, vm4;
	vm1 =	vmor vm3, vm1  }
0x161: {  	vm1 =	vmor vm2, vm1  }
0x162: {  	v14 =	vsel vm1, $0x1, v4  }
0x163: {  	(xrf0) =	vadd.scan.msk.s32 $0xffff, v14;
	_ =	sdelay $0x4  }
0x164: {  	v13 =	vimm.s32 $0x0;
	v14 =	vsel vm1, $0xFFFFFFFF, v4  }
0x165: {  	v14 =	vadd.s32 v14, v13;
	v15, _, _ =	vpop (xrf0)  }
0x166: {  	v14 =	vadd.s32 v15, v14  }
0x167: {  	v15 =	vshll.u32 v14, $0x3  }
0x168: {  	v14 =	vand.u32 $0xF, v14;
	v15 =	vand.u32 $0xFFFFFF80, v15  }
0x169: {  	v14 =	vor.u32 v14, v15;
	_ =	sdelay $0x3  }
0x16a: {  	v15 =	vmpcnt.ones.xlane vm1  }
0x16b: {  	[tilespmem:v14+s16+$0x0] =	vst.idx.msk vm1, v16;
	v16 =	vor.u32 s0, v5  }
0x16c: {  	s1 =	simm.s32 $0x10;
	v13 =	vadd.s32 v13, v15;
	[tilespmem:v14+s17+$0x0] =	vst.idx.msk vm1, v16  }
0x16d: {  	s7 =	simm.s32 $0x80;
	s3 =	smov.u32 s6;
	s4 =	smov.u32 s29;
	v14 =	vmov v13;
	v15 =	vld.idx.msk [tilespmem:v0+s1+$0x0 ss:$0x1], $0xffff  }
.LBB2_20:
0x16e: {  	p1 =	sne.s32 s7, $0x3C0  }
0x16f: {  	v16 =	vld.idx.msk [tilespmem:v1+s1+$0x0 ss:$0x1], $0xffff;
	_ =	sdelay $0x1  }
0x170: {  	s0 =	sadd.s32 $0x10, s0  }
0x171: {  	v17 =	vor.u32 s0, v3  }
0x172: {  	vm2 =	vle.s32 v17, v12;
	vm1 =	veq.s32 v15, v10  }
0x173: {  	vm3 =	vgt.s32 v15, v10;
	vm1 =	vmand vm2, vm1;
	vm2 =	vle.s32 v17, v11  }
0x174: {  	vm1 =	vmor vm3, vm1;
	vm3 =	vgt.s32 v16, v9;
	vm4 =	veq.s32 v16, v9  }
0x175: {  	vm1 =	vmor vm3, vm1;
	vm2 =	vmand vm2, vm4  }
0x176: {  	vm1 =	vmor vm2, vm1  }
0x177: {  	v15 =	vsel vm1, $0x1, v4;
	v16 =	vmpcnt.ones.xlane vm1  }
0x178: {  	(xrf0) =	vadd.scan.msk.s32 $0xffff, v15  }
0x179: {  	v13 =	vadd.s32 v13, v16;
	_ =	sdelay $0x3  }
0x17a: {  	v15 =	vsel vm1, $0xFFFFFFFF, v4  }
0x17b: {  	v15 =	vadd.s32 v15, v14;
	v14 =	vmov v13;
	v16, _, _ =	vpop (xrf0)  }
0x17c: {  	v15 =	vadd.s32 v16, v15  }
0x17d: {  	v16 =	vshll.u32 v15, $0x3  }
0x17e: {  	v15 =	vand.u32 $0xF, v15;
	v16 =	vand.u32 $0xFFFFFF80, v16  }
0x17f: {  	v15 =	vor.u32 v15, v16;
	_ =	sdelay $0x2  }
.Ltmp11:
0x180: {  	(pc) =	sbr.rel @p1 .LBB2_20-.Ltmp11, $4  }
0x181: {  	_ = 	snop  }
0x182: {  	v16 =	vor.u32 s0, v5;
	[tilespmem:v15+s16+$0x0] =	vst.idx.msk vm1, v17  }
0x183: {  	s1 =	sshra.s32 s7, $0x2;
	[tilespmem:v15+s17+$0x0] =	vst.idx.msk vm1, v16  }
0x184: {  	s7 =	sadd.s32 $0x40, s7;
	v15 =	vld.idx.msk [tilespmem:v0+s1+$0x0 ss:$0x1], $0xffff  }
0x185: {  	_ =	sdelay $0x3  }
0x186: {  	v16 =	vld.idx.msk [tilespmem:v1+s1+$0x0 ss:$0x1], $0xffff  }
0x187: {  	s0 =	sadd.s32 $0x10, s0  }
0x188: {  	v17 =	vor.u32 s0, v3  }
0x189: {  	vm2 =	vle.s32 v17, v12;
	vm1 =	veq.s32 v15, v10  }
0x18a: {  	vm3 =	vgt.s32 v15, v10;
	vm1 =	vmand vm2, vm1;
	vm2 =	vle.s32 v17, v11  }
0x18b: {  	vm4 =	veq.s32 v16, v9;
	vm1 =	vmor vm3, vm1;
	vm3 =	vgt.s32 v16, v9  }
0x18c: {  	vm2 =	vmand vm2, vm4;
	vm1 =	vmor vm3, vm1  }
0x18d: {  	vm1 =	vmor vm2, vm1  }
0x18e: {  	v9 =	vsel vm1, $0x1, v4  }
0x18f: {  	(xrf0) =	vadd.scan.msk.s32 $0xffff, v9;
	_ =	sdelay $0x4  }
0x190: {  	v9 =	vsel vm1, $0xFFFFFFFF, v4  }
0x191: {  	v9 =	vadd.s32 v9, v14;
	v10, _, _ =	vpop (xrf0)  }
0x192: {  	v9 =	vadd.s32 v10, v9  }
0x193: {  	v10 =	vshll.u32 v9, $0x3  }
0x194: {  	v9 =	vand.u32 $0xF, v9;
	v10 =	vand.u32 $0xFFFFFF80, v10  }
0x195: {  	v9 =	vor.u32 v9, v10;
	_ =	sdelay $0x4  }
0x196: {  	v10 =	vor.u32 s0, v5;
	[tilespmem:v9+s16+$0x0] =	vst.idx.msk vm1, v17  }
0x197: {  	[tilespmem:v9+s17+$0x0] =	vst.idx.msk vm1, v10  }
0x198: {  	v10 =	vld [tilespmem:$0x8800];
	_ =	sdelay $0x4  }
0x199: {  	(v2sf) =	vpush v10, $0x0;
	_ =	sdelay $0x4  }
0x19a: {  	s0 =	simm.s32 $0x8800  }
0x19b: {  	v11 =	vld [tilespmem:s0+$0x0]  }
0x19c: {  	v9 =	vmpcnt.ones.xlane vm1  }
0x19d: {  	s24 =	simm.s32 $0x0  }
0x19e: {  	v12 =	vor.u32 s24, v3;
	v9 =	vadd.s32 v13, v9;
	v10 =	vbroadcast v10, $0x0  }
0x19f: {  	vm1 =	vlt.s32 v12, v9  }
0x1a0: {  	v11 =	vsel vm1, v11, v10  }
0x1a1: {  	s7 =	simm.s32 $0x9000;
	[tilespmem:s0+$0x0] =	vst v11  }
0x1a2: {  	v12 =	vld [tilespmem:s7+$0x0];
	_ =	sdelay $0x1  }
0x1a3: {  	s25 =	spop (v2sf)  }
0x1a4: {  	s1 =	sadd.s32 $0x2000, s25  }
0x1a5: {  	v11 =	vmov s1  }
0x1a6: {  	s14 =	simm.s32 $0x10;
	s6 =	smov.u32 s26;
	s29 =	smov.u32 s30;
	v12 =	vsel vm1, v12, v11  }
.LBB2_22:
0x1a7: {  	p1 =	sne.s32 s14, $0xF0;
	[tilespmem:s7+$0x0] =	vst v12;
	s0 =	sadd.s32 $0x80, s0;
	s7 =	sadd.s32 $0x80, s7  }
0x1a8: {  	s1 =	smov.u32 s14;
	s14 =	sadd.s32 $0x10, s14;
	v12 =	vld [tilespmem:s0+$0x0];
	_ =	sdelay $0x2  }
0x1a9: {  	v13 =	vor.u32 s1, v3  }
0x1aa: {  	vm1 =	vlt.s32 v13, v9  }
0x1ab: {  	v12 =	vsel vm1, v12, v10  }
0x1ac: {  	[tilespmem:s0+$0x0] =	vst v12  }
0x1ad: {  	v12 =	vld [tilespmem:s7+$0x0]  }
.Ltmp12:
0x1ae: {  	(pc) =	sbr.rel @p1 .LBB2_22-.Ltmp12, $2  }
0x1af: {  	_ =	sdelay $0x2  }
0x1b0: {  	v12 =	vsel vm1, v12, v11  }
0x1b1: {  	(v2sf) =	vpush v9, $0x0;
	_ =	sdelay $0xe  }
0x1b2: {  	s0 =	spop (v2sf)  }
0x1b3: {  	s24 =	sadd.s32 $0xF, s0  }
0x1b4: {  	s23 =	sshra.s32 s24, $0x4  }
0x1b5: {  	[tilespmem:s7+$0x0] =	vst v12;
	p1 =	slt.s32 s23, $0x1  }
0x1b6: {  	v9 =	vld @!p1 [tilespmem:$0x8800];
	_ =	sdelay $0x4  }
0x1b7: {  	v10 =	vshll.u32 @!p1 v9, $0x3  }
0x1b8: {  	v11 =	vlaneseq.u32 @!p1;
	v9 =	vand.u32 @!p1 $0x7, v9;
	v10 =	vand.u32 @!p1 $0xFFFFFFC0, v10  }
0x1b9: {  	v12 =	vshrl.u32 @!p1 v11, $0x3;
	v9 =	vor.u32 @!p1 v9, v10;
	v10 =	vand.u32 @!p1 $0x7, v11  }
0x1ba: {  	v12 =	vmul.u32 @!p1 $0x8, v12;
	v13 =	vperm.xlane @!p1 v9, v10;
	_ =	sdelay $0x1  }
0x1bb: {  	v13 =	vadd.s32 @!p1 v12, v13;
	_ =	sdelay $0x3  }
0x1bc: {  	vm1 =	vmmov @!p1 $0xffff;
	s0 =	simm.s32 @!p1 $0x0;
	s1 =	simm.s32 @!p1 $0x9800  }
0x1bd: {  	v11 =	vor.u32 @!p1 $0x8, v11;
	[tilespmem:s1], [sflag:$0x2] =	stream.indirect_vreg.gather @!p1 [hbm4b:s3+s0], $0x80, v13, vm1, $0xb8;
	[tilespmem:$0x19800] =	vst v63  }
0x1be: {  	v9 =	vperm.xlane @!p1 v9, v11;
	s1 =	simm.s32 @!p1 $0xA000  }
0x1bf: {  	[tilespmem:s1], [sflag:$0x2] =	stream.indirect_vreg.gather @!p1 [hbm4b:s4+s0], $0x80, v13, vm1, $0xb8;
	[tilespmem:$0x19800] =	vst v63  }
0x1c0: {  	v9 =	vadd.s32 @!p1 v12, v9;
	s1 =	simm.s32 @!p1 $0xA800  }
0x1c1: {  	[tilespmem:s1], [sflag:$0x2] =	stream.indirect_vreg.gather @!p1 [hbm4b:s29+s0], $0x80, v13, vm1, $0xb8;
	[tilespmem:$0x19800] =	vst v63  }
0x1c2: {  	s1 =	simm.s32 @!p1 $0xB000  }
0x1c3: {  	[tilespmem:s1], [sflag:$0x2] =	stream.indirect_vreg.gather @!p1 [hbm4b:s31+s0], $0x80, v13, vm1, $0xb8;
	[tilespmem:$0x19800] =	vst v63  }
0x1c4: {  	s1 =	simm.s32 @!p1 $0xB800  }
0x1c5: {  	[tilespmem:s1], [sflag:$0x2] =	stream.indirect_vreg.gather @!p1 [hbm4b:s3+s0], $0x80, v9, vm1, $0xb8;
	[tilespmem:$0x19800] =	vst v63  }
0x1c6: {  	s1 =	simm.s32 @!p1 $0xC000  }
0x1c7: {  	[tilespmem:s1], [sflag:$0x2] =	stream.indirect_vreg.gather @!p1 [hbm4b:s4+s0], $0x80, v9, vm1, $0xb8;
	[tilespmem:$0x19800] =	vst v63  }
0x1c8: {  	s1 =	simm.s32 @!p1 $0xC800  }
0x1c9: {  	[tilespmem:s1], [sflag:$0x2] =	stream.indirect_vreg.gather @!p1 [hbm4b:s29+s0], $0x80, v9, vm1, $0xb8;
	[tilespmem:$0x19800] =	vst v63  }
0x1ca: {  	s1 =	simm.s32 @!p1 $0xD000  }
0x1cb: {  	[tilespmem:s1], [sflag:$0x2] =	stream.indirect_vreg.gather @!p1 [hbm4b:s31+s0], $0x80, v9, vm1, $0xb8;
	[tilespmem:$0x19800] =	vst v63  }
0x1cc: {  	v9 =	vld @!p1 [tilespmem:$0x8800];
	_ =	sdelay $0x4  }
0x1cd: {  	v13 =	vshll.u32 @!p1 v9, $0x3  }
0x1ce: {  	v9 =	vand.u32 @!p1 $0x7, v9;
	v13 =	vand.u32 @!p1 $0xFFFFFFC0, v13  }
0x1cf: {  	v9 =	vor.u32 @!p1 v9, v13  }
0x1d0: {  	v10 =	vperm.xlane @!p1 v9, v10;
	_ =	sdelay $0x1  }
0x1d1: {  	v10 =	vadd.s32 @!p1 v12, v10;
	_ =	sdelay $0x3  }
0x1d2: {  	s1 =	simm.s32 @!p1 $0xD800  }
0x1d3: {  	[tilespmem:s1], [sflag:$0x2] =	stream.indirect_vreg.gather @!p1 [hbm4b:s6+s0], $0x80, v10, vm1, $0xb8;
	[tilespmem:$0x19800] =	vst v63  }
0x1d4: {  	v9 =	vperm.xlane @!p1 v9, v11;
	s1 =	simm.s32 @!p1 $0xE000  }
0x1d5: {  	[tilespmem:s1], [sflag:$0x2] =	stream.indirect_vreg.gather @!p1 [hbm4b:s2+s0], $0x80, v10, vm1, $0xb8;
	[tilespmem:$0x19800] =	vst v63  }
0x1d6: {  	v9 =	vadd.s32 @!p1 v12, v9;
	s1 =	simm.s32 @!p1 $0xE800  }
0x1d7: {  	[tilespmem:s1], [sflag:$0x2] =	stream.indirect_vreg.gather @!p1 [hbm4b:s8+s0], $0x80, v10, vm1, $0xb8;
	[tilespmem:$0x19800] =	vst v63  }
0x1d8: {  	s1 =	simm.s32 @!p1 $0xF000  }
0x1d9: {  	[tilespmem:s1], [sflag:$0x2] =	stream.indirect_vreg.gather @!p1 [hbm4b:s9+s0], $0x80, v10, vm1, $0xb8;
	[tilespmem:$0x19800] =	vst v63  }
0x1da: {  	s1 =	simm.s32 @!p1 $0xF800  }
0x1db: {  	[tilespmem:s1], [sflag:$0x2] =	stream.indirect_vreg.gather @!p1 [hbm4b:s6+s0], $0x80, v9, vm1, $0xb8;
	[tilespmem:$0x19800] =	vst v63  }
0x1dc: {  	s30 =	smov.u32 s31;
	s31 =	smov.u32 s2;
	s1 =	simm.s32 @!p1 $0x10000  }
0x1dd: {  	[tilespmem:s1], [sflag:$0x2] =	stream.indirect_vreg.gather @!p1 [hbm4b:s31+s0], $0x80, v9, vm1, $0xb8;
	[tilespmem:$0x19800] =	vst v63  }
0x1de: {  	s2 =	smov.u32 s8;
	s1 =	simm.s32 @!p1 $0x10800  }
0x1df: {  	[tilespmem:s1], [sflag:$0x2] =	stream.indirect_vreg.gather @!p1 [hbm4b:s2+s0], $0x80, v9, vm1, $0xb8;
	[tilespmem:$0x19800] =	vst v63  }
0x1e0: {  	s1 =	simm.s32 @!p1 $0x11000  }
0x1e1: {  	[tilespmem:s1], [sflag:$0x2] =	stream.indirect_vreg.gather @!p1 [hbm4b:s9+s0], $0x80, v9, vm1, $0xb8;
	[tilespmem:$0x19800] =	vst v63  }
0x1e2: {  	_ =	swait.ge [sflag:s18], $0x8000  }
0x1e3: {  	[sflag:s18] =	ssyncset.done $0x0  }
0x1e4: {  	[sflag:s18] =	ssyncadd.s32 $0xFFFF8000  }
0x1e5: {  	_ =	swait.ge [sflag:s18], $0x8000  }
0x1e6: {  	[sflag:s18] =	ssyncset.done $0x0  }
0x1e7: {  	[sflag:s18] =	ssyncadd.s32 $0xFFFF8000  }
0x1e8: {  	_ =	swait.ge [sflag:s18], $0x8000  }
0x1e9: {  	[sflag:s18] =	ssyncset.done $0x0  }
0x1ea: {  	[sflag:s18] =	ssyncadd.s32 $0xFFFF8000  }
0x1eb: {  	_ =	swait.ge [sflag:s18], $0x8000  }
0x1ec: {  	[sflag:s18] =	ssyncset.done $0x0  }
0x1ed: {  	[sflag:s18] =	ssyncadd.s32 $0xFFFF8000  }
0x1ee: {  	_ =	swait.ge [sflag:s18], $0x8000  }
0x1ef: {  	[sflag:s18] =	ssyncset.done $0x0  }
0x1f0: {  	[sflag:s18] =	ssyncadd.s32 $0xFFFF8000  }
0x1f1: {  	_ =	swait.ge [sflag:s18], $0x8000  }
0x1f2: {  	[sflag:s18] =	ssyncset.done $0x0  }
0x1f3: {  	[sflag:s18] =	ssyncadd.s32 $0xFFFF8000  }
0x1f4: {  	_ =	swait.ge [sflag:s18], $0x8000  }
0x1f5: {  	[sflag:s18] =	ssyncset.done $0x0  }
0x1f6: {  	[sflag:s18] =	ssyncadd.s32 $0xFFFF8000  }
0x1f7: {  	_ =	swait.ge [sflag:s18], $0x8000  }
0x1f8: {  	[sflag:s18] =	ssyncset.done $0x0  }
0x1f9: {  	[sflag:s18] =	ssyncadd.s32 $0xFFFF8000  }
0x1fa: {  	_ =	swait.ge [sflag:s18], $0x8000  }
0x1fb: {  	[sflag:s18] =	ssyncset.done $0x0  }
0x1fc: {  	[sflag:s18] =	ssyncadd.s32 $0xFFFF8000  }
0x1fd: {  	_ =	swait.ge [sflag:s18], $0x8000  }
0x1fe: {  	[sflag:s18] =	ssyncset.done $0x0  }
0x1ff: {  	[sflag:s18] =	ssyncadd.s32 $0xFFFF8000  }
0x200: {  	_ =	swait.ge [sflag:s18], $0x8000  }
0x201: {  	[sflag:s18] =	ssyncset.done $0x0  }
0x202: {  	[sflag:s18] =	ssyncadd.s32 $0xFFFF8000  }
0x203: {  	_ =	swait.ge [sflag:s18], $0x8000  }
0x204: {  	[sflag:s18] =	ssyncset.done $0x0  }
0x205: {  	[sflag:s18] =	ssyncadd.s32 $0xFFFF8000  }
0x206: {  	_ =	swait.ge [sflag:s18], $0x8000  }
0x207: {  	[sflag:s18] =	ssyncset.done $0x0  }
0x208: {  	[sflag:s18] =	ssyncadd.s32 $0xFFFF8000  }
0x209: {  	_ =	swait.ge [sflag:s18], $0x8000  }
0x20a: {  	[sflag:s18] =	ssyncset.done $0x0  }
0x20b: {  	[sflag:s18] =	ssyncadd.s32 $0xFFFF8000  }
0x20c: {  	_ =	swait.ge [sflag:s18], $0x8000  }
.Ltmp13:
0x20d: {  	[sflag:s18] =	ssyncset.done $0x0;
	(pc) =	sbr.rel @p1 .LBB2_40-.Ltmp13, $4  }
0x20e: {  	[sflag:s18] =	ssyncadd.s32 $0xFFFF8000  }
0x20f: {  	s8 =	smov.u32 s9;
	s9 =	smov.u32 s10;
	_ =	swait.ge [sflag:s18], $0x8000  }
0x210: {  	s10 =	smov.u32 s22;
	[sflag:s18] =	ssyncset.done $0x0;
	s22 =	rddreg [dreg:$0x1a]  }
0x211: {  	s26 =	smov.u32 s28;
	s28 =	rddreg [dreg:$0x1b];
	[sflag:s18] =	ssyncadd.s32 $0xFFFF8000  }
0x212: {  	s0 =	simm.s32 $0x2  }
0x213: {  	_ =	swait.ge [sflag:s0], $0x4000  }
0x214: {  	[sflag:s0] =	ssyncset.done $0x0  }
0x215: {  	[sflag:s0] =	ssyncadd.s32 $0xFFFFC000  }
0x216: {  	_ =	swait.ge [sflag:s0], $0x4000  }
0x217: {  	[sflag:s0] =	ssyncset.done $0x0  }
0x218: {  	p1 =	seq.s32 s23, $0x1;
	[sflag:s0] =	ssyncadd.s32 $0xFFFFC000  }
0x219: {  	v9 =	vld @!p1 [tilespmem:$0x8880];
	_ =	sdelay $0x4  }
0x21a: {  	v10 =	vshll.u32 @!p1 v9, $0x3  }
0x21b: {  	v11 =	vlaneseq.u32 @!p1;
	v9 =	vand.u32 @!p1 $0x7, v9;
	v10 =	vand.u32 @!p1 $0xFFFFFFC0, v10  }
0x21c: {  	v12 =	vshrl.u32 @!p1 v11, $0x3;
	v9 =	vor.u32 @!p1 v9, v10;
	v10 =	vand.u32 @!p1 $0x7, v11  }
0x21d: {  	v12 =	vmul.u32 @!p1 $0x8, v12;
	v13 =	vperm.xlane @!p1 v9, v10;
	_ =	sdelay $0x1  }
0x21e: {  	v13 =	vadd.s32 @!p1 v12, v13;
	_ =	sdelay $0x3  }
0x21f: {  	vm1 =	vmmov @!p1 $0xffff;
	s1 =	simm.s32 @!p1 $0x11800;
	s0 =	simm.s32 @!p1 $0x0  }
0x220: {  	v11 =	vor.u32 @!p1 $0x8, v11;
	[tilespmem:s1], [sflag:$0x3] =	stream.indirect_vreg.gather @!p1 [hbm4b:s3+s0], $0x80, v13, vm1, $0xb8;
	[tilespmem:$0x19800] =	vst v63  }
0x221: {  	v9 =	vperm.xlane @!p1 v9, v11;
	s1 =	simm.s32 @!p1 $0x12000  }
0x222: {  	[tilespmem:s1], [sflag:$0x3] =	stream.indirect_vreg.gather @!p1 [hbm4b:s4+s0], $0x80, v13, vm1, $0xb8;
	[tilespmem:$0x19800] =	vst v63  }
0x223: {  	v9 =	vadd.s32 @!p1 v12, v9;
	s1 =	simm.s32 @!p1 $0x12800  }
0x224: {  	[tilespmem:s1], [sflag:$0x3] =	stream.indirect_vreg.gather @!p1 [hbm4b:s29+s0], $0x80, v13, vm1, $0xb8;
	[tilespmem:$0x19800] =	vst v63  }
0x225: {  	s1 =	simm.s32 @!p1 $0x13000  }
0x226: {  	[tilespmem:s1], [sflag:$0x3] =	stream.indirect_vreg.gather @!p1 [hbm4b:s30+s0], $0x80, v13, vm1, $0xb8;
	[tilespmem:$0x19800] =	vst v63  }
0x227: {  	s1 =	simm.s32 @!p1 $0x13800  }
0x228: {  	[tilespmem:s1], [sflag:$0x3] =	stream.indirect_vreg.gather @!p1 [hbm4b:s3+s0], $0x80, v9, vm1, $0xb8;
	[tilespmem:$0x19800] =	vst v63  }
0x229: {  	s1 =	simm.s32 @!p1 $0x14000  }
0x22a: {  	[tilespmem:s1], [sflag:$0x3] =	stream.indirect_vreg.gather @!p1 [hbm4b:s4+s0], $0x80, v9, vm1, $0xb8;
	[tilespmem:$0x19800] =	vst v63  }
0x22b: {  	s1 =	simm.s32 @!p1 $0x14800  }
0x22c: {  	[tilespmem:s1], [sflag:$0x3] =	stream.indirect_vreg.gather @!p1 [hbm4b:s29+s0], $0x80, v9, vm1, $0xb8;
	[tilespmem:$0x19800] =	vst v63  }
0x22d: {  	s1 =	simm.s32 @!p1 $0x15000  }
0x22e: {  	[tilespmem:s1], [sflag:$0x3] =	stream.indirect_vreg.gather @!p1 [hbm4b:s30+s0], $0x80, v9, vm1, $0xb8;
	[tilespmem:$0x19800] =	vst v63  }
0x22f: {  	v9 =	vld @!p1 [tilespmem:$0x8880];
	_ =	sdelay $0x4  }
0x230: {  	v13 =	vshll.u32 @!p1 v9, $0x3  }
0x231: {  	v9 =	vand.u32 @!p1 $0x7, v9;
	v13 =	vand.u32 @!p1 $0xFFFFFFC0, v13  }
0x232: {  	v9 =	vor.u32 @!p1 v9, v13  }
0x233: {  	v10 =	vperm.xlane @!p1 v9, v10;
	_ =	sdelay $0x1  }
0x234: {  	v10 =	vadd.s32 @!p1 v12, v10;
	_ =	sdelay $0x3  }
0x235: {  	s1 =	simm.s32 @!p1 $0x15800  }
0x236: {  	[tilespmem:s1], [sflag:$0x3] =	stream.indirect_vreg.gather @!p1 [hbm4b:s6+s0], $0x80, v10, vm1, $0xb8;
	[tilespmem:$0x19800] =	vst v63  }
0x237: {  	v9 =	vperm.xlane @!p1 v9, v11;
	s1 =	simm.s32 @!p1 $0x16000  }
0x238: {  	[tilespmem:s1], [sflag:$0x3] =	stream.indirect_vreg.gather @!p1 [hbm4b:s31+s0], $0x80, v10, vm1, $0xb8;
	[tilespmem:$0x19800] =	vst v63  }
0x239: {  	v9 =	vadd.s32 @!p1 v12, v9;
	s1 =	simm.s32 @!p1 $0x16800  }
0x23a: {  	[tilespmem:s1], [sflag:$0x3] =	stream.indirect_vreg.gather @!p1 [hbm4b:s2+s0], $0x80, v10, vm1, $0xb8;
	[tilespmem:$0x19800] =	vst v63  }
0x23b: {  	s1 =	simm.s32 @!p1 $0x17000  }
0x23c: {  	[tilespmem:s1], [sflag:$0x3] =	stream.indirect_vreg.gather @!p1 [hbm4b:s8+s0], $0x80, v10, vm1, $0xb8;
	[tilespmem:$0x19800] =	vst v63  }
0x23d: {  	s1 =	simm.s32 @!p1 $0x17800  }
0x23e: {  	[tilespmem:s1], [sflag:$0x3] =	stream.indirect_vreg.gather @!p1 [hbm4b:s6+s0], $0x80, v9, vm1, $0xb8;
	[tilespmem:$0x19800] =	vst v63  }
0x23f: {  	s1 =	simm.s32 @!p1 $0x18000  }
0x240: {  	[tilespmem:s1], [sflag:$0x3] =	stream.indirect_vreg.gather @!p1 [hbm4b:s31+s0], $0x80, v9, vm1, $0xb8;
	[tilespmem:$0x19800] =	vst v63  }
0x241: {  	s1 =	simm.s32 @!p1 $0x18800  }
0x242: {  	[tilespmem:s1], [sflag:$0x3] =	stream.indirect_vreg.gather @!p1 [hbm4b:s2+s0], $0x80, v9, vm1, $0xb8;
	[tilespmem:$0x19800] =	vst v63  }
0x243: {  	s1 =	simm.s32 @!p1 $0x19000  }
0x244: {  	[tilespmem:s1], [sflag:$0x3] =	stream.indirect_vreg.gather @!p1 [hbm4b:s8+s0], $0x80, v9, vm1, $0xb8;
	[tilespmem:$0x19800] =	vst v63  }
0x245: {  	v9 =	vld [tilespmem:$0x8800];
	_ =	sdelay $0x4  }
0x246: {  	v10 =	vshll.u32 v9, $0x3  }
0x247: {  	v9 =	vand.u32 $0x7, v9;
	v10 =	vand.u32 $0xFFFFFFC0, v10  }
0x248: {  	v9 =	vor.u32 v9, v10  }
0x249: {  	v10 =	vperm.xlane v9, v6;
	_ =	sdelay $0x1  }
0x24a: {  	v10 =	vadd.s32 v7, v10;
	_ =	sdelay $0x3  }
0x24b: {  	s1 =	simm.s32 $0x9800  }
0x24c: {  	[hbm4b:s26+s5] =	stream.indirect_vreg.scatter [tilespmem:s1], [sflag:$0x4], $0x80, v10, vm0, $0xb8;
	[tilespmem:$0x19800] =	vst v63  }
0x24d: {  	s7 =	simm.s32 $0xA000;
	v9 =	vperm.xlane v9, v8  }
0x24e: {  	[hbm4b:s9+s5] =	stream.indirect_vreg.scatter [tilespmem:s7], [sflag:$0x4], $0x80, v10, vm0, $0xb8;
	[tilespmem:$0x19800] =	vst v63  }
0x24f: {  	s14 =	simm.s32 $0xA800;
	v9 =	vadd.s32 v7, v9  }
0x250: {  	[hbm4b:s10+s5] =	stream.indirect_vreg.scatter [tilespmem:s14], [sflag:$0x4], $0x80, v10, vm0, $0xb8;
	[tilespmem:$0x19800] =	vst v63  }
0x251: {  	s15 =	simm.s32 $0xB000  }
0x252: {  	[hbm4b:s22+s5] =	stream.indirect_vreg.scatter [tilespmem:s15], [sflag:$0x4], $0x80, v10, vm0, $0xb8;
	[tilespmem:$0x19800] =	vst v63  }
0x253: {  	s20 =	simm.s32 $0xB800  }
0x254: {  	[hbm4b:s26+s5] =	stream.indirect_vreg.scatter [tilespmem:s20], [sflag:$0x4], $0x80, v9, vm0, $0xb8;
	[tilespmem:$0x19800] =	vst v63  }
0x255: {  	s21 =	simm.s32 $0xC000  }
0x256: {  	[hbm4b:s9+s5] =	stream.indirect_vreg.scatter [tilespmem:s21], [sflag:$0x4], $0x80, v9, vm0, $0xb8;
	[tilespmem:$0x19800] =	vst v63  }
0x257: {  	s25 =	simm.s32 $0xC800  }
0x258: {  	[hbm4b:s10+s5] =	stream.indirect_vreg.scatter [tilespmem:s25], [sflag:$0x4], $0x80, v9, vm0, $0xb8;
	[tilespmem:$0x19800] =	vst v63  }
0x259: {  	s28 =	simm.s32 $0xD000  }
0x25a: {  	[hbm4b:s22+s5] =	stream.indirect_vreg.scatter [tilespmem:s28], [sflag:$0x4], $0x80, v9, vm0, $0xb8;
	[tilespmem:$0x19800] =	vst v63  }
0x25b: {  	v9 =	vld [tilespmem:$0x9000];
	_ =	sdelay $0x4  }
0x25c: {  	v10 =	vshll.u32 v9, $0x3  }
0x25d: {  	v9 =	vand.u32 $0x7, v9;
	v10 =	vand.u32 $0xFFFFFFC0, v10  }
0x25e: {  	v9 =	vor.u32 v9, v10  }
0x25f: {  	v10 =	vperm.xlane v9, v6;
	_ =	sdelay $0x1  }
0x260: {  	v10 =	vadd.s32 v7, v10;
	_ =	sdelay $0x3  }
0x261: {  	s1 =	simm.s32 $0xD800  }
0x262: {  	[hbm4b:s26+s5] =	stream.indirect_vreg.scatter [tilespmem:s1], [sflag:$0x4], $0x80, v10, vm0, $0xb8;
	[tilespmem:$0x19800] =	vst v63  }
0x263: {  	s7 =	simm.s32 $0xE000;
	v9 =	vperm.xlane v9, v8  }
0x264: {  	[hbm4b:s9+s5] =	stream.indirect_vreg.scatter [tilespmem:s7], [sflag:$0x4], $0x80, v10, vm0, $0xb8;
	[tilespmem:$0x19800] =	vst v63  }
0x265: {  	s14 =	simm.s32 $0xE800;
	v9 =	vadd.s32 v7, v9  }
0x266: {  	[hbm4b:s10+s5] =	stream.indirect_vreg.scatter [tilespmem:s14], [sflag:$0x4], $0x80, v10, vm0, $0xb8;
	[tilespmem:$0x19800] =	vst v63  }
0x267: {  	s15 =	simm.s32 $0xF000  }
0x268: {  	[hbm4b:s22+s5] =	stream.indirect_vreg.scatter [tilespmem:s15], [sflag:$0x4], $0x80, v10, vm0, $0xb8;
	[tilespmem:$0x19800] =	vst v63  }
0x269: {  	s20 =	simm.s32 $0xF800  }
0x26a: {  	[hbm4b:s26+s5] =	stream.indirect_vreg.scatter [tilespmem:s20], [sflag:$0x4], $0x80, v9, vm0, $0xb8;
	[tilespmem:$0x19800] =	vst v63  }
0x26b: {  	s21 =	simm.s32 $0x10000  }
0x26c: {  	[hbm4b:s9+s5] =	stream.indirect_vreg.scatter [tilespmem:s21], [sflag:$0x4], $0x80, v9, vm0, $0xb8;
	[tilespmem:$0x19800] =	vst v63  }
.Ltmp14:
0x26d: {  	_ = 	snop;
	(pc) =	sbr.rel @p1 .LBB2_39-.Ltmp14, $4  }
0x26e: {  	s25 =	simm.s32 $0x10800  }
0x26f: {  	[hbm4b:s10+s5] =	stream.indirect_vreg.scatter [tilespmem:s25], [sflag:$0x4], $0x80, v9, vm0, $0xb8;
	[tilespmem:$0x19800] =	vst v63  }
0x270: {  	s28 =	simm.s32 $0x11000  }
0x271: {  	[hbm4b:s22+s5] =	stream.indirect_vreg.scatter [tilespmem:s28], [sflag:$0x4], $0x80, v9, vm0, $0xb8;
	[tilespmem:$0x19800] =	vst v63  }
0x272: {  	s0 =	simm.s32 $0x3  }
0x273: {  	_ =	swait.ge [sflag:s0], $0x4000  }
0x274: {  	[sflag:s0] =	ssyncset.done $0x0  }
0x275: {  	[sflag:s0] =	ssyncadd.s32 $0xFFFFC000  }
0x276: {  	_ =	swait.ge [sflag:s0], $0x4000  }
0x277: {  	p1 =	seq.s32 s23, $0x2;
	[sflag:s0] =	ssyncset.done $0x0  }
0x278: {  	[sflag:s0] =	ssyncadd.s32 $0xFFFFC000;
	s0 =	simm.s32 @!p1 $0x4  }
0x279: {  	_ =	swait.ge @!p1 [sflag:s0], $0x4000  }
0x27a: {  	[sflag:s0] =	ssyncset.done @!p1 $0x0  }
0x27b: {  	[sflag:s0] =	ssyncadd.s32 @!p1 $0xFFFFC000  }
0x27c: {  	_ =	swait.ge @!p1 [sflag:s0], $0x4000  }
0x27d: {  	[sflag:s0] =	ssyncset.done @!p1 $0x0  }
0x27e: {  	[sflag:s0] =	ssyncadd.s32 @!p1 $0xFFFFC000  }
0x27f: {  	v9 =	vld @!p1 [tilespmem:$0x8900];
	_ =	sdelay $0x4  }
0x280: {  	v10 =	vshll.u32 @!p1 v9, $0x3  }
0x281: {  	v11 =	vlaneseq.u32 @!p1;
	v9 =	vand.u32 @!p1 $0x7, v9;
	v10 =	vand.u32 @!p1 $0xFFFFFFC0, v10  }
0x282: {  	v12 =	vshrl.u32 @!p1 v11, $0x3;
	v9 =	vor.u32 @!p1 v9, v10;
	v10 =	vand.u32 @!p1 $0x7, v11  }
0x283: {  	v12 =	vmul.u32 @!p1 $0x8, v12;
	v13 =	vperm.xlane @!p1 v9, v10;
	_ =	sdelay $0x1  }
0x284: {  	v13 =	vadd.s32 @!p1 v12, v13;
	_ =	sdelay $0x3  }
0x285: {  	vm1 =	vmmov @!p1 $0xffff;
	s1 =	simm.s32 @!p1 $0x9800;
	s0 =	simm.s32 @!p1 $0x0  }
0x286: {  	v11 =	vor.u32 @!p1 $0x8, v11;
	[tilespmem:s1], [sflag:$0x2] =	stream.indirect_vreg.gather @!p1 [hbm4b:s3+s0], $0x80, v13, vm1, $0xb8;
	[tilespmem:$0x19800] =	vst v63  }
0x287: {  	v9 =	vperm.xlane @!p1 v9, v11;
	s1 =	simm.s32 @!p1 $0xA000  }
0x288: {  	[tilespmem:s1], [sflag:$0x2] =	stream.indirect_vreg.gather @!p1 [hbm4b:s4+s0], $0x80, v13, vm1, $0xb8;
	[tilespmem:$0x19800] =	vst v63  }
0x289: {  	v9 =	vadd.s32 @!p1 v12, v9;
	s1 =	simm.s32 @!p1 $0xA800  }
0x28a: {  	[tilespmem:s1], [sflag:$0x2] =	stream.indirect_vreg.gather @!p1 [hbm4b:s29+s0], $0x80, v13, vm1, $0xb8;
	[tilespmem:$0x19800] =	vst v63  }
0x28b: {  	s1 =	simm.s32 @!p1 $0xB000  }
0x28c: {  	[tilespmem:s1], [sflag:$0x2] =	stream.indirect_vreg.gather @!p1 [hbm4b:s30+s0], $0x80, v13, vm1, $0xb8;
	[tilespmem:$0x19800] =	vst v63  }
0x28d: {  	s1 =	simm.s32 @!p1 $0xB800  }
0x28e: {  	[tilespmem:s1], [sflag:$0x2] =	stream.indirect_vreg.gather @!p1 [hbm4b:s3+s0], $0x80, v9, vm1, $0xb8;
	[tilespmem:$0x19800] =	vst v63  }
0x28f: {  	s1 =	simm.s32 @!p1 $0xC000  }
0x290: {  	[tilespmem:s1], [sflag:$0x2] =	stream.indirect_vreg.gather @!p1 [hbm4b:s4+s0], $0x80, v9, vm1, $0xb8;
	[tilespmem:$0x19800] =	vst v63  }
0x291: {  	s1 =	simm.s32 @!p1 $0xC800  }
0x292: {  	[tilespmem:s1], [sflag:$0x2] =	stream.indirect_vreg.gather @!p1 [hbm4b:s29+s0], $0x80, v9, vm1, $0xb8;
	[tilespmem:$0x19800] =	vst v63  }
0x293: {  	s1 =	simm.s32 @!p1 $0xD000  }
0x294: {  	[tilespmem:s1], [sflag:$0x2] =	stream.indirect_vreg.gather @!p1 [hbm4b:s30+s0], $0x80, v9, vm1, $0xb8;
	[tilespmem:$0x19800] =	vst v63  }
0x295: {  	v9 =	vld @!p1 [tilespmem:$0x8900];
	_ =	sdelay $0x4  }
0x296: {  	v13 =	vshll.u32 @!p1 v9, $0x3  }
0x297: {  	v9 =	vand.u32 @!p1 $0x7, v9;
	v13 =	vand.u32 @!p1 $0xFFFFFFC0, v13  }
0x298: {  	v9 =	vor.u32 @!p1 v9, v13  }
0x299: {  	v10 =	vperm.xlane @!p1 v9, v10;
	_ =	sdelay $0x1  }
0x29a: {  	v10 =	vadd.s32 @!p1 v12, v10;
	_ =	sdelay $0x3  }
0x29b: {  	s1 =	simm.s32 @!p1 $0xD800  }
0x29c: {  	[tilespmem:s1], [sflag:$0x2] =	stream.indirect_vreg.gather @!p1 [hbm4b:s6+s0], $0x80, v10, vm1, $0xb8;
	[tilespmem:$0x19800] =	vst v63  }
0x29d: {  	v9 =	vperm.xlane @!p1 v9, v11;
	s1 =	simm.s32 @!p1 $0xE000  }
0x29e: {  	[tilespmem:s1], [sflag:$0x2] =	stream.indirect_vreg.gather @!p1 [hbm4b:s31+s0], $0x80, v10, vm1, $0xb8;
	[tilespmem:$0x19800] =	vst v63  }
0x29f: {  	v9 =	vadd.s32 @!p1 v12, v9;
	s1 =	simm.s32 @!p1 $0xE800  }
0x2a0: {  	[tilespmem:s1], [sflag:$0x2] =	stream.indirect_vreg.gather @!p1 [hbm4b:s2+s0], $0x80, v10, vm1, $0xb8;
	[tilespmem:$0x19800] =	vst v63  }
0x2a1: {  	s1 =	simm.s32 @!p1 $0xF000  }
0x2a2: {  	[tilespmem:s1], [sflag:$0x2] =	stream.indirect_vreg.gather @!p1 [hbm4b:s8+s0], $0x80, v10, vm1, $0xb8;
	[tilespmem:$0x19800] =	vst v63  }
0x2a3: {  	s1 =	simm.s32 @!p1 $0xF800  }
0x2a4: {  	[tilespmem:s1], [sflag:$0x2] =	stream.indirect_vreg.gather @!p1 [hbm4b:s6+s0], $0x80, v9, vm1, $0xb8;
	[tilespmem:$0x19800] =	vst v63  }
0x2a5: {  	s1 =	simm.s32 @!p1 $0x10000  }
0x2a6: {  	[tilespmem:s1], [sflag:$0x2] =	stream.indirect_vreg.gather @!p1 [hbm4b:s31+s0], $0x80, v9, vm1, $0xb8;
	[tilespmem:$0x19800] =	vst v63  }
0x2a7: {  	s1 =	simm.s32 @!p1 $0x10800  }
0x2a8: {  	[tilespmem:s1], [sflag:$0x2] =	stream.indirect_vreg.gather @!p1 [hbm4b:s2+s0], $0x80, v9, vm1, $0xb8;
	[tilespmem:$0x19800] =	vst v63  }
0x2a9: {  	s1 =	simm.s32 @!p1 $0x11000  }
0x2aa: {  	[tilespmem:s1], [sflag:$0x2] =	stream.indirect_vreg.gather @!p1 [hbm4b:s8+s0], $0x80, v9, vm1, $0xb8;
	[tilespmem:$0x19800] =	vst v63  }
0x2ab: {  	v9 =	vld [tilespmem:$0x8880];
	_ =	sdelay $0x4  }
0x2ac: {  	v10 =	vshll.u32 v9, $0x3  }
0x2ad: {  	v9 =	vand.u32 $0x7, v9;
	v10 =	vand.u32 $0xFFFFFFC0, v10  }
0x2ae: {  	v9 =	vor.u32 v9, v10  }
0x2af: {  	v10 =	vperm.xlane v9, v6;
	_ =	sdelay $0x1  }
0x2b0: {  	v10 =	vadd.s32 v7, v10;
	_ =	sdelay $0x3  }
0x2b1: {  	s1 =	simm.s32 $0x11800  }
0x2b2: {  	[hbm4b:s26+s5] =	stream.indirect_vreg.scatter [tilespmem:s1], [sflag:$0x5], $0x80, v10, vm0, $0xb8;
	[tilespmem:$0x19800] =	vst v63  }
0x2b3: {  	s7 =	simm.s32 $0x12000;
	v9 =	vperm.xlane v9, v8  }
0x2b4: {  	[hbm4b:s9+s5] =	stream.indirect_vreg.scatter [tilespmem:s7], [sflag:$0x5], $0x80, v10, vm0, $0xb8;
	[tilespmem:$0x19800] =	vst v63  }
0x2b5: {  	s14 =	simm.s32 $0x12800;
	v9 =	vadd.s32 v7, v9  }
0x2b6: {  	[hbm4b:s10+s5] =	stream.indirect_vreg.scatter [tilespmem:s14], [sflag:$0x5], $0x80, v10, vm0, $0xb8;
	[tilespmem:$0x19800] =	vst v63  }
0x2b7: {  	s15 =	simm.s32 $0x13000  }
0x2b8: {  	[hbm4b:s22+s5] =	stream.indirect_vreg.scatter [tilespmem:s15], [sflag:$0x5], $0x80, v10, vm0, $0xb8;
	[tilespmem:$0x19800] =	vst v63  }
0x2b9: {  	s20 =	simm.s32 $0x13800  }
0x2ba: {  	[hbm4b:s26+s5] =	stream.indirect_vreg.scatter [tilespmem:s20], [sflag:$0x5], $0x80, v9, vm0, $0xb8;
	[tilespmem:$0x19800] =	vst v63  }
0x2bb: {  	s21 =	simm.s32 $0x14000  }
0x2bc: {  	[hbm4b:s9+s5] =	stream.indirect_vreg.scatter [tilespmem:s21], [sflag:$0x5], $0x80, v9, vm0, $0xb8;
	[tilespmem:$0x19800] =	vst v63  }
0x2bd: {  	s25 =	simm.s32 $0x14800  }
0x2be: {  	[hbm4b:s10+s5] =	stream.indirect_vreg.scatter [tilespmem:s25], [sflag:$0x5], $0x80, v9, vm0, $0xb8;
	[tilespmem:$0x19800] =	vst v63  }
0x2bf: {  	s28 =	simm.s32 $0x15000  }
0x2c0: {  	[hbm4b:s22+s5] =	stream.indirect_vreg.scatter [tilespmem:s28], [sflag:$0x5], $0x80, v9, vm0, $0xb8;
	[tilespmem:$0x19800] =	vst v63  }
0x2c1: {  	v9 =	vld [tilespmem:$0x9080];
	_ =	sdelay $0x4  }
0x2c2: {  	v10 =	vshll.u32 v9, $0x3  }
0x2c3: {  	v9 =	vand.u32 $0x7, v9;
	v10 =	vand.u32 $0xFFFFFFC0, v10  }
0x2c4: {  	v9 =	vor.u32 v9, v10  }
0x2c5: {  	v10 =	vperm.xlane v9, v6;
	_ =	sdelay $0x1  }
0x2c6: {  	v10 =	vadd.s32 v7, v10;
	_ =	sdelay $0x3  }
0x2c7: {  	s1 =	simm.s32 $0x15800  }
0x2c8: {  	[hbm4b:s26+s5] =	stream.indirect_vreg.scatter [tilespmem:s1], [sflag:$0x5], $0x80, v10, vm0, $0xb8;
	[tilespmem:$0x19800] =	vst v63  }
0x2c9: {  	s7 =	simm.s32 $0x16000;
	v9 =	vperm.xlane v9, v8  }
0x2ca: {  	[hbm4b:s9+s5] =	stream.indirect_vreg.scatter [tilespmem:s7], [sflag:$0x5], $0x80, v10, vm0, $0xb8;
	[tilespmem:$0x19800] =	vst v63  }
0x2cb: {  	s14 =	simm.s32 $0x16800;
	v9 =	vadd.s32 v7, v9  }
0x2cc: {  	[hbm4b:s10+s5] =	stream.indirect_vreg.scatter [tilespmem:s14], [sflag:$0x5], $0x80, v10, vm0, $0xb8;
	[tilespmem:$0x19800] =	vst v63  }
0x2cd: {  	s15 =	simm.s32 $0x17000  }
0x2ce: {  	[hbm4b:s22+s5] =	stream.indirect_vreg.scatter [tilespmem:s15], [sflag:$0x5], $0x80, v10, vm0, $0xb8;
	[tilespmem:$0x19800] =	vst v63  }
0x2cf: {  	s20 =	simm.s32 $0x17800  }
0x2d0: {  	[hbm4b:s26+s5] =	stream.indirect_vreg.scatter [tilespmem:s20], [sflag:$0x5], $0x80, v9, vm0, $0xb8;
	[tilespmem:$0x19800] =	vst v63  }
0x2d1: {  	p1 =	slt.u32 s23, $0x3;
	s21 =	simm.s32 $0x18000  }
0x2d2: {  	[hbm4b:s9+s5] =	stream.indirect_vreg.scatter [tilespmem:s21], [sflag:$0x5], $0x80, v9, vm0, $0xb8;
	[tilespmem:$0x19800] =	vst v63  }
.Ltmp15:
0x2d3: {  	_ = 	snop;
	(pc) =	sbr.rel @p1 .LBB2_39-.Ltmp15, $4  }
0x2d4: {  	s25 =	simm.s32 $0x18800  }
0x2d5: {  	[hbm4b:s10+s5] =	stream.indirect_vreg.scatter [tilespmem:s25], [sflag:$0x5], $0x80, v9, vm0, $0xb8;
	[tilespmem:$0x19800] =	vst v63  }
0x2d6: {  	s28 =	simm.s32 $0x19000  }
0x2d7: {  	[hbm4b:s22+s5] =	stream.indirect_vreg.scatter [tilespmem:s28], [sflag:$0x5], $0x80, v9, vm0, $0xb8;
	[tilespmem:$0x19800] =	vst v63  }
0x2d8: {  	s0 =	simm.s32 $0x2  }
0x2d9: {  	_ =	swait.ge [sflag:s0], $0x4000  }
0x2da: {  	[sflag:s0] =	ssyncset.done $0x0  }
0x2db: {  	[sflag:s0] =	ssyncadd.s32 $0xFFFFC000  }
0x2dc: {  	_ =	swait.ge [sflag:s0], $0x4000  }
0x2dd: {  	p1 =	seq.s32 s23, $0x3;
	[sflag:s0] =	ssyncset.done $0x0  }
0x2de: {  	[sflag:s0] =	ssyncadd.s32 $0xFFFFC000;
	s0 =	simm.s32 @!p1 $0x5  }
0x2df: {  	_ =	swait.ge @!p1 [sflag:s0], $0x4000  }
0x2e0: {  	[sflag:s0] =	ssyncset.done @!p1 $0x0  }
0x2e1: {  	[sflag:s0] =	ssyncadd.s32 @!p1 $0xFFFFC000  }
0x2e2: {  	_ =	swait.ge @!p1 [sflag:s0], $0x4000  }
0x2e3: {  	[sflag:s0] =	ssyncset.done @!p1 $0x0  }
0x2e4: {  	[sflag:s0] =	ssyncadd.s32 @!p1 $0xFFFFC000  }
0x2e5: {  	v9 =	vld @!p1 [tilespmem:$0x8980];
	_ =	sdelay $0x4  }
0x2e6: {  	v10 =	vshll.u32 @!p1 v9, $0x3  }
0x2e7: {  	v11 =	vlaneseq.u32 @!p1;
	v9 =	vand.u32 @!p1 $0x7, v9;
	v10 =	vand.u32 @!p1 $0xFFFFFFC0, v10  }
0x2e8: {  	v12 =	vshrl.u32 @!p1 v11, $0x3;
	v9 =	vor.u32 @!p1 v9, v10;
	v10 =	vand.u32 @!p1 $0x7, v11  }
0x2e9: {  	v12 =	vmul.u32 @!p1 $0x8, v12;
	v13 =	vperm.xlane @!p1 v9, v10;
	_ =	sdelay $0x1  }
0x2ea: {  	v13 =	vadd.s32 @!p1 v12, v13;
	_ =	sdelay $0x3  }
0x2eb: {  	vm1 =	vmmov @!p1 $0xffff;
	s1 =	simm.s32 @!p1 $0x11800;
	s0 =	simm.s32 @!p1 $0x0  }
0x2ec: {  	v11 =	vor.u32 @!p1 $0x8, v11;
	[tilespmem:s1], [sflag:$0x3] =	stream.indirect_vreg.gather @!p1 [hbm4b:s3+s0], $0x80, v13, vm1, $0xb8;
	[tilespmem:$0x19800] =	vst v63  }
0x2ed: {  	v9 =	vperm.xlane @!p1 v9, v11;
	s1 =	simm.s32 @!p1 $0x12000  }
0x2ee: {  	[tilespmem:s1], [sflag:$0x3] =	stream.indirect_vreg.gather @!p1 [hbm4b:s4+s0], $0x80, v13, vm1, $0xb8;
	[tilespmem:$0x19800] =	vst v63  }
0x2ef: {  	v9 =	vadd.s32 @!p1 v12, v9;
	s1 =	simm.s32 @!p1 $0x12800  }
0x2f0: {  	[tilespmem:s1], [sflag:$0x3] =	stream.indirect_vreg.gather @!p1 [hbm4b:s29+s0], $0x80, v13, vm1, $0xb8;
	[tilespmem:$0x19800] =	vst v63  }
0x2f1: {  	s1 =	simm.s32 @!p1 $0x13000  }
0x2f2: {  	[tilespmem:s1], [sflag:$0x3] =	stream.indirect_vreg.gather @!p1 [hbm4b:s30+s0], $0x80, v13, vm1, $0xb8;
	[tilespmem:$0x19800] =	vst v63  }
0x2f3: {  	s1 =	simm.s32 @!p1 $0x13800  }
0x2f4: {  	[tilespmem:s1], [sflag:$0x3] =	stream.indirect_vreg.gather @!p1 [hbm4b:s3+s0], $0x80, v9, vm1, $0xb8;
	[tilespmem:$0x19800] =	vst v63  }
0x2f5: {  	s1 =	simm.s32 @!p1 $0x14000  }
0x2f6: {  	[tilespmem:s1], [sflag:$0x3] =	stream.indirect_vreg.gather @!p1 [hbm4b:s4+s0], $0x80, v9, vm1, $0xb8;
	[tilespmem:$0x19800] =	vst v63  }
0x2f7: {  	s1 =	simm.s32 @!p1 $0x14800  }
0x2f8: {  	[tilespmem:s1], [sflag:$0x3] =	stream.indirect_vreg.gather @!p1 [hbm4b:s29+s0], $0x80, v9, vm1, $0xb8;
	[tilespmem:$0x19800] =	vst v63  }
0x2f9: {  	s1 =	simm.s32 @!p1 $0x15000  }
0x2fa: {  	[tilespmem:s1], [sflag:$0x3] =	stream.indirect_vreg.gather @!p1 [hbm4b:s30+s0], $0x80, v9, vm1, $0xb8;
	[tilespmem:$0x19800] =	vst v63  }
0x2fb: {  	v9 =	vld @!p1 [tilespmem:$0x8980];
	_ =	sdelay $0x4  }
0x2fc: {  	v13 =	vshll.u32 @!p1 v9, $0x3  }
0x2fd: {  	v9 =	vand.u32 @!p1 $0x7, v9;
	v13 =	vand.u32 @!p1 $0xFFFFFFC0, v13  }
0x2fe: {  	v9 =	vor.u32 @!p1 v9, v13  }
0x2ff: {  	v10 =	vperm.xlane @!p1 v9, v10;
	_ =	sdelay $0x1  }
0x300: {  	v10 =	vadd.s32 @!p1 v12, v10;
	_ =	sdelay $0x3  }
0x301: {  	s1 =	simm.s32 @!p1 $0x15800  }
0x302: {  	[tilespmem:s1], [sflag:$0x3] =	stream.indirect_vreg.gather @!p1 [hbm4b:s6+s0], $0x80, v10, vm1, $0xb8;
	[tilespmem:$0x19800] =	vst v63  }
0x303: {  	v9 =	vperm.xlane @!p1 v9, v11;
	s1 =	simm.s32 @!p1 $0x16000  }
0x304: {  	[tilespmem:s1], [sflag:$0x3] =	stream.indirect_vreg.gather @!p1 [hbm4b:s31+s0], $0x80, v10, vm1, $0xb8;
	[tilespmem:$0x19800] =	vst v63  }
0x305: {  	v9 =	vadd.s32 @!p1 v12, v9;
	s1 =	simm.s32 @!p1 $0x16800  }
0x306: {  	[tilespmem:s1], [sflag:$0x3] =	stream.indirect_vreg.gather @!p1 [hbm4b:s2+s0], $0x80, v10, vm1, $0xb8;
	[tilespmem:$0x19800] =	vst v63  }
0x307: {  	s1 =	simm.s32 @!p1 $0x17000  }
0x308: {  	[tilespmem:s1], [sflag:$0x3] =	stream.indirect_vreg.gather @!p1 [hbm4b:s8+s0], $0x80, v10, vm1, $0xb8;
	[tilespmem:$0x19800] =	vst v63  }
0x309: {  	s1 =	simm.s32 @!p1 $0x17800  }
0x30a: {  	[tilespmem:s1], [sflag:$0x3] =	stream.indirect_vreg.gather @!p1 [hbm4b:s6+s0], $0x80, v9, vm1, $0xb8;
	[tilespmem:$0x19800] =	vst v63  }
0x30b: {  	s1 =	simm.s32 @!p1 $0x18000  }
0x30c: {  	[tilespmem:s1], [sflag:$0x3] =	stream.indirect_vreg.gather @!p1 [hbm4b:s31+s0], $0x80, v9, vm1, $0xb8;
	[tilespmem:$0x19800] =	vst v63  }
0x30d: {  	s1 =	simm.s32 @!p1 $0x18800  }
0x30e: {  	[tilespmem:s1], [sflag:$0x3] =	stream.indirect_vreg.gather @!p1 [hbm4b:s2+s0], $0x80, v9, vm1, $0xb8;
	[tilespmem:$0x19800] =	vst v63  }
0x30f: {  	s1 =	simm.s32 @!p1 $0x19000  }
0x310: {  	[tilespmem:s1], [sflag:$0x3] =	stream.indirect_vreg.gather @!p1 [hbm4b:s8+s0], $0x80, v9, vm1, $0xb8;
	[tilespmem:$0x19800] =	vst v63  }
0x311: {  	v9 =	vld [tilespmem:$0x8900];
	_ =	sdelay $0x4  }
0x312: {  	v10 =	vshll.u32 v9, $0x3  }
0x313: {  	v9 =	vand.u32 $0x7, v9;
	v10 =	vand.u32 $0xFFFFFFC0, v10  }
0x314: {  	v9 =	vor.u32 v9, v10  }
0x315: {  	v10 =	vperm.xlane v9, v6;
	_ =	sdelay $0x1  }
0x316: {  	v10 =	vadd.s32 v7, v10;
	_ =	sdelay $0x3  }
0x317: {  	s21 =	simm.s32 $0x9800  }
0x318: {  	[hbm4b:s26+s5] =	stream.indirect_vreg.scatter [tilespmem:s21], [sflag:$0x4], $0x80, v10, vm0, $0xb8;
	[tilespmem:$0x19800] =	vst v63  }
0x319: {  	s25 =	simm.s32 $0xA000;
	v9 =	vperm.xlane v9, v8  }
0x31a: {  	[hbm4b:s9+s5] =	stream.indirect_vreg.scatter [tilespmem:s25], [sflag:$0x4], $0x80, v10, vm0, $0xb8;
	[tilespmem:$0x19800] =	vst v63  }
0x31b: {  	s1 =	simm.s32 $0xA800;
	v9 =	vadd.s32 v7, v9  }
0x31c: {  	[hbm4b:s10+s5] =	stream.indirect_vreg.scatter [tilespmem:s1], [sflag:$0x4], $0x80, v10, vm0, $0xb8;
	[tilespmem:$0x19800] =	vst v63  }
0x31d: {  	s7 =	simm.s32 $0xB000  }
0x31e: {  	[hbm4b:s22+s5] =	stream.indirect_vreg.scatter [tilespmem:s7], [sflag:$0x4], $0x80, v10, vm0, $0xb8;
	[tilespmem:$0x19800] =	vst v63  }
0x31f: {  	s14 =	simm.s32 $0xB800  }
0x320: {  	[hbm4b:s26+s5] =	stream.indirect_vreg.scatter [tilespmem:s14], [sflag:$0x4], $0x80, v9, vm0, $0xb8;
	[tilespmem:$0x19800] =	vst v63  }
0x321: {  	s15 =	simm.s32 $0xC000  }
0x322: {  	[hbm4b:s9+s5] =	stream.indirect_vreg.scatter [tilespmem:s15], [sflag:$0x4], $0x80, v9, vm0, $0xb8;
	[tilespmem:$0x19800] =	vst v63  }
0x323: {  	s20 =	simm.s32 $0xC800  }
0x324: {  	[hbm4b:s10+s5] =	stream.indirect_vreg.scatter [tilespmem:s20], [sflag:$0x4], $0x80, v9, vm0, $0xb8;
	[tilespmem:$0x19800] =	vst v63  }
0x325: {  	s21 =	simm.s32 $0xD000  }
0x326: {  	[hbm4b:s22+s5] =	stream.indirect_vreg.scatter [tilespmem:s21], [sflag:$0x4], $0x80, v9, vm0, $0xb8;
	[tilespmem:$0x19800] =	vst v63  }
0x327: {  	v9 =	vld [tilespmem:$0x9100];
	_ =	sdelay $0x4  }
0x328: {  	v10 =	vshll.u32 v9, $0x3  }
0x329: {  	v9 =	vand.u32 $0x7, v9;
	v10 =	vand.u32 $0xFFFFFFC0, v10  }
0x32a: {  	v9 =	vor.u32 v9, v10  }
0x32b: {  	v10 =	vperm.xlane v9, v6;
	_ =	sdelay $0x1  }
0x32c: {  	v10 =	vadd.s32 v7, v10;
	_ =	sdelay $0x3  }
0x32d: {  	s25 =	simm.s32 $0xD800  }
0x32e: {  	[hbm4b:s26+s5] =	stream.indirect_vreg.scatter [tilespmem:s25], [sflag:$0x4], $0x80, v10, vm0, $0xb8;
	[tilespmem:$0x19800] =	vst v63  }
0x32f: {  	s1 =	simm.s32 $0xE000;
	v9 =	vperm.xlane v9, v8  }
0x330: {  	[hbm4b:s9+s5] =	stream.indirect_vreg.scatter [tilespmem:s1], [sflag:$0x4], $0x80, v10, vm0, $0xb8;
	[tilespmem:$0x19800] =	vst v63  }
0x331: {  	s7 =	simm.s32 $0xE800;
	v9 =	vadd.s32 v7, v9  }
0x332: {  	[hbm4b:s10+s5] =	stream.indirect_vreg.scatter [tilespmem:s7], [sflag:$0x4], $0x80, v10, vm0, $0xb8;
	[tilespmem:$0x19800] =	vst v63  }
0x333: {  	s14 =	simm.s32 $0xF000  }
0x334: {  	[hbm4b:s22+s5] =	stream.indirect_vreg.scatter [tilespmem:s14], [sflag:$0x4], $0x80, v10, vm0, $0xb8;
	[tilespmem:$0x19800] =	vst v63  }
0x335: {  	s15 =	simm.s32 $0xF800  }
0x336: {  	[hbm4b:s26+s5] =	stream.indirect_vreg.scatter [tilespmem:s15], [sflag:$0x4], $0x80, v9, vm0, $0xb8;
	[tilespmem:$0x19800] =	vst v63  }
0x337: {  	s20 =	simm.s32 $0x10000  }
0x338: {  	[hbm4b:s9+s5] =	stream.indirect_vreg.scatter [tilespmem:s20], [sflag:$0x4], $0x80, v9, vm0, $0xb8;
	[tilespmem:$0x19800] =	vst v63  }
.Ltmp16:
0x339: {  	_ = 	snop;
	(pc) =	sbr.rel @p1 .LBB2_40-.Ltmp16, $4  }
0x33a: {  	s21 =	simm.s32 $0x10800  }
0x33b: {  	[hbm4b:s10+s5] =	stream.indirect_vreg.scatter [tilespmem:s21], [sflag:$0x4], $0x80, v9, vm0, $0xb8;
	[tilespmem:$0x19800] =	vst v63  }
0x33c: {  	s28 =	rddreg [dreg:$0x1b];
	s25 =	simm.s32 $0x11000  }
0x33d: {  	[hbm4b:s22+s5] =	stream.indirect_vreg.scatter [tilespmem:s25], [sflag:$0x4], $0x80, v9, vm0, $0xb8;
	[tilespmem:$0x19800] =	vst v63  }
0x33e: {  	s0 =	simm.s32 $0x3  }
0x33f: {  	_ =	swait.ge [sflag:s0], $0x4000  }
0x340: {  	[sflag:s0] =	ssyncset.done $0x0  }
0x341: {  	[sflag:s0] =	ssyncadd.s32 $0xFFFFC000  }
0x342: {  	_ =	swait.ge [sflag:s0], $0x4000  }
0x343: {  	p1 =	seq.s32 s23, $0x4;
	[sflag:s0] =	ssyncset.done $0x0  }
0x344: {  	[sflag:s0] =	ssyncadd.s32 $0xFFFFC000;
	s0 =	simm.s32 @!p1 $0x4  }
0x345: {  	_ =	swait.ge @!p1 [sflag:s0], $0x4000  }
0x346: {  	[sflag:s0] =	ssyncset.done @!p1 $0x0  }
0x347: {  	[sflag:s0] =	ssyncadd.s32 @!p1 $0xFFFFC000  }
0x348: {  	_ =	swait.ge @!p1 [sflag:s0], $0x4000  }
0x349: {  	[sflag:s0] =	ssyncset.done @!p1 $0x0  }
0x34a: {  	[sflag:s0] =	ssyncadd.s32 @!p1 $0xFFFFC000  }
0x34b: {  	v9 =	vld @!p1 [tilespmem:$0x8A00];
	_ =	sdelay $0x4  }
0x34c: {  	v10 =	vshll.u32 @!p1 v9, $0x3  }
0x34d: {  	v11 =	vlaneseq.u32 @!p1;
	v9 =	vand.u32 @!p1 $0x7, v9;
	v10 =	vand.u32 @!p1 $0xFFFFFFC0, v10  }
0x34e: {  	v12 =	vshrl.u32 @!p1 v11, $0x3;
	v9 =	vor.u32 @!p1 v9, v10;
	v10 =	vand.u32 @!p1 $0x7, v11  }
0x34f: {  	v12 =	vmul.u32 @!p1 $0x8, v12;
	v13 =	vperm.xlane @!p1 v9, v10;
	_ =	sdelay $0x1  }
0x350: {  	v13 =	vadd.s32 @!p1 v12, v13;
	_ =	sdelay $0x3  }
0x351: {  	vm1 =	vmmov @!p1 $0xffff;
	s1 =	simm.s32 @!p1 $0x9800;
	s0 =	simm.s32 @!p1 $0x0  }
0x352: {  	v11 =	vor.u32 @!p1 $0x8, v11;
	[tilespmem:s1], [sflag:$0x2] =	stream.indirect_vreg.gather @!p1 [hbm4b:s3+s0], $0x80, v13, vm1, $0xb8;
	[tilespmem:$0x19800] =	vst v63  }
0x353: {  	v9 =	vperm.xlane @!p1 v9, v11;
	s1 =	simm.s32 @!p1 $0xA000  }
0x354: {  	[tilespmem:s1], [sflag:$0x2] =	stream.indirect_vreg.gather @!p1 [hbm4b:s4+s0], $0x80, v13, vm1, $0xb8;
	[tilespmem:$0x19800] =	vst v63  }
0x355: {  	v9 =	vadd.s32 @!p1 v12, v9;
	s1 =	simm.s32 @!p1 $0xA800  }
0x356: {  	[tilespmem:s1], [sflag:$0x2] =	stream.indirect_vreg.gather @!p1 [hbm4b:s29+s0], $0x80, v13, vm1, $0xb8;
	[tilespmem:$0x19800] =	vst v63  }
0x357: {  	s1 =	simm.s32 @!p1 $0xB000  }
0x358: {  	[tilespmem:s1], [sflag:$0x2] =	stream.indirect_vreg.gather @!p1 [hbm4b:s30+s0], $0x80, v13, vm1, $0xb8;
	[tilespmem:$0x19800] =	vst v63  }
0x359: {  	s1 =	simm.s32 @!p1 $0xB800  }
0x35a: {  	[tilespmem:s1], [sflag:$0x2] =	stream.indirect_vreg.gather @!p1 [hbm4b:s3+s0], $0x80, v9, vm1, $0xb8;
	[tilespmem:$0x19800] =	vst v63  }
0x35b: {  	s1 =	simm.s32 @!p1 $0xC000  }
0x35c: {  	[tilespmem:s1], [sflag:$0x2] =	stream.indirect_vreg.gather @!p1 [hbm4b:s4+s0], $0x80, v9, vm1, $0xb8;
	[tilespmem:$0x19800] =	vst v63  }
0x35d: {  	s1 =	simm.s32 @!p1 $0xC800  }
0x35e: {  	[tilespmem:s1], [sflag:$0x2] =	stream.indirect_vreg.gather @!p1 [hbm4b:s29+s0], $0x80, v9, vm1, $0xb8;
	[tilespmem:$0x19800] =	vst v63  }
0x35f: {  	s1 =	simm.s32 @!p1 $0xD000  }
0x360: {  	[tilespmem:s1], [sflag:$0x2] =	stream.indirect_vreg.gather @!p1 [hbm4b:s30+s0], $0x80, v9, vm1, $0xb8;
	[tilespmem:$0x19800] =	vst v63  }
0x361: {  	v9 =	vld @!p1 [tilespmem:$0x8A00];
	_ =	sdelay $0x4  }
0x362: {  	v13 =	vshll.u32 @!p1 v9, $0x3  }
0x363: {  	v9 =	vand.u32 @!p1 $0x7, v9;
	v13 =	vand.u32 @!p1 $0xFFFFFFC0, v13  }
0x364: {  	v9 =	vor.u32 @!p1 v9, v13  }
0x365: {  	v10 =	vperm.xlane @!p1 v9, v10;
	_ =	sdelay $0x1  }
0x366: {  	v10 =	vadd.s32 @!p1 v12, v10;
	_ =	sdelay $0x3  }
0x367: {  	s1 =	simm.s32 @!p1 $0xD800  }
0x368: {  	[tilespmem:s1], [sflag:$0x2] =	stream.indirect_vreg.gather @!p1 [hbm4b:s6+s0], $0x80, v10, vm1, $0xb8;
	[tilespmem:$0x19800] =	vst v63  }
0x369: {  	v9 =	vperm.xlane @!p1 v9, v11;
	s1 =	simm.s32 @!p1 $0xE000  }
0x36a: {  	[tilespmem:s1], [sflag:$0x2] =	stream.indirect_vreg.gather @!p1 [hbm4b:s31+s0], $0x80, v10, vm1, $0xb8;
	[tilespmem:$0x19800] =	vst v63  }
0x36b: {  	v9 =	vadd.s32 @!p1 v12, v9;
	s1 =	simm.s32 @!p1 $0xE800  }
0x36c: {  	[tilespmem:s1], [sflag:$0x2] =	stream.indirect_vreg.gather @!p1 [hbm4b:s2+s0], $0x80, v10, vm1, $0xb8;
	[tilespmem:$0x19800] =	vst v63  }
0x36d: {  	s1 =	simm.s32 @!p1 $0xF000  }
0x36e: {  	[tilespmem:s1], [sflag:$0x2] =	stream.indirect_vreg.gather @!p1 [hbm4b:s8+s0], $0x80, v10, vm1, $0xb8;
	[tilespmem:$0x19800] =	vst v63  }
0x36f: {  	s1 =	simm.s32 @!p1 $0xF800  }
0x370: {  	[tilespmem:s1], [sflag:$0x2] =	stream.indirect_vreg.gather @!p1 [hbm4b:s6+s0], $0x80, v9, vm1, $0xb8;
	[tilespmem:$0x19800] =	vst v63  }
0x371: {  	s1 =	simm.s32 @!p1 $0x10000  }
0x372: {  	[tilespmem:s1], [sflag:$0x2] =	stream.indirect_vreg.gather @!p1 [hbm4b:s31+s0], $0x80, v9, vm1, $0xb8;
	[tilespmem:$0x19800] =	vst v63  }
0x373: {  	s1 =	simm.s32 @!p1 $0x10800  }
0x374: {  	[tilespmem:s1], [sflag:$0x2] =	stream.indirect_vreg.gather @!p1 [hbm4b:s2+s0], $0x80, v9, vm1, $0xb8;
	[tilespmem:$0x19800] =	vst v63  }
0x375: {  	s1 =	simm.s32 @!p1 $0x11000  }
0x376: {  	[tilespmem:s1], [sflag:$0x2] =	stream.indirect_vreg.gather @!p1 [hbm4b:s8+s0], $0x80, v9, vm1, $0xb8;
	[tilespmem:$0x19800] =	vst v63  }
0x377: {  	v9 =	vld [tilespmem:$0x8980];
	_ =	sdelay $0x4  }
0x378: {  	v10 =	vshll.u32 v9, $0x3  }
0x379: {  	v9 =	vand.u32 $0x7, v9;
	v10 =	vand.u32 $0xFFFFFFC0, v10  }
0x37a: {  	v9 =	vor.u32 v9, v10  }
0x37b: {  	v10 =	vperm.xlane v9, v6;
	_ =	sdelay $0x1  }
0x37c: {  	v10 =	vadd.s32 v7, v10;
	_ =	sdelay $0x3  }
0x37d: {  	s21 =	simm.s32 $0x11800  }
0x37e: {  	[hbm4b:s26+s5] =	stream.indirect_vreg.scatter [tilespmem:s21], [sflag:$0x5], $0x80, v10, vm0, $0xb8;
	[tilespmem:$0x19800] =	vst v63  }
0x37f: {  	s25 =	simm.s32 $0x12000;
	v9 =	vperm.xlane v9, v8  }
0x380: {  	[hbm4b:s9+s5] =	stream.indirect_vreg.scatter [tilespmem:s25], [sflag:$0x5], $0x80, v10, vm0, $0xb8;
	[tilespmem:$0x19800] =	vst v63  }
0x381: {  	s1 =	simm.s32 $0x12800;
	v9 =	vadd.s32 v7, v9  }
0x382: {  	[hbm4b:s10+s5] =	stream.indirect_vreg.scatter [tilespmem:s1], [sflag:$0x5], $0x80, v10, vm0, $0xb8;
	[tilespmem:$0x19800] =	vst v63  }
0x383: {  	s7 =	simm.s32 $0x13000  }
0x384: {  	[hbm4b:s22+s5] =	stream.indirect_vreg.scatter [tilespmem:s7], [sflag:$0x5], $0x80, v10, vm0, $0xb8;
	[tilespmem:$0x19800] =	vst v63  }
0x385: {  	s14 =	simm.s32 $0x13800  }
0x386: {  	[hbm4b:s26+s5] =	stream.indirect_vreg.scatter [tilespmem:s14], [sflag:$0x5], $0x80, v9, vm0, $0xb8;
	[tilespmem:$0x19800] =	vst v63  }
0x387: {  	s15 =	simm.s32 $0x14000  }
0x388: {  	[hbm4b:s9+s5] =	stream.indirect_vreg.scatter [tilespmem:s15], [sflag:$0x5], $0x80, v9, vm0, $0xb8;
	[tilespmem:$0x19800] =	vst v63  }
0x389: {  	s20 =	simm.s32 $0x14800  }
0x38a: {  	[hbm4b:s10+s5] =	stream.indirect_vreg.scatter [tilespmem:s20], [sflag:$0x5], $0x80, v9, vm0, $0xb8;
	[tilespmem:$0x19800] =	vst v63  }
0x38b: {  	s21 =	simm.s32 $0x15000  }
0x38c: {  	[hbm4b:s22+s5] =	stream.indirect_vreg.scatter [tilespmem:s21], [sflag:$0x5], $0x80, v9, vm0, $0xb8;
	[tilespmem:$0x19800] =	vst v63  }
0x38d: {  	v9 =	vld [tilespmem:$0x9180];
	_ =	sdelay $0x4  }
0x38e: {  	v10 =	vshll.u32 v9, $0x3  }
0x38f: {  	v9 =	vand.u32 $0x7, v9;
	v10 =	vand.u32 $0xFFFFFFC0, v10  }
0x390: {  	v9 =	vor.u32 v9, v10  }
0x391: {  	v10 =	vperm.xlane v9, v6;
	_ =	sdelay $0x1  }
0x392: {  	v10 =	vadd.s32 v7, v10;
	_ =	sdelay $0x3  }
0x393: {  	s25 =	simm.s32 $0x15800  }
0x394: {  	[hbm4b:s26+s5] =	stream.indirect_vreg.scatter [tilespmem:s25], [sflag:$0x5], $0x80, v10, vm0, $0xb8;
	[tilespmem:$0x19800] =	vst v63  }
0x395: {  	s1 =	simm.s32 $0x16000;
	v9 =	vperm.xlane v9, v8  }
0x396: {  	[hbm4b:s9+s5] =	stream.indirect_vreg.scatter [tilespmem:s1], [sflag:$0x5], $0x80, v10, vm0, $0xb8;
	[tilespmem:$0x19800] =	vst v63  }
0x397: {  	s7 =	simm.s32 $0x16800;
	v9 =	vadd.s32 v7, v9  }
0x398: {  	[hbm4b:s10+s5] =	stream.indirect_vreg.scatter [tilespmem:s7], [sflag:$0x5], $0x80, v10, vm0, $0xb8;
	[tilespmem:$0x19800] =	vst v63  }
0x399: {  	s14 =	simm.s32 $0x17000  }
0x39a: {  	[hbm4b:s22+s5] =	stream.indirect_vreg.scatter [tilespmem:s14], [sflag:$0x5], $0x80, v10, vm0, $0xb8;
	[tilespmem:$0x19800] =	vst v63  }
0x39b: {  	s15 =	simm.s32 $0x17800  }
0x39c: {  	[hbm4b:s26+s5] =	stream.indirect_vreg.scatter [tilespmem:s15], [sflag:$0x5], $0x80, v9, vm0, $0xb8;
	[tilespmem:$0x19800] =	vst v63  }
0x39d: {  	p1 =	slt.u32 s23, $0x5;
	s20 =	simm.s32 $0x18000  }
0x39e: {  	[hbm4b:s9+s5] =	stream.indirect_vreg.scatter [tilespmem:s20], [sflag:$0x5], $0x80, v9, vm0, $0xb8;
	[tilespmem:$0x19800] =	vst v63  }
.Ltmp17:
0x39f: {  	_ = 	snop;
	(pc) =	sbr.rel @p1 .LBB2_40-.Ltmp17, $4  }
0x3a0: {  	s21 =	simm.s32 $0x18800  }
0x3a1: {  	[hbm4b:s10+s5] =	stream.indirect_vreg.scatter [tilespmem:s21], [sflag:$0x5], $0x80, v9, vm0, $0xb8;
	[tilespmem:$0x19800] =	vst v63  }
0x3a2: {  	s25 =	simm.s32 $0x19000  }
0x3a3: {  	[hbm4b:s22+s5] =	stream.indirect_vreg.scatter [tilespmem:s25], [sflag:$0x5], $0x80, v9, vm0, $0xb8;
	[tilespmem:$0x19800] =	vst v63  }
0x3a4: {  	s0 =	simm.s32 $0x2  }
0x3a5: {  	_ =	swait.ge [sflag:s0], $0x4000  }
0x3a6: {  	[sflag:s0] =	ssyncset.done $0x0  }
0x3a7: {  	[sflag:s0] =	ssyncadd.s32 $0xFFFFC000  }
0x3a8: {  	_ =	swait.ge [sflag:s0], $0x4000  }
0x3a9: {  	p1 =	seq.s32 s23, $0x5;
	[sflag:s0] =	ssyncset.done $0x0  }
0x3aa: {  	[sflag:s0] =	ssyncadd.s32 $0xFFFFC000;
	s0 =	simm.s32 @!p1 $0x5  }
0x3ab: {  	_ =	swait.ge @!p1 [sflag:s0], $0x4000  }
0x3ac: {  	[sflag:s0] =	ssyncset.done @!p1 $0x0  }
0x3ad: {  	[sflag:s0] =	ssyncadd.s32 @!p1 $0xFFFFC000  }
0x3ae: {  	_ =	swait.ge @!p1 [sflag:s0], $0x4000  }
0x3af: {  	[sflag:s0] =	ssyncset.done @!p1 $0x0  }
0x3b0: {  	[sflag:s0] =	ssyncadd.s32 @!p1 $0xFFFFC000  }
0x3b1: {  	v9 =	vld @!p1 [tilespmem:$0x8A80];
	_ =	sdelay $0x4  }
0x3b2: {  	v10 =	vshll.u32 @!p1 v9, $0x3  }
0x3b3: {  	v11 =	vlaneseq.u32 @!p1;
	v9 =	vand.u32 @!p1 $0x7, v9;
	v10 =	vand.u32 @!p1 $0xFFFFFFC0, v10  }
0x3b4: {  	v12 =	vshrl.u32 @!p1 v11, $0x3;
	v9 =	vor.u32 @!p1 v9, v10;
	v10 =	vand.u32 @!p1 $0x7, v11  }
0x3b5: {  	v12 =	vmul.u32 @!p1 $0x8, v12;
	v13 =	vperm.xlane @!p1 v9, v10;
	_ =	sdelay $0x1  }
0x3b6: {  	v13 =	vadd.s32 @!p1 v12, v13;
	_ =	sdelay $0x3  }
0x3b7: {  	vm1 =	vmmov @!p1 $0xffff;
	s1 =	simm.s32 @!p1 $0x11800;
	s0 =	simm.s32 @!p1 $0x0  }
0x3b8: {  	v11 =	vor.u32 @!p1 $0x8, v11;
	[tilespmem:s1], [sflag:$0x3] =	stream.indirect_vreg.gather @!p1 [hbm4b:s3+s0], $0x80, v13, vm1, $0xb8;
	[tilespmem:$0x19800] =	vst v63  }
0x3b9: {  	v9 =	vperm.xlane @!p1 v9, v11;
	s1 =	simm.s32 @!p1 $0x12000  }
0x3ba: {  	[tilespmem:s1], [sflag:$0x3] =	stream.indirect_vreg.gather @!p1 [hbm4b:s4+s0], $0x80, v13, vm1, $0xb8;
	[tilespmem:$0x19800] =	vst v63  }
0x3bb: {  	v9 =	vadd.s32 @!p1 v12, v9;
	s1 =	simm.s32 @!p1 $0x12800  }
0x3bc: {  	[tilespmem:s1], [sflag:$0x3] =	stream.indirect_vreg.gather @!p1 [hbm4b:s29+s0], $0x80, v13, vm1, $0xb8;
	[tilespmem:$0x19800] =	vst v63  }
0x3bd: {  	s1 =	simm.s32 @!p1 $0x13000  }
0x3be: {  	[tilespmem:s1], [sflag:$0x3] =	stream.indirect_vreg.gather @!p1 [hbm4b:s30+s0], $0x80, v13, vm1, $0xb8;
	[tilespmem:$0x19800] =	vst v63  }
0x3bf: {  	s1 =	simm.s32 @!p1 $0x13800  }
0x3c0: {  	[tilespmem:s1], [sflag:$0x3] =	stream.indirect_vreg.gather @!p1 [hbm4b:s3+s0], $0x80, v9, vm1, $0xb8;
	[tilespmem:$0x19800] =	vst v63  }
0x3c1: {  	s1 =	simm.s32 @!p1 $0x14000  }
0x3c2: {  	[tilespmem:s1], [sflag:$0x3] =	stream.indirect_vreg.gather @!p1 [hbm4b:s4+s0], $0x80, v9, vm1, $0xb8;
	[tilespmem:$0x19800] =	vst v63  }
0x3c3: {  	s1 =	simm.s32 @!p1 $0x14800  }
0x3c4: {  	[tilespmem:s1], [sflag:$0x3] =	stream.indirect_vreg.gather @!p1 [hbm4b:s29+s0], $0x80, v9, vm1, $0xb8;
	[tilespmem:$0x19800] =	vst v63  }
0x3c5: {  	s1 =	simm.s32 @!p1 $0x15000  }
0x3c6: {  	[tilespmem:s1], [sflag:$0x3] =	stream.indirect_vreg.gather @!p1 [hbm4b:s30+s0], $0x80, v9, vm1, $0xb8;
	[tilespmem:$0x19800] =	vst v63  }
0x3c7: {  	v9 =	vld @!p1 [tilespmem:$0x8A80];
	_ =	sdelay $0x4  }
0x3c8: {  	v13 =	vshll.u32 @!p1 v9, $0x3  }
0x3c9: {  	v9 =	vand.u32 @!p1 $0x7, v9;
	v13 =	vand.u32 @!p1 $0xFFFFFFC0, v13  }
0x3ca: {  	v9 =	vor.u32 @!p1 v9, v13  }
0x3cb: {  	v10 =	vperm.xlane @!p1 v9, v10;
	_ =	sdelay $0x1  }
0x3cc: {  	v10 =	vadd.s32 @!p1 v12, v10;
	_ =	sdelay $0x3  }
0x3cd: {  	s1 =	simm.s32 @!p1 $0x15800  }
0x3ce: {  	[tilespmem:s1], [sflag:$0x3] =	stream.indirect_vreg.gather @!p1 [hbm4b:s6+s0], $0x80, v10, vm1, $0xb8;
	[tilespmem:$0x19800] =	vst v63  }
0x3cf: {  	v9 =	vperm.xlane @!p1 v9, v11;
	s1 =	simm.s32 @!p1 $0x16000  }
0x3d0: {  	[tilespmem:s1], [sflag:$0x3] =	stream.indirect_vreg.gather @!p1 [hbm4b:s31+s0], $0x80, v10, vm1, $0xb8;
	[tilespmem:$0x19800] =	vst v63  }
0x3d1: {  	v9 =	vadd.s32 @!p1 v12, v9;
	s1 =	simm.s32 @!p1 $0x16800  }
0x3d2: {  	[tilespmem:s1], [sflag:$0x3] =	stream.indirect_vreg.gather @!p1 [hbm4b:s2+s0], $0x80, v10, vm1, $0xb8;
	[tilespmem:$0x19800] =	vst v63  }
0x3d3: {  	s1 =	simm.s32 @!p1 $0x17000  }
0x3d4: {  	[tilespmem:s1], [sflag:$0x3] =	stream.indirect_vreg.gather @!p1 [hbm4b:s8+s0], $0x80, v10, vm1, $0xb8;
	[tilespmem:$0x19800] =	vst v63  }
0x3d5: {  	s1 =	simm.s32 @!p1 $0x17800  }
0x3d6: {  	[tilespmem:s1], [sflag:$0x3] =	stream.indirect_vreg.gather @!p1 [hbm4b:s6+s0], $0x80, v9, vm1, $0xb8;
	[tilespmem:$0x19800] =	vst v63  }
0x3d7: {  	s1 =	simm.s32 @!p1 $0x18000  }
0x3d8: {  	[tilespmem:s1], [sflag:$0x3] =	stream.indirect_vreg.gather @!p1 [hbm4b:s31+s0], $0x80, v9, vm1, $0xb8;
	[tilespmem:$0x19800] =	vst v63  }
0x3d9: {  	s1 =	simm.s32 @!p1 $0x18800  }
0x3da: {  	[tilespmem:s1], [sflag:$0x3] =	stream.indirect_vreg.gather @!p1 [hbm4b:s2+s0], $0x80, v9, vm1, $0xb8;
	[tilespmem:$0x19800] =	vst v63  }
0x3db: {  	s1 =	simm.s32 @!p1 $0x19000  }
0x3dc: {  	[tilespmem:s1], [sflag:$0x3] =	stream.indirect_vreg.gather @!p1 [hbm4b:s8+s0], $0x80, v9, vm1, $0xb8;
	[tilespmem:$0x19800] =	vst v63  }
0x3dd: {  	v9 =	vld [tilespmem:$0x8A00];
	_ =	sdelay $0x4  }
0x3de: {  	v10 =	vshll.u32 v9, $0x3  }
0x3df: {  	v9 =	vand.u32 $0x7, v9;
	v10 =	vand.u32 $0xFFFFFFC0, v10  }
0x3e0: {  	v9 =	vor.u32 v9, v10  }
0x3e1: {  	v10 =	vperm.xlane v9, v6;
	_ =	sdelay $0x1  }
0x3e2: {  	v10 =	vadd.s32 v7, v10;
	_ =	sdelay $0x3  }
0x3e3: {  	s21 =	simm.s32 $0x9800  }
0x3e4: {  	[hbm4b:s26+s5] =	stream.indirect_vreg.scatter [tilespmem:s21], [sflag:$0x4], $0x80, v10, vm0, $0xb8;
	[tilespmem:$0x19800] =	vst v63  }
0x3e5: {  	s25 =	simm.s32 $0xA000;
	v9 =	vperm.xlane v9, v8  }
0x3e6: {  	[hbm4b:s9+s5] =	stream.indirect_vreg.scatter [tilespmem:s25], [sflag:$0x4], $0x80, v10, vm0, $0xb8;
	[tilespmem:$0x19800] =	vst v63  }
0x3e7: {  	s1 =	simm.s32 $0xA800;
	v9 =	vadd.s32 v7, v9  }
0x3e8: {  	[hbm4b:s10+s5] =	stream.indirect_vreg.scatter [tilespmem:s1], [sflag:$0x4], $0x80, v10, vm0, $0xb8;
	[tilespmem:$0x19800] =	vst v63  }
0x3e9: {  	s7 =	simm.s32 $0xB000  }
0x3ea: {  	[hbm4b:s22+s5] =	stream.indirect_vreg.scatter [tilespmem:s7], [sflag:$0x4], $0x80, v10, vm0, $0xb8;
	[tilespmem:$0x19800] =	vst v63  }
0x3eb: {  	s14 =	simm.s32 $0xB800  }
0x3ec: {  	[hbm4b:s26+s5] =	stream.indirect_vreg.scatter [tilespmem:s14], [sflag:$0x4], $0x80, v9, vm0, $0xb8;
	[tilespmem:$0x19800] =	vst v63  }
0x3ed: {  	s15 =	simm.s32 $0xC000  }
0x3ee: {  	[hbm4b:s9+s5] =	stream.indirect_vreg.scatter [tilespmem:s15], [sflag:$0x4], $0x80, v9, vm0, $0xb8;
	[tilespmem:$0x19800] =	vst v63  }
0x3ef: {  	s20 =	simm.s32 $0xC800  }
0x3f0: {  	[hbm4b:s10+s5] =	stream.indirect_vreg.scatter [tilespmem:s20], [sflag:$0x4], $0x80, v9, vm0, $0xb8;
	[tilespmem:$0x19800] =	vst v63  }
0x3f1: {  	s21 =	simm.s32 $0xD000  }
0x3f2: {  	[hbm4b:s22+s5] =	stream.indirect_vreg.scatter [tilespmem:s21], [sflag:$0x4], $0x80, v9, vm0, $0xb8;
	[tilespmem:$0x19800] =	vst v63  }
0x3f3: {  	v9 =	vld [tilespmem:$0x9200];
	_ =	sdelay $0x4  }
0x3f4: {  	v10 =	vshll.u32 v9, $0x3  }
0x3f5: {  	v9 =	vand.u32 $0x7, v9;
	v10 =	vand.u32 $0xFFFFFFC0, v10  }
0x3f6: {  	v9 =	vor.u32 v9, v10  }
0x3f7: {  	v10 =	vperm.xlane v9, v6;
	_ =	sdelay $0x1  }
0x3f8: {  	v10 =	vadd.s32 v7, v10;
	_ =	sdelay $0x3  }
0x3f9: {  	s25 =	simm.s32 $0xD800  }
0x3fa: {  	[hbm4b:s26+s5] =	stream.indirect_vreg.scatter [tilespmem:s25], [sflag:$0x4], $0x80, v10, vm0, $0xb8;
	[tilespmem:$0x19800] =	vst v63  }
0x3fb: {  	s1 =	simm.s32 $0xE000;
	v9 =	vperm.xlane v9, v8  }
0x3fc: {  	[hbm4b:s9+s5] =	stream.indirect_vreg.scatter [tilespmem:s1], [sflag:$0x4], $0x80, v10, vm0, $0xb8;
	[tilespmem:$0x19800] =	vst v63  }
0x3fd: {  	s7 =	simm.s32 $0xE800;
	v9 =	vadd.s32 v7, v9  }
0x3fe: {  	[hbm4b:s10+s5] =	stream.indirect_vreg.scatter [tilespmem:s7], [sflag:$0x4], $0x80, v10, vm0, $0xb8;
	[tilespmem:$0x19800] =	vst v63  }
0x3ff: {  	s14 =	simm.s32 $0xF000  }
0x400: {  	[hbm4b:s22+s5] =	stream.indirect_vreg.scatter [tilespmem:s14], [sflag:$0x4], $0x80, v10, vm0, $0xb8;
	[tilespmem:$0x19800] =	vst v63  }
0x401: {  	s15 =	simm.s32 $0xF800  }
0x402: {  	[hbm4b:s26+s5] =	stream.indirect_vreg.scatter [tilespmem:s15], [sflag:$0x4], $0x80, v9, vm0, $0xb8;
	[tilespmem:$0x19800] =	vst v63  }
0x403: {  	s20 =	simm.s32 $0x10000  }
0x404: {  	[hbm4b:s9+s5] =	stream.indirect_vreg.scatter [tilespmem:s20], [sflag:$0x4], $0x80, v9, vm0, $0xb8;
	[tilespmem:$0x19800] =	vst v63  }
.Ltmp18:
0x405: {  	_ = 	snop;
	(pc) =	sbr.rel @p1 .LBB2_40-.Ltmp18, $4  }
0x406: {  	s21 =	simm.s32 $0x10800  }
0x407: {  	[hbm4b:s10+s5] =	stream.indirect_vreg.scatter [tilespmem:s21], [sflag:$0x4], $0x80, v9, vm0, $0xb8;
	[tilespmem:$0x19800] =	vst v63  }
0x408: {  	s25 =	simm.s32 $0x11000  }
0x409: {  	[hbm4b:s22+s5] =	stream.indirect_vreg.scatter [tilespmem:s25], [sflag:$0x4], $0x80, v9, vm0, $0xb8;
	[tilespmem:$0x19800] =	vst v63  }
0x40a: {  	s0 =	simm.s32 $0x3  }
0x40b: {  	_ =	swait.ge [sflag:s0], $0x4000  }
0x40c: {  	[sflag:s0] =	ssyncset.done $0x0  }
0x40d: {  	[sflag:s0] =	ssyncadd.s32 $0xFFFFC000  }
0x40e: {  	_ =	swait.ge [sflag:s0], $0x4000  }
0x40f: {  	p1 =	seq.s32 s23, $0x6;
	[sflag:s0] =	ssyncset.done $0x0  }
0x410: {  	[sflag:s0] =	ssyncadd.s32 $0xFFFFC000;
	s0 =	simm.s32 @!p1 $0x4  }
0x411: {  	_ =	swait.ge @!p1 [sflag:s0], $0x4000  }
0x412: {  	[sflag:s0] =	ssyncset.done @!p1 $0x0  }
0x413: {  	[sflag:s0] =	ssyncadd.s32 @!p1 $0xFFFFC000  }
0x414: {  	_ =	swait.ge @!p1 [sflag:s0], $0x4000  }
0x415: {  	[sflag:s0] =	ssyncset.done @!p1 $0x0  }
0x416: {  	[sflag:s0] =	ssyncadd.s32 @!p1 $0xFFFFC000  }
0x417: {  	v9 =	vld @!p1 [tilespmem:$0x8B00];
	_ =	sdelay $0x4  }
0x418: {  	v10 =	vshll.u32 @!p1 v9, $0x3  }
0x419: {  	v11 =	vlaneseq.u32 @!p1;
	v9 =	vand.u32 @!p1 $0x7, v9;
	v10 =	vand.u32 @!p1 $0xFFFFFFC0, v10  }
0x41a: {  	v12 =	vshrl.u32 @!p1 v11, $0x3;
	v9 =	vor.u32 @!p1 v9, v10;
	v10 =	vand.u32 @!p1 $0x7, v11  }
0x41b: {  	v12 =	vmul.u32 @!p1 $0x8, v12;
	v13 =	vperm.xlane @!p1 v9, v10;
	_ =	sdelay $0x1  }
0x41c: {  	v13 =	vadd.s32 @!p1 v12, v13;
	_ =	sdelay $0x3  }
0x41d: {  	vm1 =	vmmov @!p1 $0xffff;
	s1 =	simm.s32 @!p1 $0x9800;
	s0 =	simm.s32 @!p1 $0x0  }
0x41e: {  	v11 =	vor.u32 @!p1 $0x8, v11;
	[tilespmem:s1], [sflag:$0x2] =	stream.indirect_vreg.gather @!p1 [hbm4b:s3+s0], $0x80, v13, vm1, $0xb8;
	[tilespmem:$0x19800] =	vst v63  }
0x41f: {  	v9 =	vperm.xlane @!p1 v9, v11;
	s1 =	simm.s32 @!p1 $0xA000  }
0x420: {  	[tilespmem:s1], [sflag:$0x2] =	stream.indirect_vreg.gather @!p1 [hbm4b:s4+s0], $0x80, v13, vm1, $0xb8;
	[tilespmem:$0x19800] =	vst v63  }
0x421: {  	v9 =	vadd.s32 @!p1 v12, v9;
	s1 =	simm.s32 @!p1 $0xA800  }
0x422: {  	[tilespmem:s1], [sflag:$0x2] =	stream.indirect_vreg.gather @!p1 [hbm4b:s29+s0], $0x80, v13, vm1, $0xb8;
	[tilespmem:$0x19800] =	vst v63  }
0x423: {  	s1 =	simm.s32 @!p1 $0xB000  }
0x424: {  	[tilespmem:s1], [sflag:$0x2] =	stream.indirect_vreg.gather @!p1 [hbm4b:s30+s0], $0x80, v13, vm1, $0xb8;
	[tilespmem:$0x19800] =	vst v63  }
0x425: {  	s1 =	simm.s32 @!p1 $0xB800  }
0x426: {  	[tilespmem:s1], [sflag:$0x2] =	stream.indirect_vreg.gather @!p1 [hbm4b:s3+s0], $0x80, v9, vm1, $0xb8;
	[tilespmem:$0x19800] =	vst v63  }
0x427: {  	s1 =	simm.s32 @!p1 $0xC000  }
0x428: {  	[tilespmem:s1], [sflag:$0x2] =	stream.indirect_vreg.gather @!p1 [hbm4b:s4+s0], $0x80, v9, vm1, $0xb8;
	[tilespmem:$0x19800] =	vst v63  }
0x429: {  	s1 =	simm.s32 @!p1 $0xC800  }
0x42a: {  	[tilespmem:s1], [sflag:$0x2] =	stream.indirect_vreg.gather @!p1 [hbm4b:s29+s0], $0x80, v9, vm1, $0xb8;
	[tilespmem:$0x19800] =	vst v63  }
0x42b: {  	s1 =	simm.s32 @!p1 $0xD000  }
0x42c: {  	[tilespmem:s1], [sflag:$0x2] =	stream.indirect_vreg.gather @!p1 [hbm4b:s30+s0], $0x80, v9, vm1, $0xb8;
	[tilespmem:$0x19800] =	vst v63  }
0x42d: {  	v9 =	vld @!p1 [tilespmem:$0x8B00];
	_ =	sdelay $0x4  }
0x42e: {  	v13 =	vshll.u32 @!p1 v9, $0x3  }
0x42f: {  	v9 =	vand.u32 @!p1 $0x7, v9;
	v13 =	vand.u32 @!p1 $0xFFFFFFC0, v13  }
0x430: {  	v9 =	vor.u32 @!p1 v9, v13  }
0x431: {  	v10 =	vperm.xlane @!p1 v9, v10;
	_ =	sdelay $0x1  }
0x432: {  	v10 =	vadd.s32 @!p1 v12, v10;
	_ =	sdelay $0x3  }
0x433: {  	s1 =	simm.s32 @!p1 $0xD800  }
0x434: {  	[tilespmem:s1], [sflag:$0x2] =	stream.indirect_vreg.gather @!p1 [hbm4b:s6+s0], $0x80, v10, vm1, $0xb8;
	[tilespmem:$0x19800] =	vst v63  }
0x435: {  	v9 =	vperm.xlane @!p1 v9, v11;
	s1 =	simm.s32 @!p1 $0xE000  }
0x436: {  	[tilespmem:s1], [sflag:$0x2] =	stream.indirect_vreg.gather @!p1 [hbm4b:s31+s0], $0x80, v10, vm1, $0xb8;
	[tilespmem:$0x19800] =	vst v63  }
0x437: {  	v9 =	vadd.s32 @!p1 v12, v9;
	s1 =	simm.s32 @!p1 $0xE800  }
0x438: {  	[tilespmem:s1], [sflag:$0x2] =	stream.indirect_vreg.gather @!p1 [hbm4b:s2+s0], $0x80, v10, vm1, $0xb8;
	[tilespmem:$0x19800] =	vst v63  }
0x439: {  	s1 =	simm.s32 @!p1 $0xF000  }
0x43a: {  	[tilespmem:s1], [sflag:$0x2] =	stream.indirect_vreg.gather @!p1 [hbm4b:s8+s0], $0x80, v10, vm1, $0xb8;
	[tilespmem:$0x19800] =	vst v63  }
0x43b: {  	s1 =	simm.s32 @!p1 $0xF800  }
0x43c: {  	[tilespmem:s1], [sflag:$0x2] =	stream.indirect_vreg.gather @!p1 [hbm4b:s6+s0], $0x80, v9, vm1, $0xb8;
	[tilespmem:$0x19800] =	vst v63  }
0x43d: {  	s1 =	simm.s32 @!p1 $0x10000  }
0x43e: {  	[tilespmem:s1], [sflag:$0x2] =	stream.indirect_vreg.gather @!p1 [hbm4b:s31+s0], $0x80, v9, vm1, $0xb8;
	[tilespmem:$0x19800] =	vst v63  }
0x43f: {  	s1 =	simm.s32 @!p1 $0x10800  }
0x440: {  	[tilespmem:s1], [sflag:$0x2] =	stream.indirect_vreg.gather @!p1 [hbm4b:s2+s0], $0x80, v9, vm1, $0xb8;
	[tilespmem:$0x19800] =	vst v63  }
0x441: {  	s1 =	simm.s32 @!p1 $0x11000  }
0x442: {  	[tilespmem:s1], [sflag:$0x2] =	stream.indirect_vreg.gather @!p1 [hbm4b:s8+s0], $0x80, v9, vm1, $0xb8;
	[tilespmem:$0x19800] =	vst v63  }
0x443: {  	v9 =	vld [tilespmem:$0x8A80];
	_ =	sdelay $0x4  }
0x444: {  	v10 =	vshll.u32 v9, $0x3  }
0x445: {  	v9 =	vand.u32 $0x7, v9;
	v10 =	vand.u32 $0xFFFFFFC0, v10  }
0x446: {  	v9 =	vor.u32 v9, v10  }
0x447: {  	v10 =	vperm.xlane v9, v6;
	_ =	sdelay $0x1  }
0x448: {  	v10 =	vadd.s32 v7, v10;
	_ =	sdelay $0x3  }
0x449: {  	s21 =	simm.s32 $0x11800  }
0x44a: {  	[hbm4b:s26+s5] =	stream.indirect_vreg.scatter [tilespmem:s21], [sflag:$0x5], $0x80, v10, vm0, $0xb8;
	[tilespmem:$0x19800] =	vst v63  }
0x44b: {  	s25 =	simm.s32 $0x12000;
	v9 =	vperm.xlane v9, v8  }
0x44c: {  	[hbm4b:s9+s5] =	stream.indirect_vreg.scatter [tilespmem:s25], [sflag:$0x5], $0x80, v10, vm0, $0xb8;
	[tilespmem:$0x19800] =	vst v63  }
0x44d: {  	s1 =	simm.s32 $0x12800;
	v9 =	vadd.s32 v7, v9  }
0x44e: {  	[hbm4b:s10+s5] =	stream.indirect_vreg.scatter [tilespmem:s1], [sflag:$0x5], $0x80, v10, vm0, $0xb8;
	[tilespmem:$0x19800] =	vst v63  }
0x44f: {  	s7 =	simm.s32 $0x13000  }
0x450: {  	[hbm4b:s22+s5] =	stream.indirect_vreg.scatter [tilespmem:s7], [sflag:$0x5], $0x80, v10, vm0, $0xb8;
	[tilespmem:$0x19800] =	vst v63  }
0x451: {  	s14 =	simm.s32 $0x13800  }
0x452: {  	[hbm4b:s26+s5] =	stream.indirect_vreg.scatter [tilespmem:s14], [sflag:$0x5], $0x80, v9, vm0, $0xb8;
	[tilespmem:$0x19800] =	vst v63  }
0x453: {  	s15 =	simm.s32 $0x14000  }
0x454: {  	[hbm4b:s9+s5] =	stream.indirect_vreg.scatter [tilespmem:s15], [sflag:$0x5], $0x80, v9, vm0, $0xb8;
	[tilespmem:$0x19800] =	vst v63  }
0x455: {  	s20 =	simm.s32 $0x14800  }
0x456: {  	[hbm4b:s10+s5] =	stream.indirect_vreg.scatter [tilespmem:s20], [sflag:$0x5], $0x80, v9, vm0, $0xb8;
	[tilespmem:$0x19800] =	vst v63  }
0x457: {  	s21 =	simm.s32 $0x15000  }
0x458: {  	[hbm4b:s22+s5] =	stream.indirect_vreg.scatter [tilespmem:s21], [sflag:$0x5], $0x80, v9, vm0, $0xb8;
	[tilespmem:$0x19800] =	vst v63  }
0x459: {  	v9 =	vld [tilespmem:$0x9280];
	_ =	sdelay $0x4  }
0x45a: {  	v10 =	vshll.u32 v9, $0x3  }
0x45b: {  	v9 =	vand.u32 $0x7, v9;
	v10 =	vand.u32 $0xFFFFFFC0, v10  }
0x45c: {  	v9 =	vor.u32 v9, v10  }
0x45d: {  	v10 =	vperm.xlane v9, v6;
	_ =	sdelay $0x1  }
0x45e: {  	v10 =	vadd.s32 v7, v10;
	_ =	sdelay $0x3  }
0x45f: {  	s25 =	simm.s32 $0x15800  }
0x460: {  	[hbm4b:s26+s5] =	stream.indirect_vreg.scatter [tilespmem:s25], [sflag:$0x5], $0x80, v10, vm0, $0xb8;
	[tilespmem:$0x19800] =	vst v63  }
0x461: {  	s1 =	simm.s32 $0x16000;
	v9 =	vperm.xlane v9, v8  }
0x462: {  	[hbm4b:s9+s5] =	stream.indirect_vreg.scatter [tilespmem:s1], [sflag:$0x5], $0x80, v10, vm0, $0xb8;
	[tilespmem:$0x19800] =	vst v63  }
0x463: {  	s7 =	simm.s32 $0x16800;
	v9 =	vadd.s32 v7, v9  }
0x464: {  	[hbm4b:s10+s5] =	stream.indirect_vreg.scatter [tilespmem:s7], [sflag:$0x5], $0x80, v10, vm0, $0xb8;
	[tilespmem:$0x19800] =	vst v63  }
0x465: {  	s14 =	simm.s32 $0x17000  }
0x466: {  	[hbm4b:s22+s5] =	stream.indirect_vreg.scatter [tilespmem:s14], [sflag:$0x5], $0x80, v10, vm0, $0xb8;
	[tilespmem:$0x19800] =	vst v63  }
0x467: {  	s15 =	simm.s32 $0x17800  }
0x468: {  	[hbm4b:s26+s5] =	stream.indirect_vreg.scatter [tilespmem:s15], [sflag:$0x5], $0x80, v9, vm0, $0xb8;
	[tilespmem:$0x19800] =	vst v63  }
0x469: {  	p1 =	slt.u32 s23, $0x7;
	s20 =	simm.s32 $0x18000  }
0x46a: {  	[hbm4b:s9+s5] =	stream.indirect_vreg.scatter [tilespmem:s20], [sflag:$0x5], $0x80, v9, vm0, $0xb8;
	[tilespmem:$0x19800] =	vst v63  }
.Ltmp19:
0x46b: {  	_ = 	snop;
	(pc) =	sbr.rel @p1 .LBB2_40-.Ltmp19, $4  }
0x46c: {  	s21 =	simm.s32 $0x18800  }
0x46d: {  	[hbm4b:s10+s5] =	stream.indirect_vreg.scatter [tilespmem:s21], [sflag:$0x5], $0x80, v9, vm0, $0xb8;
	[tilespmem:$0x19800] =	vst v63  }
0x46e: {  	s25 =	simm.s32 $0x19000  }
0x46f: {  	[hbm4b:s22+s5] =	stream.indirect_vreg.scatter [tilespmem:s25], [sflag:$0x5], $0x80, v9, vm0, $0xb8;
	[tilespmem:$0x19800] =	vst v63  }
0x470: {  	s0 =	simm.s32 $0x2  }
0x471: {  	_ =	swait.ge [sflag:s0], $0x4000  }
0x472: {  	[sflag:s0] =	ssyncset.done $0x0  }
0x473: {  	[sflag:s0] =	ssyncadd.s32 $0xFFFFC000  }
0x474: {  	_ =	swait.ge [sflag:s0], $0x4000  }
0x475: {  	p1 =	seq.s32 s23, $0x7;
	[sflag:s0] =	ssyncset.done $0x0  }
0x476: {  	[sflag:s0] =	ssyncadd.s32 $0xFFFFC000;
	s0 =	simm.s32 @!p1 $0x5  }
0x477: {  	_ =	swait.ge @!p1 [sflag:s0], $0x4000  }
0x478: {  	[sflag:s0] =	ssyncset.done @!p1 $0x0  }
0x479: {  	[sflag:s0] =	ssyncadd.s32 @!p1 $0xFFFFC000  }
0x47a: {  	_ =	swait.ge @!p1 [sflag:s0], $0x4000  }
0x47b: {  	[sflag:s0] =	ssyncset.done @!p1 $0x0  }
0x47c: {  	[sflag:s0] =	ssyncadd.s32 @!p1 $0xFFFFC000  }
0x47d: {  	v9 =	vld @!p1 [tilespmem:$0x8B80];
	_ =	sdelay $0x4  }
0x47e: {  	v10 =	vshll.u32 @!p1 v9, $0x3  }
0x47f: {  	v11 =	vlaneseq.u32 @!p1;
	v9 =	vand.u32 @!p1 $0x7, v9;
	v10 =	vand.u32 @!p1 $0xFFFFFFC0, v10  }
0x480: {  	v12 =	vshrl.u32 @!p1 v11, $0x3;
	v9 =	vor.u32 @!p1 v9, v10;
	v10 =	vand.u32 @!p1 $0x7, v11  }
0x481: {  	v12 =	vmul.u32 @!p1 $0x8, v12;
	v13 =	vperm.xlane @!p1 v9, v10;
	_ =	sdelay $0x1  }
0x482: {  	v13 =	vadd.s32 @!p1 v12, v13;
	_ =	sdelay $0x3  }
0x483: {  	vm1 =	vmmov @!p1 $0xffff;
	s1 =	simm.s32 @!p1 $0x11800;
	s0 =	simm.s32 @!p1 $0x0  }
0x484: {  	v11 =	vor.u32 @!p1 $0x8, v11;
	[tilespmem:s1], [sflag:$0x3] =	stream.indirect_vreg.gather @!p1 [hbm4b:s3+s0], $0x80, v13, vm1, $0xb8;
	[tilespmem:$0x19800] =	vst v63  }
0x485: {  	v9 =	vperm.xlane @!p1 v9, v11;
	s1 =	simm.s32 @!p1 $0x12000  }
0x486: {  	[tilespmem:s1], [sflag:$0x3] =	stream.indirect_vreg.gather @!p1 [hbm4b:s4+s0], $0x80, v13, vm1, $0xb8;
	[tilespmem:$0x19800] =	vst v63  }
0x487: {  	v9 =	vadd.s32 @!p1 v12, v9;
	s1 =	simm.s32 @!p1 $0x12800  }
0x488: {  	[tilespmem:s1], [sflag:$0x3] =	stream.indirect_vreg.gather @!p1 [hbm4b:s29+s0], $0x80, v13, vm1, $0xb8;
	[tilespmem:$0x19800] =	vst v63  }
0x489: {  	s1 =	simm.s32 @!p1 $0x13000  }
0x48a: {  	[tilespmem:s1], [sflag:$0x3] =	stream.indirect_vreg.gather @!p1 [hbm4b:s30+s0], $0x80, v13, vm1, $0xb8;
	[tilespmem:$0x19800] =	vst v63  }
0x48b: {  	s1 =	simm.s32 @!p1 $0x13800  }
0x48c: {  	[tilespmem:s1], [sflag:$0x3] =	stream.indirect_vreg.gather @!p1 [hbm4b:s3+s0], $0x80, v9, vm1, $0xb8;
	[tilespmem:$0x19800] =	vst v63  }
0x48d: {  	s1 =	simm.s32 @!p1 $0x14000  }
0x48e: {  	[tilespmem:s1], [sflag:$0x3] =	stream.indirect_vreg.gather @!p1 [hbm4b:s4+s0], $0x80, v9, vm1, $0xb8;
	[tilespmem:$0x19800] =	vst v63  }
0x48f: {  	s1 =	simm.s32 @!p1 $0x14800  }
0x490: {  	[tilespmem:s1], [sflag:$0x3] =	stream.indirect_vreg.gather @!p1 [hbm4b:s29+s0], $0x80, v9, vm1, $0xb8;
	[tilespmem:$0x19800] =	vst v63  }
0x491: {  	s1 =	simm.s32 @!p1 $0x15000  }
0x492: {  	[tilespmem:s1], [sflag:$0x3] =	stream.indirect_vreg.gather @!p1 [hbm4b:s30+s0], $0x80, v9, vm1, $0xb8;
	[tilespmem:$0x19800] =	vst v63  }
0x493: {  	v9 =	vld @!p1 [tilespmem:$0x8B80];
	_ =	sdelay $0x4  }
0x494: {  	v13 =	vshll.u32 @!p1 v9, $0x3  }
0x495: {  	v9 =	vand.u32 @!p1 $0x7, v9;
	v13 =	vand.u32 @!p1 $0xFFFFFFC0, v13  }
0x496: {  	v9 =	vor.u32 @!p1 v9, v13  }
0x497: {  	v10 =	vperm.xlane @!p1 v9, v10;
	_ =	sdelay $0x1  }
0x498: {  	v10 =	vadd.s32 @!p1 v12, v10;
	_ =	sdelay $0x3  }
0x499: {  	s1 =	simm.s32 @!p1 $0x15800  }
0x49a: {  	[tilespmem:s1], [sflag:$0x3] =	stream.indirect_vreg.gather @!p1 [hbm4b:s6+s0], $0x80, v10, vm1, $0xb8;
	[tilespmem:$0x19800] =	vst v63  }
0x49b: {  	v9 =	vperm.xlane @!p1 v9, v11;
	s1 =	simm.s32 @!p1 $0x16000  }
0x49c: {  	[tilespmem:s1], [sflag:$0x3] =	stream.indirect_vreg.gather @!p1 [hbm4b:s31+s0], $0x80, v10, vm1, $0xb8;
	[tilespmem:$0x19800] =	vst v63  }
0x49d: {  	v9 =	vadd.s32 @!p1 v12, v9;
	s1 =	simm.s32 @!p1 $0x16800  }
0x49e: {  	[tilespmem:s1], [sflag:$0x3] =	stream.indirect_vreg.gather @!p1 [hbm4b:s2+s0], $0x80, v10, vm1, $0xb8;
	[tilespmem:$0x19800] =	vst v63  }
0x49f: {  	s1 =	simm.s32 @!p1 $0x17000  }
0x4a0: {  	[tilespmem:s1], [sflag:$0x3] =	stream.indirect_vreg.gather @!p1 [hbm4b:s8+s0], $0x80, v10, vm1, $0xb8;
	[tilespmem:$0x19800] =	vst v63  }
0x4a1: {  	s1 =	simm.s32 @!p1 $0x17800  }
0x4a2: {  	[tilespmem:s1], [sflag:$0x3] =	stream.indirect_vreg.gather @!p1 [hbm4b:s6+s0], $0x80, v9, vm1, $0xb8;
	[tilespmem:$0x19800] =	vst v63  }
0x4a3: {  	s1 =	simm.s32 @!p1 $0x18000  }
0x4a4: {  	[tilespmem:s1], [sflag:$0x3] =	stream.indirect_vreg.gather @!p1 [hbm4b:s31+s0], $0x80, v9, vm1, $0xb8;
	[tilespmem:$0x19800] =	vst v63  }
0x4a5: {  	s1 =	simm.s32 @!p1 $0x18800  }
0x4a6: {  	[tilespmem:s1], [sflag:$0x3] =	stream.indirect_vreg.gather @!p1 [hbm4b:s2+s0], $0x80, v9, vm1, $0xb8;
	[tilespmem:$0x19800] =	vst v63  }
0x4a7: {  	s1 =	simm.s32 @!p1 $0x19000  }
0x4a8: {  	[tilespmem:s1], [sflag:$0x3] =	stream.indirect_vreg.gather @!p1 [hbm4b:s8+s0], $0x80, v9, vm1, $0xb8;
	[tilespmem:$0x19800] =	vst v63  }
0x4a9: {  	v9 =	vld [tilespmem:$0x8B00];
	_ =	sdelay $0x4  }
0x4aa: {  	v10 =	vshll.u32 v9, $0x3  }
0x4ab: {  	v9 =	vand.u32 $0x7, v9;
	v10 =	vand.u32 $0xFFFFFFC0, v10  }
0x4ac: {  	v9 =	vor.u32 v9, v10  }
0x4ad: {  	v10 =	vperm.xlane v9, v6;
	_ =	sdelay $0x1  }
0x4ae: {  	v10 =	vadd.s32 v7, v10;
	_ =	sdelay $0x3  }
0x4af: {  	s21 =	simm.s32 $0x9800  }
0x4b0: {  	[hbm4b:s26+s5] =	stream.indirect_vreg.scatter [tilespmem:s21], [sflag:$0x4], $0x80, v10, vm0, $0xb8;
	[tilespmem:$0x19800] =	vst v63  }
0x4b1: {  	s25 =	simm.s32 $0xA000;
	v9 =	vperm.xlane v9, v8  }
0x4b2: {  	[hbm4b:s9+s5] =	stream.indirect_vreg.scatter [tilespmem:s25], [sflag:$0x4], $0x80, v10, vm0, $0xb8;
	[tilespmem:$0x19800] =	vst v63  }
0x4b3: {  	s1 =	simm.s32 $0xA800;
	v9 =	vadd.s32 v7, v9  }
0x4b4: {  	[hbm4b:s10+s5] =	stream.indirect_vreg.scatter [tilespmem:s1], [sflag:$0x4], $0x80, v10, vm0, $0xb8;
	[tilespmem:$0x19800] =	vst v63  }
0x4b5: {  	s7 =	simm.s32 $0xB000  }
0x4b6: {  	[hbm4b:s22+s5] =	stream.indirect_vreg.scatter [tilespmem:s7], [sflag:$0x4], $0x80, v10, vm0, $0xb8;
	[tilespmem:$0x19800] =	vst v63  }
0x4b7: {  	s14 =	simm.s32 $0xB800  }
0x4b8: {  	[hbm4b:s26+s5] =	stream.indirect_vreg.scatter [tilespmem:s14], [sflag:$0x4], $0x80, v9, vm0, $0xb8;
	[tilespmem:$0x19800] =	vst v63  }
0x4b9: {  	s15 =	simm.s32 $0xC000  }
0x4ba: {  	[hbm4b:s9+s5] =	stream.indirect_vreg.scatter [tilespmem:s15], [sflag:$0x4], $0x80, v9, vm0, $0xb8;
	[tilespmem:$0x19800] =	vst v63  }
0x4bb: {  	s20 =	simm.s32 $0xC800  }
0x4bc: {  	[hbm4b:s10+s5] =	stream.indirect_vreg.scatter [tilespmem:s20], [sflag:$0x4], $0x80, v9, vm0, $0xb8;
	[tilespmem:$0x19800] =	vst v63  }
0x4bd: {  	s21 =	simm.s32 $0xD000  }
0x4be: {  	[hbm4b:s22+s5] =	stream.indirect_vreg.scatter [tilespmem:s21], [sflag:$0x4], $0x80, v9, vm0, $0xb8;
	[tilespmem:$0x19800] =	vst v63  }
0x4bf: {  	v9 =	vld [tilespmem:$0x9300];
	_ =	sdelay $0x4  }
0x4c0: {  	v10 =	vshll.u32 v9, $0x3  }
0x4c1: {  	v9 =	vand.u32 $0x7, v9;
	v10 =	vand.u32 $0xFFFFFFC0, v10  }
0x4c2: {  	v9 =	vor.u32 v9, v10  }
0x4c3: {  	v10 =	vperm.xlane v9, v6;
	_ =	sdelay $0x1  }
0x4c4: {  	v10 =	vadd.s32 v7, v10;
	_ =	sdelay $0x3  }
0x4c5: {  	s25 =	simm.s32 $0xD800  }
0x4c6: {  	[hbm4b:s26+s5] =	stream.indirect_vreg.scatter [tilespmem:s25], [sflag:$0x4], $0x80, v10, vm0, $0xb8;
	[tilespmem:$0x19800] =	vst v63  }
0x4c7: {  	s1 =	simm.s32 $0xE000;
	v9 =	vperm.xlane v9, v8  }
0x4c8: {  	[hbm4b:s9+s5] =	stream.indirect_vreg.scatter [tilespmem:s1], [sflag:$0x4], $0x80, v10, vm0, $0xb8;
	[tilespmem:$0x19800] =	vst v63  }
0x4c9: {  	s7 =	simm.s32 $0xE800;
	v9 =	vadd.s32 v7, v9  }
0x4ca: {  	[hbm4b:s10+s5] =	stream.indirect_vreg.scatter [tilespmem:s7], [sflag:$0x4], $0x80, v10, vm0, $0xb8;
	[tilespmem:$0x19800] =	vst v63  }
0x4cb: {  	s14 =	simm.s32 $0xF000  }
0x4cc: {  	[hbm4b:s22+s5] =	stream.indirect_vreg.scatter [tilespmem:s14], [sflag:$0x4], $0x80, v10, vm0, $0xb8;
	[tilespmem:$0x19800] =	vst v63  }
0x4cd: {  	s15 =	simm.s32 $0xF800  }
0x4ce: {  	[hbm4b:s26+s5] =	stream.indirect_vreg.scatter [tilespmem:s15], [sflag:$0x4], $0x80, v9, vm0, $0xb8;
	[tilespmem:$0x19800] =	vst v63  }
0x4cf: {  	s20 =	simm.s32 $0x10000  }
0x4d0: {  	[hbm4b:s9+s5] =	stream.indirect_vreg.scatter [tilespmem:s20], [sflag:$0x4], $0x80, v9, vm0, $0xb8;
	[tilespmem:$0x19800] =	vst v63  }
.Ltmp20:
0x4d1: {  	_ = 	snop;
	(pc) =	sbr.rel @p1 .LBB2_40-.Ltmp20, $4  }
0x4d2: {  	s21 =	simm.s32 $0x10800  }
0x4d3: {  	[hbm4b:s10+s5] =	stream.indirect_vreg.scatter [tilespmem:s21], [sflag:$0x4], $0x80, v9, vm0, $0xb8;
	[tilespmem:$0x19800] =	vst v63  }
0x4d4: {  	s25 =	simm.s32 $0x11000  }
0x4d5: {  	[hbm4b:s22+s5] =	stream.indirect_vreg.scatter [tilespmem:s25], [sflag:$0x4], $0x80, v9, vm0, $0xb8;
	[tilespmem:$0x19800] =	vst v63  }
0x4d6: {  	s0 =	simm.s32 $0x3  }
0x4d7: {  	_ =	swait.ge [sflag:s0], $0x4000  }
0x4d8: {  	[sflag:s0] =	ssyncset.done $0x0  }
0x4d9: {  	[sflag:s0] =	ssyncadd.s32 $0xFFFFC000  }
0x4da: {  	_ =	swait.ge [sflag:s0], $0x4000  }
0x4db: {  	p1 =	seq.s32 s23, $0x8;
	[sflag:s0] =	ssyncset.done $0x0  }
0x4dc: {  	[sflag:s0] =	ssyncadd.s32 $0xFFFFC000;
	s0 =	simm.s32 @!p1 $0x4  }
0x4dd: {  	_ =	swait.ge @!p1 [sflag:s0], $0x4000  }
0x4de: {  	[sflag:s0] =	ssyncset.done @!p1 $0x0  }
0x4df: {  	[sflag:s0] =	ssyncadd.s32 @!p1 $0xFFFFC000  }
0x4e0: {  	_ =	swait.ge @!p1 [sflag:s0], $0x4000  }
0x4e1: {  	[sflag:s0] =	ssyncset.done @!p1 $0x0  }
0x4e2: {  	[sflag:s0] =	ssyncadd.s32 @!p1 $0xFFFFC000  }
0x4e3: {  	v9 =	vld @!p1 [tilespmem:$0x8C00];
	_ =	sdelay $0x4  }
0x4e4: {  	v10 =	vshll.u32 @!p1 v9, $0x3  }
0x4e5: {  	v11 =	vlaneseq.u32 @!p1;
	v9 =	vand.u32 @!p1 $0x7, v9;
	v10 =	vand.u32 @!p1 $0xFFFFFFC0, v10  }
0x4e6: {  	v12 =	vshrl.u32 @!p1 v11, $0x3;
	v9 =	vor.u32 @!p1 v9, v10;
	v10 =	vand.u32 @!p1 $0x7, v11  }
0x4e7: {  	v12 =	vmul.u32 @!p1 $0x8, v12;
	v13 =	vperm.xlane @!p1 v9, v10;
	_ =	sdelay $0x1  }
0x4e8: {  	v13 =	vadd.s32 @!p1 v12, v13;
	_ =	sdelay $0x3  }
0x4e9: {  	vm1 =	vmmov @!p1 $0xffff;
	s1 =	simm.s32 @!p1 $0x9800;
	s0 =	simm.s32 @!p1 $0x0  }
0x4ea: {  	v11 =	vor.u32 @!p1 $0x8, v11;
	[tilespmem:s1], [sflag:$0x2] =	stream.indirect_vreg.gather @!p1 [hbm4b:s3+s0], $0x80, v13, vm1, $0xb8;
	[tilespmem:$0x19800] =	vst v63  }
0x4eb: {  	v9 =	vperm.xlane @!p1 v9, v11;
	s1 =	simm.s32 @!p1 $0xA000  }
0x4ec: {  	[tilespmem:s1], [sflag:$0x2] =	stream.indirect_vreg.gather @!p1 [hbm4b:s4+s0], $0x80, v13, vm1, $0xb8;
	[tilespmem:$0x19800] =	vst v63  }
0x4ed: {  	v9 =	vadd.s32 @!p1 v12, v9;
	s1 =	simm.s32 @!p1 $0xA800  }
0x4ee: {  	[tilespmem:s1], [sflag:$0x2] =	stream.indirect_vreg.gather @!p1 [hbm4b:s29+s0], $0x80, v13, vm1, $0xb8;
	[tilespmem:$0x19800] =	vst v63  }
0x4ef: {  	s1 =	simm.s32 @!p1 $0xB000  }
0x4f0: {  	[tilespmem:s1], [sflag:$0x2] =	stream.indirect_vreg.gather @!p1 [hbm4b:s30+s0], $0x80, v13, vm1, $0xb8;
	[tilespmem:$0x19800] =	vst v63  }
0x4f1: {  	s1 =	simm.s32 @!p1 $0xB800  }
0x4f2: {  	[tilespmem:s1], [sflag:$0x2] =	stream.indirect_vreg.gather @!p1 [hbm4b:s3+s0], $0x80, v9, vm1, $0xb8;
	[tilespmem:$0x19800] =	vst v63  }
0x4f3: {  	s1 =	simm.s32 @!p1 $0xC000  }
0x4f4: {  	[tilespmem:s1], [sflag:$0x2] =	stream.indirect_vreg.gather @!p1 [hbm4b:s4+s0], $0x80, v9, vm1, $0xb8;
	[tilespmem:$0x19800] =	vst v63  }
0x4f5: {  	s1 =	simm.s32 @!p1 $0xC800  }
0x4f6: {  	[tilespmem:s1], [sflag:$0x2] =	stream.indirect_vreg.gather @!p1 [hbm4b:s29+s0], $0x80, v9, vm1, $0xb8;
	[tilespmem:$0x19800] =	vst v63  }
0x4f7: {  	s1 =	simm.s32 @!p1 $0xD000  }
0x4f8: {  	[tilespmem:s1], [sflag:$0x2] =	stream.indirect_vreg.gather @!p1 [hbm4b:s30+s0], $0x80, v9, vm1, $0xb8;
	[tilespmem:$0x19800] =	vst v63  }
0x4f9: {  	v9 =	vld @!p1 [tilespmem:$0x8C00];
	_ =	sdelay $0x4  }
0x4fa: {  	v13 =	vshll.u32 @!p1 v9, $0x3  }
0x4fb: {  	v9 =	vand.u32 @!p1 $0x7, v9;
	v13 =	vand.u32 @!p1 $0xFFFFFFC0, v13  }
0x4fc: {  	v9 =	vor.u32 @!p1 v9, v13  }
0x4fd: {  	v10 =	vperm.xlane @!p1 v9, v10;
	_ =	sdelay $0x1  }
0x4fe: {  	v10 =	vadd.s32 @!p1 v12, v10;
	_ =	sdelay $0x3  }
0x4ff: {  	s1 =	simm.s32 @!p1 $0xD800  }
0x500: {  	[tilespmem:s1], [sflag:$0x2] =	stream.indirect_vreg.gather @!p1 [hbm4b:s6+s0], $0x80, v10, vm1, $0xb8;
	[tilespmem:$0x19800] =	vst v63  }
0x501: {  	v9 =	vperm.xlane @!p1 v9, v11;
	s1 =	simm.s32 @!p1 $0xE000  }
0x502: {  	[tilespmem:s1], [sflag:$0x2] =	stream.indirect_vreg.gather @!p1 [hbm4b:s31+s0], $0x80, v10, vm1, $0xb8;
	[tilespmem:$0x19800] =	vst v63  }
0x503: {  	v9 =	vadd.s32 @!p1 v12, v9;
	s1 =	simm.s32 @!p1 $0xE800  }
0x504: {  	[tilespmem:s1], [sflag:$0x2] =	stream.indirect_vreg.gather @!p1 [hbm4b:s2+s0], $0x80, v10, vm1, $0xb8;
	[tilespmem:$0x19800] =	vst v63  }
0x505: {  	s1 =	simm.s32 @!p1 $0xF000  }
0x506: {  	[tilespmem:s1], [sflag:$0x2] =	stream.indirect_vreg.gather @!p1 [hbm4b:s8+s0], $0x80, v10, vm1, $0xb8;
	[tilespmem:$0x19800] =	vst v63  }
0x507: {  	s1 =	simm.s32 @!p1 $0xF800  }
0x508: {  	[tilespmem:s1], [sflag:$0x2] =	stream.indirect_vreg.gather @!p1 [hbm4b:s6+s0], $0x80, v9, vm1, $0xb8;
	[tilespmem:$0x19800] =	vst v63  }
0x509: {  	s1 =	simm.s32 @!p1 $0x10000  }
0x50a: {  	[tilespmem:s1], [sflag:$0x2] =	stream.indirect_vreg.gather @!p1 [hbm4b:s31+s0], $0x80, v9, vm1, $0xb8;
	[tilespmem:$0x19800] =	vst v63  }
0x50b: {  	s1 =	simm.s32 @!p1 $0x10800  }
0x50c: {  	[tilespmem:s1], [sflag:$0x2] =	stream.indirect_vreg.gather @!p1 [hbm4b:s2+s0], $0x80, v9, vm1, $0xb8;
	[tilespmem:$0x19800] =	vst v63  }
0x50d: {  	s1 =	simm.s32 @!p1 $0x11000  }
0x50e: {  	[tilespmem:s1], [sflag:$0x2] =	stream.indirect_vreg.gather @!p1 [hbm4b:s8+s0], $0x80, v9, vm1, $0xb8;
	[tilespmem:$0x19800] =	vst v63  }
0x50f: {  	v9 =	vld [tilespmem:$0x8B80];
	_ =	sdelay $0x4  }
0x510: {  	v10 =	vshll.u32 v9, $0x3  }
0x511: {  	v9 =	vand.u32 $0x7, v9;
	v10 =	vand.u32 $0xFFFFFFC0, v10  }
0x512: {  	v9 =	vor.u32 v9, v10  }
0x513: {  	v10 =	vperm.xlane v9, v6;
	_ =	sdelay $0x1  }
0x514: {  	v10 =	vadd.s32 v7, v10;
	_ =	sdelay $0x3  }
0x515: {  	s21 =	simm.s32 $0x11800  }
0x516: {  	[hbm4b:s26+s5] =	stream.indirect_vreg.scatter [tilespmem:s21], [sflag:$0x5], $0x80, v10, vm0, $0xb8;
	[tilespmem:$0x19800] =	vst v63  }
0x517: {  	s25 =	simm.s32 $0x12000;
	v9 =	vperm.xlane v9, v8  }
0x518: {  	[hbm4b:s9+s5] =	stream.indirect_vreg.scatter [tilespmem:s25], [sflag:$0x5], $0x80, v10, vm0, $0xb8;
	[tilespmem:$0x19800] =	vst v63  }
0x519: {  	s1 =	simm.s32 $0x12800;
	v9 =	vadd.s32 v7, v9  }
0x51a: {  	[hbm4b:s10+s5] =	stream.indirect_vreg.scatter [tilespmem:s1], [sflag:$0x5], $0x80, v10, vm0, $0xb8;
	[tilespmem:$0x19800] =	vst v63  }
0x51b: {  	s7 =	simm.s32 $0x13000  }
0x51c: {  	[hbm4b:s22+s5] =	stream.indirect_vreg.scatter [tilespmem:s7], [sflag:$0x5], $0x80, v10, vm0, $0xb8;
	[tilespmem:$0x19800] =	vst v63  }
0x51d: {  	s14 =	simm.s32 $0x13800  }
0x51e: {  	[hbm4b:s26+s5] =	stream.indirect_vreg.scatter [tilespmem:s14], [sflag:$0x5], $0x80, v9, vm0, $0xb8;
	[tilespmem:$0x19800] =	vst v63  }
0x51f: {  	s15 =	simm.s32 $0x14000  }
0x520: {  	[hbm4b:s9+s5] =	stream.indirect_vreg.scatter [tilespmem:s15], [sflag:$0x5], $0x80, v9, vm0, $0xb8;
	[tilespmem:$0x19800] =	vst v63  }
0x521: {  	s20 =	simm.s32 $0x14800  }
0x522: {  	[hbm4b:s10+s5] =	stream.indirect_vreg.scatter [tilespmem:s20], [sflag:$0x5], $0x80, v9, vm0, $0xb8;
	[tilespmem:$0x19800] =	vst v63  }
0x523: {  	s21 =	simm.s32 $0x15000  }
0x524: {  	[hbm4b:s22+s5] =	stream.indirect_vreg.scatter [tilespmem:s21], [sflag:$0x5], $0x80, v9, vm0, $0xb8;
	[tilespmem:$0x19800] =	vst v63  }
0x525: {  	v9 =	vld [tilespmem:$0x9380];
	_ =	sdelay $0x4  }
0x526: {  	v10 =	vshll.u32 v9, $0x3  }
0x527: {  	v9 =	vand.u32 $0x7, v9;
	v10 =	vand.u32 $0xFFFFFFC0, v10  }
0x528: {  	v9 =	vor.u32 v9, v10  }
0x529: {  	v10 =	vperm.xlane v9, v6;
	_ =	sdelay $0x1  }
0x52a: {  	v10 =	vadd.s32 v7, v10;
	_ =	sdelay $0x3  }
0x52b: {  	s25 =	simm.s32 $0x15800  }
0x52c: {  	[hbm4b:s26+s5] =	stream.indirect_vreg.scatter [tilespmem:s25], [sflag:$0x5], $0x80, v10, vm0, $0xb8;
	[tilespmem:$0x19800] =	vst v63  }
0x52d: {  	s1 =	simm.s32 $0x16000;
	v9 =	vperm.xlane v9, v8  }
0x52e: {  	[hbm4b:s9+s5] =	stream.indirect_vreg.scatter [tilespmem:s1], [sflag:$0x5], $0x80, v10, vm0, $0xb8;
	[tilespmem:$0x19800] =	vst v63  }
0x52f: {  	s7 =	simm.s32 $0x16800;
	v9 =	vadd.s32 v7, v9  }
0x530: {  	[hbm4b:s10+s5] =	stream.indirect_vreg.scatter [tilespmem:s7], [sflag:$0x5], $0x80, v10, vm0, $0xb8;
	[tilespmem:$0x19800] =	vst v63  }
0x531: {  	s14 =	simm.s32 $0x17000  }
0x532: {  	[hbm4b:s22+s5] =	stream.indirect_vreg.scatter [tilespmem:s14], [sflag:$0x5], $0x80, v10, vm0, $0xb8;
	[tilespmem:$0x19800] =	vst v63  }
0x533: {  	s15 =	simm.s32 $0x17800  }
0x534: {  	[hbm4b:s26+s5] =	stream.indirect_vreg.scatter [tilespmem:s15], [sflag:$0x5], $0x80, v9, vm0, $0xb8;
	[tilespmem:$0x19800] =	vst v63  }
0x535: {  	p1 =	slt.u32 s23, $0x9;
	s20 =	simm.s32 $0x18000  }
0x536: {  	[hbm4b:s9+s5] =	stream.indirect_vreg.scatter [tilespmem:s20], [sflag:$0x5], $0x80, v9, vm0, $0xb8;
	[tilespmem:$0x19800] =	vst v63  }
.Ltmp21:
0x537: {  	_ = 	snop;
	(pc) =	sbr.rel @p1 .LBB2_40-.Ltmp21, $4  }
0x538: {  	s21 =	simm.s32 $0x18800  }
0x539: {  	[hbm4b:s10+s5] =	stream.indirect_vreg.scatter [tilespmem:s21], [sflag:$0x5], $0x80, v9, vm0, $0xb8;
	[tilespmem:$0x19800] =	vst v63  }
0x53a: {  	s25 =	simm.s32 $0x19000  }
0x53b: {  	[hbm4b:s22+s5] =	stream.indirect_vreg.scatter [tilespmem:s25], [sflag:$0x5], $0x80, v9, vm0, $0xb8;
	[tilespmem:$0x19800] =	vst v63  }
0x53c: {  	s0 =	simm.s32 $0x2  }
0x53d: {  	_ =	swait.ge [sflag:s0], $0x4000  }
0x53e: {  	[sflag:s0] =	ssyncset.done $0x0  }
0x53f: {  	[sflag:s0] =	ssyncadd.s32 $0xFFFFC000  }
0x540: {  	_ =	swait.ge [sflag:s0], $0x4000  }
0x541: {  	p1 =	seq.s32 s23, $0x9;
	[sflag:s0] =	ssyncset.done $0x0  }
0x542: {  	[sflag:s0] =	ssyncadd.s32 $0xFFFFC000;
	s0 =	simm.s32 @!p1 $0x5  }
0x543: {  	_ =	swait.ge @!p1 [sflag:s0], $0x4000  }
0x544: {  	[sflag:s0] =	ssyncset.done @!p1 $0x0  }
0x545: {  	[sflag:s0] =	ssyncadd.s32 @!p1 $0xFFFFC000  }
0x546: {  	_ =	swait.ge @!p1 [sflag:s0], $0x4000  }
0x547: {  	[sflag:s0] =	ssyncset.done @!p1 $0x0  }
0x548: {  	[sflag:s0] =	ssyncadd.s32 @!p1 $0xFFFFC000  }
0x549: {  	v9 =	vld @!p1 [tilespmem:$0x8C80];
	_ =	sdelay $0x4  }
0x54a: {  	v10 =	vshll.u32 @!p1 v9, $0x3  }
0x54b: {  	v11 =	vlaneseq.u32 @!p1;
	v9 =	vand.u32 @!p1 $0x7, v9;
	v10 =	vand.u32 @!p1 $0xFFFFFFC0, v10  }
0x54c: {  	v12 =	vshrl.u32 @!p1 v11, $0x3;
	v9 =	vor.u32 @!p1 v9, v10;
	v10 =	vand.u32 @!p1 $0x7, v11  }
0x54d: {  	v12 =	vmul.u32 @!p1 $0x8, v12;
	v13 =	vperm.xlane @!p1 v9, v10;
	_ =	sdelay $0x1  }
0x54e: {  	v13 =	vadd.s32 @!p1 v12, v13;
	_ =	sdelay $0x3  }
0x54f: {  	vm1 =	vmmov @!p1 $0xffff;
	s1 =	simm.s32 @!p1 $0x11800;
	s0 =	simm.s32 @!p1 $0x0  }
0x550: {  	v11 =	vor.u32 @!p1 $0x8, v11;
	[tilespmem:s1], [sflag:$0x3] =	stream.indirect_vreg.gather @!p1 [hbm4b:s3+s0], $0x80, v13, vm1, $0xb8;
	[tilespmem:$0x19800] =	vst v63  }
0x551: {  	v9 =	vperm.xlane @!p1 v9, v11;
	s1 =	simm.s32 @!p1 $0x12000  }
0x552: {  	[tilespmem:s1], [sflag:$0x3] =	stream.indirect_vreg.gather @!p1 [hbm4b:s4+s0], $0x80, v13, vm1, $0xb8;
	[tilespmem:$0x19800] =	vst v63  }
0x553: {  	v9 =	vadd.s32 @!p1 v12, v9;
	s1 =	simm.s32 @!p1 $0x12800  }
0x554: {  	[tilespmem:s1], [sflag:$0x3] =	stream.indirect_vreg.gather @!p1 [hbm4b:s29+s0], $0x80, v13, vm1, $0xb8;
	[tilespmem:$0x19800] =	vst v63  }
0x555: {  	s1 =	simm.s32 @!p1 $0x13000  }
0x556: {  	[tilespmem:s1], [sflag:$0x3] =	stream.indirect_vreg.gather @!p1 [hbm4b:s30+s0], $0x80, v13, vm1, $0xb8;
	[tilespmem:$0x19800] =	vst v63  }
0x557: {  	s1 =	simm.s32 @!p1 $0x13800  }
0x558: {  	[tilespmem:s1], [sflag:$0x3] =	stream.indirect_vreg.gather @!p1 [hbm4b:s3+s0], $0x80, v9, vm1, $0xb8;
	[tilespmem:$0x19800] =	vst v63  }
0x559: {  	s1 =	simm.s32 @!p1 $0x14000  }
0x55a: {  	[tilespmem:s1], [sflag:$0x3] =	stream.indirect_vreg.gather @!p1 [hbm4b:s4+s0], $0x80, v9, vm1, $0xb8;
	[tilespmem:$0x19800] =	vst v63  }
0x55b: {  	s1 =	simm.s32 @!p1 $0x14800  }
0x55c: {  	[tilespmem:s1], [sflag:$0x3] =	stream.indirect_vreg.gather @!p1 [hbm4b:s29+s0], $0x80, v9, vm1, $0xb8;
	[tilespmem:$0x19800] =	vst v63  }
0x55d: {  	s1 =	simm.s32 @!p1 $0x15000  }
0x55e: {  	[tilespmem:s1], [sflag:$0x3] =	stream.indirect_vreg.gather @!p1 [hbm4b:s30+s0], $0x80, v9, vm1, $0xb8;
	[tilespmem:$0x19800] =	vst v63  }
0x55f: {  	v9 =	vld @!p1 [tilespmem:$0x8C80];
	_ =	sdelay $0x4  }
0x560: {  	v13 =	vshll.u32 @!p1 v9, $0x3  }
0x561: {  	v9 =	vand.u32 @!p1 $0x7, v9;
	v13 =	vand.u32 @!p1 $0xFFFFFFC0, v13  }
0x562: {  	v9 =	vor.u32 @!p1 v9, v13  }
0x563: {  	v10 =	vperm.xlane @!p1 v9, v10;
	_ =	sdelay $0x1  }
0x564: {  	v10 =	vadd.s32 @!p1 v12, v10;
	_ =	sdelay $0x3  }
0x565: {  	s1 =	simm.s32 @!p1 $0x15800  }
0x566: {  	[tilespmem:s1], [sflag:$0x3] =	stream.indirect_vreg.gather @!p1 [hbm4b:s6+s0], $0x80, v10, vm1, $0xb8;
	[tilespmem:$0x19800] =	vst v63  }
0x567: {  	v9 =	vperm.xlane @!p1 v9, v11;
	s1 =	simm.s32 @!p1 $0x16000  }
0x568: {  	[tilespmem:s1], [sflag:$0x3] =	stream.indirect_vreg.gather @!p1 [hbm4b:s31+s0], $0x80, v10, vm1, $0xb8;
	[tilespmem:$0x19800] =	vst v63  }
0x569: {  	v9 =	vadd.s32 @!p1 v12, v9;
	s1 =	simm.s32 @!p1 $0x16800  }
0x56a: {  	[tilespmem:s1], [sflag:$0x3] =	stream.indirect_vreg.gather @!p1 [hbm4b:s2+s0], $0x80, v10, vm1, $0xb8;
	[tilespmem:$0x19800] =	vst v63  }
0x56b: {  	s1 =	simm.s32 @!p1 $0x17000  }
0x56c: {  	[tilespmem:s1], [sflag:$0x3] =	stream.indirect_vreg.gather @!p1 [hbm4b:s8+s0], $0x80, v10, vm1, $0xb8;
	[tilespmem:$0x19800] =	vst v63  }
0x56d: {  	s1 =	simm.s32 @!p1 $0x17800  }
0x56e: {  	[tilespmem:s1], [sflag:$0x3] =	stream.indirect_vreg.gather @!p1 [hbm4b:s6+s0], $0x80, v9, vm1, $0xb8;
	[tilespmem:$0x19800] =	vst v63  }
0x56f: {  	s1 =	simm.s32 @!p1 $0x18000  }
0x570: {  	[tilespmem:s1], [sflag:$0x3] =	stream.indirect_vreg.gather @!p1 [hbm4b:s31+s0], $0x80, v9, vm1, $0xb8;
	[tilespmem:$0x19800] =	vst v63  }
0x571: {  	s1 =	simm.s32 @!p1 $0x18800  }
0x572: {  	[tilespmem:s1], [sflag:$0x3] =	stream.indirect_vreg.gather @!p1 [hbm4b:s2+s0], $0x80, v9, vm1, $0xb8;
	[tilespmem:$0x19800] =	vst v63  }
0x573: {  	s1 =	simm.s32 @!p1 $0x19000  }
0x574: {  	[tilespmem:s1], [sflag:$0x3] =	stream.indirect_vreg.gather @!p1 [hbm4b:s8+s0], $0x80, v9, vm1, $0xb8;
	[tilespmem:$0x19800] =	vst v63  }
0x575: {  	v9 =	vld [tilespmem:$0x8C00];
	_ =	sdelay $0x4  }
0x576: {  	v10 =	vshll.u32 v9, $0x3  }
0x577: {  	v9 =	vand.u32 $0x7, v9;
	v10 =	vand.u32 $0xFFFFFFC0, v10  }
0x578: {  	v9 =	vor.u32 v9, v10  }
0x579: {  	v10 =	vperm.xlane v9, v6;
	_ =	sdelay $0x1  }
0x57a: {  	v10 =	vadd.s32 v7, v10;
	_ =	sdelay $0x3  }
0x57b: {  	s21 =	simm.s32 $0x9800  }
0x57c: {  	[hbm4b:s26+s5] =	stream.indirect_vreg.scatter [tilespmem:s21], [sflag:$0x4], $0x80, v10, vm0, $0xb8;
	[tilespmem:$0x19800] =	vst v63  }
0x57d: {  	s25 =	simm.s32 $0xA000;
	v9 =	vperm.xlane v9, v8  }
0x57e: {  	[hbm4b:s9+s5] =	stream.indirect_vreg.scatter [tilespmem:s25], [sflag:$0x4], $0x80, v10, vm0, $0xb8;
	[tilespmem:$0x19800] =	vst v63  }
0x57f: {  	s1 =	simm.s32 $0xA800;
	v9 =	vadd.s32 v7, v9  }
0x580: {  	[hbm4b:s10+s5] =	stream.indirect_vreg.scatter [tilespmem:s1], [sflag:$0x4], $0x80, v10, vm0, $0xb8;
	[tilespmem:$0x19800] =	vst v63  }
0x581: {  	s7 =	simm.s32 $0xB000  }
0x582: {  	[hbm4b:s22+s5] =	stream.indirect_vreg.scatter [tilespmem:s7], [sflag:$0x4], $0x80, v10, vm0, $0xb8;
	[tilespmem:$0x19800] =	vst v63  }
0x583: {  	s14 =	simm.s32 $0xB800  }
0x584: {  	[hbm4b:s26+s5] =	stream.indirect_vreg.scatter [tilespmem:s14], [sflag:$0x4], $0x80, v9, vm0, $0xb8;
	[tilespmem:$0x19800] =	vst v63  }
0x585: {  	s15 =	simm.s32 $0xC000  }
0x586: {  	[hbm4b:s9+s5] =	stream.indirect_vreg.scatter [tilespmem:s15], [sflag:$0x4], $0x80, v9, vm0, $0xb8;
	[tilespmem:$0x19800] =	vst v63  }
0x587: {  	s20 =	simm.s32 $0xC800  }
0x588: {  	[hbm4b:s10+s5] =	stream.indirect_vreg.scatter [tilespmem:s20], [sflag:$0x4], $0x80, v9, vm0, $0xb8;
	[tilespmem:$0x19800] =	vst v63  }
0x589: {  	s21 =	simm.s32 $0xD000  }
0x58a: {  	[hbm4b:s22+s5] =	stream.indirect_vreg.scatter [tilespmem:s21], [sflag:$0x4], $0x80, v9, vm0, $0xb8;
	[tilespmem:$0x19800] =	vst v63  }
0x58b: {  	v9 =	vld [tilespmem:$0x9400];
	_ =	sdelay $0x4  }
0x58c: {  	v10 =	vshll.u32 v9, $0x3  }
0x58d: {  	v9 =	vand.u32 $0x7, v9;
	v10 =	vand.u32 $0xFFFFFFC0, v10  }
0x58e: {  	v9 =	vor.u32 v9, v10  }
0x58f: {  	v10 =	vperm.xlane v9, v6;
	_ =	sdelay $0x1  }
0x590: {  	v10 =	vadd.s32 v7, v10;
	_ =	sdelay $0x3  }
0x591: {  	s25 =	simm.s32 $0xD800  }
0x592: {  	[hbm4b:s26+s5] =	stream.indirect_vreg.scatter [tilespmem:s25], [sflag:$0x4], $0x80, v10, vm0, $0xb8;
	[tilespmem:$0x19800] =	vst v63  }
0x593: {  	s1 =	simm.s32 $0xE000;
	v9 =	vperm.xlane v9, v8  }
0x594: {  	[hbm4b:s9+s5] =	stream.indirect_vreg.scatter [tilespmem:s1], [sflag:$0x4], $0x80, v10, vm0, $0xb8;
	[tilespmem:$0x19800] =	vst v63  }
0x595: {  	s7 =	simm.s32 $0xE800;
	v9 =	vadd.s32 v7, v9  }
0x596: {  	[hbm4b:s10+s5] =	stream.indirect_vreg.scatter [tilespmem:s7], [sflag:$0x4], $0x80, v10, vm0, $0xb8;
	[tilespmem:$0x19800] =	vst v63  }
0x597: {  	s14 =	simm.s32 $0xF000  }
0x598: {  	[hbm4b:s22+s5] =	stream.indirect_vreg.scatter [tilespmem:s14], [sflag:$0x4], $0x80, v10, vm0, $0xb8;
	[tilespmem:$0x19800] =	vst v63  }
0x599: {  	s15 =	simm.s32 $0xF800  }
0x59a: {  	[hbm4b:s26+s5] =	stream.indirect_vreg.scatter [tilespmem:s15], [sflag:$0x4], $0x80, v9, vm0, $0xb8;
	[tilespmem:$0x19800] =	vst v63  }
0x59b: {  	s20 =	simm.s32 $0x10000  }
0x59c: {  	[hbm4b:s9+s5] =	stream.indirect_vreg.scatter [tilespmem:s20], [sflag:$0x4], $0x80, v9, vm0, $0xb8;
	[tilespmem:$0x19800] =	vst v63  }
.Ltmp22:
0x59d: {  	_ = 	snop;
	(pc) =	sbr.rel @p1 .LBB2_40-.Ltmp22, $4  }
0x59e: {  	s21 =	simm.s32 $0x10800  }
0x59f: {  	[hbm4b:s10+s5] =	stream.indirect_vreg.scatter [tilespmem:s21], [sflag:$0x4], $0x80, v9, vm0, $0xb8;
	[tilespmem:$0x19800] =	vst v63  }
0x5a0: {  	s25 =	simm.s32 $0x11000  }
0x5a1: {  	[hbm4b:s22+s5] =	stream.indirect_vreg.scatter [tilespmem:s25], [sflag:$0x4], $0x80, v9, vm0, $0xb8;
	[tilespmem:$0x19800] =	vst v63  }
0x5a2: {  	s0 =	simm.s32 $0x3  }
0x5a3: {  	_ =	swait.ge [sflag:s0], $0x4000  }
0x5a4: {  	[sflag:s0] =	ssyncset.done $0x0  }
0x5a5: {  	[sflag:s0] =	ssyncadd.s32 $0xFFFFC000  }
0x5a6: {  	_ =	swait.ge [sflag:s0], $0x4000  }
0x5a7: {  	p1 =	seq.s32 s23, $0xA;
	[sflag:s0] =	ssyncset.done $0x0  }
0x5a8: {  	[sflag:s0] =	ssyncadd.s32 $0xFFFFC000;
	s0 =	simm.s32 @!p1 $0x4  }
0x5a9: {  	_ =	swait.ge @!p1 [sflag:s0], $0x4000  }
0x5aa: {  	[sflag:s0] =	ssyncset.done @!p1 $0x0  }
0x5ab: {  	[sflag:s0] =	ssyncadd.s32 @!p1 $0xFFFFC000  }
0x5ac: {  	_ =	swait.ge @!p1 [sflag:s0], $0x4000  }
0x5ad: {  	[sflag:s0] =	ssyncset.done @!p1 $0x0  }
0x5ae: {  	[sflag:s0] =	ssyncadd.s32 @!p1 $0xFFFFC000  }
0x5af: {  	v9 =	vld @!p1 [tilespmem:$0x8D00];
	_ =	sdelay $0x4  }
0x5b0: {  	v10 =	vshll.u32 @!p1 v9, $0x3  }
0x5b1: {  	v11 =	vlaneseq.u32 @!p1;
	v9 =	vand.u32 @!p1 $0x7, v9;
	v10 =	vand.u32 @!p1 $0xFFFFFFC0, v10  }
0x5b2: {  	v12 =	vshrl.u32 @!p1 v11, $0x3;
	v9 =	vor.u32 @!p1 v9, v10;
	v10 =	vand.u32 @!p1 $0x7, v11  }
0x5b3: {  	v12 =	vmul.u32 @!p1 $0x8, v12;
	v13 =	vperm.xlane @!p1 v9, v10;
	_ =	sdelay $0x1  }
0x5b4: {  	v13 =	vadd.s32 @!p1 v12, v13;
	_ =	sdelay $0x3  }
0x5b5: {  	vm1 =	vmmov @!p1 $0xffff;
	s1 =	simm.s32 @!p1 $0x9800;
	s0 =	simm.s32 @!p1 $0x0  }
0x5b6: {  	v11 =	vor.u32 @!p1 $0x8, v11;
	[tilespmem:s1], [sflag:$0x2] =	stream.indirect_vreg.gather @!p1 [hbm4b:s3+s0], $0x80, v13, vm1, $0xb8;
	[tilespmem:$0x19800] =	vst v63  }
0x5b7: {  	v9 =	vperm.xlane @!p1 v9, v11;
	s1 =	simm.s32 @!p1 $0xA000  }
0x5b8: {  	[tilespmem:s1], [sflag:$0x2] =	stream.indirect_vreg.gather @!p1 [hbm4b:s4+s0], $0x80, v13, vm1, $0xb8;
	[tilespmem:$0x19800] =	vst v63  }
0x5b9: {  	v9 =	vadd.s32 @!p1 v12, v9;
	s1 =	simm.s32 @!p1 $0xA800  }
0x5ba: {  	[tilespmem:s1], [sflag:$0x2] =	stream.indirect_vreg.gather @!p1 [hbm4b:s29+s0], $0x80, v13, vm1, $0xb8;
	[tilespmem:$0x19800] =	vst v63  }
0x5bb: {  	s1 =	simm.s32 @!p1 $0xB000  }
0x5bc: {  	[tilespmem:s1], [sflag:$0x2] =	stream.indirect_vreg.gather @!p1 [hbm4b:s30+s0], $0x80, v13, vm1, $0xb8;
	[tilespmem:$0x19800] =	vst v63  }
0x5bd: {  	s1 =	simm.s32 @!p1 $0xB800  }
0x5be: {  	[tilespmem:s1], [sflag:$0x2] =	stream.indirect_vreg.gather @!p1 [hbm4b:s3+s0], $0x80, v9, vm1, $0xb8;
	[tilespmem:$0x19800] =	vst v63  }
0x5bf: {  	s1 =	simm.s32 @!p1 $0xC000  }
0x5c0: {  	[tilespmem:s1], [sflag:$0x2] =	stream.indirect_vreg.gather @!p1 [hbm4b:s4+s0], $0x80, v9, vm1, $0xb8;
	[tilespmem:$0x19800] =	vst v63  }
0x5c1: {  	s1 =	simm.s32 @!p1 $0xC800  }
0x5c2: {  	[tilespmem:s1], [sflag:$0x2] =	stream.indirect_vreg.gather @!p1 [hbm4b:s29+s0], $0x80, v9, vm1, $0xb8;
	[tilespmem:$0x19800] =	vst v63  }
0x5c3: {  	s1 =	simm.s32 @!p1 $0xD000  }
0x5c4: {  	[tilespmem:s1], [sflag:$0x2] =	stream.indirect_vreg.gather @!p1 [hbm4b:s30+s0], $0x80, v9, vm1, $0xb8;
	[tilespmem:$0x19800] =	vst v63  }
0x5c5: {  	v9 =	vld @!p1 [tilespmem:$0x8D00];
	_ =	sdelay $0x4  }
0x5c6: {  	v13 =	vshll.u32 @!p1 v9, $0x3  }
0x5c7: {  	v9 =	vand.u32 @!p1 $0x7, v9;
	v13 =	vand.u32 @!p1 $0xFFFFFFC0, v13  }
0x5c8: {  	v9 =	vor.u32 @!p1 v9, v13  }
0x5c9: {  	v10 =	vperm.xlane @!p1 v9, v10;
	_ =	sdelay $0x1  }
0x5ca: {  	v10 =	vadd.s32 @!p1 v12, v10;
	_ =	sdelay $0x3  }
0x5cb: {  	s1 =	simm.s32 @!p1 $0xD800  }
0x5cc: {  	[tilespmem:s1], [sflag:$0x2] =	stream.indirect_vreg.gather @!p1 [hbm4b:s6+s0], $0x80, v10, vm1, $0xb8;
	[tilespmem:$0x19800] =	vst v63  }
0x5cd: {  	v9 =	vperm.xlane @!p1 v9, v11;
	s1 =	simm.s32 @!p1 $0xE000  }
0x5ce: {  	[tilespmem:s1], [sflag:$0x2] =	stream.indirect_vreg.gather @!p1 [hbm4b:s31+s0], $0x80, v10, vm1, $0xb8;
	[tilespmem:$0x19800] =	vst v63  }
0x5cf: {  	v9 =	vadd.s32 @!p1 v12, v9;
	s1 =	simm.s32 @!p1 $0xE800  }
0x5d0: {  	[tilespmem:s1], [sflag:$0x2] =	stream.indirect_vreg.gather @!p1 [hbm4b:s2+s0], $0x80, v10, vm1, $0xb8;
	[tilespmem:$0x19800] =	vst v63  }
0x5d1: {  	s1 =	simm.s32 @!p1 $0xF000  }
0x5d2: {  	[tilespmem:s1], [sflag:$0x2] =	stream.indirect_vreg.gather @!p1 [hbm4b:s8+s0], $0x80, v10, vm1, $0xb8;
	[tilespmem:$0x19800] =	vst v63  }
0x5d3: {  	s1 =	simm.s32 @!p1 $0xF800  }
0x5d4: {  	[tilespmem:s1], [sflag:$0x2] =	stream.indirect_vreg.gather @!p1 [hbm4b:s6+s0], $0x80, v9, vm1, $0xb8;
	[tilespmem:$0x19800] =	vst v63  }
0x5d5: {  	s1 =	simm.s32 @!p1 $0x10000  }
0x5d6: {  	[tilespmem:s1], [sflag:$0x2] =	stream.indirect_vreg.gather @!p1 [hbm4b:s31+s0], $0x80, v9, vm1, $0xb8;
	[tilespmem:$0x19800] =	vst v63  }
0x5d7: {  	s1 =	simm.s32 @!p1 $0x10800  }
0x5d8: {  	[tilespmem:s1], [sflag:$0x2] =	stream.indirect_vreg.gather @!p1 [hbm4b:s2+s0], $0x80, v9, vm1, $0xb8;
	[tilespmem:$0x19800] =	vst v63  }
0x5d9: {  	s1 =	simm.s32 @!p1 $0x11000  }
0x5da: {  	[tilespmem:s1], [sflag:$0x2] =	stream.indirect_vreg.gather @!p1 [hbm4b:s8+s0], $0x80, v9, vm1, $0xb8;
	[tilespmem:$0x19800] =	vst v63  }
0x5db: {  	v9 =	vld [tilespmem:$0x8C80];
	_ =	sdelay $0x4  }
0x5dc: {  	v10 =	vshll.u32 v9, $0x3  }
0x5dd: {  	v9 =	vand.u32 $0x7, v9;
	v10 =	vand.u32 $0xFFFFFFC0, v10  }
0x5de: {  	v9 =	vor.u32 v9, v10  }
0x5df: {  	v10 =	vperm.xlane v9, v6;
	_ =	sdelay $0x1  }
0x5e0: {  	v10 =	vadd.s32 v7, v10;
	_ =	sdelay $0x3  }
0x5e1: {  	s21 =	simm.s32 $0x11800  }
0x5e2: {  	[hbm4b:s26+s5] =	stream.indirect_vreg.scatter [tilespmem:s21], [sflag:$0x5], $0x80, v10, vm0, $0xb8;
	[tilespmem:$0x19800] =	vst v63  }
0x5e3: {  	s25 =	simm.s32 $0x12000;
	v9 =	vperm.xlane v9, v8  }
0x5e4: {  	[hbm4b:s9+s5] =	stream.indirect_vreg.scatter [tilespmem:s25], [sflag:$0x5], $0x80, v10, vm0, $0xb8;
	[tilespmem:$0x19800] =	vst v63  }
0x5e5: {  	s1 =	simm.s32 $0x12800;
	v9 =	vadd.s32 v7, v9  }
0x5e6: {  	[hbm4b:s10+s5] =	stream.indirect_vreg.scatter [tilespmem:s1], [sflag:$0x5], $0x80, v10, vm0, $0xb8;
	[tilespmem:$0x19800] =	vst v63  }
0x5e7: {  	s7 =	simm.s32 $0x13000  }
0x5e8: {  	[hbm4b:s22+s5] =	stream.indirect_vreg.scatter [tilespmem:s7], [sflag:$0x5], $0x80, v10, vm0, $0xb8;
	[tilespmem:$0x19800] =	vst v63  }
0x5e9: {  	s14 =	simm.s32 $0x13800  }
0x5ea: {  	[hbm4b:s26+s5] =	stream.indirect_vreg.scatter [tilespmem:s14], [sflag:$0x5], $0x80, v9, vm0, $0xb8;
	[tilespmem:$0x19800] =	vst v63  }
0x5eb: {  	s15 =	simm.s32 $0x14000  }
0x5ec: {  	[hbm4b:s9+s5] =	stream.indirect_vreg.scatter [tilespmem:s15], [sflag:$0x5], $0x80, v9, vm0, $0xb8;
	[tilespmem:$0x19800] =	vst v63  }
0x5ed: {  	s20 =	simm.s32 $0x14800  }
0x5ee: {  	[hbm4b:s10+s5] =	stream.indirect_vreg.scatter [tilespmem:s20], [sflag:$0x5], $0x80, v9, vm0, $0xb8;
	[tilespmem:$0x19800] =	vst v63  }
0x5ef: {  	s21 =	simm.s32 $0x15000  }
0x5f0: {  	[hbm4b:s22+s5] =	stream.indirect_vreg.scatter [tilespmem:s21], [sflag:$0x5], $0x80, v9, vm0, $0xb8;
	[tilespmem:$0x19800] =	vst v63  }
0x5f1: {  	v9 =	vld [tilespmem:$0x9480];
	_ =	sdelay $0x4  }
0x5f2: {  	v10 =	vshll.u32 v9, $0x3  }
0x5f3: {  	v9 =	vand.u32 $0x7, v9;
	v10 =	vand.u32 $0xFFFFFFC0, v10  }
0x5f4: {  	v9 =	vor.u32 v9, v10  }
0x5f5: {  	v10 =	vperm.xlane v9, v6;
	_ =	sdelay $0x1  }
0x5f6: {  	v10 =	vadd.s32 v7, v10;
	_ =	sdelay $0x3  }
0x5f7: {  	s25 =	simm.s32 $0x15800  }
0x5f8: {  	[hbm4b:s26+s5] =	stream.indirect_vreg.scatter [tilespmem:s25], [sflag:$0x5], $0x80, v10, vm0, $0xb8;
	[tilespmem:$0x19800] =	vst v63  }
0x5f9: {  	s1 =	simm.s32 $0x16000;
	v9 =	vperm.xlane v9, v8  }
0x5fa: {  	[hbm4b:s9+s5] =	stream.indirect_vreg.scatter [tilespmem:s1], [sflag:$0x5], $0x80, v10, vm0, $0xb8;
	[tilespmem:$0x19800] =	vst v63  }
0x5fb: {  	s7 =	simm.s32 $0x16800;
	v9 =	vadd.s32 v7, v9  }
0x5fc: {  	[hbm4b:s10+s5] =	stream.indirect_vreg.scatter [tilespmem:s7], [sflag:$0x5], $0x80, v10, vm0, $0xb8;
	[tilespmem:$0x19800] =	vst v63  }
0x5fd: {  	s14 =	simm.s32 $0x17000  }
0x5fe: {  	[hbm4b:s22+s5] =	stream.indirect_vreg.scatter [tilespmem:s14], [sflag:$0x5], $0x80, v10, vm0, $0xb8;
	[tilespmem:$0x19800] =	vst v63  }
0x5ff: {  	s15 =	simm.s32 $0x17800  }
0x600: {  	[hbm4b:s26+s5] =	stream.indirect_vreg.scatter [tilespmem:s15], [sflag:$0x5], $0x80, v9, vm0, $0xb8;
	[tilespmem:$0x19800] =	vst v63  }
0x601: {  	p1 =	slt.u32 s23, $0xB;
	s20 =	simm.s32 $0x18000  }
0x602: {  	[hbm4b:s9+s5] =	stream.indirect_vreg.scatter [tilespmem:s20], [sflag:$0x5], $0x80, v9, vm0, $0xb8;
	[tilespmem:$0x19800] =	vst v63  }
.Ltmp23:
0x603: {  	_ = 	snop;
	(pc) =	sbr.rel @p1 .LBB2_40-.Ltmp23, $4  }
0x604: {  	s21 =	simm.s32 $0x18800  }
0x605: {  	[hbm4b:s10+s5] =	stream.indirect_vreg.scatter [tilespmem:s21], [sflag:$0x5], $0x80, v9, vm0, $0xb8;
	[tilespmem:$0x19800] =	vst v63  }
0x606: {  	s25 =	simm.s32 $0x19000  }
0x607: {  	[hbm4b:s22+s5] =	stream.indirect_vreg.scatter [tilespmem:s25], [sflag:$0x5], $0x80, v9, vm0, $0xb8;
	[tilespmem:$0x19800] =	vst v63  }
0x608: {  	s0 =	simm.s32 $0x2  }
0x609: {  	_ =	swait.ge [sflag:s0], $0x4000  }
0x60a: {  	[sflag:s0] =	ssyncset.done $0x0  }
0x60b: {  	[sflag:s0] =	ssyncadd.s32 $0xFFFFC000  }
0x60c: {  	_ =	swait.ge [sflag:s0], $0x4000  }
0x60d: {  	p1 =	seq.s32 s23, $0xB;
	[sflag:s0] =	ssyncset.done $0x0  }
0x60e: {  	[sflag:s0] =	ssyncadd.s32 $0xFFFFC000;
	s0 =	simm.s32 @!p1 $0x5  }
0x60f: {  	_ =	swait.ge @!p1 [sflag:s0], $0x4000  }
0x610: {  	[sflag:s0] =	ssyncset.done @!p1 $0x0  }
0x611: {  	[sflag:s0] =	ssyncadd.s32 @!p1 $0xFFFFC000  }
0x612: {  	_ =	swait.ge @!p1 [sflag:s0], $0x4000  }
0x613: {  	[sflag:s0] =	ssyncset.done @!p1 $0x0  }
0x614: {  	[sflag:s0] =	ssyncadd.s32 @!p1 $0xFFFFC000  }
0x615: {  	v9 =	vld @!p1 [tilespmem:$0x8D80];
	_ =	sdelay $0x4  }
0x616: {  	v10 =	vshll.u32 @!p1 v9, $0x3  }
0x617: {  	v11 =	vlaneseq.u32 @!p1;
	v9 =	vand.u32 @!p1 $0x7, v9;
	v10 =	vand.u32 @!p1 $0xFFFFFFC0, v10  }
0x618: {  	v12 =	vshrl.u32 @!p1 v11, $0x3;
	v9 =	vor.u32 @!p1 v9, v10;
	v10 =	vand.u32 @!p1 $0x7, v11  }
0x619: {  	v12 =	vmul.u32 @!p1 $0x8, v12;
	v13 =	vperm.xlane @!p1 v9, v10;
	_ =	sdelay $0x1  }
0x61a: {  	v13 =	vadd.s32 @!p1 v12, v13;
	_ =	sdelay $0x3  }
0x61b: {  	vm1 =	vmmov @!p1 $0xffff;
	s1 =	simm.s32 @!p1 $0x11800;
	s0 =	simm.s32 @!p1 $0x0  }
0x61c: {  	v11 =	vor.u32 @!p1 $0x8, v11;
	[tilespmem:s1], [sflag:$0x3] =	stream.indirect_vreg.gather @!p1 [hbm4b:s3+s0], $0x80, v13, vm1, $0xb8;
	[tilespmem:$0x19800] =	vst v63  }
0x61d: {  	v9 =	vperm.xlane @!p1 v9, v11;
	s1 =	simm.s32 @!p1 $0x12000  }
0x61e: {  	[tilespmem:s1], [sflag:$0x3] =	stream.indirect_vreg.gather @!p1 [hbm4b:s4+s0], $0x80, v13, vm1, $0xb8;
	[tilespmem:$0x19800] =	vst v63  }
0x61f: {  	v9 =	vadd.s32 @!p1 v12, v9;
	s1 =	simm.s32 @!p1 $0x12800  }
0x620: {  	[tilespmem:s1], [sflag:$0x3] =	stream.indirect_vreg.gather @!p1 [hbm4b:s29+s0], $0x80, v13, vm1, $0xb8;
	[tilespmem:$0x19800] =	vst v63  }
0x621: {  	s1 =	simm.s32 @!p1 $0x13000  }
0x622: {  	[tilespmem:s1], [sflag:$0x3] =	stream.indirect_vreg.gather @!p1 [hbm4b:s30+s0], $0x80, v13, vm1, $0xb8;
	[tilespmem:$0x19800] =	vst v63  }
0x623: {  	s1 =	simm.s32 @!p1 $0x13800  }
0x624: {  	[tilespmem:s1], [sflag:$0x3] =	stream.indirect_vreg.gather @!p1 [hbm4b:s3+s0], $0x80, v9, vm1, $0xb8;
	[tilespmem:$0x19800] =	vst v63  }
0x625: {  	s1 =	simm.s32 @!p1 $0x14000  }
0x626: {  	[tilespmem:s1], [sflag:$0x3] =	stream.indirect_vreg.gather @!p1 [hbm4b:s4+s0], $0x80, v9, vm1, $0xb8;
	[tilespmem:$0x19800] =	vst v63  }
0x627: {  	s1 =	simm.s32 @!p1 $0x14800  }
0x628: {  	[tilespmem:s1], [sflag:$0x3] =	stream.indirect_vreg.gather @!p1 [hbm4b:s29+s0], $0x80, v9, vm1, $0xb8;
	[tilespmem:$0x19800] =	vst v63  }
0x629: {  	s1 =	simm.s32 @!p1 $0x15000  }
0x62a: {  	[tilespmem:s1], [sflag:$0x3] =	stream.indirect_vreg.gather @!p1 [hbm4b:s30+s0], $0x80, v9, vm1, $0xb8;
	[tilespmem:$0x19800] =	vst v63  }
0x62b: {  	v9 =	vld @!p1 [tilespmem:$0x8D80];
	_ =	sdelay $0x4  }
0x62c: {  	v13 =	vshll.u32 @!p1 v9, $0x3  }
0x62d: {  	v9 =	vand.u32 @!p1 $0x7, v9;
	v13 =	vand.u32 @!p1 $0xFFFFFFC0, v13  }
0x62e: {  	v9 =	vor.u32 @!p1 v9, v13  }
0x62f: {  	v10 =	vperm.xlane @!p1 v9, v10;
	_ =	sdelay $0x1  }
0x630: {  	v10 =	vadd.s32 @!p1 v12, v10;
	_ =	sdelay $0x3  }
0x631: {  	s1 =	simm.s32 @!p1 $0x15800  }
0x632: {  	[tilespmem:s1], [sflag:$0x3] =	stream.indirect_vreg.gather @!p1 [hbm4b:s6+s0], $0x80, v10, vm1, $0xb8;
	[tilespmem:$0x19800] =	vst v63  }
0x633: {  	v9 =	vperm.xlane @!p1 v9, v11;
	s1 =	simm.s32 @!p1 $0x16000  }
0x634: {  	[tilespmem:s1], [sflag:$0x3] =	stream.indirect_vreg.gather @!p1 [hbm4b:s31+s0], $0x80, v10, vm1, $0xb8;
	[tilespmem:$0x19800] =	vst v63  }
0x635: {  	v9 =	vadd.s32 @!p1 v12, v9;
	s1 =	simm.s32 @!p1 $0x16800  }
0x636: {  	[tilespmem:s1], [sflag:$0x3] =	stream.indirect_vreg.gather @!p1 [hbm4b:s2+s0], $0x80, v10, vm1, $0xb8;
	[tilespmem:$0x19800] =	vst v63  }
0x637: {  	s1 =	simm.s32 @!p1 $0x17000  }
0x638: {  	[tilespmem:s1], [sflag:$0x3] =	stream.indirect_vreg.gather @!p1 [hbm4b:s8+s0], $0x80, v10, vm1, $0xb8;
	[tilespmem:$0x19800] =	vst v63  }
0x639: {  	s1 =	simm.s32 @!p1 $0x17800  }
0x63a: {  	[tilespmem:s1], [sflag:$0x3] =	stream.indirect_vreg.gather @!p1 [hbm4b:s6+s0], $0x80, v9, vm1, $0xb8;
	[tilespmem:$0x19800] =	vst v63  }
0x63b: {  	s1 =	simm.s32 @!p1 $0x18000  }
0x63c: {  	[tilespmem:s1], [sflag:$0x3] =	stream.indirect_vreg.gather @!p1 [hbm4b:s31+s0], $0x80, v9, vm1, $0xb8;
	[tilespmem:$0x19800] =	vst v63  }
0x63d: {  	s1 =	simm.s32 @!p1 $0x18800  }
0x63e: {  	[tilespmem:s1], [sflag:$0x3] =	stream.indirect_vreg.gather @!p1 [hbm4b:s2+s0], $0x80, v9, vm1, $0xb8;
	[tilespmem:$0x19800] =	vst v63  }
0x63f: {  	s1 =	simm.s32 @!p1 $0x19000  }
0x640: {  	[tilespmem:s1], [sflag:$0x3] =	stream.indirect_vreg.gather @!p1 [hbm4b:s8+s0], $0x80, v9, vm1, $0xb8;
	[tilespmem:$0x19800] =	vst v63  }
0x641: {  	v9 =	vld [tilespmem:$0x8D00];
	_ =	sdelay $0x4  }
0x642: {  	v10 =	vshll.u32 v9, $0x3  }
0x643: {  	v9 =	vand.u32 $0x7, v9;
	v10 =	vand.u32 $0xFFFFFFC0, v10  }
0x644: {  	v9 =	vor.u32 v9, v10  }
0x645: {  	v10 =	vperm.xlane v9, v6;
	_ =	sdelay $0x1  }
0x646: {  	v10 =	vadd.s32 v7, v10;
	_ =	sdelay $0x3  }
0x647: {  	s21 =	simm.s32 $0x9800  }
0x648: {  	[hbm4b:s26+s5] =	stream.indirect_vreg.scatter [tilespmem:s21], [sflag:$0x4], $0x80, v10, vm0, $0xb8;
	[tilespmem:$0x19800] =	vst v63  }
0x649: {  	s25 =	simm.s32 $0xA000;
	v9 =	vperm.xlane v9, v8  }
0x64a: {  	[hbm4b:s9+s5] =	stream.indirect_vreg.scatter [tilespmem:s25], [sflag:$0x4], $0x80, v10, vm0, $0xb8;
	[tilespmem:$0x19800] =	vst v63  }
0x64b: {  	s1 =	simm.s32 $0xA800;
	v9 =	vadd.s32 v7, v9  }
0x64c: {  	[hbm4b:s10+s5] =	stream.indirect_vreg.scatter [tilespmem:s1], [sflag:$0x4], $0x80, v10, vm0, $0xb8;
	[tilespmem:$0x19800] =	vst v63  }
0x64d: {  	s7 =	simm.s32 $0xB000  }
0x64e: {  	[hbm4b:s22+s5] =	stream.indirect_vreg.scatter [tilespmem:s7], [sflag:$0x4], $0x80, v10, vm0, $0xb8;
	[tilespmem:$0x19800] =	vst v63  }
0x64f: {  	s14 =	simm.s32 $0xB800  }
0x650: {  	[hbm4b:s26+s5] =	stream.indirect_vreg.scatter [tilespmem:s14], [sflag:$0x4], $0x80, v9, vm0, $0xb8;
	[tilespmem:$0x19800] =	vst v63  }
0x651: {  	s15 =	simm.s32 $0xC000  }
0x652: {  	[hbm4b:s9+s5] =	stream.indirect_vreg.scatter [tilespmem:s15], [sflag:$0x4], $0x80, v9, vm0, $0xb8;
	[tilespmem:$0x19800] =	vst v63  }
0x653: {  	s20 =	simm.s32 $0xC800  }
0x654: {  	[hbm4b:s10+s5] =	stream.indirect_vreg.scatter [tilespmem:s20], [sflag:$0x4], $0x80, v9, vm0, $0xb8;
	[tilespmem:$0x19800] =	vst v63  }
0x655: {  	s21 =	simm.s32 $0xD000  }
0x656: {  	[hbm4b:s22+s5] =	stream.indirect_vreg.scatter [tilespmem:s21], [sflag:$0x4], $0x80, v9, vm0, $0xb8;
	[tilespmem:$0x19800] =	vst v63  }
0x657: {  	v9 =	vld [tilespmem:$0x9500];
	_ =	sdelay $0x4  }
0x658: {  	v10 =	vshll.u32 v9, $0x3  }
0x659: {  	v9 =	vand.u32 $0x7, v9;
	v10 =	vand.u32 $0xFFFFFFC0, v10  }
0x65a: {  	v9 =	vor.u32 v9, v10  }
0x65b: {  	v10 =	vperm.xlane v9, v6;
	_ =	sdelay $0x1  }
0x65c: {  	v10 =	vadd.s32 v7, v10;
	_ =	sdelay $0x3  }
0x65d: {  	s25 =	simm.s32 $0xD800  }
0x65e: {  	[hbm4b:s26+s5] =	stream.indirect_vreg.scatter [tilespmem:s25], [sflag:$0x4], $0x80, v10, vm0, $0xb8;
	[tilespmem:$0x19800] =	vst v63  }
0x65f: {  	s1 =	simm.s32 $0xE000;
	v9 =	vperm.xlane v9, v8  }
0x660: {  	[hbm4b:s9+s5] =	stream.indirect_vreg.scatter [tilespmem:s1], [sflag:$0x4], $0x80, v10, vm0, $0xb8;
	[tilespmem:$0x19800] =	vst v63  }
0x661: {  	s7 =	simm.s32 $0xE800;
	v9 =	vadd.s32 v7, v9  }
0x662: {  	[hbm4b:s10+s5] =	stream.indirect_vreg.scatter [tilespmem:s7], [sflag:$0x4], $0x80, v10, vm0, $0xb8;
	[tilespmem:$0x19800] =	vst v63  }
0x663: {  	s14 =	simm.s32 $0xF000  }
0x664: {  	[hbm4b:s22+s5] =	stream.indirect_vreg.scatter [tilespmem:s14], [sflag:$0x4], $0x80, v10, vm0, $0xb8;
	[tilespmem:$0x19800] =	vst v63  }
0x665: {  	s15 =	simm.s32 $0xF800  }
0x666: {  	[hbm4b:s26+s5] =	stream.indirect_vreg.scatter [tilespmem:s15], [sflag:$0x4], $0x80, v9, vm0, $0xb8;
	[tilespmem:$0x19800] =	vst v63  }
0x667: {  	s20 =	simm.s32 $0x10000  }
0x668: {  	[hbm4b:s9+s5] =	stream.indirect_vreg.scatter [tilespmem:s20], [sflag:$0x4], $0x80, v9, vm0, $0xb8;
	[tilespmem:$0x19800] =	vst v63  }
.Ltmp24:
0x669: {  	_ = 	snop;
	(pc) =	sbr.rel @p1 .LBB2_40-.Ltmp24, $4  }
0x66a: {  	s21 =	simm.s32 $0x10800  }
0x66b: {  	[hbm4b:s10+s5] =	stream.indirect_vreg.scatter [tilespmem:s21], [sflag:$0x4], $0x80, v9, vm0, $0xb8;
	[tilespmem:$0x19800] =	vst v63  }
0x66c: {  	s25 =	simm.s32 $0x11000  }
0x66d: {  	[hbm4b:s22+s5] =	stream.indirect_vreg.scatter [tilespmem:s25], [sflag:$0x4], $0x80, v9, vm0, $0xb8;
	[tilespmem:$0x19800] =	vst v63  }
0x66e: {  	s0 =	simm.s32 $0x3  }
0x66f: {  	_ =	swait.ge [sflag:s0], $0x4000  }
0x670: {  	[sflag:s0] =	ssyncset.done $0x0  }
0x671: {  	[sflag:s0] =	ssyncadd.s32 $0xFFFFC000  }
0x672: {  	_ =	swait.ge [sflag:s0], $0x4000  }
0x673: {  	p1 =	seq.s32 s23, $0xC;
	[sflag:s0] =	ssyncset.done $0x0  }
0x674: {  	[sflag:s0] =	ssyncadd.s32 $0xFFFFC000;
	s0 =	simm.s32 @!p1 $0x4  }
0x675: {  	_ =	swait.ge @!p1 [sflag:s0], $0x4000  }
0x676: {  	[sflag:s0] =	ssyncset.done @!p1 $0x0  }
0x677: {  	[sflag:s0] =	ssyncadd.s32 @!p1 $0xFFFFC000  }
0x678: {  	_ =	swait.ge @!p1 [sflag:s0], $0x4000  }
0x679: {  	[sflag:s0] =	ssyncset.done @!p1 $0x0  }
0x67a: {  	[sflag:s0] =	ssyncadd.s32 @!p1 $0xFFFFC000  }
0x67b: {  	v9 =	vld @!p1 [tilespmem:$0x8E00];
	_ =	sdelay $0x4  }
0x67c: {  	v10 =	vshll.u32 @!p1 v9, $0x3  }
0x67d: {  	v11 =	vlaneseq.u32 @!p1;
	v9 =	vand.u32 @!p1 $0x7, v9;
	v10 =	vand.u32 @!p1 $0xFFFFFFC0, v10  }
0x67e: {  	v12 =	vshrl.u32 @!p1 v11, $0x3;
	v9 =	vor.u32 @!p1 v9, v10;
	v10 =	vand.u32 @!p1 $0x7, v11  }
0x67f: {  	v12 =	vmul.u32 @!p1 $0x8, v12;
	v13 =	vperm.xlane @!p1 v9, v10;
	_ =	sdelay $0x1  }
0x680: {  	v13 =	vadd.s32 @!p1 v12, v13;
	_ =	sdelay $0x3  }
0x681: {  	vm1 =	vmmov @!p1 $0xffff;
	s1 =	simm.s32 @!p1 $0x9800;
	s0 =	simm.s32 @!p1 $0x0  }
0x682: {  	v11 =	vor.u32 @!p1 $0x8, v11;
	[tilespmem:s1], [sflag:$0x2] =	stream.indirect_vreg.gather @!p1 [hbm4b:s3+s0], $0x80, v13, vm1, $0xb8;
	[tilespmem:$0x19800] =	vst v63  }
0x683: {  	v9 =	vperm.xlane @!p1 v9, v11;
	s1 =	simm.s32 @!p1 $0xA000  }
0x684: {  	[tilespmem:s1], [sflag:$0x2] =	stream.indirect_vreg.gather @!p1 [hbm4b:s4+s0], $0x80, v13, vm1, $0xb8;
	[tilespmem:$0x19800] =	vst v63  }
0x685: {  	v9 =	vadd.s32 @!p1 v12, v9;
	s1 =	simm.s32 @!p1 $0xA800  }
0x686: {  	[tilespmem:s1], [sflag:$0x2] =	stream.indirect_vreg.gather @!p1 [hbm4b:s29+s0], $0x80, v13, vm1, $0xb8;
	[tilespmem:$0x19800] =	vst v63  }
0x687: {  	s1 =	simm.s32 @!p1 $0xB000  }
0x688: {  	[tilespmem:s1], [sflag:$0x2] =	stream.indirect_vreg.gather @!p1 [hbm4b:s30+s0], $0x80, v13, vm1, $0xb8;
	[tilespmem:$0x19800] =	vst v63  }
0x689: {  	s1 =	simm.s32 @!p1 $0xB800  }
0x68a: {  	[tilespmem:s1], [sflag:$0x2] =	stream.indirect_vreg.gather @!p1 [hbm4b:s3+s0], $0x80, v9, vm1, $0xb8;
	[tilespmem:$0x19800] =	vst v63  }
0x68b: {  	s1 =	simm.s32 @!p1 $0xC000  }
0x68c: {  	[tilespmem:s1], [sflag:$0x2] =	stream.indirect_vreg.gather @!p1 [hbm4b:s4+s0], $0x80, v9, vm1, $0xb8;
	[tilespmem:$0x19800] =	vst v63  }
0x68d: {  	s1 =	simm.s32 @!p1 $0xC800  }
0x68e: {  	[tilespmem:s1], [sflag:$0x2] =	stream.indirect_vreg.gather @!p1 [hbm4b:s29+s0], $0x80, v9, vm1, $0xb8;
	[tilespmem:$0x19800] =	vst v63  }
0x68f: {  	s1 =	simm.s32 @!p1 $0xD000  }
0x690: {  	[tilespmem:s1], [sflag:$0x2] =	stream.indirect_vreg.gather @!p1 [hbm4b:s30+s0], $0x80, v9, vm1, $0xb8;
	[tilespmem:$0x19800] =	vst v63  }
0x691: {  	v9 =	vld @!p1 [tilespmem:$0x8E00];
	_ =	sdelay $0x4  }
0x692: {  	v13 =	vshll.u32 @!p1 v9, $0x3  }
0x693: {  	v9 =	vand.u32 @!p1 $0x7, v9;
	v13 =	vand.u32 @!p1 $0xFFFFFFC0, v13  }
0x694: {  	v9 =	vor.u32 @!p1 v9, v13  }
0x695: {  	v10 =	vperm.xlane @!p1 v9, v10;
	_ =	sdelay $0x1  }
0x696: {  	v10 =	vadd.s32 @!p1 v12, v10;
	_ =	sdelay $0x3  }
0x697: {  	s1 =	simm.s32 @!p1 $0xD800  }
0x698: {  	[tilespmem:s1], [sflag:$0x2] =	stream.indirect_vreg.gather @!p1 [hbm4b:s6+s0], $0x80, v10, vm1, $0xb8;
	[tilespmem:$0x19800] =	vst v63  }
0x699: {  	v9 =	vperm.xlane @!p1 v9, v11;
	s1 =	simm.s32 @!p1 $0xE000  }
0x69a: {  	[tilespmem:s1], [sflag:$0x2] =	stream.indirect_vreg.gather @!p1 [hbm4b:s31+s0], $0x80, v10, vm1, $0xb8;
	[tilespmem:$0x19800] =	vst v63  }
0x69b: {  	v9 =	vadd.s32 @!p1 v12, v9;
	s1 =	simm.s32 @!p1 $0xE800  }
0x69c: {  	[tilespmem:s1], [sflag:$0x2] =	stream.indirect_vreg.gather @!p1 [hbm4b:s2+s0], $0x80, v10, vm1, $0xb8;
	[tilespmem:$0x19800] =	vst v63  }
0x69d: {  	s1 =	simm.s32 @!p1 $0xF000  }
0x69e: {  	[tilespmem:s1], [sflag:$0x2] =	stream.indirect_vreg.gather @!p1 [hbm4b:s8+s0], $0x80, v10, vm1, $0xb8;
	[tilespmem:$0x19800] =	vst v63  }
0x69f: {  	s1 =	simm.s32 @!p1 $0xF800  }
0x6a0: {  	[tilespmem:s1], [sflag:$0x2] =	stream.indirect_vreg.gather @!p1 [hbm4b:s6+s0], $0x80, v9, vm1, $0xb8;
	[tilespmem:$0x19800] =	vst v63  }
0x6a1: {  	s1 =	simm.s32 @!p1 $0x10000  }
0x6a2: {  	[tilespmem:s1], [sflag:$0x2] =	stream.indirect_vreg.gather @!p1 [hbm4b:s31+s0], $0x80, v9, vm1, $0xb8;
	[tilespmem:$0x19800] =	vst v63  }
0x6a3: {  	s1 =	simm.s32 @!p1 $0x10800  }
0x6a4: {  	[tilespmem:s1], [sflag:$0x2] =	stream.indirect_vreg.gather @!p1 [hbm4b:s2+s0], $0x80, v9, vm1, $0xb8;
	[tilespmem:$0x19800] =	vst v63  }
0x6a5: {  	s1 =	simm.s32 @!p1 $0x11000  }
0x6a6: {  	[tilespmem:s1], [sflag:$0x2] =	stream.indirect_vreg.gather @!p1 [hbm4b:s8+s0], $0x80, v9, vm1, $0xb8;
	[tilespmem:$0x19800] =	vst v63  }
0x6a7: {  	v9 =	vld [tilespmem:$0x8D80];
	_ =	sdelay $0x4  }
0x6a8: {  	v10 =	vshll.u32 v9, $0x3  }
0x6a9: {  	v9 =	vand.u32 $0x7, v9;
	v10 =	vand.u32 $0xFFFFFFC0, v10  }
0x6aa: {  	v9 =	vor.u32 v9, v10  }
0x6ab: {  	v10 =	vperm.xlane v9, v6;
	_ =	sdelay $0x1  }
0x6ac: {  	v10 =	vadd.s32 v7, v10;
	_ =	sdelay $0x3  }
0x6ad: {  	s21 =	simm.s32 $0x11800  }
0x6ae: {  	[hbm4b:s26+s5] =	stream.indirect_vreg.scatter [tilespmem:s21], [sflag:$0x5], $0x80, v10, vm0, $0xb8;
	[tilespmem:$0x19800] =	vst v63  }
0x6af: {  	s25 =	simm.s32 $0x12000;
	v9 =	vperm.xlane v9, v8  }
0x6b0: {  	[hbm4b:s9+s5] =	stream.indirect_vreg.scatter [tilespmem:s25], [sflag:$0x5], $0x80, v10, vm0, $0xb8;
	[tilespmem:$0x19800] =	vst v63  }
0x6b1: {  	s1 =	simm.s32 $0x12800;
	v9 =	vadd.s32 v7, v9  }
0x6b2: {  	[hbm4b:s10+s5] =	stream.indirect_vreg.scatter [tilespmem:s1], [sflag:$0x5], $0x80, v10, vm0, $0xb8;
	[tilespmem:$0x19800] =	vst v63  }
0x6b3: {  	s7 =	simm.s32 $0x13000  }
0x6b4: {  	[hbm4b:s22+s5] =	stream.indirect_vreg.scatter [tilespmem:s7], [sflag:$0x5], $0x80, v10, vm0, $0xb8;
	[tilespmem:$0x19800] =	vst v63  }
0x6b5: {  	s14 =	simm.s32 $0x13800  }
0x6b6: {  	[hbm4b:s26+s5] =	stream.indirect_vreg.scatter [tilespmem:s14], [sflag:$0x5], $0x80, v9, vm0, $0xb8;
	[tilespmem:$0x19800] =	vst v63  }
0x6b7: {  	s15 =	simm.s32 $0x14000  }
0x6b8: {  	[hbm4b:s9+s5] =	stream.indirect_vreg.scatter [tilespmem:s15], [sflag:$0x5], $0x80, v9, vm0, $0xb8;
	[tilespmem:$0x19800] =	vst v63  }
0x6b9: {  	s20 =	simm.s32 $0x14800  }
0x6ba: {  	[hbm4b:s10+s5] =	stream.indirect_vreg.scatter [tilespmem:s20], [sflag:$0x5], $0x80, v9, vm0, $0xb8;
	[tilespmem:$0x19800] =	vst v63  }
0x6bb: {  	s21 =	simm.s32 $0x15000  }
0x6bc: {  	[hbm4b:s22+s5] =	stream.indirect_vreg.scatter [tilespmem:s21], [sflag:$0x5], $0x80, v9, vm0, $0xb8;
	[tilespmem:$0x19800] =	vst v63  }
0x6bd: {  	v9 =	vld [tilespmem:$0x9580];
	_ =	sdelay $0x4  }
0x6be: {  	v10 =	vshll.u32 v9, $0x3  }
0x6bf: {  	v9 =	vand.u32 $0x7, v9;
	v10 =	vand.u32 $0xFFFFFFC0, v10  }
0x6c0: {  	v9 =	vor.u32 v9, v10  }
0x6c1: {  	v10 =	vperm.xlane v9, v6;
	_ =	sdelay $0x1  }
0x6c2: {  	v10 =	vadd.s32 v7, v10;
	_ =	sdelay $0x3  }
0x6c3: {  	s25 =	simm.s32 $0x15800  }
0x6c4: {  	[hbm4b:s26+s5] =	stream.indirect_vreg.scatter [tilespmem:s25], [sflag:$0x5], $0x80, v10, vm0, $0xb8;
	[tilespmem:$0x19800] =	vst v63  }
0x6c5: {  	s1 =	simm.s32 $0x16000;
	v9 =	vperm.xlane v9, v8  }
0x6c6: {  	[hbm4b:s9+s5] =	stream.indirect_vreg.scatter [tilespmem:s1], [sflag:$0x5], $0x80, v10, vm0, $0xb8;
	[tilespmem:$0x19800] =	vst v63  }
0x6c7: {  	s7 =	simm.s32 $0x16800;
	v9 =	vadd.s32 v7, v9  }
0x6c8: {  	[hbm4b:s10+s5] =	stream.indirect_vreg.scatter [tilespmem:s7], [sflag:$0x5], $0x80, v10, vm0, $0xb8;
	[tilespmem:$0x19800] =	vst v63  }
0x6c9: {  	s14 =	simm.s32 $0x17000  }
0x6ca: {  	[hbm4b:s22+s5] =	stream.indirect_vreg.scatter [tilespmem:s14], [sflag:$0x5], $0x80, v10, vm0, $0xb8;
	[tilespmem:$0x19800] =	vst v63  }
0x6cb: {  	s15 =	simm.s32 $0x17800  }
0x6cc: {  	[hbm4b:s26+s5] =	stream.indirect_vreg.scatter [tilespmem:s15], [sflag:$0x5], $0x80, v9, vm0, $0xb8;
	[tilespmem:$0x19800] =	vst v63  }
0x6cd: {  	p1 =	slt.u32 s23, $0xD;
	s20 =	simm.s32 $0x18000  }
0x6ce: {  	[hbm4b:s9+s5] =	stream.indirect_vreg.scatter [tilespmem:s20], [sflag:$0x5], $0x80, v9, vm0, $0xb8;
	[tilespmem:$0x19800] =	vst v63  }
.Ltmp25:
0x6cf: {  	_ = 	snop;
	(pc) =	sbr.rel @p1 .LBB2_40-.Ltmp25, $4  }
0x6d0: {  	s21 =	simm.s32 $0x18800  }
0x6d1: {  	[hbm4b:s10+s5] =	stream.indirect_vreg.scatter [tilespmem:s21], [sflag:$0x5], $0x80, v9, vm0, $0xb8;
	[tilespmem:$0x19800] =	vst v63  }
0x6d2: {  	s25 =	simm.s32 $0x19000  }
0x6d3: {  	[hbm4b:s22+s5] =	stream.indirect_vreg.scatter [tilespmem:s25], [sflag:$0x5], $0x80, v9, vm0, $0xb8;
	[tilespmem:$0x19800] =	vst v63  }
0x6d4: {  	s0 =	simm.s32 $0x2  }
0x6d5: {  	_ =	swait.ge [sflag:s0], $0x4000  }
0x6d6: {  	[sflag:s0] =	ssyncset.done $0x0  }
0x6d7: {  	[sflag:s0] =	ssyncadd.s32 $0xFFFFC000  }
0x6d8: {  	_ =	swait.ge [sflag:s0], $0x4000  }
0x6d9: {  	p1 =	seq.s32 s23, $0xD;
	[sflag:s0] =	ssyncset.done $0x0  }
0x6da: {  	[sflag:s0] =	ssyncadd.s32 $0xFFFFC000;
	s0 =	simm.s32 @!p1 $0x5  }
0x6db: {  	_ =	swait.ge @!p1 [sflag:s0], $0x4000  }
0x6dc: {  	[sflag:s0] =	ssyncset.done @!p1 $0x0  }
0x6dd: {  	[sflag:s0] =	ssyncadd.s32 @!p1 $0xFFFFC000  }
0x6de: {  	_ =	swait.ge @!p1 [sflag:s0], $0x4000  }
0x6df: {  	[sflag:s0] =	ssyncset.done @!p1 $0x0  }
0x6e0: {  	[sflag:s0] =	ssyncadd.s32 @!p1 $0xFFFFC000  }
0x6e1: {  	v9 =	vld @!p1 [tilespmem:$0x8E80];
	_ =	sdelay $0x4  }
0x6e2: {  	v10 =	vshll.u32 @!p1 v9, $0x3  }
0x6e3: {  	v11 =	vlaneseq.u32 @!p1;
	v9 =	vand.u32 @!p1 $0x7, v9;
	v10 =	vand.u32 @!p1 $0xFFFFFFC0, v10  }
0x6e4: {  	v12 =	vshrl.u32 @!p1 v11, $0x3;
	v9 =	vor.u32 @!p1 v9, v10;
	v10 =	vand.u32 @!p1 $0x7, v11  }
0x6e5: {  	v12 =	vmul.u32 @!p1 $0x8, v12;
	v13 =	vperm.xlane @!p1 v9, v10;
	_ =	sdelay $0x1  }
0x6e6: {  	v13 =	vadd.s32 @!p1 v12, v13;
	_ =	sdelay $0x3  }
0x6e7: {  	vm1 =	vmmov @!p1 $0xffff;
	s1 =	simm.s32 @!p1 $0x11800;
	s0 =	simm.s32 @!p1 $0x0  }
0x6e8: {  	v11 =	vor.u32 @!p1 $0x8, v11;
	[tilespmem:s1], [sflag:$0x3] =	stream.indirect_vreg.gather @!p1 [hbm4b:s3+s0], $0x80, v13, vm1, $0xb8;
	[tilespmem:$0x19800] =	vst v63  }
0x6e9: {  	v9 =	vperm.xlane @!p1 v9, v11;
	s1 =	simm.s32 @!p1 $0x12000  }
0x6ea: {  	[tilespmem:s1], [sflag:$0x3] =	stream.indirect_vreg.gather @!p1 [hbm4b:s4+s0], $0x80, v13, vm1, $0xb8;
	[tilespmem:$0x19800] =	vst v63  }
0x6eb: {  	v9 =	vadd.s32 @!p1 v12, v9;
	s1 =	simm.s32 @!p1 $0x12800  }
0x6ec: {  	[tilespmem:s1], [sflag:$0x3] =	stream.indirect_vreg.gather @!p1 [hbm4b:s29+s0], $0x80, v13, vm1, $0xb8;
	[tilespmem:$0x19800] =	vst v63  }
0x6ed: {  	s1 =	simm.s32 @!p1 $0x13000  }
0x6ee: {  	[tilespmem:s1], [sflag:$0x3] =	stream.indirect_vreg.gather @!p1 [hbm4b:s30+s0], $0x80, v13, vm1, $0xb8;
	[tilespmem:$0x19800] =	vst v63  }
0x6ef: {  	s1 =	simm.s32 @!p1 $0x13800  }
0x6f0: {  	[tilespmem:s1], [sflag:$0x3] =	stream.indirect_vreg.gather @!p1 [hbm4b:s3+s0], $0x80, v9, vm1, $0xb8;
	[tilespmem:$0x19800] =	vst v63  }
0x6f1: {  	s1 =	simm.s32 @!p1 $0x14000  }
0x6f2: {  	[tilespmem:s1], [sflag:$0x3] =	stream.indirect_vreg.gather @!p1 [hbm4b:s4+s0], $0x80, v9, vm1, $0xb8;
	[tilespmem:$0x19800] =	vst v63  }
0x6f3: {  	s1 =	simm.s32 @!p1 $0x14800  }
0x6f4: {  	[tilespmem:s1], [sflag:$0x3] =	stream.indirect_vreg.gather @!p1 [hbm4b:s29+s0], $0x80, v9, vm1, $0xb8;
	[tilespmem:$0x19800] =	vst v63  }
0x6f5: {  	s1 =	simm.s32 @!p1 $0x15000  }
0x6f6: {  	[tilespmem:s1], [sflag:$0x3] =	stream.indirect_vreg.gather @!p1 [hbm4b:s30+s0], $0x80, v9, vm1, $0xb8;
	[tilespmem:$0x19800] =	vst v63  }
0x6f7: {  	v9 =	vld @!p1 [tilespmem:$0x8E80];
	_ =	sdelay $0x4  }
0x6f8: {  	v13 =	vshll.u32 @!p1 v9, $0x3  }
0x6f9: {  	v9 =	vand.u32 @!p1 $0x7, v9;
	v13 =	vand.u32 @!p1 $0xFFFFFFC0, v13  }
0x6fa: {  	v9 =	vor.u32 @!p1 v9, v13  }
0x6fb: {  	v10 =	vperm.xlane @!p1 v9, v10;
	_ =	sdelay $0x1  }
0x6fc: {  	v10 =	vadd.s32 @!p1 v12, v10;
	_ =	sdelay $0x3  }
0x6fd: {  	s1 =	simm.s32 @!p1 $0x15800  }
0x6fe: {  	[tilespmem:s1], [sflag:$0x3] =	stream.indirect_vreg.gather @!p1 [hbm4b:s6+s0], $0x80, v10, vm1, $0xb8;
	[tilespmem:$0x19800] =	vst v63  }
0x6ff: {  	v9 =	vperm.xlane @!p1 v9, v11;
	s1 =	simm.s32 @!p1 $0x16000  }
0x700: {  	[tilespmem:s1], [sflag:$0x3] =	stream.indirect_vreg.gather @!p1 [hbm4b:s31+s0], $0x80, v10, vm1, $0xb8;
	[tilespmem:$0x19800] =	vst v63  }
0x701: {  	v9 =	vadd.s32 @!p1 v12, v9;
	s1 =	simm.s32 @!p1 $0x16800  }
0x702: {  	[tilespmem:s1], [sflag:$0x3] =	stream.indirect_vreg.gather @!p1 [hbm4b:s2+s0], $0x80, v10, vm1, $0xb8;
	[tilespmem:$0x19800] =	vst v63  }
0x703: {  	s1 =	simm.s32 @!p1 $0x17000  }
0x704: {  	[tilespmem:s1], [sflag:$0x3] =	stream.indirect_vreg.gather @!p1 [hbm4b:s8+s0], $0x80, v10, vm1, $0xb8;
	[tilespmem:$0x19800] =	vst v63  }
0x705: {  	s1 =	simm.s32 @!p1 $0x17800  }
0x706: {  	[tilespmem:s1], [sflag:$0x3] =	stream.indirect_vreg.gather @!p1 [hbm4b:s6+s0], $0x80, v9, vm1, $0xb8;
	[tilespmem:$0x19800] =	vst v63  }
0x707: {  	s1 =	simm.s32 @!p1 $0x18000  }
0x708: {  	[tilespmem:s1], [sflag:$0x3] =	stream.indirect_vreg.gather @!p1 [hbm4b:s31+s0], $0x80, v9, vm1, $0xb8;
	[tilespmem:$0x19800] =	vst v63  }
0x709: {  	s1 =	simm.s32 @!p1 $0x18800  }
0x70a: {  	[tilespmem:s1], [sflag:$0x3] =	stream.indirect_vreg.gather @!p1 [hbm4b:s2+s0], $0x80, v9, vm1, $0xb8;
	[tilespmem:$0x19800] =	vst v63  }
0x70b: {  	s1 =	simm.s32 @!p1 $0x19000  }
0x70c: {  	[tilespmem:s1], [sflag:$0x3] =	stream.indirect_vreg.gather @!p1 [hbm4b:s8+s0], $0x80, v9, vm1, $0xb8;
	[tilespmem:$0x19800] =	vst v63  }
0x70d: {  	v9 =	vld [tilespmem:$0x8E00];
	_ =	sdelay $0x4  }
0x70e: {  	v10 =	vshll.u32 v9, $0x3  }
0x70f: {  	v9 =	vand.u32 $0x7, v9;
	v10 =	vand.u32 $0xFFFFFFC0, v10  }
0x710: {  	v9 =	vor.u32 v9, v10  }
0x711: {  	v10 =	vperm.xlane v9, v6;
	_ =	sdelay $0x1  }
0x712: {  	v10 =	vadd.s32 v7, v10;
	_ =	sdelay $0x3  }
0x713: {  	s21 =	simm.s32 $0x9800  }
0x714: {  	[hbm4b:s26+s5] =	stream.indirect_vreg.scatter [tilespmem:s21], [sflag:$0x4], $0x80, v10, vm0, $0xb8;
	[tilespmem:$0x19800] =	vst v63  }
0x715: {  	s25 =	simm.s32 $0xA000;
	v9 =	vperm.xlane v9, v8  }
0x716: {  	[hbm4b:s9+s5] =	stream.indirect_vreg.scatter [tilespmem:s25], [sflag:$0x4], $0x80, v10, vm0, $0xb8;
	[tilespmem:$0x19800] =	vst v63  }
0x717: {  	s1 =	simm.s32 $0xA800;
	v9 =	vadd.s32 v7, v9  }
0x718: {  	[hbm4b:s10+s5] =	stream.indirect_vreg.scatter [tilespmem:s1], [sflag:$0x4], $0x80, v10, vm0, $0xb8;
	[tilespmem:$0x19800] =	vst v63  }
0x719: {  	s7 =	simm.s32 $0xB000  }
0x71a: {  	[hbm4b:s22+s5] =	stream.indirect_vreg.scatter [tilespmem:s7], [sflag:$0x4], $0x80, v10, vm0, $0xb8;
	[tilespmem:$0x19800] =	vst v63  }
0x71b: {  	s14 =	simm.s32 $0xB800  }
0x71c: {  	[hbm4b:s26+s5] =	stream.indirect_vreg.scatter [tilespmem:s14], [sflag:$0x4], $0x80, v9, vm0, $0xb8;
	[tilespmem:$0x19800] =	vst v63  }
0x71d: {  	s15 =	simm.s32 $0xC000  }
0x71e: {  	[hbm4b:s9+s5] =	stream.indirect_vreg.scatter [tilespmem:s15], [sflag:$0x4], $0x80, v9, vm0, $0xb8;
	[tilespmem:$0x19800] =	vst v63  }
0x71f: {  	s20 =	simm.s32 $0xC800  }
0x720: {  	[hbm4b:s10+s5] =	stream.indirect_vreg.scatter [tilespmem:s20], [sflag:$0x4], $0x80, v9, vm0, $0xb8;
	[tilespmem:$0x19800] =	vst v63  }
0x721: {  	s21 =	simm.s32 $0xD000  }
0x722: {  	[hbm4b:s22+s5] =	stream.indirect_vreg.scatter [tilespmem:s21], [sflag:$0x4], $0x80, v9, vm0, $0xb8;
	[tilespmem:$0x19800] =	vst v63  }
0x723: {  	v9 =	vld [tilespmem:$0x9600];
	_ =	sdelay $0x4  }
0x724: {  	v10 =	vshll.u32 v9, $0x3  }
0x725: {  	v9 =	vand.u32 $0x7, v9;
	v10 =	vand.u32 $0xFFFFFFC0, v10  }
0x726: {  	v9 =	vor.u32 v9, v10  }
0x727: {  	v10 =	vperm.xlane v9, v6;
	_ =	sdelay $0x1  }
0x728: {  	v10 =	vadd.s32 v7, v10;
	_ =	sdelay $0x3  }
0x729: {  	s25 =	simm.s32 $0xD800  }
0x72a: {  	[hbm4b:s26+s5] =	stream.indirect_vreg.scatter [tilespmem:s25], [sflag:$0x4], $0x80, v10, vm0, $0xb8;
	[tilespmem:$0x19800] =	vst v63  }
0x72b: {  	s1 =	simm.s32 $0xE000;
	v9 =	vperm.xlane v9, v8  }
0x72c: {  	[hbm4b:s9+s5] =	stream.indirect_vreg.scatter [tilespmem:s1], [sflag:$0x4], $0x80, v10, vm0, $0xb8;
	[tilespmem:$0x19800] =	vst v63  }
0x72d: {  	s7 =	simm.s32 $0xE800;
	v9 =	vadd.s32 v7, v9  }
0x72e: {  	[hbm4b:s10+s5] =	stream.indirect_vreg.scatter [tilespmem:s7], [sflag:$0x4], $0x80, v10, vm0, $0xb8;
	[tilespmem:$0x19800] =	vst v63  }
0x72f: {  	s14 =	simm.s32 $0xF000  }
0x730: {  	[hbm4b:s22+s5] =	stream.indirect_vreg.scatter [tilespmem:s14], [sflag:$0x4], $0x80, v10, vm0, $0xb8;
	[tilespmem:$0x19800] =	vst v63  }
0x731: {  	s15 =	simm.s32 $0xF800  }
0x732: {  	[hbm4b:s26+s5] =	stream.indirect_vreg.scatter [tilespmem:s15], [sflag:$0x4], $0x80, v9, vm0, $0xb8;
	[tilespmem:$0x19800] =	vst v63  }
0x733: {  	s20 =	simm.s32 $0x10000  }
0x734: {  	[hbm4b:s9+s5] =	stream.indirect_vreg.scatter [tilespmem:s20], [sflag:$0x4], $0x80, v9, vm0, $0xb8;
	[tilespmem:$0x19800] =	vst v63  }
.Ltmp26:
0x735: {  	_ = 	snop;
	(pc) =	sbr.rel @p1 .LBB2_40-.Ltmp26, $4  }
0x736: {  	s21 =	simm.s32 $0x10800  }
0x737: {  	[hbm4b:s10+s5] =	stream.indirect_vreg.scatter [tilespmem:s21], [sflag:$0x4], $0x80, v9, vm0, $0xb8;
	[tilespmem:$0x19800] =	vst v63  }
0x738: {  	s25 =	simm.s32 $0x11000  }
0x739: {  	[hbm4b:s22+s5] =	stream.indirect_vreg.scatter [tilespmem:s25], [sflag:$0x4], $0x80, v9, vm0, $0xb8;
	[tilespmem:$0x19800] =	vst v63  }
0x73a: {  	s0 =	simm.s32 $0x3  }
0x73b: {  	_ =	swait.ge [sflag:s0], $0x4000  }
0x73c: {  	[sflag:s0] =	ssyncset.done $0x0  }
0x73d: {  	[sflag:s0] =	ssyncadd.s32 $0xFFFFC000  }
0x73e: {  	_ =	swait.ge [sflag:s0], $0x4000  }
0x73f: {  	p1 =	seq.s32 s23, $0xE;
	[sflag:s0] =	ssyncset.done $0x0  }
0x740: {  	[sflag:s0] =	ssyncadd.s32 $0xFFFFC000;
	s0 =	simm.s32 @!p1 $0x4  }
0x741: {  	_ =	swait.ge @!p1 [sflag:s0], $0x4000  }
0x742: {  	[sflag:s0] =	ssyncset.done @!p1 $0x0  }
0x743: {  	[sflag:s0] =	ssyncadd.s32 @!p1 $0xFFFFC000  }
0x744: {  	_ =	swait.ge @!p1 [sflag:s0], $0x4000  }
0x745: {  	[sflag:s0] =	ssyncset.done @!p1 $0x0  }
0x746: {  	[sflag:s0] =	ssyncadd.s32 @!p1 $0xFFFFC000  }
0x747: {  	v9 =	vld @!p1 [tilespmem:$0x8F00];
	_ =	sdelay $0x4  }
0x748: {  	v10 =	vshll.u32 @!p1 v9, $0x3  }
0x749: {  	v11 =	vlaneseq.u32 @!p1;
	v9 =	vand.u32 @!p1 $0x7, v9;
	v10 =	vand.u32 @!p1 $0xFFFFFFC0, v10  }
0x74a: {  	v12 =	vshrl.u32 @!p1 v11, $0x3;
	v9 =	vor.u32 @!p1 v9, v10;
	v10 =	vand.u32 @!p1 $0x7, v11  }
0x74b: {  	v12 =	vmul.u32 @!p1 $0x8, v12;
	v13 =	vperm.xlane @!p1 v9, v10;
	_ =	sdelay $0x1  }
0x74c: {  	v13 =	vadd.s32 @!p1 v12, v13;
	_ =	sdelay $0x3  }
0x74d: {  	vm1 =	vmmov @!p1 $0xffff;
	s1 =	simm.s32 @!p1 $0x9800;
	s0 =	simm.s32 @!p1 $0x0  }
0x74e: {  	v11 =	vor.u32 @!p1 $0x8, v11;
	[tilespmem:s1], [sflag:$0x2] =	stream.indirect_vreg.gather @!p1 [hbm4b:s3+s0], $0x80, v13, vm1, $0xb8;
	[tilespmem:$0x19800] =	vst v63  }
0x74f: {  	v9 =	vperm.xlane @!p1 v9, v11;
	s1 =	simm.s32 @!p1 $0xA000  }
0x750: {  	[tilespmem:s1], [sflag:$0x2] =	stream.indirect_vreg.gather @!p1 [hbm4b:s4+s0], $0x80, v13, vm1, $0xb8;
	[tilespmem:$0x19800] =	vst v63  }
0x751: {  	v9 =	vadd.s32 @!p1 v12, v9;
	s1 =	simm.s32 @!p1 $0xA800  }
0x752: {  	[tilespmem:s1], [sflag:$0x2] =	stream.indirect_vreg.gather @!p1 [hbm4b:s29+s0], $0x80, v13, vm1, $0xb8;
	[tilespmem:$0x19800] =	vst v63  }
0x753: {  	s1 =	simm.s32 @!p1 $0xB000  }
0x754: {  	[tilespmem:s1], [sflag:$0x2] =	stream.indirect_vreg.gather @!p1 [hbm4b:s30+s0], $0x80, v13, vm1, $0xb8;
	[tilespmem:$0x19800] =	vst v63  }
0x755: {  	s1 =	simm.s32 @!p1 $0xB800  }
0x756: {  	[tilespmem:s1], [sflag:$0x2] =	stream.indirect_vreg.gather @!p1 [hbm4b:s3+s0], $0x80, v9, vm1, $0xb8;
	[tilespmem:$0x19800] =	vst v63  }
0x757: {  	s1 =	simm.s32 @!p1 $0xC000  }
0x758: {  	[tilespmem:s1], [sflag:$0x2] =	stream.indirect_vreg.gather @!p1 [hbm4b:s4+s0], $0x80, v9, vm1, $0xb8;
	[tilespmem:$0x19800] =	vst v63  }
0x759: {  	s1 =	simm.s32 @!p1 $0xC800  }
0x75a: {  	[tilespmem:s1], [sflag:$0x2] =	stream.indirect_vreg.gather @!p1 [hbm4b:s29+s0], $0x80, v9, vm1, $0xb8;
	[tilespmem:$0x19800] =	vst v63  }
0x75b: {  	s1 =	simm.s32 @!p1 $0xD000  }
0x75c: {  	[tilespmem:s1], [sflag:$0x2] =	stream.indirect_vreg.gather @!p1 [hbm4b:s30+s0], $0x80, v9, vm1, $0xb8;
	[tilespmem:$0x19800] =	vst v63  }
0x75d: {  	v9 =	vld @!p1 [tilespmem:$0x8F00];
	_ =	sdelay $0x4  }
0x75e: {  	v13 =	vshll.u32 @!p1 v9, $0x3  }
0x75f: {  	v9 =	vand.u32 @!p1 $0x7, v9;
	v13 =	vand.u32 @!p1 $0xFFFFFFC0, v13  }
0x760: {  	v9 =	vor.u32 @!p1 v9, v13  }
0x761: {  	v10 =	vperm.xlane @!p1 v9, v10;
	_ =	sdelay $0x1  }
0x762: {  	v10 =	vadd.s32 @!p1 v12, v10;
	_ =	sdelay $0x3  }
0x763: {  	s1 =	simm.s32 @!p1 $0xD800  }
0x764: {  	[tilespmem:s1], [sflag:$0x2] =	stream.indirect_vreg.gather @!p1 [hbm4b:s6+s0], $0x80, v10, vm1, $0xb8;
	[tilespmem:$0x19800] =	vst v63  }
0x765: {  	v9 =	vperm.xlane @!p1 v9, v11;
	s1 =	simm.s32 @!p1 $0xE000  }
0x766: {  	[tilespmem:s1], [sflag:$0x2] =	stream.indirect_vreg.gather @!p1 [hbm4b:s31+s0], $0x80, v10, vm1, $0xb8;
	[tilespmem:$0x19800] =	vst v63  }
0x767: {  	v9 =	vadd.s32 @!p1 v12, v9;
	s1 =	simm.s32 @!p1 $0xE800  }
0x768: {  	[tilespmem:s1], [sflag:$0x2] =	stream.indirect_vreg.gather @!p1 [hbm4b:s2+s0], $0x80, v10, vm1, $0xb8;
	[tilespmem:$0x19800] =	vst v63  }
0x769: {  	s1 =	simm.s32 @!p1 $0xF000  }
0x76a: {  	[tilespmem:s1], [sflag:$0x2] =	stream.indirect_vreg.gather @!p1 [hbm4b:s8+s0], $0x80, v10, vm1, $0xb8;
	[tilespmem:$0x19800] =	vst v63  }
0x76b: {  	s1 =	simm.s32 @!p1 $0xF800  }
0x76c: {  	[tilespmem:s1], [sflag:$0x2] =	stream.indirect_vreg.gather @!p1 [hbm4b:s6+s0], $0x80, v9, vm1, $0xb8;
	[tilespmem:$0x19800] =	vst v63  }
0x76d: {  	s1 =	simm.s32 @!p1 $0x10000  }
0x76e: {  	[tilespmem:s1], [sflag:$0x2] =	stream.indirect_vreg.gather @!p1 [hbm4b:s31+s0], $0x80, v9, vm1, $0xb8;
	[tilespmem:$0x19800] =	vst v63  }
0x76f: {  	s1 =	simm.s32 @!p1 $0x10800  }
0x770: {  	[tilespmem:s1], [sflag:$0x2] =	stream.indirect_vreg.gather @!p1 [hbm4b:s2+s0], $0x80, v9, vm1, $0xb8;
	[tilespmem:$0x19800] =	vst v63  }
0x771: {  	s1 =	simm.s32 @!p1 $0x11000  }
0x772: {  	[tilespmem:s1], [sflag:$0x2] =	stream.indirect_vreg.gather @!p1 [hbm4b:s8+s0], $0x80, v9, vm1, $0xb8;
	[tilespmem:$0x19800] =	vst v63  }
0x773: {  	v9 =	vld [tilespmem:$0x8E80];
	_ =	sdelay $0x4  }
0x774: {  	v10 =	vshll.u32 v9, $0x3  }
0x775: {  	v9 =	vand.u32 $0x7, v9;
	v10 =	vand.u32 $0xFFFFFFC0, v10  }
0x776: {  	v9 =	vor.u32 v9, v10  }
0x777: {  	v10 =	vperm.xlane v9, v6;
	_ =	sdelay $0x1  }
0x778: {  	v10 =	vadd.s32 v7, v10;
	_ =	sdelay $0x3  }
0x779: {  	s21 =	simm.s32 $0x11800  }
0x77a: {  	[hbm4b:s26+s5] =	stream.indirect_vreg.scatter [tilespmem:s21], [sflag:$0x5], $0x80, v10, vm0, $0xb8;
	[tilespmem:$0x19800] =	vst v63  }
0x77b: {  	s25 =	simm.s32 $0x12000;
	v9 =	vperm.xlane v9, v8  }
0x77c: {  	[hbm4b:s9+s5] =	stream.indirect_vreg.scatter [tilespmem:s25], [sflag:$0x5], $0x80, v10, vm0, $0xb8;
	[tilespmem:$0x19800] =	vst v63  }
0x77d: {  	s1 =	simm.s32 $0x12800;
	v9 =	vadd.s32 v7, v9  }
0x77e: {  	[hbm4b:s10+s5] =	stream.indirect_vreg.scatter [tilespmem:s1], [sflag:$0x5], $0x80, v10, vm0, $0xb8;
	[tilespmem:$0x19800] =	vst v63  }
0x77f: {  	s7 =	simm.s32 $0x13000  }
0x780: {  	[hbm4b:s22+s5] =	stream.indirect_vreg.scatter [tilespmem:s7], [sflag:$0x5], $0x80, v10, vm0, $0xb8;
	[tilespmem:$0x19800] =	vst v63  }
0x781: {  	s14 =	simm.s32 $0x13800  }
0x782: {  	[hbm4b:s26+s5] =	stream.indirect_vreg.scatter [tilespmem:s14], [sflag:$0x5], $0x80, v9, vm0, $0xb8;
	[tilespmem:$0x19800] =	vst v63  }
0x783: {  	s15 =	simm.s32 $0x14000  }
0x784: {  	[hbm4b:s9+s5] =	stream.indirect_vreg.scatter [tilespmem:s15], [sflag:$0x5], $0x80, v9, vm0, $0xb8;
	[tilespmem:$0x19800] =	vst v63  }
0x785: {  	s20 =	simm.s32 $0x14800  }
0x786: {  	[hbm4b:s10+s5] =	stream.indirect_vreg.scatter [tilespmem:s20], [sflag:$0x5], $0x80, v9, vm0, $0xb8;
	[tilespmem:$0x19800] =	vst v63  }
0x787: {  	s21 =	simm.s32 $0x15000  }
0x788: {  	[hbm4b:s22+s5] =	stream.indirect_vreg.scatter [tilespmem:s21], [sflag:$0x5], $0x80, v9, vm0, $0xb8;
	[tilespmem:$0x19800] =	vst v63  }
0x789: {  	v9 =	vld [tilespmem:$0x9680];
	_ =	sdelay $0x4  }
0x78a: {  	v10 =	vshll.u32 v9, $0x3  }
0x78b: {  	v9 =	vand.u32 $0x7, v9;
	v10 =	vand.u32 $0xFFFFFFC0, v10  }
0x78c: {  	v9 =	vor.u32 v9, v10  }
0x78d: {  	v10 =	vperm.xlane v9, v6;
	_ =	sdelay $0x1  }
0x78e: {  	v10 =	vadd.s32 v7, v10;
	_ =	sdelay $0x3  }
0x78f: {  	s25 =	simm.s32 $0x15800  }
0x790: {  	[hbm4b:s26+s5] =	stream.indirect_vreg.scatter [tilespmem:s25], [sflag:$0x5], $0x80, v10, vm0, $0xb8;
	[tilespmem:$0x19800] =	vst v63  }
0x791: {  	s1 =	simm.s32 $0x16000;
	v9 =	vperm.xlane v9, v8  }
0x792: {  	[hbm4b:s9+s5] =	stream.indirect_vreg.scatter [tilespmem:s1], [sflag:$0x5], $0x80, v10, vm0, $0xb8;
	[tilespmem:$0x19800] =	vst v63  }
0x793: {  	s7 =	simm.s32 $0x16800;
	v9 =	vadd.s32 v7, v9  }
0x794: {  	[hbm4b:s10+s5] =	stream.indirect_vreg.scatter [tilespmem:s7], [sflag:$0x5], $0x80, v10, vm0, $0xb8;
	[tilespmem:$0x19800] =	vst v63  }
0x795: {  	s14 =	simm.s32 $0x17000  }
0x796: {  	[hbm4b:s22+s5] =	stream.indirect_vreg.scatter [tilespmem:s14], [sflag:$0x5], $0x80, v10, vm0, $0xb8;
	[tilespmem:$0x19800] =	vst v63  }
0x797: {  	s15 =	simm.s32 $0x17800  }
0x798: {  	[hbm4b:s26+s5] =	stream.indirect_vreg.scatter [tilespmem:s15], [sflag:$0x5], $0x80, v9, vm0, $0xb8;
	[tilespmem:$0x19800] =	vst v63  }
0x799: {  	p1 =	slt.u32 s23, $0xF;
	s20 =	simm.s32 $0x18000  }
0x79a: {  	[hbm4b:s9+s5] =	stream.indirect_vreg.scatter [tilespmem:s20], [sflag:$0x5], $0x80, v9, vm0, $0xb8;
	[tilespmem:$0x19800] =	vst v63  }
.Ltmp27:
0x79b: {  	_ = 	snop;
	(pc) =	sbr.rel @p1 .LBB2_40-.Ltmp27, $4  }
0x79c: {  	s21 =	simm.s32 $0x18800  }
0x79d: {  	[hbm4b:s10+s5] =	stream.indirect_vreg.scatter [tilespmem:s21], [sflag:$0x5], $0x80, v9, vm0, $0xb8;
	[tilespmem:$0x19800] =	vst v63  }
0x79e: {  	s25 =	simm.s32 $0x19000  }
0x79f: {  	[hbm4b:s22+s5] =	stream.indirect_vreg.scatter [tilespmem:s25], [sflag:$0x5], $0x80, v9, vm0, $0xb8;
	[tilespmem:$0x19800] =	vst v63  }
0x7a0: {  	s0 =	simm.s32 $0x2  }
0x7a1: {  	_ =	swait.ge [sflag:s0], $0x4000  }
0x7a2: {  	[sflag:s0] =	ssyncset.done $0x0  }
0x7a3: {  	[sflag:s0] =	ssyncadd.s32 $0xFFFFC000  }
0x7a4: {  	_ =	swait.ge [sflag:s0], $0x4000  }
0x7a5: {  	p1 =	seq.s32 s23, $0xF;
	[sflag:s0] =	ssyncset.done $0x0  }
0x7a6: {  	[sflag:s0] =	ssyncadd.s32 $0xFFFFC000;
	s0 =	simm.s32 @!p1 $0x5  }
0x7a7: {  	_ =	swait.ge @!p1 [sflag:s0], $0x4000  }
0x7a8: {  	[sflag:s0] =	ssyncset.done @!p1 $0x0  }
0x7a9: {  	[sflag:s0] =	ssyncadd.s32 @!p1 $0xFFFFC000  }
0x7aa: {  	_ =	swait.ge @!p1 [sflag:s0], $0x4000  }
0x7ab: {  	[sflag:s0] =	ssyncset.done @!p1 $0x0  }
0x7ac: {  	[sflag:s0] =	ssyncadd.s32 @!p1 $0xFFFFC000  }
0x7ad: {  	v9 =	vld @!p1 [tilespmem:$0x8F80];
	_ =	sdelay $0x4  }
0x7ae: {  	v10 =	vshll.u32 @!p1 v9, $0x3  }
0x7af: {  	v11 =	vlaneseq.u32 @!p1;
	v9 =	vand.u32 @!p1 $0x7, v9;
	v10 =	vand.u32 @!p1 $0xFFFFFFC0, v10  }
0x7b0: {  	v12 =	vshrl.u32 @!p1 v11, $0x3;
	v9 =	vor.u32 @!p1 v9, v10;
	v10 =	vand.u32 @!p1 $0x7, v11  }
0x7b1: {  	v12 =	vmul.u32 @!p1 $0x8, v12;
	v13 =	vperm.xlane @!p1 v9, v10;
	_ =	sdelay $0x1  }
0x7b2: {  	v13 =	vadd.s32 @!p1 v12, v13;
	_ =	sdelay $0x3  }
0x7b3: {  	vm1 =	vmmov @!p1 $0xffff;
	s1 =	simm.s32 @!p1 $0x0;
	s0 =	simm.s32 @!p1 $0x11800  }
0x7b4: {  	v11 =	vor.u32 @!p1 $0x8, v11;
	[tilespmem:s0], [sflag:$0x3] =	stream.indirect_vreg.gather @!p1 [hbm4b:s3+s1], $0x80, v13, vm1, $0xb8;
	[tilespmem:$0x19800] =	vst v63  }
0x7b5: {  	v9 =	vperm.xlane @!p1 v9, v11;
	s0 =	simm.s32 @!p1 $0x12000  }
0x7b6: {  	[tilespmem:s0], [sflag:$0x3] =	stream.indirect_vreg.gather @!p1 [hbm4b:s4+s1], $0x80, v13, vm1, $0xb8;
	[tilespmem:$0x19800] =	vst v63  }
0x7b7: {  	v9 =	vadd.s32 @!p1 v12, v9;
	s0 =	simm.s32 @!p1 $0x12800  }
0x7b8: {  	[tilespmem:s0], [sflag:$0x3] =	stream.indirect_vreg.gather @!p1 [hbm4b:s29+s1], $0x80, v13, vm1, $0xb8;
	[tilespmem:$0x19800] =	vst v63  }
0x7b9: {  	s0 =	simm.s32 @!p1 $0x13000  }
0x7ba: {  	[tilespmem:s0], [sflag:$0x3] =	stream.indirect_vreg.gather @!p1 [hbm4b:s30+s1], $0x80, v13, vm1, $0xb8;
	[tilespmem:$0x19800] =	vst v63  }
0x7bb: {  	s0 =	simm.s32 @!p1 $0x13800  }
0x7bc: {  	[tilespmem:s0], [sflag:$0x3] =	stream.indirect_vreg.gather @!p1 [hbm4b:s3+s1], $0x80, v9, vm1, $0xb8;
	[tilespmem:$0x19800] =	vst v63  }
0x7bd: {  	s0 =	simm.s32 @!p1 $0x14000  }
0x7be: {  	[tilespmem:s0], [sflag:$0x3] =	stream.indirect_vreg.gather @!p1 [hbm4b:s4+s1], $0x80, v9, vm1, $0xb8;
	[tilespmem:$0x19800] =	vst v63  }
0x7bf: {  	s0 =	simm.s32 @!p1 $0x14800  }
0x7c0: {  	[tilespmem:s0], [sflag:$0x3] =	stream.indirect_vreg.gather @!p1 [hbm4b:s29+s1], $0x80, v9, vm1, $0xb8;
	[tilespmem:$0x19800] =	vst v63  }
0x7c1: {  	s0 =	simm.s32 @!p1 $0x15000  }
0x7c2: {  	[tilespmem:s0], [sflag:$0x3] =	stream.indirect_vreg.gather @!p1 [hbm4b:s30+s1], $0x80, v9, vm1, $0xb8;
	[tilespmem:$0x19800] =	vst v63  }
0x7c3: {  	v9 =	vld @!p1 [tilespmem:$0x8F80];
	_ =	sdelay $0x4  }
0x7c4: {  	v13 =	vshll.u32 @!p1 v9, $0x3  }
0x7c5: {  	v9 =	vand.u32 @!p1 $0x7, v9;
	v13 =	vand.u32 @!p1 $0xFFFFFFC0, v13  }
0x7c6: {  	v9 =	vor.u32 @!p1 v9, v13  }
0x7c7: {  	v13 =	vperm.xlane @!p1 v9, v10;
	_ =	sdelay $0x1  }
0x7c8: {  	v13 =	vadd.s32 @!p1 v12, v13;
	_ =	sdelay $0x3  }
0x7c9: {  	s0 =	simm.s32 @!p1 $0x15800  }
0x7ca: {  	[tilespmem:s0], [sflag:$0x3] =	stream.indirect_vreg.gather @!p1 [hbm4b:s6+s1], $0x80, v13, vm1, $0xb8;
	[tilespmem:$0x19800] =	vst v63  }
0x7cb: {  	v9 =	vperm.xlane @!p1 v9, v11;
	s0 =	simm.s32 @!p1 $0x16000  }
0x7cc: {  	[tilespmem:s0], [sflag:$0x3] =	stream.indirect_vreg.gather @!p1 [hbm4b:s31+s1], $0x80, v13, vm1, $0xb8;
	[tilespmem:$0x19800] =	vst v63  }
0x7cd: {  	s25 =	simm.s32 @!p1 $0x16800;
	v9 =	vadd.s32 @!p1 v12, v9  }
0x7ce: {  	[tilespmem:s25], [sflag:$0x3] =	stream.indirect_vreg.gather @!p1 [hbm4b:s2+s1], $0x80, v13, vm1, $0xb8;
	[tilespmem:$0x19800] =	vst v63  }
0x7cf: {  	s21 =	simm.s32 @!p1 $0x17000  }
0x7d0: {  	[tilespmem:s21], [sflag:$0x3] =	stream.indirect_vreg.gather @!p1 [hbm4b:s8+s1], $0x80, v13, vm1, $0xb8;
	[tilespmem:$0x19800] =	vst v63  }
0x7d1: {  	s20 =	simm.s32 @!p1 $0x17800  }
0x7d2: {  	[tilespmem:s20], [sflag:$0x3] =	stream.indirect_vreg.gather @!p1 [hbm4b:s6+s1], $0x80, v9, vm1, $0xb8;
	[tilespmem:$0x19800] =	vst v63  }
0x7d3: {  	s15 =	simm.s32 @!p1 $0x18000  }
0x7d4: {  	[tilespmem:s15], [sflag:$0x3] =	stream.indirect_vreg.gather @!p1 [hbm4b:s31+s1], $0x80, v9, vm1, $0xb8;
	[tilespmem:$0x19800] =	vst v63  }
0x7d5: {  	s14 =	simm.s32 @!p1 $0x18800  }
0x7d6: {  	[tilespmem:s14], [sflag:$0x3] =	stream.indirect_vreg.gather @!p1 [hbm4b:s2+s1], $0x80, v9, vm1, $0xb8;
	[tilespmem:$0x19800] =	vst v63  }
0x7d7: {  	s7 =	simm.s32 @!p1 $0x19000  }
0x7d8: {  	[tilespmem:s7], [sflag:$0x3] =	stream.indirect_vreg.gather @!p1 [hbm4b:s8+s1], $0x80, v9, vm1, $0xb8;
	[tilespmem:$0x19800] =	vst v63  }
0x7d9: {  	v9 =	vld [tilespmem:$0x8F00];
	_ =	sdelay $0x4  }
0x7da: {  	v62 =	vshll.u32 v9, $0x3  }
0x7db: {  	v9 =	vand.u32 $0x7, v9;
	v13 =	vand.u32 $0xFFFFFFC0, v62  }
0x7dc: {  	v9 =	vor.u32 v9, v13  }
0x7dd: {  	v13 =	vperm.xlane v9, v6;
	_ =	sdelay $0x1  }
0x7de: {  	v13 =	vadd.s32 v7, v13;
	_ =	sdelay $0x3  }
0x7df: {  	s0 =	simm.s32 $0x9800  }
0x7e0: {  	[hbm4b:s26+s5] =	stream.indirect_vreg.scatter [tilespmem:s0], [sflag:$0x4], $0x80, v13, vm0, $0xb8;
	[tilespmem:$0x19800] =	vst v63  }
0x7e1: {  	v9 =	vperm.xlane v9, v8;
	s0 =	simm.s32 $0xA000  }
0x7e2: {  	[hbm4b:s9+s5] =	stream.indirect_vreg.scatter [tilespmem:s0], [sflag:$0x4], $0x80, v13, vm0, $0xb8;
	[tilespmem:$0x19800] =	vst v63  }
0x7e3: {  	v9 =	vadd.s32 v7, v9;
	s0 =	simm.s32 $0xA800  }
0x7e4: {  	[hbm4b:s10+s5] =	stream.indirect_vreg.scatter [tilespmem:s0], [sflag:$0x4], $0x80, v13, vm0, $0xb8;
	[tilespmem:$0x19800] =	vst v63  }
0x7e5: {  	s0 =	simm.s32 $0xB000  }
0x7e6: {  	[hbm4b:s22+s5] =	stream.indirect_vreg.scatter [tilespmem:s0], [sflag:$0x4], $0x80, v13, vm0, $0xb8;
	[tilespmem:$0x19800] =	vst v63  }
0x7e7: {  	s0 =	simm.s32 $0xB800  }
0x7e8: {  	[hbm4b:s26+s5] =	stream.indirect_vreg.scatter [tilespmem:s0], [sflag:$0x4], $0x80, v9, vm0, $0xb8;
	[tilespmem:$0x19800] =	vst v63  }
0x7e9: {  	s0 =	simm.s32 $0xC000  }
0x7ea: {  	[hbm4b:s9+s5] =	stream.indirect_vreg.scatter [tilespmem:s0], [sflag:$0x4], $0x80, v9, vm0, $0xb8;
	[tilespmem:$0x19800] =	vst v63  }
0x7eb: {  	s0 =	simm.s32 $0xC800  }
0x7ec: {  	[hbm4b:s10+s5] =	stream.indirect_vreg.scatter [tilespmem:s0], [sflag:$0x4], $0x80, v9, vm0, $0xb8;
	[tilespmem:$0x19800] =	vst v63  }
0x7ed: {  	s0 =	simm.s32 $0xD000  }
0x7ee: {  	[hbm4b:s22+s5] =	stream.indirect_vreg.scatter [tilespmem:s0], [sflag:$0x4], $0x80, v9, vm0, $0xb8;
	[tilespmem:$0x19800] =	vst v63  }
0x7ef: {  	v9 =	vld [tilespmem:$0x9700];
	_ =	sdelay $0x4  }
0x7f0: {  	v63 =	vshll.u32 v9, $0x3  }
0x7f1: {  	v9 =	vand.u32 $0x7, v9;
	v13 =	vand.u32 $0xFFFFFFC0, v63  }
0x7f2: {  	v9 =	vor.u32 v9, v13  }
0x7f3: {  	v13 =	vperm.xlane v9, v6;
	_ =	sdelay $0x1  }
0x7f4: {  	v13 =	vadd.s32 v7, v13;
	_ =	sdelay $0x3  }
0x7f5: {  	s0 =	simm.s32 $0xD800  }
0x7f6: {  	[hbm4b:s26+s5] =	stream.indirect_vreg.scatter [tilespmem:s0], [sflag:$0x4], $0x80, v13, vm0, $0xb8;
	[tilespmem:$0x19800] =	vst v63  }
0x7f7: {  	v9 =	vperm.xlane v9, v8;
	s0 =	simm.s32 $0xE000  }
0x7f8: {  	[hbm4b:s9+s5] =	stream.indirect_vreg.scatter [tilespmem:s0], [sflag:$0x4], $0x80, v13, vm0, $0xb8;
	[tilespmem:$0x19800] =	vst v63  }
0x7f9: {  	v9 =	vadd.s32 v7, v9;
	s0 =	simm.s32 $0xE800  }
0x7fa: {  	[hbm4b:s10+s5] =	stream.indirect_vreg.scatter [tilespmem:s0], [sflag:$0x4], $0x80, v13, vm0, $0xb8;
	[tilespmem:$0x19800] =	vst v63  }
0x7fb: {  	s0 =	simm.s32 $0xF000  }
0x7fc: {  	[hbm4b:s22+s5] =	stream.indirect_vreg.scatter [tilespmem:s0], [sflag:$0x4], $0x80, v13, vm0, $0xb8;
	[tilespmem:$0x19800] =	vst v63  }
0x7fd: {  	s0 =	simm.s32 $0xF800  }
0x7fe: {  	[hbm4b:s26+s5] =	stream.indirect_vreg.scatter [tilespmem:s0], [sflag:$0x4], $0x80, v9, vm0, $0xb8;
	[tilespmem:$0x19800] =	vst v63  }
0x7ff: {  	s0 =	simm.s32 $0x10000  }
0x800: {  	[hbm4b:s9+s5] =	stream.indirect_vreg.scatter [tilespmem:s0], [sflag:$0x4], $0x80, v9, vm0, $0xb8;
	[tilespmem:$0x19800] =	vst v63  }
0x801: {  	s0 =	simm.s32 $0x10800  }
0x802: {  	[hbm4b:s10+s5] =	stream.indirect_vreg.scatter [tilespmem:s0], [sflag:$0x4], $0x80, v9, vm0, $0xb8;
	[tilespmem:$0x19800] =	vst v63  }
0x803: {  	s0 =	simm.s32 $0x11000  }
0x804: {  	[hbm4b:s22+s5] =	stream.indirect_vreg.scatter [tilespmem:s0], [sflag:$0x4], $0x80, v9, vm0, $0xb8;
	[tilespmem:$0x19800] =	vst v63  }
0x805: {  	s0 =	simm.s32 @!p1 $0x3  }
0x806: {  	_ =	swait.ge @!p1 [sflag:s0], $0x4000  }
0x807: {  	[sflag:s0] =	ssyncset.done @!p1 $0x0  }
0x808: {  	[sflag:s0] =	ssyncadd.s32 @!p1 $0xFFFFC000  }
0x809: {  	_ =	swait.ge @!p1 [sflag:s0], $0x4000  }
0x80a: {  	[sflag:s0] =	ssyncset.done @!p1 $0x0  }
0x80b: {  	[sflag:s0] =	ssyncadd.s32 @!p1 $0xFFFFC000  }
0x80c: {  	v9 =	vld @!p1 [tilespmem:$0x8F80];
	_ =	sdelay $0x4  }
0x80d: {  	v13 =	vshll.u32 @!p1 v9, $0x3  }
0x80e: {  	v9 =	vand.u32 @!p1 $0x7, v9;
	v13 =	vand.u32 @!p1 $0xFFFFFFC0, v13  }
0x80f: {  	v9 =	vor.u32 @!p1 v9, v13  }
0x810: {  	v13 =	vperm.xlane @!p1 v9, v10;
	_ =	sdelay $0x1  }
0x811: {  	v13 =	vadd.s32 @!p1 v12, v13;
	_ =	sdelay $0x3  }
0x812: {  	s0 =	simm.s32 @!p1 $0x11800  }
0x813: {  	[hbm4b:s26+s1] =	stream.indirect_vreg.scatter @!p1 [tilespmem:s0], [sflag:$0x5], $0x80, v13, vm1, $0xb8;
	[tilespmem:$0x19800] =	vst v63  }
0x814: {  	v9 =	vperm.xlane @!p1 v9, v11;
	s0 =	simm.s32 @!p1 $0x12000  }
0x815: {  	[hbm4b:s9+s1] =	stream.indirect_vreg.scatter @!p1 [tilespmem:s0], [sflag:$0x5], $0x80, v13, vm1, $0xb8;
	[tilespmem:$0x19800] =	vst v63  }
0x816: {  	v9 =	vadd.s32 @!p1 v12, v9;
	s0 =	simm.s32 @!p1 $0x12800  }
0x817: {  	[hbm4b:s10+s1] =	stream.indirect_vreg.scatter @!p1 [tilespmem:s0], [sflag:$0x5], $0x80, v13, vm1, $0xb8;
	[tilespmem:$0x19800] =	vst v63  }
0x818: {  	s0 =	simm.s32 @!p1 $0x13000  }
0x819: {  	[hbm4b:s22+s1] =	stream.indirect_vreg.scatter @!p1 [tilespmem:s0], [sflag:$0x5], $0x80, v13, vm1, $0xb8;
	[tilespmem:$0x19800] =	vst v63  }
0x81a: {  	s0 =	simm.s32 @!p1 $0x13800  }
0x81b: {  	[hbm4b:s26+s1] =	stream.indirect_vreg.scatter @!p1 [tilespmem:s0], [sflag:$0x5], $0x80, v9, vm1, $0xb8;
	[tilespmem:$0x19800] =	vst v63  }
0x81c: {  	s0 =	simm.s32 @!p1 $0x14000  }
0x81d: {  	[hbm4b:s9+s1] =	stream.indirect_vreg.scatter @!p1 [tilespmem:s0], [sflag:$0x5], $0x80, v9, vm1, $0xb8;
	[tilespmem:$0x19800] =	vst v63  }
0x81e: {  	s0 =	simm.s32 @!p1 $0x14800  }
0x81f: {  	[hbm4b:s10+s1] =	stream.indirect_vreg.scatter @!p1 [tilespmem:s0], [sflag:$0x5], $0x80, v9, vm1, $0xb8;
	[tilespmem:$0x19800] =	vst v63  }
0x820: {  	s0 =	simm.s32 @!p1 $0x15000  }
0x821: {  	[hbm4b:s22+s1] =	stream.indirect_vreg.scatter @!p1 [tilespmem:s0], [sflag:$0x5], $0x80, v9, vm1, $0xb8;
	[tilespmem:$0x19800] =	vst v63  }
0x822: {  	v9 =	vld @!p1 [tilespmem:$0x9780];
	_ =	sdelay $0x4  }
0x823: {  	v13 =	vshll.u32 @!p1 v9, $0x3  }
0x824: {  	v9 =	vand.u32 @!p1 $0x7, v9;
	v13 =	vand.u32 @!p1 $0xFFFFFFC0, v13  }
0x825: {  	v9 =	vor.u32 @!p1 v9, v13  }
0x826: {  	v10 =	vperm.xlane @!p1 v9, v10;
	_ =	sdelay $0x1  }
0x827: {  	v10 =	vadd.s32 @!p1 v12, v10;
	_ =	sdelay $0x3  }
0x828: {  	s0 =	simm.s32 @!p1 $0x15800  }
0x829: {  	[hbm4b:s26+s1] =	stream.indirect_vreg.scatter @!p1 [tilespmem:s0], [sflag:$0x5], $0x80, v10, vm1, $0xb8;
	[tilespmem:$0x19800] =	vst v63  }
0x82a: {  	v9 =	vperm.xlane @!p1 v9, v11;
	s0 =	simm.s32 @!p1 $0x16000  }
0x82b: {  	[hbm4b:s9+s1] =	stream.indirect_vreg.scatter @!p1 [tilespmem:s0], [sflag:$0x5], $0x80, v10, vm1, $0xb8;
	[tilespmem:$0x19800] =	vst v63  }
0x82c: {  	v9 =	vadd.s32 @!p1 v12, v9  }
0x82d: {  	[hbm4b:s10+s1] =	stream.indirect_vreg.scatter @!p1 [tilespmem:s25], [sflag:$0x5], $0x80, v10, vm1, $0xb8;
	[tilespmem:$0x19800] =	vst v63  }
0x82e: {  	_ = 	snop  }
0x82f: {  	[hbm4b:s22+s1] =	stream.indirect_vreg.scatter @!p1 [tilespmem:s21], [sflag:$0x5], $0x80, v10, vm1, $0xb8;
	[tilespmem:$0x19800] =	vst v63  }
0x830: {  	_ = 	snop  }
0x831: {  	[hbm4b:s26+s1] =	stream.indirect_vreg.scatter @!p1 [tilespmem:s20], [sflag:$0x5], $0x80, v9, vm1, $0xb8;
	[tilespmem:$0x19800] =	vst v63  }
0x832: {  	_ = 	snop  }
0x833: {  	[hbm4b:s9+s1] =	stream.indirect_vreg.scatter @!p1 [tilespmem:s15], [sflag:$0x5], $0x80, v9, vm1, $0xb8;
	[tilespmem:$0x19800] =	vst v63  }
.Ltmp28:
0x834: {  	_ = 	snop;
	(pc) =	sbr.rel .LBB2_40-.Ltmp28, $4  }
0x835: {  	_ = 	snop  }
0x836: {  	[hbm4b:s10+s1] =	stream.indirect_vreg.scatter @!p1 [tilespmem:s14], [sflag:$0x5], $0x80, v9, vm1, $0xb8;
	[tilespmem:$0x19800] =	vst v63  }
0x837: {  	_ = 	snop  }
0x838: {  	[hbm4b:s22+s1] =	stream.indirect_vreg.scatter @!p1 [tilespmem:s7], [sflag:$0x5], $0x80, v9, vm1, $0xb8;
	[tilespmem:$0x19800] =	vst v63  }
.LBB2_41:
0x839: {  	_ =	sfence.sel $0x180000  }
0x83a: {  	[bflag:$0x0] =	sbarrier.arrive $0xFFFF  }
0x83b: {  	_ =	strace $0x90000047  }
0x83c: {  	[bflag:$0x2] =	sbarrier.arrive $0xFFFF  }
0x83d: {  	s0 =	rddreg [dreg:$0x5]  }
0x83e: {  	s0 =	sadd.s32 @!p0 $0x100000, s0  }
0x83f: {  	[sflag:s0] =	ssyncadd.tile.s32 @!p0 $0x1;
	_ =	shalt  }
.Lfunc_end2:
_tile_overlayer_lowered:
.L_overlay_start_2:
0x840: {  	(tag) =	ssettag $0x2  }
0x841: {  	s0 =	rddreg [dreg:$0x0];
	s2 =	stileid.u32  }
0x842: {  	s1 =	rddreg [dreg:$0x1];
	p0 =	sne.s32 s2, $0x0  }
0x843: {  	s3 =	rddreg [dreg:$0x2];
	[bflag:$0x3] =	sbarrier.arrive $0xFFFF;
	s2 =	simm.s32 @!p0 $0x1C06  }
0x844: {  	[timem:s3], [sflag:s2] =	dma.local @!p0 [hbm:s0], s1  }
0x845: {  	s0 =	simm.s32 @!p0 $0x6  }
0x846: {  	_ =	swait.ge @!p0 [sflag:s0], s1  }
0x847: {  	s1 =	ssub.s32 @!p0 $0x0, s1;
	[sflag:s0] =	ssyncset.done @!p0 $0x0  }
0x848: {  	[sflag:s0] =	ssyncadd.s32 @!p0 s1  }
0x849: {  	[bflag:$0x3] =	sbarrier.arrive $0xFFFF  }
0x84a: {  	_ =	shalt  }

</sc_bundles>
